<compile_context>
chip_gen: v7x
topology: tpu7x:2x2x1
jax: 0.10.2.dev20260603
libtpu: 0.0.44.dev20260713+nightly
codegen_flags: <defaults>
</compile_context>

<pallas_src>
import functools

import jax
import jax.numpy as jnp
from jax import lax
from jax.experimental import pallas as pl
from jax.experimental.pallas import tpu as pltpu
from jax.experimental.pallas import tpu_sc as plsc

B, N, C = 8192, 4, 768
RB = 256
NBLK = B // RB
W = 171
K = B // 2



def _slane_lsum(T):
    q = (T[:, 0, :] + T[:, 2, :]) + (T[:, 1, :] + T[:, 3, :])
    return jnp.sum(q, axis=-1)


def _rowsum_3x2(y):
    cs = []
    for j in range(3):
        A = y[:, :, 256 * j: 256 * j + 128]
        Bt = y[:, :, 256 * j + 128: 256 * j + 256]
        cs.append(_slane_lsum(A + Bt))
    return (cs[0] + cs[1]) + cs[2]


def _rowsum_seq6(y):
    T = y[:, :, 0:128]
    for j in range(1, 6):
        T = T + y[:, :, 128 * j: 128 * j + 128]
    return _slane_lsum(T)


def _rowsum_6x1(y):
    c = _slane_lsum(y[:, :, 0:128])
    for j in range(1, 6):
        c = c + _slane_lsum(y[:, :, 128 * j: 128 * j + 128])
    return c




def _p1_kernel(x_ref, norms_ref, ind_ref, msum_ref, f_s, part_s):
    i = pl.program_id(0)
    x = x_ref[...]
    norms = jnp.maximum(jnp.sqrt(_rowsum_3x2(x * x)), 1e-12)
    norms_ref[...] = norms
    f = x / norms[:, None, None]
    f_s[...] = f
    ind_ref[...] = jnp.sqrt(_rowsum_seq6(f * f))

    @pl.when(i == 0)
    def _():
        msum_ref[...] = jnp.zeros_like(msum_ref)
        part_s[...] = jnp.zeros_like(part_s)

    m = (i * RB) % W
    s1 = jnp.where(m == 0, 0, W - m)
    s1 = jnp.where(i == 0, W, s1)
    s2 = s1 + W

    msum_acc = msum_ref[...]
    part = part_s[...]
    for r in range(RB):
        flag = ((r == s1) | (r == s2)).astype(jnp.float32)
        keep = 1.0 - flag
        msum_acc = msum_acc + part * flag
        part = part * keep + f_s[r]
    msum_ref[...] = msum_acc
    part_s[...] = part

    @pl.when(i == NBLK - 1)
    def _():
        msum_ref[...] += part_s[...]


def _pass1(x):
    return pl.pallas_call(
        _p1_kernel,
        grid=(NBLK,),
        in_specs=[pl.BlockSpec((RB, N, C), lambda i: (i, 0, 0))],
        out_specs=[
            pl.BlockSpec((RB,), lambda i: (i,)),
            pl.BlockSpec((RB,), lambda i: (i,)),
            pl.BlockSpec((N, C), lambda i: (0, 0)),
        ],
        out_shape=[
            jax.ShapeDtypeStruct((B,), jnp.float32),
            jax.ShapeDtypeStruct((B,), jnp.float32),
            jax.ShapeDtypeStruct((N, C), jnp.float32),
        ],
        scratch_shapes=[pltpu.VMEM((RB, N, C), jnp.float32),
                        pltpu.VMEM((N, C), jnp.float32)],
    )(x)




def _p2_kernel(x_ref, norms_ref, msum_ref, ind_ref, tot_ref):
    x = x_ref[...]
    f = x / norms_ref[...][:, None, None]
    mean = msum_ref[...] * (1.0 / B)
    dot = _rowsum_6x1(f * mean[None, :, :])
    nb = jnp.sqrt(_rowsum_seq6((mean * mean)[None, :, :])[0])
    na = ind_ref[...]
    cos = dot / jnp.maximum(na * nb, 1e-8)
    tot_ref[...] = na + 1.0 * (1.0 - cos)


def _pass2(x, norms, msum, ind):
    return pl.pallas_call(
        _p2_kernel,
        grid=(NBLK,),
        in_specs=[
            pl.BlockSpec((RB, N, C), lambda i: (i, 0, 0)),
            pl.BlockSpec((RB,), lambda i: (i,)),
            pl.BlockSpec((N, C), lambda i: (0, 0)),
            pl.BlockSpec((RB,), lambda i: (i,)),
        ],
        out_specs=pl.BlockSpec((RB,), lambda i: (i,)),
        out_shape=jax.ShapeDtypeStruct((B,), jnp.float32),
    )(x, norms, msum, ind)




RBLK = 512
CCH = 1024
_NRB = B // RBLK
_NIB = K // RBLK


def _rankinv_kernel(sb_ref, sall_ref, inv_ref, rank_s, accv_s):
    i = pl.program_id(0)

    @pl.when(i < _NRB)
    def _():
        b = i
        a = sb_ref[...][:, None]
        rowid = b * RBLK + lax.broadcasted_iota(jnp.int32, (RBLK, CCH), 0)
        accv_s[...] = jnp.zeros((RBLK,), jnp.float32)
        for c in range(B // CCH):
            cL = c * CCH
            sc = sall_ref[pl.ds(cL, CCH)][None, :]
            below = cL + CCH <= b * RBLK
            above = cL >= (b + 1) * RBLK

            @pl.when(below)
            def _():
                accv_s[...] += jnp.sum(jnp.where(sc >= a, 1.0, 0.0), axis=-1)

            @pl.when(above)
            def _():
                accv_s[...] += jnp.sum(jnp.where(sc > a, 1.0, 0.0), axis=-1)

            @pl.when(jnp.logical_not(below | above))
            def _():
                colid = cL + lax.broadcasted_iota(jnp.int32, (RBLK, CCH), 1)
                ltf = jnp.where(colid < rowid, 1.0, 0.0)
                gef = jnp.where(sc >= a, 1.0, 0.0)
                gtf = jnp.where(sc > a, 1.0, 0.0)
                accv_s[...] += jnp.sum(gtf + (gef - gtf) * ltf, axis=-1)

        start = pl.multiple_of(b * RBLK, RBLK)
        rank_s[pl.ds(start, RBLK)] = accv_s[...]
        inv_ref[...] = jnp.zeros((RBLK,), jnp.int32)

    @pl.when(i >= _NRB)
    def _():
        b = i - _NRB
        p = (b * RBLK
             + lax.broadcasted_iota(jnp.int32, (RBLK, CCH), 0)
             ).astype(jnp.float32)
        acc = jnp.zeros((RBLK, CCH), jnp.float32)
        for c in range(B // CCH):
            r = rank_s[pl.ds(c * CCH, CCH)][None, :]
            colid = (c * CCH
                     + lax.broadcasted_iota(jnp.int32, (RBLK, CCH), 1)
                     ).astype(jnp.float32)
            acc = acc + jnp.where(r == p, colid, 0.0)
        inv_ref[...] = jnp.sum(acc, axis=-1).astype(jnp.int32)


def _rankinv_pass(scores):
    return pl.pallas_call(
        _rankinv_kernel,
        grid=(_NRB + _NIB,),
        in_specs=[
            pl.BlockSpec((RBLK,), lambda i: (jnp.minimum(i, _NRB - 1),)),
            pl.BlockSpec((B,), lambda i: (0,)),
        ],
        out_specs=pl.BlockSpec(
            (RBLK,), lambda i: (jnp.maximum(i - _NRB, 0),)),
        out_shape=jax.ShapeDtypeStruct((K,), jnp.int32),
        scratch_shapes=[pltpu.VMEM((B,), jnp.float32),
                        pltpu.VMEM((RBLK,), jnp.float32)],
    )(scores, scores)




_SC_CHUNK = 16
_NW = 32
_ROWS_PER_W = K // _NW
_NCH = _ROWS_PER_W // _SC_CHUNK


def _sc_gather_body(x_hbm, inv_hbm, out_hbm,
                    idx0, idx1, rows0, rows1, sem0, sem1):
    wid = lax.axis_index("s") * 2 + lax.axis_index("c")
    base = wid * _ROWS_PER_W
    idx = (idx0, idx1)
    rows = (rows0, rows1)
    sem = (sem0, sem1)

    pltpu.sync_copy(inv_hbm.at[pl.ds(base, _SC_CHUNK)], idx0)
    pltpu.async_copy(x_hbm.at[idx0], rows0, sem0)
    for c in range(_NCH):
        cur = c % 2
        nxt = (c + 1) % 2
        if c + 1 < _NCH:
            off = base + (c + 1) * _SC_CHUNK
            pltpu.sync_copy(inv_hbm.at[pl.ds(off, _SC_CHUNK)], idx[nxt])
            pltpu.async_copy(x_hbm.at[idx[nxt]], rows[nxt], sem[nxt])
        pltpu.make_async_copy(x_hbm.at[idx[cur]], rows[cur], sem[cur]).wait()
        pltpu.sync_copy(rows[cur],
                        out_hbm.at[pl.ds(base + c * _SC_CHUNK, _SC_CHUNK)])


def _sc_gather(x, inv):
    mesh = plsc.VectorSubcoreMesh(core_axis_name="c", subcore_axis_name="s")
    k = functools.partial(
        pl.kernel,
        mesh=mesh,
        out_type=jax.ShapeDtypeStruct((K, N, C), jnp.float32),
        scratch_types=[
            pltpu.VMEM((_SC_CHUNK,), jnp.int32),
            pltpu.VMEM((_SC_CHUNK,), jnp.int32),
            pltpu.VMEM((_SC_CHUNK, N, C), jnp.float32),
            pltpu.VMEM((_SC_CHUNK, N, C), jnp.float32),
            pltpu.SemaphoreType.DMA,
            pltpu.SemaphoreType.DMA,
        ],
    )(_sc_gather_body)
    return k(x, inv)




def _iota_kernel(o_ref):
    o_ref[...] = lax.broadcasted_iota(jnp.int32, (K,), 0)


def _iota_inv():
    return pl.pallas_call(
        _iota_kernel,
        out_shape=jax.ShapeDtypeStruct((K,), jnp.int32),
    )()


def kernel(vit_embeds, metric):
    x = vit_embeds
    norms, ind, msum = _pass1(x)
    total = _pass2(x, norms, msum, ind)
    inv = _rankinv_pass(total)
    return _sc_gather(x, inv)

# --- scband reference (transcript-rebuilt; emitter-appended) ---
"""Pipeline reference for scband-fast-diversity-patch-pruning-35897336660322 (READ-ONLY COPY).

The authoritative reference and input builder live on the scoring server;
editing this copy changes nothing except your own understanding.
"""

import jax, jax.numpy as jnp
import numpy as np

PRUNING_RATIO = 0.5
DIVERSITY_WEIGHT = 1.0


def setup_inputs(seed: int = 0) -> dict:
    key = jax.random.key(seed)
    k1, k2 = jax.random.split(key)
    vit_embeds = jax.random.normal(k1, (8192, 4, 768), dtype=jnp.float32)
    metric = jax.random.normal(k2, (2, 8192), dtype=jnp.float32)
    return {"vit_embeds": vit_embeds, "metric": metric}


def reference(vit_embeds, metric):
    # metric is accepted by the original forward signature but never used.
    B, N, C = vit_embeds.shape
    keep_ratio = 1.0 - PRUNING_RATIO
    k = max(1, int(B * keep_ratio))
    if k >= B:
        return vit_embeds
    flat = vit_embeds.reshape(B, -1)
    # F.normalize(dim=-1): x / max(||x||, 1e-12)
    norms = jnp.linalg.norm(flat, axis=-1, keepdims=True)
    flat = flat / jnp.maximum(norms, 1e-12)
    # individual importance: L2 norm of each normalized row (~1.0)
    individual_importance = jnp.linalg.norm(flat, axis=1)
    # diversity: 1 - cosine similarity with the mean embedding
    mean_embed = jnp.mean(flat, axis=0, keepdims=True)
    b = jnp.broadcast_to(mean_embed, flat.shape)
    dot = jnp.sum(flat * b, axis=-1)
    na = jnp.linalg.norm(flat, axis=-1)
    nb = jnp.linalg.norm(b, axis=-1)
    cos = dot / jnp.maximum(na * nb, 1e-8)
    diversity_scores = 1.0 - cos
    total_importance = individual_importance + DIVERSITY_WEIGHT * diversity_scores
    _, top_indices = jax.lax.top_k(total_importance, k)
    return vit_embeds[top_indices]

if __name__ == "__main__":
    import jax
    _d = setup_inputs()
    print(jax.jit(kernel)(*tuple(_d.values())))

</pallas_src>

<mosaic_0001>
#map = affine_map<(d0, d1) -> (0, 0, 0)>
#map1 = affine_map<(d0, d1) -> (0)>
module attributes {stable_mosaic.version = 14 : i64} {
  func.func @_sc_gather_body(%arg0: i32, %arg1: i32, %arg2: memref<8192x4x768xf32, #tpu.memory_space<hbm>>, %arg3: memref<4096xi32, #tpu.memory_space<hbm>>, %arg4: memref<4096x4x768xf32, #tpu.memory_space<hbm>>, %arg5: memref<16xi32, #tpu.memory_space<vmem>>, %arg6: memref<16xi32, #tpu.memory_space<vmem>>, %arg7: memref<16x4x768xf32, #tpu.memory_space<vmem>>, %arg8: memref<16x4x768xf32, #tpu.memory_space<vmem>>, %arg9: memref<!tpu.dma_semaphore, #tpu.memory_space<semaphore_mem>>, %arg10: memref<!tpu.dma_semaphore, #tpu.memory_space<semaphore_mem>>) attributes {dimension_semantics = [#tpu.dimension_semantics<core_parallel>, #tpu.dimension_semantics<subcore_parallel>], iteration_bounds = array<i64: 2, 16>, scalar_prefetch = 0 : i64, scratch_operands = 6 : i64, tpu.core_type = #tpu.core_type<sc_vector_subcore>, window_params = [{transform_indices = #map}, {transform_indices = #map1}, {transform_indices = #map}]} {
    %mul3A = arith.constant 2 : i32
    %mul3A_0 = arith.muli %arg1, %mul3A : i32
    %add3A = arith.addi %mul3A_0, %arg0 : i32
    %mul3A_1 = arith.constant 128 : i32
    %mul3A_2 = arith.muli %add3A, %mul3A_1 : i32
    "tpu.region"() ({
      %run_scoped3A = tpu.sem_alloc : memref<!tpu.dma_semaphore, #tpu.memory_space<semaphore_mem>>
      %dma_start3A_95 = tpu.memref_slice %arg3[%mul3A_2] : memref<4096xi32, #tpu.memory_space<hbm>> -> memref<16xi32, #tpu.memory_space<hbm>>
      %dma_start3A_96 = tpu.memref_slice %arg3[%mul3A_2] : memref<4096xi32, #tpu.memory_space<hbm>> -> memref<16xi32, #tpu.memory_space<hbm>>
      tpu.enqueue_dma source(%dma_start3A_96 : memref<16xi32, #tpu.memory_space<hbm>>) target(%arg5 : memref<16xi32, #tpu.memory_space<vmem>>) target_semaphore(%run_scoped3A : memref<!tpu.dma_semaphore, #tpu.memory_space<semaphore_mem>>)
      %dma_wait3A_97 = tpu.memref_slice %arg3[%mul3A_2] : memref<4096xi32, #tpu.memory_space<hbm>> -> memref<16xi32, #tpu.memory_space<hbm>>
      %dma_wait3A_98 = tpu.memref_slice %arg3[%mul3A_2] : memref<4096xi32, #tpu.memory_space<hbm>> -> memref<16xi32, #tpu.memory_space<hbm>>
      tpu.wait_dma2 semaphore(%run_scoped3A : memref<!tpu.dma_semaphore, #tpu.memory_space<semaphore_mem>>) src(%dma_wait3A_98 : memref<16xi32, #tpu.memory_space<hbm>>) dst(%arg5 : memref<16xi32, #tpu.memory_space<vmem>>)
      tpu.yield
    }) : () -> ()
    %dma_start3A = arith.constant 0 : i32
    %dma_start3A_3 = arith.constant 0 : i32
    %dma_start3A_4 = arith.constant 0 : i32
    %dma_start3A_5 = tpu.memref_slice %arg2[%dma_start3A, %dma_start3A_3, %dma_start3A_4] : memref<8192x4x768xf32, #tpu.memory_space<hbm>> -> memref<8192x4x768xf32, #tpu.memory_space<hbm>>
    tpu.enqueue_indirect_dma source(%dma_start3A_5 : memref<8192x4x768xf32, #tpu.memory_space<hbm>>) target(%arg7 : memref<16x4x768xf32, #tpu.memory_space<vmem>>) offsets(%arg5 : memref<16xi32, #tpu.memory_space<vmem>>) semaphore(%arg9 : memref<!tpu.dma_semaphore, #tpu.memory_space<semaphore_mem>>)
    %add3A_6 = arith.constant 16 : i32
    %add3A_7 = arith.addi %mul3A_2, %add3A_6 : i32
    "tpu.region"() ({
      %run_scoped3A = tpu.sem_alloc : memref<!tpu.dma_semaphore, #tpu.memory_space<semaphore_mem>>
      %dma_start3A_95 = tpu.memref_slice %arg3[%add3A_7] : memref<4096xi32, #tpu.memory_space<hbm>> -> memref<16xi32, #tpu.memory_space<hbm>>
      %dma_start3A_96 = tpu.memref_slice %arg3[%add3A_7] : memref<4096xi32, #tpu.memory_space<hbm>> -> memref<16xi32, #tpu.memory_space<hbm>>
      tpu.enqueue_dma source(%dma_start3A_96 : memref<16xi32, #tpu.memory_space<hbm>>) target(%arg6 : memref<16xi32, #tpu.memory_space<vmem>>) target_semaphore(%run_scoped3A : memref<!tpu.dma_semaphore, #tpu.memory_space<semaphore_mem>>)
      %dma_wait3A_97 = tpu.memref_slice %arg3[%add3A_7] : memref<4096xi32, #tpu.memory_space<hbm>> -> memref<16xi32, #tpu.memory_space<hbm>>
      %dma_wait3A_98 = tpu.memref_slice %arg3[%add3A_7] : memref<4096xi32, #tpu.memory_space<hbm>> -> memref<16xi32, #tpu.memory_space<hbm>>
      tpu.wait_dma2 semaphore(%run_scoped3A : memref<!tpu.dma_semaphore, #tpu.memory_space<semaphore_mem>>) src(%dma_wait3A_98 : memref<16xi32, #tpu.memory_space<hbm>>) dst(%arg6 : memref<16xi32, #tpu.memory_space<vmem>>)
      tpu.yield
    }) : () -> ()
    %dma_start3A_8 = arith.constant 0 : i32
    %dma_start3A_9 = arith.constant 0 : i32
    %dma_start3A_10 = arith.constant 0 : i32
    %dma_start3A_11 = tpu.memref_slice %arg2[%dma_start3A_8, %dma_start3A_9, %dma_start3A_10] : memref<8192x4x768xf32, #tpu.memory_space<hbm>> -> memref<8192x4x768xf32, #tpu.memory_space<hbm>>
    tpu.enqueue_indirect_dma source(%dma_start3A_11 : memref<8192x4x768xf32, #tpu.memory_space<hbm>>) target(%arg8 : memref<16x4x768xf32, #tpu.memory_space<vmem>>) offsets(%arg6 : memref<16xi32, #tpu.memory_space<vmem>>) semaphore(%arg10 : memref<!tpu.dma_semaphore, #tpu.memory_space<semaphore_mem>>)
    %dma_wait3A = arith.constant 0 : i32
    %dma_wait3A_12 = arith.constant 0 : i32
    %dma_wait3A_13 = arith.constant 0 : i32
    %dma_wait3A_14 = tpu.memref_slice %arg2[%dma_wait3A, %dma_wait3A_12, %dma_wait3A_13] : memref<8192x4x768xf32, #tpu.memory_space<hbm>> -> memref<8192x4x768xf32, #tpu.memory_space<hbm>>
    tpu.wait_indirect_dma semaphore(%arg9 : memref<!tpu.dma_semaphore, #tpu.memory_space<semaphore_mem>>) src(%dma_wait3A_14 : memref<8192x4x768xf32, #tpu.memory_space<hbm>>) dst(%arg7 : memref<16x4x768xf32, #tpu.memory_space<vmem>>)
    %add3A_15 = arith.constant 0 : i32
    %add3A_16 = arith.addi %mul3A_2, %add3A_15 : i32
    "tpu.region"() ({
      %run_scoped3A = tpu.sem_alloc : memref<!tpu.dma_semaphore, #tpu.memory_space<semaphore_mem>>
      %dma_start3A_95 = arith.constant 0 : i32
      %dma_start3A_96 = arith.constant 0 : i32
      %dma_start3A_97 = tpu.memref_slice %arg4[%add3A_16, %dma_start3A_95, %dma_start3A_96] : memref<4096x4x768xf32, #tpu.memory_space<hbm>> -> memref<16x4x768xf32, #tpu.memory_space<hbm>>
      %dma_start3A_98 = arith.constant 0 : i32
      %dma_start3A_99 = arith.constant 0 : i32
      %dma_start3A_100 = tpu.memref_slice %arg4[%add3A_16, %dma_start3A_98, %dma_start3A_99] : memref<4096x4x768xf32, #tpu.memory_space<hbm>> -> memref<16x4x768xf32, #tpu.memory_space<hbm>>
      tpu.enqueue_dma source(%arg7 : memref<16x4x768xf32, #tpu.memory_space<vmem>>) target(%dma_start3A_100 : memref<16x4x768xf32, #tpu.memory_space<hbm>>) target_semaphore(%run_scoped3A : memref<!tpu.dma_semaphore, #tpu.memory_space<semaphore_mem>>)
      %dma_wait3A_101 = arith.constant 0 : i32
      %dma_wait3A_102 = arith.constant 0 : i32
      %dma_wait3A_103 = tpu.memref_slice %arg4[%add3A_16, %dma_wait3A_101, %dma_wait3A_102] : memref<4096x4x768xf32, #tpu.memory_space<hbm>> -> memref<16x4x768xf32, #tpu.memory_space<hbm>>
      %dma_wait3A_104 = arith.constant 0 : i32
      %dma_wait3A_105 = arith.constant 0 : i32
      %dma_wait3A_106 = tpu.memref_slice %arg4[%add3A_16, %dma_wait3A_104, %dma_wait3A_105] : memref<4096x4x768xf32, #tpu.memory_space<hbm>> -> memref<16x4x768xf32, #tpu.memory_space<hbm>>
      tpu.wait_dma2 semaphore(%run_scoped3A : memref<!tpu.dma_semaphore, #tpu.memory_space<semaphore_mem>>) src(%arg7 : memref<16x4x768xf32, #tpu.memory_space<vmem>>) dst(%dma_wait3A_106 : memref<16x4x768xf32, #tpu.memory_space<hbm>>)
      tpu.yield
    }) : () -> ()
    %add3A_17 = arith.constant 32 : i32
    %add3A_18 = arith.addi %mul3A_2, %add3A_17 : i32
    "tpu.region"() ({
      %run_scoped3A = tpu.sem_alloc : memref<!tpu.dma_semaphore, #tpu.memory_space<semaphore_mem>>
      %dma_start3A_95 = tpu.memref_slice %arg3[%add3A_18] : memref<4096xi32, #tpu.memory_space<hbm>> -> memref<16xi32, #tpu.memory_space<hbm>>
      %dma_start3A_96 = tpu.memref_slice %arg3[%add3A_18] : memref<4096xi32, #tpu.memory_space<hbm>> -> memref<16xi32, #tpu.memory_space<hbm>>
      tpu.enqueue_dma source(%dma_start3A_96 : memref<16xi32, #tpu.memory_space<hbm>>) target(%arg5 : memref<16xi32, #tpu.memory_space<vmem>>) target_semaphore(%run_scoped3A : memref<!tpu.dma_semaphore, #tpu.memory_space<semaphore_mem>>)
      %dma_wait3A_97 = tpu.memref_slice %arg3[%add3A_18] : memref<4096xi32, #tpu.memory_space<hbm>> -> memref<16xi32, #tpu.memory_space<hbm>>
      %dma_wait3A_98 = tpu.memref_slice %arg3[%add3A_18] : memref<4096xi32, #tpu.memory_space<hbm>> -> memref<16xi32, #tpu.memory_space<hbm>>
      tpu.wait_dma2 semaphore(%run_scoped3A : memref<!tpu.dma_semaphore, #tpu.memory_space<semaphore_mem>>) src(%dma_wait3A_98 : memref<16xi32, #tpu.memory_space<hbm>>) dst(%arg5 : memref<16xi32, #tpu.memory_space<vmem>>)
      tpu.yield
    }) : () -> ()
    %dma_start3A_19 = arith.constant 0 : i32
    %dma_start3A_20 = arith.constant 0 : i32
    %dma_start3A_21 = arith.constant 0 : i32
    %dma_start3A_22 = tpu.memref_slice %arg2[%dma_start3A_19, %dma_start3A_20, %dma_start3A_21] : memref<8192x4x768xf32, #tpu.memory_space<hbm>> -> memref<8192x4x768xf32, #tpu.memory_space<hbm>>
    tpu.enqueue_indirect_dma source(%dma_start3A_22 : memref<8192x4x768xf32, #tpu.memory_space<hbm>>) target(%arg7 : memref<16x4x768xf32, #tpu.memory_space<vmem>>) offsets(%arg5 : memref<16xi32, #tpu.memory_space<vmem>>) semaphore(%arg9 : memref<!tpu.dma_semaphore, #tpu.memory_space<semaphore_mem>>)
    %dma_wait3A_23 = arith.constant 0 : i32
    %dma_wait3A_24 = arith.constant 0 : i32
    %dma_wait3A_25 = arith.constant 0 : i32
    %dma_wait3A_26 = tpu.memref_slice %arg2[%dma_wait3A_23, %dma_wait3A_24, %dma_wait3A_25] : memref<8192x4x768xf32, #tpu.memory_space<hbm>> -> memref<8192x4x768xf32, #tpu.memory_space<hbm>>
    tpu.wait_indirect_dma semaphore(%arg10 : memref<!tpu.dma_semaphore, #tpu.memory_space<semaphore_mem>>) src(%dma_wait3A_26 : memref<8192x4x768xf32, #tpu.memory_space<hbm>>) dst(%arg8 : memref<16x4x768xf32, #tpu.memory_space<vmem>>)
    %add3A_27 = arith.constant 16 : i32
    %add3A_28 = arith.addi %mul3A_2, %add3A_27 : i32
    "tpu.region"() ({
      %run_scoped3A = tpu.sem_alloc : memref<!tpu.dma_semaphore, #tpu.memory_space<semaphore_mem>>
      %dma_start3A_95 = arith.constant 0 : i32
      %dma_start3A_96 = arith.constant 0 : i32
      %dma_start3A_97 = tpu.memref_slice %arg4[%add3A_28, %dma_start3A_95, %dma_start3A_96] : memref<4096x4x768xf32, #tpu.memory_space<hbm>> -> memref<16x4x768xf32, #tpu.memory_space<hbm>>
      %dma_start3A_98 = arith.constant 0 : i32
      %dma_start3A_99 = arith.constant 0 : i32
      %dma_start3A_100 = tpu.memref_slice %arg4[%add3A_28, %dma_start3A_98, %dma_start3A_99] : memref<4096x4x768xf32, #tpu.memory_space<hbm>> -> memref<16x4x768xf32, #tpu.memory_space<hbm>>
      tpu.enqueue_dma source(%arg8 : memref<16x4x768xf32, #tpu.memory_space<vmem>>) target(%dma_start3A_100 : memref<16x4x768xf32, #tpu.memory_space<hbm>>) target_semaphore(%run_scoped3A : memref<!tpu.dma_semaphore, #tpu.memory_space<semaphore_mem>>)
      %dma_wait3A_101 = arith.constant 0 : i32
      %dma_wait3A_102 = arith.constant 0 : i32
      %dma_wait3A_103 = tpu.memref_slice %arg4[%add3A_28, %dma_wait3A_101, %dma_wait3A_102] : memref<4096x4x768xf32, #tpu.memory_space<hbm>> -> memref<16x4x768xf32, #tpu.memory_space<hbm>>
      %dma_wait3A_104 = arith.constant 0 : i32
      %dma_wait3A_105 = arith.constant 0 : i32
      %dma_wait3A_106 = tpu.memref_slice %arg4[%add3A_28, %dma_wait3A_104, %dma_wait3A_105] : memref<4096x4x768xf32, #tpu.memory_space<hbm>> -> memref<16x4x768xf32, #tpu.memory_space<hbm>>
      tpu.wait_dma2 semaphore(%run_scoped3A : memref<!tpu.dma_semaphore, #tpu.memory_space<semaphore_mem>>) src(%arg8 : memref<16x4x768xf32, #tpu.memory_space<vmem>>) dst(%dma_wait3A_106 : memref<16x4x768xf32, #tpu.memory_space<hbm>>)
      tpu.yield
    }) : () -> ()
    %add3A_29 = arith.constant 48 : i32
    %add3A_30 = arith.addi %mul3A_2, %add3A_29 : i32
    "tpu.region"() ({
      %run_scoped3A = tpu.sem_alloc : memref<!tpu.dma_semaphore, #tpu.memory_space<semaphore_mem>>
      %dma_start3A_95 = tpu.memref_slice %arg3[%add3A_30] : memref<4096xi32, #tpu.memory_space<hbm>> -> memref<16xi32, #tpu.memory_space<hbm>>
      %dma_start3A_96 = tpu.memref_slice %arg3[%add3A_30] : memref<4096xi32, #tpu.memory_space<hbm>> -> memref<16xi32, #tpu.memory_space<hbm>>
      tpu.enqueue_dma source(%dma_start3A_96 : memref<16xi32, #tpu.memory_space<hbm>>) target(%arg6 : memref<16xi32, #tpu.memory_space<vmem>>) target_semaphore(%run_scoped3A : memref<!tpu.dma_semaphore, #tpu.memory_space<semaphore_mem>>)
      %dma_wait3A_97 = tpu.memref_slice %arg3[%add3A_30] : memref<4096xi32, #tpu.memory_space<hbm>> -> memref<16xi32, #tpu.memory_space<hbm>>
      %dma_wait3A_98 = tpu.memref_slice %arg3[%add3A_30] : memref<4096xi32, #tpu.memory_space<hbm>> -> memref<16xi32, #tpu.memory_space<hbm>>
      tpu.wait_dma2 semaphore(%run_scoped3A : memref<!tpu.dma_semaphore, #tpu.memory_space<semaphore_mem>>) src(%dma_wait3A_98 : memref<16xi32, #tpu.memory_space<hbm>>) dst(%arg6 : memref<16xi32, #tpu.memory_space<vmem>>)
      tpu.yield
    }) : () -> ()
    %dma_start3A_31 = arith.constant 0 : i32
    %dma_start3A_32 = arith.constant 0 : i32
    %dma_start3A_33 = arith.constant 0 : i32
    %dma_start3A_34 = tpu.memref_slice %arg2[%dma_start3A_31, %dma_start3A_32, %dma_start3A_33] : memref<8192x4x768xf32, #tpu.memory_space<hbm>> -> memref<8192x4x768xf32, #tpu.memory_space<hbm>>
    tpu.enqueue_indirect_dma source(%dma_start3A_34 : memref<8192x4x768xf32, #tpu.memory_space<hbm>>) target(%arg8 : memref<16x4x768xf32, #tpu.memory_space<vmem>>) offsets(%arg6 : memref<16xi32, #tpu.memory_space<vmem>>) semaphore(%arg10 : memref<!tpu.dma_semaphore, #tpu.memory_space<semaphore_mem>>)
    %dma_wait3A_35 = arith.constant 0 : i32
    %dma_wait3A_36 = arith.constant 0 : i32
    %dma_wait3A_37 = arith.constant 0 : i32
    %dma_wait3A_38 = tpu.memref_slice %arg2[%dma_wait3A_35, %dma_wait3A_36, %dma_wait3A_37] : memref<8192x4x768xf32, #tpu.memory_space<hbm>> -> memref<8192x4x768xf32, #tpu.memory_space<hbm>>
    tpu.wait_indirect_dma semaphore(%arg9 : memref<!tpu.dma_semaphore, #tpu.memory_space<semaphore_mem>>) src(%dma_wait3A_38 : memref<8192x4x768xf32, #tpu.memory_space<hbm>>) dst(%arg7 : memref<16x4x768xf32, #tpu.memory_space<vmem>>)
    %add3A_39 = arith.constant 32 : i32
    %add3A_40 = arith.addi %mul3A_2, %add3A_39 : i32
    "tpu.region"() ({
      %run_scoped3A = tpu.sem_alloc : memref<!tpu.dma_semaphore, #tpu.memory_space<semaphore_mem>>
      %dma_start3A_95 = arith.constant 0 : i32
      %dma_start3A_96 = arith.constant 0 : i32
      %dma_start3A_97 = tpu.memref_slice %arg4[%add3A_40, %dma_start3A_95, %dma_start3A_96] : memref<4096x4x768xf32, #tpu.memory_space<hbm>> -> memref<16x4x768xf32, #tpu.memory_space<hbm>>
      %dma_start3A_98 = arith.constant 0 : i32
      %dma_start3A_99 = arith.constant 0 : i32
      %dma_start3A_100 = tpu.memref_slice %arg4[%add3A_40, %dma_start3A_98, %dma_start3A_99] : memref<4096x4x768xf32, #tpu.memory_space<hbm>> -> memref<16x4x768xf32, #tpu.memory_space<hbm>>
      tpu.enqueue_dma source(%arg7 : memref<16x4x768xf32, #tpu.memory_space<vmem>>) target(%dma_start3A_100 : memref<16x4x768xf32, #tpu.memory_space<hbm>>) target_semaphore(%run_scoped3A : memref<!tpu.dma_semaphore, #tpu.memory_space<semaphore_mem>>)
      %dma_wait3A_101 = arith.constant 0 : i32
      %dma_wait3A_102 = arith.constant 0 : i32
      %dma_wait3A_103 = tpu.memref_slice %arg4[%add3A_40, %dma_wait3A_101, %dma_wait3A_102] : memref<4096x4x768xf32, #tpu.memory_space<hbm>> -> memref<16x4x768xf32, #tpu.memory_space<hbm>>
      %dma_wait3A_104 = arith.constant 0 : i32
      %dma_wait3A_105 = arith.constant 0 : i32
      %dma_wait3A_106 = tpu.memref_slice %arg4[%add3A_40, %dma_wait3A_104, %dma_wait3A_105] : memref<4096x4x768xf32, #tpu.memory_space<hbm>> -> memref<16x4x768xf32, #tpu.memory_space<hbm>>
      tpu.wait_dma2 semaphore(%run_scoped3A : memref<!tpu.dma_semaphore, #tpu.memory_space<semaphore_mem>>) src(%arg7 : memref<16x4x768xf32, #tpu.memory_space<vmem>>) dst(%dma_wait3A_106 : memref<16x4x768xf32, #tpu.memory_space<hbm>>)
      tpu.yield
    }) : () -> ()
    %add3A_41 = arith.constant 64 : i32
    %add3A_42 = arith.addi %mul3A_2, %add3A_41 : i32
    "tpu.region"() ({
      %run_scoped3A = tpu.sem_alloc : memref<!tpu.dma_semaphore, #tpu.memory_space<semaphore_mem>>
      %dma_start3A_95 = tpu.memref_slice %arg3[%add3A_42] : memref<4096xi32, #tpu.memory_space<hbm>> -> memref<16xi32, #tpu.memory_space<hbm>>
      %dma_start3A_96 = tpu.memref_slice %arg3[%add3A_42] : memref<4096xi32, #tpu.memory_space<hbm>> -> memref<16xi32, #tpu.memory_space<hbm>>
      tpu.enqueue_dma source(%dma_start3A_96 : memref<16xi32, #tpu.memory_space<hbm>>) target(%arg5 : memref<16xi32, #tpu.memory_space<vmem>>) target_semaphore(%run_scoped3A : memref<!tpu.dma_semaphore, #tpu.memory_space<semaphore_mem>>)
      %dma_wait3A_97 = tpu.memref_slice %arg3[%add3A_42] : memref<4096xi32, #tpu.memory_space<hbm>> -> memref<16xi32, #tpu.memory_space<hbm>>
      %dma_wait3A_98 = tpu.memref_slice %arg3[%add3A_42] : memref<4096xi32, #tpu.memory_space<hbm>> -> memref<16xi32, #tpu.memory_space<hbm>>
      tpu.wait_dma2 semaphore(%run_scoped3A : memref<!tpu.dma_semaphore, #tpu.memory_space<semaphore_mem>>) src(%dma_wait3A_98 : memref<16xi32, #tpu.memory_space<hbm>>) dst(%arg5 : memref<16xi32, #tpu.memory_space<vmem>>)
      tpu.yield
    }) : () -> ()
    %dma_start3A_43 = arith.constant 0 : i32
    %dma_start3A_44 = arith.constant 0 : i32
    %dma_start3A_45 = arith.constant 0 : i32
    %dma_start3A_46 = tpu.memref_slice %arg2[%dma_start3A_43, %dma_start3A_44, %dma_start3A_45] : memref<8192x4x768xf32, #tpu.memory_space<hbm>> -> memref<8192x4x768xf32, #tpu.memory_space<hbm>>
    tpu.enqueue_indirect_dma source(%dma_start3A_46 : memref<8192x4x768xf32, #tpu.memory_space<hbm>>) target(%arg7 : memref<16x4x768xf32, #tpu.memory_space<vmem>>) offsets(%arg5 : memref<16xi32, #tpu.memory_space<vmem>>) semaphore(%arg9 : memref<!tpu.dma_semaphore, #tpu.memory_space<semaphore_mem>>)
    %dma_wait3A_47 = arith.constant 0 : i32
    %dma_wait3A_48 = arith.constant 0 : i32
    %dma_wait3A_49 = arith.constant 0 : i32
    %dma_wait3A_50 = tpu.memref_slice %arg2[%dma_wait3A_47, %dma_wait3A_48, %dma_wait3A_49] : memref<8192x4x768xf32, #tpu.memory_space<hbm>> -> memref<8192x4x768xf32, #tpu.memory_space<hbm>>
    tpu.wait_indirect_dma semaphore(%arg10 : memref<!tpu.dma_semaphore, #tpu.memory_space<semaphore_mem>>) src(%dma_wait3A_50 : memref<8192x4x768xf32, #tpu.memory_space<hbm>>) dst(%arg8 : memref<16x4x768xf32, #tpu.memory_space<vmem>>)
    %add3A_51 = arith.constant 48 : i32
    %add3A_52 = arith.addi %mul3A_2, %add3A_51 : i32
    "tpu.region"() ({
      %run_scoped3A = tpu.sem_alloc : memref<!tpu.dma_semaphore, #tpu.memory_space<semaphore_mem>>
      %dma_start3A_95 = arith.constant 0 : i32
      %dma_start3A_96 = arith.constant 0 : i32
      %dma_start3A_97 = tpu.memref_slice %arg4[%add3A_52, %dma_start3A_95, %dma_start3A_96] : memref<4096x4x768xf32, #tpu.memory_space<hbm>> -> memref<16x4x768xf32, #tpu.memory_space<hbm>>
      %dma_start3A_98 = arith.constant 0 : i32
      %dma_start3A_99 = arith.constant 0 : i32
      %dma_start3A_100 = tpu.memref_slice %arg4[%add3A_52, %dma_start3A_98, %dma_start3A_99] : memref<4096x4x768xf32, #tpu.memory_space<hbm>> -> memref<16x4x768xf32, #tpu.memory_space<hbm>>
      tpu.enqueue_dma source(%arg8 : memref<16x4x768xf32, #tpu.memory_space<vmem>>) target(%dma_start3A_100 : memref<16x4x768xf32, #tpu.memory_space<hbm>>) target_semaphore(%run_scoped3A : memref<!tpu.dma_semaphore, #tpu.memory_space<semaphore_mem>>)
      %dma_wait3A_101 = arith.constant 0 : i32
      %dma_wait3A_102 = arith.constant 0 : i32
      %dma_wait3A_103 = tpu.memref_slice %arg4[%add3A_52, %dma_wait3A_101, %dma_wait3A_102] : memref<4096x4x768xf32, #tpu.memory_space<hbm>> -> memref<16x4x768xf32, #tpu.memory_space<hbm>>
      %dma_wait3A_104 = arith.constant 0 : i32
      %dma_wait3A_105 = arith.constant 0 : i32
      %dma_wait3A_106 = tpu.memref_slice %arg4[%add3A_52, %dma_wait3A_104, %dma_wait3A_105] : memref<4096x4x768xf32, #tpu.memory_space<hbm>> -> memref<16x4x768xf32, #tpu.memory_space<hbm>>
      tpu.wait_dma2 semaphore(%run_scoped3A : memref<!tpu.dma_semaphore, #tpu.memory_space<semaphore_mem>>) src(%arg8 : memref<16x4x768xf32, #tpu.memory_space<vmem>>) dst(%dma_wait3A_106 : memref<16x4x768xf32, #tpu.memory_space<hbm>>)
      tpu.yield
    }) : () -> ()
    %add3A_53 = arith.constant 80 : i32
    %add3A_54 = arith.addi %mul3A_2, %add3A_53 : i32
    "tpu.region"() ({
      %run_scoped3A = tpu.sem_alloc : memref<!tpu.dma_semaphore, #tpu.memory_space<semaphore_mem>>
      %dma_start3A_95 = tpu.memref_slice %arg3[%add3A_54] : memref<4096xi32, #tpu.memory_space<hbm>> -> memref<16xi32, #tpu.memory_space<hbm>>
      %dma_start3A_96 = tpu.memref_slice %arg3[%add3A_54] : memref<4096xi32, #tpu.memory_space<hbm>> -> memref<16xi32, #tpu.memory_space<hbm>>
      tpu.enqueue_dma source(%dma_start3A_96 : memref<16xi32, #tpu.memory_space<hbm>>) target(%arg6 : memref<16xi32, #tpu.memory_space<vmem>>) target_semaphore(%run_scoped3A : memref<!tpu.dma_semaphore, #tpu.memory_space<semaphore_mem>>)
      %dma_wait3A_97 = tpu.memref_slice %arg3[%add3A_54] : memref<4096xi32, #tpu.memory_space<hbm>> -> memref<16xi32, #tpu.memory_space<hbm>>
      %dma_wait3A_98 = tpu.memref_slice %arg3[%add3A_54] : memref<4096xi32, #tpu.memory_space<hbm>> -> memref<16xi32, #tpu.memory_space<hbm>>
      tpu.wait_dma2 semaphore(%run_scoped3A : memref<!tpu.dma_semaphore, #tpu.memory_space<semaphore_mem>>) src(%dma_wait3A_98 : memref<16xi32, #tpu.memory_space<hbm>>) dst(%arg6 : memref<16xi32, #tpu.memory_space<vmem>>)
      tpu.yield
    }) : () -> ()
    %dma_start3A_55 = arith.constant 0 : i32
    %dma_start3A_56 = arith.constant 0 : i32
    %dma_start3A_57 = arith.constant 0 : i32
    %dma_start3A_58 = tpu.memref_slice %arg2[%dma_start3A_55, %dma_start3A_56, %dma_start3A_57] : memref<8192x4x768xf32, #tpu.memory_space<hbm>> -> memref<8192x4x768xf32, #tpu.memory_space<hbm>>
    tpu.enqueue_indirect_dma source(%dma_start3A_58 : memref<8192x4x768xf32, #tpu.memory_space<hbm>>) target(%arg8 : memref<16x4x768xf32, #tpu.memory_space<vmem>>) offsets(%arg6 : memref<16xi32, #tpu.memory_space<vmem>>) semaphore(%arg10 : memref<!tpu.dma_semaphore, #tpu.memory_space<semaphore_mem>>)
    %dma_wait3A_59 = arith.constant 0 : i32
    %dma_wait3A_60 = arith.constant 0 : i32
    %dma_wait3A_61 = arith.constant 0 : i32
    %dma_wait3A_62 = tpu.memref_slice %arg2[%dma_wait3A_59, %dma_wait3A_60, %dma_wait3A_61] : memref<8192x4x768xf32, #tpu.memory_space<hbm>> -> memref<8192x4x768xf32, #tpu.memory_space<hbm>>
    tpu.wait_indirect_dma semaphore(%arg9 : memref<!tpu.dma_semaphore, #tpu.memory_space<semaphore_mem>>) src(%dma_wait3A_62 : memref<8192x4x768xf32, #tpu.memory_space<hbm>>) dst(%arg7 : memref<16x4x768xf32, #tpu.memory_space<vmem>>)
    %add3A_63 = arith.constant 64 : i32
    %add3A_64 = arith.addi %mul3A_2, %add3A_63 : i32
    "tpu.region"() ({
      %run_scoped3A = tpu.sem_alloc : memref<!tpu.dma_semaphore, #tpu.memory_space<semaphore_mem>>
      %dma_start3A_95 = arith.constant 0 : i32
      %dma_start3A_96 = arith.constant 0 : i32
      %dma_start3A_97 = tpu.memref_slice %arg4[%add3A_64, %dma_start3A_95, %dma_start3A_96] : memref<4096x4x768xf32, #tpu.memory_space<hbm>> -> memref<16x4x768xf32, #tpu.memory_space<hbm>>
      %dma_start3A_98 = arith.constant 0 : i32
      %dma_start3A_99 = arith.constant 0 : i32
      %dma_start3A_100 = tpu.memref_slice %arg4[%add3A_64, %dma_start3A_98, %dma_start3A_99] : memref<4096x4x768xf32, #tpu.memory_space<hbm>> -> memref<16x4x768xf32, #tpu.memory_space<hbm>>
      tpu.enqueue_dma source(%arg7 : memref<16x4x768xf32, #tpu.memory_space<vmem>>) target(%dma_start3A_100 : memref<16x4x768xf32, #tpu.memory_space<hbm>>) target_semaphore(%run_scoped3A : memref<!tpu.dma_semaphore, #tpu.memory_space<semaphore_mem>>)
      %dma_wait3A_101 = arith.constant 0 : i32
      %dma_wait3A_102 = arith.constant 0 : i32
      %dma_wait3A_103 = tpu.memref_slice %arg4[%add3A_64, %dma_wait3A_101, %dma_wait3A_102] : memref<4096x4x768xf32, #tpu.memory_space<hbm>> -> memref<16x4x768xf32, #tpu.memory_space<hbm>>
      %dma_wait3A_104 = arith.constant 0 : i32
      %dma_wait3A_105 = arith.constant 0 : i32
      %dma_wait3A_106 = tpu.memref_slice %arg4[%add3A_64, %dma_wait3A_104, %dma_wait3A_105] : memref<4096x4x768xf32, #tpu.memory_space<hbm>> -> memref<16x4x768xf32, #tpu.memory_space<hbm>>
      tpu.wait_dma2 semaphore(%run_scoped3A : memref<!tpu.dma_semaphore, #tpu.memory_space<semaphore_mem>>) src(%arg7 : memref<16x4x768xf32, #tpu.memory_space<vmem>>) dst(%dma_wait3A_106 : memref<16x4x768xf32, #tpu.memory_space<hbm>>)
      tpu.yield
    }) : () -> ()
    %add3A_65 = arith.constant 96 : i32
    %add3A_66 = arith.addi %mul3A_2, %add3A_65 : i32
    "tpu.region"() ({
      %run_scoped3A = tpu.sem_alloc : memref<!tpu.dma_semaphore, #tpu.memory_space<semaphore_mem>>
      %dma_start3A_95 = tpu.memref_slice %arg3[%add3A_66] : memref<4096xi32, #tpu.memory_space<hbm>> -> memref<16xi32, #tpu.memory_space<hbm>>
      %dma_start3A_96 = tpu.memref_slice %arg3[%add3A_66] : memref<4096xi32, #tpu.memory_space<hbm>> -> memref<16xi32, #tpu.memory_space<hbm>>
      tpu.enqueue_dma source(%dma_start3A_96 : memref<16xi32, #tpu.memory_space<hbm>>) target(%arg5 : memref<16xi32, #tpu.memory_space<vmem>>) target_semaphore(%run_scoped3A : memref<!tpu.dma_semaphore, #tpu.memory_space<semaphore_mem>>)
      %dma_wait3A_97 = tpu.memref_slice %arg3[%add3A_66] : memref<4096xi32, #tpu.memory_space<hbm>> -> memref<16xi32, #tpu.memory_space<hbm>>
      %dma_wait3A_98 = tpu.memref_slice %arg3[%add3A_66] : memref<4096xi32, #tpu.memory_space<hbm>> -> memref<16xi32, #tpu.memory_space<hbm>>
      tpu.wait_dma2 semaphore(%run_scoped3A : memref<!tpu.dma_semaphore, #tpu.memory_space<semaphore_mem>>) src(%dma_wait3A_98 : memref<16xi32, #tpu.memory_space<hbm>>) dst(%arg5 : memref<16xi32, #tpu.memory_space<vmem>>)
      tpu.yield
    }) : () -> ()
    %dma_start3A_67 = arith.constant 0 : i32
    %dma_start3A_68 = arith.constant 0 : i32
    %dma_start3A_69 = arith.constant 0 : i32
    %dma_start3A_70 = tpu.memref_slice %arg2[%dma_start3A_67, %dma_start3A_68, %dma_start3A_69] : memref<8192x4x768xf32, #tpu.memory_space<hbm>> -> memref<8192x4x768xf32, #tpu.memory_space<hbm>>
    tpu.enqueue_indirect_dma source(%dma_start3A_70 : memref<8192x4x768xf32, #tpu.memory_space<hbm>>) target(%arg7 : memref<16x4x768xf32, #tpu.memory_space<vmem>>) offsets(%arg5 : memref<16xi32, #tpu.memory_space<vmem>>) semaphore(%arg9 : memref<!tpu.dma_semaphore, #tpu.memory_space<semaphore_mem>>)
    %dma_wait3A_71 = arith.constant 0 : i32
    %dma_wait3A_72 = arith.constant 0 : i32
    %dma_wait3A_73 = arith.constant 0 : i32
    %dma_wait3A_74 = tpu.memref_slice %arg2[%dma_wait3A_71, %dma_wait3A_72, %dma_wait3A_73] : memref<8192x4x768xf32, #tpu.memory_space<hbm>> -> memref<8192x4x768xf32, #tpu.memory_space<hbm>>
    tpu.wait_indirect_dma semaphore(%arg10 : memref<!tpu.dma_semaphore, #tpu.memory_space<semaphore_mem>>) src(%dma_wait3A_74 : memref<8192x4x768xf32, #tpu.memory_space<hbm>>) dst(%arg8 : memref<16x4x768xf32, #tpu.memory_space<vmem>>)
    %add3A_75 = arith.constant 80 : i32
    %add3A_76 = arith.addi %mul3A_2, %add3A_75 : i32
    "tpu.region"() ({
      %run_scoped3A = tpu.sem_alloc : memref<!tpu.dma_semaphore, #tpu.memory_space<semaphore_mem>>
      %dma_start3A_95 = arith.constant 0 : i32
      %dma_start3A_96 = arith.constant 0 : i32
      %dma_start3A_97 = tpu.memref_slice %arg4[%add3A_76, %dma_start3A_95, %dma_start3A_96] : memref<4096x4x768xf32, #tpu.memory_space<hbm>> -> memref<16x4x768xf32, #tpu.memory_space<hbm>>
      %dma_start3A_98 = arith.constant 0 : i32
      %dma_start3A_99 = arith.constant 0 : i32
      %dma_start3A_100 = tpu.memref_slice %arg4[%add3A_76, %dma_start3A_98, %dma_start3A_99] : memref<4096x4x768xf32, #tpu.memory_space<hbm>> -> memref<16x4x768xf32, #tpu.memory_space<hbm>>
      tpu.enqueue_dma source(%arg8 : memref<16x4x768xf32, #tpu.memory_space<vmem>>) target(%dma_start3A_100 : memref<16x4x768xf32, #tpu.memory_space<hbm>>) target_semaphore(%run_scoped3A : memref<!tpu.dma_semaphore, #tpu.memory_space<semaphore_mem>>)
      %dma_wait3A_101 = arith.constant 0 : i32
      %dma_wait3A_102 = arith.constant 0 : i32
      %dma_wait3A_103 = tpu.memref_slice %arg4[%add3A_76, %dma_wait3A_101, %dma_wait3A_102] : memref<4096x4x768xf32, #tpu.memory_space<hbm>> -> memref<16x4x768xf32, #tpu.memory_space<hbm>>
      %dma_wait3A_104 = arith.constant 0 : i32
      %dma_wait3A_105 = arith.constant 0 : i32
      %dma_wait3A_106 = tpu.memref_slice %arg4[%add3A_76, %dma_wait3A_104, %dma_wait3A_105] : memref<4096x4x768xf32, #tpu.memory_space<hbm>> -> memref<16x4x768xf32, #tpu.memory_space<hbm>>
      tpu.wait_dma2 semaphore(%run_scoped3A : memref<!tpu.dma_semaphore, #tpu.memory_space<semaphore_mem>>) src(%arg8 : memref<16x4x768xf32, #tpu.memory_space<vmem>>) dst(%dma_wait3A_106 : memref<16x4x768xf32, #tpu.memory_space<hbm>>)
      tpu.yield
    }) : () -> ()
    %add3A_77 = arith.constant 112 : i32
    %add3A_78 = arith.addi %mul3A_2, %add3A_77 : i32
    "tpu.region"() ({
      %run_scoped3A = tpu.sem_alloc : memref<!tpu.dma_semaphore, #tpu.memory_space<semaphore_mem>>
      %dma_start3A_95 = tpu.memref_slice %arg3[%add3A_78] : memref<4096xi32, #tpu.memory_space<hbm>> -> memref<16xi32, #tpu.memory_space<hbm>>
      %dma_start3A_96 = tpu.memref_slice %arg3[%add3A_78] : memref<4096xi32, #tpu.memory_space<hbm>> -> memref<16xi32, #tpu.memory_space<hbm>>
      tpu.enqueue_dma source(%dma_start3A_96 : memref<16xi32, #tpu.memory_space<hbm>>) target(%arg6 : memref<16xi32, #tpu.memory_space<vmem>>) target_semaphore(%run_scoped3A : memref<!tpu.dma_semaphore, #tpu.memory_space<semaphore_mem>>)
      %dma_wait3A_97 = tpu.memref_slice %arg3[%add3A_78] : memref<4096xi32, #tpu.memory_space<hbm>> -> memref<16xi32, #tpu.memory_space<hbm>>
      %dma_wait3A_98 = tpu.memref_slice %arg3[%add3A_78] : memref<4096xi32, #tpu.memory_space<hbm>> -> memref<16xi32, #tpu.memory_space<hbm>>
      tpu.wait_dma2 semaphore(%run_scoped3A : memref<!tpu.dma_semaphore, #tpu.memory_space<semaphore_mem>>) src(%dma_wait3A_98 : memref<16xi32, #tpu.memory_space<hbm>>) dst(%arg6 : memref<16xi32, #tpu.memory_space<vmem>>)
      tpu.yield
    }) : () -> ()
    %dma_start3A_79 = arith.constant 0 : i32
    %dma_start3A_80 = arith.constant 0 : i32
    %dma_start3A_81 = arith.constant 0 : i32
    %dma_start3A_82 = tpu.memref_slice %arg2[%dma_start3A_79, %dma_start3A_80, %dma_start3A_81] : memref<8192x4x768xf32, #tpu.memory_space<hbm>> -> memref<8192x4x768xf32, #tpu.memory_space<hbm>>
    tpu.enqueue_indirect_dma source(%dma_start3A_82 : memref<8192x4x768xf32, #tpu.memory_space<hbm>>) target(%arg8 : memref<16x4x768xf32, #tpu.memory_space<vmem>>) offsets(%arg6 : memref<16xi32, #tpu.memory_space<vmem>>) semaphore(%arg10 : memref<!tpu.dma_semaphore, #tpu.memory_space<semaphore_mem>>)
    %dma_wait3A_83 = arith.constant 0 : i32
    %dma_wait3A_84 = arith.constant 0 : i32
    %dma_wait3A_85 = arith.constant 0 : i32
    %dma_wait3A_86 = tpu.memref_slice %arg2[%dma_wait3A_83, %dma_wait3A_84, %dma_wait3A_85] : memref<8192x4x768xf32, #tpu.memory_space<hbm>> -> memref<8192x4x768xf32, #tpu.memory_space<hbm>>
    tpu.wait_indirect_dma semaphore(%arg9 : memref<!tpu.dma_semaphore, #tpu.memory_space<semaphore_mem>>) src(%dma_wait3A_86 : memref<8192x4x768xf32, #tpu.memory_space<hbm>>) dst(%arg7 : memref<16x4x768xf32, #tpu.memory_space<vmem>>)
    %add3A_87 = arith.constant 96 : i32
    %add3A_88 = arith.addi %mul3A_2, %add3A_87 : i32
    "tpu.region"() ({
      %run_scoped3A = tpu.sem_alloc : memref<!tpu.dma_semaphore, #tpu.memory_space<semaphore_mem>>
      %dma_start3A_95 = arith.constant 0 : i32
      %dma_start3A_96 = arith.constant 0 : i32
      %dma_start3A_97 = tpu.memref_slice %arg4[%add3A_88, %dma_start3A_95, %dma_start3A_96] : memref<4096x4x768xf32, #tpu.memory_space<hbm>> -> memref<16x4x768xf32, #tpu.memory_space<hbm>>
      %dma_start3A_98 = arith.constant 0 : i32
      %dma_start3A_99 = arith.constant 0 : i32
      %dma_start3A_100 = tpu.memref_slice %arg4[%add3A_88, %dma_start3A_98, %dma_start3A_99] : memref<4096x4x768xf32, #tpu.memory_space<hbm>> -> memref<16x4x768xf32, #tpu.memory_space<hbm>>
      tpu.enqueue_dma source(%arg7 : memref<16x4x768xf32, #tpu.memory_space<vmem>>) target(%dma_start3A_100 : memref<16x4x768xf32, #tpu.memory_space<hbm>>) target_semaphore(%run_scoped3A : memref<!tpu.dma_semaphore, #tpu.memory_space<semaphore_mem>>)
      %dma_wait3A_101 = arith.constant 0 : i32
      %dma_wait3A_102 = arith.constant 0 : i32
      %dma_wait3A_103 = tpu.memref_slice %arg4[%add3A_88, %dma_wait3A_101, %dma_wait3A_102] : memref<4096x4x768xf32, #tpu.memory_space<hbm>> -> memref<16x4x768xf32, #tpu.memory_space<hbm>>
      %dma_wait3A_104 = arith.constant 0 : i32
      %dma_wait3A_105 = arith.constant 0 : i32
      %dma_wait3A_106 = tpu.memref_slice %arg4[%add3A_88, %dma_wait3A_104, %dma_wait3A_105] : memref<4096x4x768xf32, #tpu.memory_space<hbm>> -> memref<16x4x768xf32, #tpu.memory_space<hbm>>
      tpu.wait_dma2 semaphore(%run_scoped3A : memref<!tpu.dma_semaphore, #tpu.memory_space<semaphore_mem>>) src(%arg7 : memref<16x4x768xf32, #tpu.memory_space<vmem>>) dst(%dma_wait3A_106 : memref<16x4x768xf32, #tpu.memory_space<hbm>>)
      tpu.yield
    }) : () -> ()
    %dma_wait3A_89 = arith.constant 0 : i32
    %dma_wait3A_90 = arith.constant 0 : i32
    %dma_wait3A_91 = arith.constant 0 : i32
    %dma_wait3A_92 = tpu.memref_slice %arg2[%dma_wait3A_89, %dma_wait3A_90, %dma_wait3A_91] : memref<8192x4x768xf32, #tpu.memory_space<hbm>> -> memref<8192x4x768xf32, #tpu.memory_space<hbm>>
    tpu.wait_indirect_dma semaphore(%arg10 : memref<!tpu.dma_semaphore, #tpu.memory_space<semaphore_mem>>) src(%dma_wait3A_92 : memref<8192x4x768xf32, #tpu.memory_space<hbm>>) dst(%arg8 : memref<16x4x768xf32, #tpu.memory_space<vmem>>)
    %add3A_93 = arith.constant 112 : i32
    %add3A_94 = arith.addi %mul3A_2, %add3A_93 : i32
    "tpu.region"() ({
      %run_scoped3A = tpu.sem_alloc : memref<!tpu.dma_semaphore, #tpu.memory_space<semaphore_mem>>
      %dma_start3A_95 = arith.constant 0 : i32
      %dma_start3A_96 = arith.constant 0 : i32
      %dma_start3A_97 = tpu.memref_slice %arg4[%add3A_94, %dma_start3A_95, %dma_start3A_96] : memref<4096x4x768xf32, #tpu.memory_space<hbm>> -> memref<16x4x768xf32, #tpu.memory_space<hbm>>
      %dma_start3A_98 = arith.constant 0 : i32
      %dma_start3A_99 = arith.constant 0 : i32
      %dma_start3A_100 = tpu.memref_slice %arg4[%add3A_94, %dma_start3A_98, %dma_start3A_99] : memref<4096x4x768xf32, #tpu.memory_space<hbm>> -> memref<16x4x768xf32, #tpu.memory_space<hbm>>
      tpu.enqueue_dma source(%arg8 : memref<16x4x768xf32, #tpu.memory_space<vmem>>) target(%dma_start3A_100 : memref<16x4x768xf32, #tpu.memory_space<hbm>>) target_semaphore(%run_scoped3A : memref<!tpu.dma_semaphore, #tpu.memory_space<semaphore_mem>>)
      %dma_wait3A_101 = arith.constant 0 : i32
      %dma_wait3A_102 = arith.constant 0 : i32
      %dma_wait3A_103 = tpu.memref_slice %arg4[%add3A_94, %dma_wait3A_101, %dma_wait3A_102] : memref<4096x4x768xf32, #tpu.memory_space<hbm>> -> memref<16x4x768xf32, #tpu.memory_space<hbm>>
      %dma_wait3A_104 = arith.constant 0 : i32
      %dma_wait3A_105 = arith.constant 0 : i32
      %dma_wait3A_106 = tpu.memref_slice %arg4[%add3A_94, %dma_wait3A_104, %dma_wait3A_105] : memref<4096x4x768xf32, #tpu.memory_space<hbm>> -> memref<16x4x768xf32, #tpu.memory_space<hbm>>
      tpu.wait_dma2 semaphore(%run_scoped3A : memref<!tpu.dma_semaphore, #tpu.memory_space<semaphore_mem>>) src(%arg8 : memref<16x4x768xf32, #tpu.memory_space<vmem>>) dst(%dma_wait3A_106 : memref<16x4x768xf32, #tpu.memory_space<hbm>>)
      tpu.yield
    }) : () -> ()
    return
  }
}

module attributes {stable_mosaic.version = 14 : i64} {
  func.func @_rankinv_kernel(%arg0: i32, %arg1: memref<512xf32, #tpu.memory_space<vmem>>, %arg2: memref<8192xf32, #tpu.memory_space<vmem>>, %arg3: memref<512xi32, #tpu.memory_space<vmem>>, %arg4: memref<8192xf32, #tpu.memory_space<vmem>>, %arg5: memref<512xf32, #tpu.memory_space<vmem>>) attributes {dimension_semantics = [#tpu.dimension_semantics<arbitrary>], iteration_bounds = array<i64: 24>, scalar_prefetch = 0 : i64, scratch_operands = 2 : i64, tpu.core_type = #tpu.core_type<tc>, window_params = [{transform_indices = @transform_0, window_bounds = array<i64: 512>}, {pipeline_mode = #tpu.pipeline_mode<synchronous>, transform_indices = @transform_1, window_bounds = array<i64: 8192>}, {transform_indices = @transform_2, window_bounds = array<i64: 512>}]} {
    %lt3A = arith.constant 16 : i32
    %lt3A_0 = arith.cmpi slt, %arg0, %lt3A : i32
    %convert_element_type3A = arith.extui %lt3A_0 : i1 to i32
    %cond3A = arith.constant 0 : i32
    %cond3A_1 = arith.cmpi ne, %convert_element_type3A, %cond3A : i32
    scf.if %cond3A_1 {
      %get3A = arith.constant 0 : index
      %get3A_6 = vector.load %arg1[%get3A] : memref<512xf32, #tpu.memory_space<vmem>>, vector<512xf32>
      %broadcast_in_dim3A = vector.shape_cast %get3A_6 : vector<512xf32> to vector<512x1xf32>
      %mul3A = arith.constant 512 : i32
      %mul3A_7 = arith.muli %arg0, %mul3A : i32
      %iota3A = tpu.iota {dimensions = array<i32: 0>} : vector<512x1024xi32>
      %add3A = vector.broadcast %mul3A_7 : i32 to vector<512x1024xi32>
      %add3A_8 = arith.addi %add3A, %iota3A : vector<512x1024xi32>
      %broadcast_in_dim3A_9 = arith.constant 0.000000e+00 : f32
      %broadcast_in_dim3A_10 = vector.broadcast %broadcast_in_dim3A_9 : f32 to vector<512xf32>
      %swap3A = arith.constant 0 : index
      %swap3A_11 = vector.load %arg5[%swap3A] : memref<512xf32, #tpu.memory_space<vmem>>, vector<512xf32>
      tpu.vector_store %arg5[%swap3A], %broadcast_in_dim3A_10 {strides = array<i32>} : memref<512xf32, #tpu.memory_space<vmem>>, vector<512xf32>,
      %get3A_12 = arith.constant 0 : index
      %get3A_13 = vector.load %arg2[%get3A_12] : memref<8192xf32, #tpu.memory_space<vmem>>, vector<1024xf32>
      %broadcast_in_dim3A_14 = vector.shape_cast %get3A_13 : vector<1024xf32> to vector<1x1024xf32>
      %mul3A_15 = arith.constant 512 : i32
      %mul3A_16 = arith.muli %arg0, %mul3A_15 : i32
      %ge3A_17 = arith.constant 1024 : i32
      %ge3A_18 = arith.cmpi sge, %mul3A_16, %ge3A_17 : i32
      %add3A_19 = arith.constant 1 : i32
      %add3A_20 = arith.addi %arg0, %add3A_19 : i32
      %mul3A_21 = arith.constant 512 : i32
      %mul3A_22 = arith.muli %add3A_20, %mul3A_21 : i32
      %le3A = arith.constant 0 : i32
      %le3A_23 = arith.cmpi sle, %mul3A_22, %le3A : i32
      %convert_element_type3A_24 = arith.extui %ge3A_18 : i1 to i32
      %cond3A_25 = arith.constant 0 : i32
      %cond3A_26 = arith.cmpi ne, %convert_element_type3A_24, %cond3A_25 : i32
      scf.if %cond3A_26 {
        %get3A_219 = arith.constant 0 : index
        %get3A_220 = vector.load %arg5[%get3A_219] : memref<512xf32, #tpu.memory_space<vmem>>, vector<512xf32>
        %ge3A_221 = vector.broadcast %broadcast_in_dim3A_14 : vector<1x1024xf32> to vector<512x1024xf32>
        %ge3A_222 = vector.broadcast %broadcast_in_dim3A : vector<512x1xf32> to vector<512x1024xf32>
        %ge3A_223 = arith.cmpf oge, %ge3A_221, %ge3A_222 : vector<512x1024xf32>
        %jit3A = arith.constant 1.000000e+00 : f32
        %jit3A_224 = arith.constant 0.000000e+00 : f32
        %broadcast_in_dim3A_225 = vector.broadcast %jit3A : f32 to vector<512x1024xf32>
        %broadcast_in_dim3A_226 = vector.broadcast %jit3A_224 : f32 to vector<512x1024xf32>
        %select_n3A = arith.select %ge3A_223, %broadcast_in_dim3A_225, %broadcast_in_dim3A_226 : vector<512x1024xi1>, vector<512x1024xf32>
        %reduce_sum3A = arith.constant dense<0.000000e+00> : vector<512xf32>
        %reduce_sum3A_227 = vector.multi_reduction <add>, %select_n3A, %reduce_sum3A [1] : vector<512x1024xf32> to vector<512xf32>
        %add3A_228 = arith.addf %get3A_220, %reduce_sum3A_227 : vector<512xf32>
        %swap3A_229 = arith.constant 0 : index
        %swap3A_230 = vector.load %arg5[%swap3A_229] : memref<512xf32, #tpu.memory_space<vmem>>, vector<512xf32>
        tpu.vector_store %arg5[%swap3A_229], %add3A_228 {strides = array<i32>} : memref<512xf32, #tpu.memory_space<vmem>>, vector<512xf32>,
      } else {
      }
      %convert_element_type3A_27 = arith.extui %le3A_23 : i1 to i32
      %cond3A_28 = arith.constant 0 : i32
      %cond3A_29 = arith.cmpi ne, %convert_element_type3A_27, %cond3A_28 : i32
      scf.if %cond3A_29 {
        %get3A_219 = arith.constant 0 : index
        %get3A_220 = vector.load %arg5[%get3A_219] : memref<512xf32, #tpu.memory_space<vmem>>, vector<512xf32>
        %gt3A = vector.broadcast %broadcast_in_dim3A_14 : vector<1x1024xf32> to vector<512x1024xf32>
        %gt3A_221 = vector.broadcast %broadcast_in_dim3A : vector<512x1xf32> to vector<512x1024xf32>
        %gt3A_222 = arith.cmpf ogt, %gt3A, %gt3A_221 : vector<512x1024xf32>
        %jit3A = arith.constant 1.000000e+00 : f32
        %jit3A_223 = arith.constant 0.000000e+00 : f32
        %broadcast_in_dim3A_224 = vector.broadcast %jit3A : f32 to vector<512x1024xf32>
        %broadcast_in_dim3A_225 = vector.broadcast %jit3A_223 : f32 to vector<512x1024xf32>
        %select_n3A = arith.select %gt3A_222, %broadcast_in_dim3A_224, %broadcast_in_dim3A_225 : vector<512x1024xi1>, vector<512x1024xf32>
        %reduce_sum3A = arith.constant dense<0.000000e+00> : vector<512xf32>
        %reduce_sum3A_226 = vector.multi_reduction <add>, %select_n3A, %reduce_sum3A [1] : vector<512x1024xf32> to vector<512xf32>
        %add3A_227 = arith.addf %get3A_220, %reduce_sum3A_226 : vector<512xf32>
        %swap3A_228 = arith.constant 0 : index
        %swap3A_229 = vector.load %arg5[%swap3A_228] : memref<512xf32, #tpu.memory_space<vmem>>, vector<512xf32>
        tpu.vector_store %arg5[%swap3A_228], %add3A_227 {strides = array<i32>} : memref<512xf32, #tpu.memory_space<vmem>>, vector<512xf32>,
      } else {
      }
      %or3A = arith.ori %ge3A_18, %le3A_23 : i1
      %not3A = arith.constant true
      %not3A_30 = arith.xori %or3A, %not3A : i1
      %convert_element_type3A_31 = arith.extui %not3A_30 : i1 to i32
      %cond3A_32 = arith.constant 0 : i32
      %cond3A_33 = arith.cmpi ne, %convert_element_type3A_31, %cond3A_32 : i32
      scf.if %cond3A_33 {
        %iota3A_219 = tpu.iota {dimensions = array<i32: 1>} : vector<512x1024xi32>
        %add3A_220 = arith.constant 0 : i32
        %add3A_221 = vector.broadcast %add3A_220 : i32 to vector<512x1024xi32>
        %add3A_222 = arith.addi %add3A_221, %iota3A_219 : vector<512x1024xi32>
        %lt3A_223 = arith.cmpi slt, %add3A_222, %add3A_8 : vector<512x1024xi32>
        %jit3A = arith.constant 1.000000e+00 : f32
        %jit3A_224 = arith.constant 0.000000e+00 : f32
        %broadcast_in_dim3A_225 = vector.broadcast %jit3A : f32 to vector<512x1024xf32>
        %broadcast_in_dim3A_226 = vector.broadcast %jit3A_224 : f32 to vector<512x1024xf32>
        %select_n3A = arith.select %lt3A_223, %broadcast_in_dim3A_225, %broadcast_in_dim3A_226 : vector<512x1024xi1>, vector<512x1024xf32>
        %ge3A_227 = vector.broadcast %broadcast_in_dim3A_14 : vector<1x1024xf32> to vector<512x1024xf32>
        %ge3A_228 = vector.broadcast %broadcast_in_dim3A : vector<512x1xf32> to vector<512x1024xf32>
        %ge3A_229 = arith.cmpf oge, %ge3A_227, %ge3A_228 : vector<512x1024xf32>
        %jit3A_230 = arith.constant 1.000000e+00 : f32
        %jit3A_231 = arith.constant 0.000000e+00 : f32
        %broadcast_in_dim3A_232 = vector.broadcast %jit3A_230 : f32 to vector<512x1024xf32>
        %broadcast_in_dim3A_233 = vector.broadcast %jit3A_231 : f32 to vector<512x1024xf32>
        %select_n3A_234 = arith.select %ge3A_229, %broadcast_in_dim3A_232, %broadcast_in_dim3A_233 : vector<512x1024xi1>, vector<512x1024xf32>
        %gt3A = vector.broadcast %broadcast_in_dim3A_14 : vector<1x1024xf32> to vector<512x1024xf32>
        %gt3A_235 = vector.broadcast %broadcast_in_dim3A : vector<512x1xf32> to vector<512x1024xf32>
        %gt3A_236 = arith.cmpf ogt, %gt3A, %gt3A_235 : vector<512x1024xf32>
        %jit3A_237 = arith.constant 1.000000e+00 : f32
        %jit3A_238 = arith.constant 0.000000e+00 : f32
        %broadcast_in_dim3A_239 = vector.broadcast %jit3A_237 : f32 to vector<512x1024xf32>
        %broadcast_in_dim3A_240 = vector.broadcast %jit3A_238 : f32 to vector<512x1024xf32>
        %select_n3A_241 = arith.select %gt3A_236, %broadcast_in_dim3A_239, %broadcast_in_dim3A_240 : vector<512x1024xi1>, vector<512x1024xf32>
        %get3A_242 = arith.constant 0 : index
        %get3A_243 = vector.load %arg5[%get3A_242] : memref<512xf32, #tpu.memory_space<vmem>>, vector<512xf32>
        %sub3A = arith.subf %select_n3A_234, %select_n3A_241 : vector<512x1024xf32>
        %mul3A_244 = arith.mulf %sub3A, %select_n3A : vector<512x1024xf32>
        %add3A_245 = arith.addf %select_n3A_241, %mul3A_244 : vector<512x1024xf32>
        %reduce_sum3A = arith.constant dense<0.000000e+00> : vector<512xf32>
        %reduce_sum3A_246 = vector.multi_reduction <add>, %add3A_245, %reduce_sum3A [1] : vector<512x1024xf32> to vector<512xf32>
        %add3A_247 = arith.addf %get3A_243, %reduce_sum3A_246 : vector<512xf32>
        %swap3A_248 = arith.constant 0 : index
        %swap3A_249 = vector.load %arg5[%swap3A_248] : memref<512xf32, #tpu.memory_space<vmem>>, vector<512xf32>
        tpu.vector_store %arg5[%swap3A_248], %add3A_247 {strides = array<i32>} : memref<512xf32, #tpu.memory_space<vmem>>, vector<512xf32>,
      } else {
      }
      %get3A_34 = arith.constant 1024 : index
      %get3A_35 = vector.load %arg2[%get3A_34] : memref<8192xf32, #tpu.memory_space<vmem>>, vector<1024xf32>
      %broadcast_in_dim3A_36 = vector.shape_cast %get3A_35 : vector<1024xf32> to vector<1x1024xf32>
      %mul3A_37 = arith.constant 512 : i32
      %mul3A_38 = arith.muli %arg0, %mul3A_37 : i32
      %ge3A_39 = arith.constant 2048 : i32
      %ge3A_40 = arith.cmpi sge, %mul3A_38, %ge3A_39 : i32
      %add3A_41 = arith.constant 1 : i32
      %add3A_42 = arith.addi %arg0, %add3A_41 : i32
      %mul3A_43 = arith.constant 512 : i32
      %mul3A_44 = arith.muli %add3A_42, %mul3A_43 : i32
      %le3A_45 = arith.constant 1024 : i32
      %le3A_46 = arith.cmpi sle, %mul3A_44, %le3A_45 : i32
      %convert_element_type3A_47 = arith.extui %ge3A_40 : i1 to i32
      %cond3A_48 = arith.constant 0 : i32
      %cond3A_49 = arith.cmpi ne, %convert_element_type3A_47, %cond3A_48 : i32
      scf.if %cond3A_49 {
        %get3A_219 = arith.constant 0 : index
        %get3A_220 = vector.load %arg5[%get3A_219] : memref<512xf32, #tpu.memory_space<vmem>>, vector<512xf32>
        %ge3A_221 = vector.broadcast %broadcast_in_dim3A_36 : vector<1x1024xf32> to vector<512x1024xf32>
        %ge3A_222 = vector.broadcast %broadcast_in_dim3A : vector<512x1xf32> to vector<512x1024xf32>
        %ge3A_223 = arith.cmpf oge, %ge3A_221, %ge3A_222 : vector<512x1024xf32>
        %jit3A = arith.constant 1.000000e+00 : f32
        %jit3A_224 = arith.constant 0.000000e+00 : f32
        %broadcast_in_dim3A_225 = vector.broadcast %jit3A : f32 to vector<512x1024xf32>
        %broadcast_in_dim3A_226 = vector.broadcast %jit3A_224 : f32 to vector<512x1024xf32>
        %select_n3A = arith.select %ge3A_223, %broadcast_in_dim3A_225, %broadcast_in_dim3A_226 : vector<512x1024xi1>, vector<512x1024xf32>
        %reduce_sum3A = arith.constant dense<0.000000e+00> : vector<512xf32>
        %reduce_sum3A_227 = vector.multi_reduction <add>, %select_n3A, %reduce_sum3A [1] : vector<512x1024xf32> to vector<512xf32>
        %add3A_228 = arith.addf %get3A_220, %reduce_sum3A_227 : vector<512xf32>
        %swap3A_229 = arith.constant 0 : index
        %swap3A_230 = vector.load %arg5[%swap3A_229] : memref<512xf32, #tpu.memory_space<vmem>>, vector<512xf32>
        tpu.vector_store %arg5[%swap3A_229], %add3A_228 {strides = array<i32>} : memref<512xf32, #tpu.memory_space<vmem>>, vector<512xf32>,
      } else {
      }
      %convert_element_type3A_50 = arith.extui %le3A_46 : i1 to i32
      %cond3A_51 = arith.constant 0 : i32
      %cond3A_52 = arith.cmpi ne, %convert_element_type3A_50, %cond3A_51 : i32
      scf.if %cond3A_52 {
        %get3A_219 = arith.constant 0 : index
        %get3A_220 = vector.load %arg5[%get3A_219] : memref<512xf32, #tpu.memory_space<vmem>>, vector<512xf32>
        %gt3A = vector.broadcast %broadcast_in_dim3A_36 : vector<1x1024xf32> to vector<512x1024xf32>
        %gt3A_221 = vector.broadcast %broadcast_in_dim3A : vector<512x1xf32> to vector<512x1024xf32>
        %gt3A_222 = arith.cmpf ogt, %gt3A, %gt3A_221 : vector<512x1024xf32>
        %jit3A = arith.constant 1.000000e+00 : f32
        %jit3A_223 = arith.constant 0.000000e+00 : f32
        %broadcast_in_dim3A_224 = vector.broadcast %jit3A : f32 to vector<512x1024xf32>
        %broadcast_in_dim3A_225 = vector.broadcast %jit3A_223 : f32 to vector<512x1024xf32>
        %select_n3A = arith.select %gt3A_222, %broadcast_in_dim3A_224, %broadcast_in_dim3A_225 : vector<512x1024xi1>, vector<512x1024xf32>
        %reduce_sum3A = arith.constant dense<0.000000e+00> : vector<512xf32>
        %reduce_sum3A_226 = vector.multi_reduction <add>, %select_n3A, %reduce_sum3A [1] : vector<512x1024xf32> to vector<512xf32>
        %add3A_227 = arith.addf %get3A_220, %reduce_sum3A_226 : vector<512xf32>
        %swap3A_228 = arith.constant 0 : index
        %swap3A_229 = vector.load %arg5[%swap3A_228] : memref<512xf32, #tpu.memory_space<vmem>>, vector<512xf32>
        tpu.vector_store %arg5[%swap3A_228], %add3A_227 {strides = array<i32>} : memref<512xf32, #tpu.memory_space<vmem>>, vector<512xf32>,
      } else {
      }
      %or3A_53 = arith.ori %ge3A_40, %le3A_46 : i1
      %not3A_54 = arith.constant true
      %not3A_55 = arith.xori %or3A_53, %not3A_54 : i1
      %convert_element_type3A_56 = arith.extui %not3A_55 : i1 to i32
      %cond3A_57 = arith.constant 0 : i32
      %cond3A_58 = arith.cmpi ne, %convert_element_type3A_56, %cond3A_57 : i32
      scf.if %cond3A_58 {
        %iota3A_219 = tpu.iota {dimensions = array<i32: 1>} : vector<512x1024xi32>
        %add3A_220 = arith.constant 1024 : i32
        %add3A_221 = vector.broadcast %add3A_220 : i32 to vector<512x1024xi32>
        %add3A_222 = arith.addi %add3A_221, %iota3A_219 : vector<512x1024xi32>
        %lt3A_223 = arith.cmpi slt, %add3A_222, %add3A_8 : vector<512x1024xi32>
        %jit3A = arith.constant 1.000000e+00 : f32
        %jit3A_224 = arith.constant 0.000000e+00 : f32
        %broadcast_in_dim3A_225 = vector.broadcast %jit3A : f32 to vector<512x1024xf32>
        %broadcast_in_dim3A_226 = vector.broadcast %jit3A_224 : f32 to vector<512x1024xf32>
        %select_n3A = arith.select %lt3A_223, %broadcast_in_dim3A_225, %broadcast_in_dim3A_226 : vector<512x1024xi1>, vector<512x1024xf32>
        %ge3A_227 = vector.broadcast %broadcast_in_dim3A_36 : vector<1x1024xf32> to vector<512x1024xf32>
        %ge3A_228 = vector.broadcast %broadcast_in_dim3A : vector<512x1xf32> to vector<512x1024xf32>
        %ge3A_229 = arith.cmpf oge, %ge3A_227, %ge3A_228 : vector<512x1024xf32>
        %jit3A_230 = arith.constant 1.000000e+00 : f32
        %jit3A_231 = arith.constant 0.000000e+00 : f32
        %broadcast_in_dim3A_232 = vector.broadcast %jit3A_230 : f32 to vector<512x1024xf32>
        %broadcast_in_dim3A_233 = vector.broadcast %jit3A_231 : f32 to vector<512x1024xf32>
        %select_n3A_234 = arith.select %ge3A_229, %broadcast_in_dim3A_232, %broadcast_in_dim3A_233 : vector<512x1024xi1>, vector<512x1024xf32>
        %gt3A = vector.broadcast %broadcast_in_dim3A_36 : vector<1x1024xf32> to vector<512x1024xf32>
        %gt3A_235 = vector.broadcast %broadcast_in_dim3A : vector<512x1xf32> to vector<512x1024xf32>
        %gt3A_236 = arith.cmpf ogt, %gt3A, %gt3A_235 : vector<512x1024xf32>
        %jit3A_237 = arith.constant 1.000000e+00 : f32
        %jit3A_238 = arith.constant 0.000000e+00 : f32
        %broadcast_in_dim3A_239 = vector.broadcast %jit3A_237 : f32 to vector<512x1024xf32>
        %broadcast_in_dim3A_240 = vector.broadcast %jit3A_238 : f32 to vector<512x1024xf32>
        %select_n3A_241 = arith.select %gt3A_236, %broadcast_in_dim3A_239, %broadcast_in_dim3A_240 : vector<512x1024xi1>, vector<512x1024xf32>
        %get3A_242 = arith.constant 0 : index
        %get3A_243 = vector.load %arg5[%get3A_242] : memref<512xf32, #tpu.memory_space<vmem>>, vector<512xf32>
        %sub3A = arith.subf %select_n3A_234, %select_n3A_241 : vector<512x1024xf32>
        %mul3A_244 = arith.mulf %sub3A, %select_n3A : vector<512x1024xf32>
        %add3A_245 = arith.addf %select_n3A_241, %mul3A_244 : vector<512x1024xf32>
        %reduce_sum3A = arith.constant dense<0.000000e+00> : vector<512xf32>
        %reduce_sum3A_246 = vector.multi_reduction <add>, %add3A_245, %reduce_sum3A [1] : vector<512x1024xf32> to vector<512xf32>
        %add3A_247 = arith.addf %get3A_243, %reduce_sum3A_246 : vector<512xf32>
        %swap3A_248 = arith.constant 0 : index
        %swap3A_249 = vector.load %arg5[%swap3A_248] : memref<512xf32, #tpu.memory_space<vmem>>, vector<512xf32>
        tpu.vector_store %arg5[%swap3A_248], %add3A_247 {strides = array<i32>} : memref<512xf32, #tpu.memory_space<vmem>>, vector<512xf32>,
      } else {
      }
      %get3A_59 = arith.constant 2048 : index
      %get3A_60 = vector.load %arg2[%get3A_59] : memref<8192xf32, #tpu.memory_space<vmem>>, vector<1024xf32>
      %broadcast_in_dim3A_61 = vector.shape_cast %get3A_60 : vector<1024xf32> to vector<1x1024xf32>
      %mul3A_62 = arith.constant 512 : i32
      %mul3A_63 = arith.muli %arg0, %mul3A_62 : i32
      %ge3A_64 = arith.constant 3072 : i32
      %ge3A_65 = arith.cmpi sge, %mul3A_63, %ge3A_64 : i32
      %add3A_66 = arith.constant 1 : i32
      %add3A_67 = arith.addi %arg0, %add3A_66 : i32
      %mul3A_68 = arith.constant 512 : i32
      %mul3A_69 = arith.muli %add3A_67, %mul3A_68 : i32
      %le3A_70 = arith.constant 2048 : i32
      %le3A_71 = arith.cmpi sle, %mul3A_69, %le3A_70 : i32
      %convert_element_type3A_72 = arith.extui %ge3A_65 : i1 to i32
      %cond3A_73 = arith.constant 0 : i32
      %cond3A_74 = arith.cmpi ne, %convert_element_type3A_72, %cond3A_73 : i32
      scf.if %cond3A_74 {
        %get3A_219 = arith.constant 0 : index
        %get3A_220 = vector.load %arg5[%get3A_219] : memref<512xf32, #tpu.memory_space<vmem>>, vector<512xf32>
        %ge3A_221 = vector.broadcast %broadcast_in_dim3A_61 : vector<1x1024xf32> to vector<512x1024xf32>
        %ge3A_222 = vector.broadcast %broadcast_in_dim3A : vector<512x1xf32> to vector<512x1024xf32>
        %ge3A_223 = arith.cmpf oge, %ge3A_221, %ge3A_222 : vector<512x1024xf32>
        %jit3A = arith.constant 1.000000e+00 : f32
        %jit3A_224 = arith.constant 0.000000e+00 : f32
        %broadcast_in_dim3A_225 = vector.broadcast %jit3A : f32 to vector<512x1024xf32>
        %broadcast_in_dim3A_226 = vector.broadcast %jit3A_224 : f32 to vector<512x1024xf32>
        %select_n3A = arith.select %ge3A_223, %broadcast_in_dim3A_225, %broadcast_in_dim3A_226 : vector<512x1024xi1>, vector<512x1024xf32>
        %reduce_sum3A = arith.constant dense<0.000000e+00> : vector<512xf32>
        %reduce_sum3A_227 = vector.multi_reduction <add>, %select_n3A, %reduce_sum3A [1] : vector<512x1024xf32> to vector<512xf32>
        %add3A_228 = arith.addf %get3A_220, %reduce_sum3A_227 : vector<512xf32>
        %swap3A_229 = arith.constant 0 : index
        %swap3A_230 = vector.load %arg5[%swap3A_229] : memref<512xf32, #tpu.memory_space<vmem>>, vector<512xf32>
        tpu.vector_store %arg5[%swap3A_229], %add3A_228 {strides = array<i32>} : memref<512xf32, #tpu.memory_space<vmem>>, vector<512xf32>,
      } else {
      }
      %convert_element_type3A_75 = arith.extui %le3A_71 : i1 to i32
      %cond3A_76 = arith.constant 0 : i32
      %cond3A_77 = arith.cmpi ne, %convert_element_type3A_75, %cond3A_76 : i32
      scf.if %cond3A_77 {
        %get3A_219 = arith.constant 0 : index
        %get3A_220 = vector.load %arg5[%get3A_219] : memref<512xf32, #tpu.memory_space<vmem>>, vector<512xf32>
        %gt3A = vector.broadcast %broadcast_in_dim3A_61 : vector<1x1024xf32> to vector<512x1024xf32>
        %gt3A_221 = vector.broadcast %broadcast_in_dim3A : vector<512x1xf32> to vector<512x1024xf32>
        %gt3A_222 = arith.cmpf ogt, %gt3A, %gt3A_221 : vector<512x1024xf32>
        %jit3A = arith.constant 1.000000e+00 : f32
        %jit3A_223 = arith.constant 0.000000e+00 : f32
        %broadcast_in_dim3A_224 = vector.broadcast %jit3A : f32 to vector<512x1024xf32>
        %broadcast_in_dim3A_225 = vector.broadcast %jit3A_223 : f32 to vector<512x1024xf32>
        %select_n3A = arith.select %gt3A_222, %broadcast_in_dim3A_224, %broadcast_in_dim3A_225 : vector<512x1024xi1>, vector<512x1024xf32>
        %reduce_sum3A = arith.constant dense<0.000000e+00> : vector<512xf32>
        %reduce_sum3A_226 = vector.multi_reduction <add>, %select_n3A, %reduce_sum3A [1] : vector<512x1024xf32> to vector<512xf32>
        %add3A_227 = arith.addf %get3A_220, %reduce_sum3A_226 : vector<512xf32>
        %swap3A_228 = arith.constant 0 : index
        %swap3A_229 = vector.load %arg5[%swap3A_228] : memref<512xf32, #tpu.memory_space<vmem>>, vector<512xf32>
        tpu.vector_store %arg5[%swap3A_228], %add3A_227 {strides = array<i32>} : memref<512xf32, #tpu.memory_space<vmem>>, vector<512xf32>,
      } else {
      }
      %or3A_78 = arith.ori %ge3A_65, %le3A_71 : i1
      %not3A_79 = arith.constant true
      %not3A_80 = arith.xori %or3A_78, %not3A_79 : i1
      %convert_element_type3A_81 = arith.extui %not3A_80 : i1 to i32
      %cond3A_82 = arith.constant 0 : i32
      %cond3A_83 = arith.cmpi ne, %convert_element_type3A_81, %cond3A_82 : i32
      scf.if %cond3A_83 {
        %iota3A_219 = tpu.iota {dimensions = array<i32: 1>} : vector<512x1024xi32>
        %add3A_220 = arith.constant 2048 : i32
        %add3A_221 = vector.broadcast %add3A_220 : i32 to vector<512x1024xi32>
        %add3A_222 = arith.addi %add3A_221, %iota3A_219 : vector<512x1024xi32>
        %lt3A_223 = arith.cmpi slt, %add3A_222, %add3A_8 : vector<512x1024xi32>
        %jit3A = arith.constant 1.000000e+00 : f32
        %jit3A_224 = arith.constant 0.000000e+00 : f32
        %broadcast_in_dim3A_225 = vector.broadcast %jit3A : f32 to vector<512x1024xf32>
        %broadcast_in_dim3A_226 = vector.broadcast %jit3A_224 : f32 to vector<512x1024xf32>
        %select_n3A = arith.select %lt3A_223, %broadcast_in_dim3A_225, %broadcast_in_dim3A_226 : vector<512x1024xi1>, vector<512x1024xf32>
        %ge3A_227 = vector.broadcast %broadcast_in_dim3A_61 : vector<1x1024xf32> to vector<512x1024xf32>
        %ge3A_228 = vector.broadcast %broadcast_in_dim3A : vector<512x1xf32> to vector<512x1024xf32>
        %ge3A_229 = arith.cmpf oge, %ge3A_227, %ge3A_228 : vector<512x1024xf32>
        %jit3A_230 = arith.constant 1.000000e+00 : f32
        %jit3A_231 = arith.constant 0.000000e+00 : f32
        %broadcast_in_dim3A_232 = vector.broadcast %jit3A_230 : f32 to vector<512x1024xf32>
        %broadcast_in_dim3A_233 = vector.broadcast %jit3A_231 : f32 to vector<512x1024xf32>
        %select_n3A_234 = arith.select %ge3A_229, %broadcast_in_dim3A_232, %broadcast_in_dim3A_233 : vector<512x1024xi1>, vector<512x1024xf32>
        %gt3A = vector.broadcast %broadcast_in_dim3A_61 : vector<1x1024xf32> to vector<512x1024xf32>
        %gt3A_235 = vector.broadcast %broadcast_in_dim3A : vector<512x1xf32> to vector<512x1024xf32>
        %gt3A_236 = arith.cmpf ogt, %gt3A, %gt3A_235 : vector<512x1024xf32>
        %jit3A_237 = arith.constant 1.000000e+00 : f32
        %jit3A_238 = arith.constant 0.000000e+00 : f32
        %broadcast_in_dim3A_239 = vector.broadcast %jit3A_237 : f32 to vector<512x1024xf32>
        %broadcast_in_dim3A_240 = vector.broadcast %jit3A_238 : f32 to vector<512x1024xf32>
        %select_n3A_241 = arith.select %gt3A_236, %broadcast_in_dim3A_239, %broadcast_in_dim3A_240 : vector<512x1024xi1>, vector<512x1024xf32>
        %get3A_242 = arith.constant 0 : index
        %get3A_243 = vector.load %arg5[%get3A_242] : memref<512xf32, #tpu.memory_space<vmem>>, vector<512xf32>
        %sub3A = arith.subf %select_n3A_234, %select_n3A_241 : vector<512x1024xf32>
        %mul3A_244 = arith.mulf %sub3A, %select_n3A : vector<512x1024xf32>
        %add3A_245 = arith.addf %select_n3A_241, %mul3A_244 : vector<512x1024xf32>
        %reduce_sum3A = arith.constant dense<0.000000e+00> : vector<512xf32>
        %reduce_sum3A_246 = vector.multi_reduction <add>, %add3A_245, %reduce_sum3A [1] : vector<512x1024xf32> to vector<512xf32>
        %add3A_247 = arith.addf %get3A_243, %reduce_sum3A_246 : vector<512xf32>
        %swap3A_248 = arith.constant 0 : index
        %swap3A_249 = vector.load %arg5[%swap3A_248] : memref<512xf32, #tpu.memory_space<vmem>>, vector<512xf32>
        tpu.vector_store %arg5[%swap3A_248], %add3A_247 {strides = array<i32>} : memref<512xf32, #tpu.memory_space<vmem>>, vector<512xf32>,
      } else {
      }
      %get3A_84 = arith.constant 3072 : index
      %get3A_85 = vector.load %arg2[%get3A_84] : memref<8192xf32, #tpu.memory_space<vmem>>, vector<1024xf32>
      %broadcast_in_dim3A_86 = vector.shape_cast %get3A_85 : vector<1024xf32> to vector<1x1024xf32>
      %mul3A_87 = arith.constant 512 : i32
      %mul3A_88 = arith.muli %arg0, %mul3A_87 : i32
      %ge3A_89 = arith.constant 4096 : i32
      %ge3A_90 = arith.cmpi sge, %mul3A_88, %ge3A_89 : i32
      %add3A_91 = arith.constant 1 : i32
      %add3A_92 = arith.addi %arg0, %add3A_91 : i32
      %mul3A_93 = arith.constant 512 : i32
      %mul3A_94 = arith.muli %add3A_92, %mul3A_93 : i32
      %le3A_95 = arith.constant 3072 : i32
      %le3A_96 = arith.cmpi sle, %mul3A_94, %le3A_95 : i32
      %convert_element_type3A_97 = arith.extui %ge3A_90 : i1 to i32
      %cond3A_98 = arith.constant 0 : i32
      %cond3A_99 = arith.cmpi ne, %convert_element_type3A_97, %cond3A_98 : i32
      scf.if %cond3A_99 {
        %get3A_219 = arith.constant 0 : index
        %get3A_220 = vector.load %arg5[%get3A_219] : memref<512xf32, #tpu.memory_space<vmem>>, vector<512xf32>
        %ge3A_221 = vector.broadcast %broadcast_in_dim3A_86 : vector<1x1024xf32> to vector<512x1024xf32>
        %ge3A_222 = vector.broadcast %broadcast_in_dim3A : vector<512x1xf32> to vector<512x1024xf32>
        %ge3A_223 = arith.cmpf oge, %ge3A_221, %ge3A_222 : vector<512x1024xf32>
        %jit3A = arith.constant 1.000000e+00 : f32
        %jit3A_224 = arith.constant 0.000000e+00 : f32
        %broadcast_in_dim3A_225 = vector.broadcast %jit3A : f32 to vector<512x1024xf32>
        %broadcast_in_dim3A_226 = vector.broadcast %jit3A_224 : f32 to vector<512x1024xf32>
        %select_n3A = arith.select %ge3A_223, %broadcast_in_dim3A_225, %broadcast_in_dim3A_226 : vector<512x1024xi1>, vector<512x1024xf32>
        %reduce_sum3A = arith.constant dense<0.000000e+00> : vector<512xf32>
        %reduce_sum3A_227 = vector.multi_reduction <add>, %select_n3A, %reduce_sum3A [1] : vector<512x1024xf32> to vector<512xf32>
        %add3A_228 = arith.addf %get3A_220, %reduce_sum3A_227 : vector<512xf32>
        %swap3A_229 = arith.constant 0 : index
        %swap3A_230 = vector.load %arg5[%swap3A_229] : memref<512xf32, #tpu.memory_space<vmem>>, vector<512xf32>
        tpu.vector_store %arg5[%swap3A_229], %add3A_228 {strides = array<i32>} : memref<512xf32, #tpu.memory_space<vmem>>, vector<512xf32>,
      } else {
      }
      %convert_element_type3A_100 = arith.extui %le3A_96 : i1 to i32
      %cond3A_101 = arith.constant 0 : i32
      %cond3A_102 = arith.cmpi ne, %convert_element_type3A_100, %cond3A_101 : i32
      scf.if %cond3A_102 {
        %get3A_219 = arith.constant 0 : index
        %get3A_220 = vector.load %arg5[%get3A_219] : memref<512xf32, #tpu.memory_space<vmem>>, vector<512xf32>
        %gt3A = vector.broadcast %broadcast_in_dim3A_86 : vector<1x1024xf32> to vector<512x1024xf32>
        %gt3A_221 = vector.broadcast %broadcast_in_dim3A : vector<512x1xf32> to vector<512x1024xf32>
        %gt3A_222 = arith.cmpf ogt, %gt3A, %gt3A_221 : vector<512x1024xf32>
        %jit3A = arith.constant 1.000000e+00 : f32
        %jit3A_223 = arith.constant 0.000000e+00 : f32
        %broadcast_in_dim3A_224 = vector.broadcast %jit3A : f32 to vector<512x1024xf32>
        %broadcast_in_dim3A_225 = vector.broadcast %jit3A_223 : f32 to vector<512x1024xf32>
        %select_n3A = arith.select %gt3A_222, %broadcast_in_dim3A_224, %broadcast_in_dim3A_225 : vector<512x1024xi1>, vector<512x1024xf32>
        %reduce_sum3A = arith.constant dense<0.000000e+00> : vector<512xf32>
        %reduce_sum3A_226 = vector.multi_reduction <add>, %select_n3A, %reduce_sum3A [1] : vector<512x1024xf32> to vector<512xf32>
        %add3A_227 = arith.addf %get3A_220, %reduce_sum3A_226 : vector<512xf32>
        %swap3A_228 = arith.constant 0 : index
        %swap3A_229 = vector.load %arg5[%swap3A_228] : memref<512xf32, #tpu.memory_space<vmem>>, vector<512xf32>
        tpu.vector_store %arg5[%swap3A_228], %add3A_227 {strides = array<i32>} : memref<512xf32, #tpu.memory_space<vmem>>, vector<512xf32>,
      } else {
      }
      %or3A_103 = arith.ori %ge3A_90, %le3A_96 : i1
      %not3A_104 = arith.constant true
      %not3A_105 = arith.xori %or3A_103, %not3A_104 : i1
      %convert_element_type3A_106 = arith.extui %not3A_105 : i1 to i32
      %cond3A_107 = arith.constant 0 : i32
      %cond3A_108 = arith.cmpi ne, %convert_element_type3A_106, %cond3A_107 : i32
      scf.if %cond3A_108 {
        %iota3A_219 = tpu.iota {dimensions = array<i32: 1>} : vector<512x1024xi32>
        %add3A_220 = arith.constant 3072 : i32
        %add3A_221 = vector.broadcast %add3A_220 : i32 to vector<512x1024xi32>
        %add3A_222 = arith.addi %add3A_221, %iota3A_219 : vector<512x1024xi32>
        %lt3A_223 = arith.cmpi slt, %add3A_222, %add3A_8 : vector<512x1024xi32>
        %jit3A = arith.constant 1.000000e+00 : f32
        %jit3A_224 = arith.constant 0.000000e+00 : f32
        %broadcast_in_dim3A_225 = vector.broadcast %jit3A : f32 to vector<512x1024xf32>
        %broadcast_in_dim3A_226 = vector.broadcast %jit3A_224 : f32 to vector<512x1024xf32>
        %select_n3A = arith.select %lt3A_223, %broadcast_in_dim3A_225, %broadcast_in_dim3A_226 : vector<512x1024xi1>, vector<512x1024xf32>
        %ge3A_227 = vector.broadcast %broadcast_in_dim3A_86 : vector<1x1024xf32> to vector<512x1024xf32>
        %ge3A_228 = vector.broadcast %broadcast_in_dim3A : vector<512x1xf32> to vector<512x1024xf32>
        %ge3A_229 = arith.cmpf oge, %ge3A_227, %ge3A_228 : vector<512x1024xf32>
        %jit3A_230 = arith.constant 1.000000e+00 : f32
        %jit3A_231 = arith.constant 0.000000e+00 : f32
        %broadcast_in_dim3A_232 = vector.broadcast %jit3A_230 : f32 to vector<512x1024xf32>
        %broadcast_in_dim3A_233 = vector.broadcast %jit3A_231 : f32 to vector<512x1024xf32>
        %select_n3A_234 = arith.select %ge3A_229, %broadcast_in_dim3A_232, %broadcast_in_dim3A_233 : vector<512x1024xi1>, vector<512x1024xf32>
        %gt3A = vector.broadcast %broadcast_in_dim3A_86 : vector<1x1024xf32> to vector<512x1024xf32>
        %gt3A_235 = vector.broadcast %broadcast_in_dim3A : vector<512x1xf32> to vector<512x1024xf32>
        %gt3A_236 = arith.cmpf ogt, %gt3A, %gt3A_235 : vector<512x1024xf32>
        %jit3A_237 = arith.constant 1.000000e+00 : f32
        %jit3A_238 = arith.constant 0.000000e+00 : f32
        %broadcast_in_dim3A_239 = vector.broadcast %jit3A_237 : f32 to vector<512x1024xf32>
        %broadcast_in_dim3A_240 = vector.broadcast %jit3A_238 : f32 to vector<512x1024xf32>
        %select_n3A_241 = arith.select %gt3A_236, %broadcast_in_dim3A_239, %broadcast_in_dim3A_240 : vector<512x1024xi1>, vector<512x1024xf32>
        %get3A_242 = arith.constant 0 : index
        %get3A_243 = vector.load %arg5[%get3A_242] : memref<512xf32, #tpu.memory_space<vmem>>, vector<512xf32>
        %sub3A = arith.subf %select_n3A_234, %select_n3A_241 : vector<512x1024xf32>
        %mul3A_244 = arith.mulf %sub3A, %select_n3A : vector<512x1024xf32>
        %add3A_245 = arith.addf %select_n3A_241, %mul3A_244 : vector<512x1024xf32>
        %reduce_sum3A = arith.constant dense<0.000000e+00> : vector<512xf32>
        %reduce_sum3A_246 = vector.multi_reduction <add>, %add3A_245, %reduce_sum3A [1] : vector<512x1024xf32> to vector<512xf32>
        %add3A_247 = arith.addf %get3A_243, %reduce_sum3A_246 : vector<512xf32>
        %swap3A_248 = arith.constant 0 : index
        %swap3A_249 = vector.load %arg5[%swap3A_248] : memref<512xf32, #tpu.memory_space<vmem>>, vector<512xf32>
        tpu.vector_store %arg5[%swap3A_248], %add3A_247 {strides = array<i32>} : memref<512xf32, #tpu.memory_space<vmem>>, vector<512xf32>,
      } else {
      }
      %get3A_109 = arith.constant 4096 : index
      %get3A_110 = vector.load %arg2[%get3A_109] : memref<8192xf32, #tpu.memory_space<vmem>>, vector<1024xf32>
      %broadcast_in_dim3A_111 = vector.shape_cast %get3A_110 : vector<1024xf32> to vector<1x1024xf32>
      %mul3A_112 = arith.constant 512 : i32
      %mul3A_113 = arith.muli %arg0, %mul3A_112 : i32
      %ge3A_114 = arith.constant 5120 : i32
      %ge3A_115 = arith.cmpi sge, %mul3A_113, %ge3A_114 : i32
      %add3A_116 = arith.constant 1 : i32
      %add3A_117 = arith.addi %arg0, %add3A_116 : i32
      %mul3A_118 = arith.constant 512 : i32
      %mul3A_119 = arith.muli %add3A_117, %mul3A_118 : i32
      %le3A_120 = arith.constant 4096 : i32
      %le3A_121 = arith.cmpi sle, %mul3A_119, %le3A_120 : i32
      %convert_element_type3A_122 = arith.extui %ge3A_115 : i1 to i32
      %cond3A_123 = arith.constant 0 : i32
      %cond3A_124 = arith.cmpi ne, %convert_element_type3A_122, %cond3A_123 : i32
      scf.if %cond3A_124 {
        %get3A_219 = arith.constant 0 : index
        %get3A_220 = vector.load %arg5[%get3A_219] : memref<512xf32, #tpu.memory_space<vmem>>, vector<512xf32>
        %ge3A_221 = vector.broadcast %broadcast_in_dim3A_111 : vector<1x1024xf32> to vector<512x1024xf32>
        %ge3A_222 = vector.broadcast %broadcast_in_dim3A : vector<512x1xf32> to vector<512x1024xf32>
        %ge3A_223 = arith.cmpf oge, %ge3A_221, %ge3A_222 : vector<512x1024xf32>
        %jit3A = arith.constant 1.000000e+00 : f32
        %jit3A_224 = arith.constant 0.000000e+00 : f32
        %broadcast_in_dim3A_225 = vector.broadcast %jit3A : f32 to vector<512x1024xf32>
        %broadcast_in_dim3A_226 = vector.broadcast %jit3A_224 : f32 to vector<512x1024xf32>
        %select_n3A = arith.select %ge3A_223, %broadcast_in_dim3A_225, %broadcast_in_dim3A_226 : vector<512x1024xi1>, vector<512x1024xf32>
        %reduce_sum3A = arith.constant dense<0.000000e+00> : vector<512xf32>
        %reduce_sum3A_227 = vector.multi_reduction <add>, %select_n3A, %reduce_sum3A [1] : vector<512x1024xf32> to vector<512xf32>
        %add3A_228 = arith.addf %get3A_220, %reduce_sum3A_227 : vector<512xf32>
        %swap3A_229 = arith.constant 0 : index
        %swap3A_230 = vector.load %arg5[%swap3A_229] : memref<512xf32, #tpu.memory_space<vmem>>, vector<512xf32>
        tpu.vector_store %arg5[%swap3A_229], %add3A_228 {strides = array<i32>} : memref<512xf32, #tpu.memory_space<vmem>>, vector<512xf32>,
      } else {
      }
      %convert_element_type3A_125 = arith.extui %le3A_121 : i1 to i32
      %cond3A_126 = arith.constant 0 : i32
      %cond3A_127 = arith.cmpi ne, %convert_element_type3A_125, %cond3A_126 : i32
      scf.if %cond3A_127 {
        %get3A_219 = arith.constant 0 : index
        %get3A_220 = vector.load %arg5[%get3A_219] : memref<512xf32, #tpu.memory_space<vmem>>, vector<512xf32>
        %gt3A = vector.broadcast %broadcast_in_dim3A_111 : vector<1x1024xf32> to vector<512x1024xf32>
        %gt3A_221 = vector.broadcast %broadcast_in_dim3A : vector<512x1xf32> to vector<512x1024xf32>
        %gt3A_222 = arith.cmpf ogt, %gt3A, %gt3A_221 : vector<512x1024xf32>
        %jit3A = arith.constant 1.000000e+00 : f32
        %jit3A_223 = arith.constant 0.000000e+00 : f32
        %broadcast_in_dim3A_224 = vector.broadcast %jit3A : f32 to vector<512x1024xf32>
        %broadcast_in_dim3A_225 = vector.broadcast %jit3A_223 : f32 to vector<512x1024xf32>
        %select_n3A = arith.select %gt3A_222, %broadcast_in_dim3A_224, %broadcast_in_dim3A_225 : vector<512x1024xi1>, vector<512x1024xf32>
        %reduce_sum3A = arith.constant dense<0.000000e+00> : vector<512xf32>
        %reduce_sum3A_226 = vector.multi_reduction <add>, %select_n3A, %reduce_sum3A [1] : vector<512x1024xf32> to vector<512xf32>
        %add3A_227 = arith.addf %get3A_220, %reduce_sum3A_226 : vector<512xf32>
        %swap3A_228 = arith.constant 0 : index
        %swap3A_229 = vector.load %arg5[%swap3A_228] : memref<512xf32, #tpu.memory_space<vmem>>, vector<512xf32>
        tpu.vector_store %arg5[%swap3A_228], %add3A_227 {strides = array<i32>} : memref<512xf32, #tpu.memory_space<vmem>>, vector<512xf32>,
      } else {
      }
      %or3A_128 = arith.ori %ge3A_115, %le3A_121 : i1
      %not3A_129 = arith.constant true
      %not3A_130 = arith.xori %or3A_128, %not3A_129 : i1
      %convert_element_type3A_131 = arith.extui %not3A_130 : i1 to i32
      %cond3A_132 = arith.constant 0 : i32
      %cond3A_133 = arith.cmpi ne, %convert_element_type3A_131, %cond3A_132 : i32
      scf.if %cond3A_133 {
        %iota3A_219 = tpu.iota {dimensions = array<i32: 1>} : vector<512x1024xi32>
        %add3A_220 = arith.constant 4096 : i32
        %add3A_221 = vector.broadcast %add3A_220 : i32 to vector<512x1024xi32>
        %add3A_222 = arith.addi %add3A_221, %iota3A_219 : vector<512x1024xi32>
        %lt3A_223 = arith.cmpi slt, %add3A_222, %add3A_8 : vector<512x1024xi32>
        %jit3A = arith.constant 1.000000e+00 : f32
        %jit3A_224 = arith.constant 0.000000e+00 : f32
        %broadcast_in_dim3A_225 = vector.broadcast %jit3A : f32 to vector<512x1024xf32>
        %broadcast_in_dim3A_226 = vector.broadcast %jit3A_224 : f32 to vector<512x1024xf32>
        %select_n3A = arith.select %lt3A_223, %broadcast_in_dim3A_225, %broadcast_in_dim3A_226 : vector<512x1024xi1>, vector<512x1024xf32>
        %ge3A_227 = vector.broadcast %broadcast_in_dim3A_111 : vector<1x1024xf32> to vector<512x1024xf32>
        %ge3A_228 = vector.broadcast %broadcast_in_dim3A : vector<512x1xf32> to vector<512x1024xf32>
        %ge3A_229 = arith.cmpf oge, %ge3A_227, %ge3A_228 : vector<512x1024xf32>
        %jit3A_230 = arith.constant 1.000000e+00 : f32
        %jit3A_231 = arith.constant 0.000000e+00 : f32
        %broadcast_in_dim3A_232 = vector.broadcast %jit3A_230 : f32 to vector<512x1024xf32>
        %broadcast_in_dim3A_233 = vector.broadcast %jit3A_231 : f32 to vector<512x1024xf32>
        %select_n3A_234 = arith.select %ge3A_229, %broadcast_in_dim3A_232, %broadcast_in_dim3A_233 : vector<512x1024xi1>, vector<512x1024xf32>
        %gt3A = vector.broadcast %broadcast_in_dim3A_111 : vector<1x1024xf32> to vector<512x1024xf32>
        %gt3A_235 = vector.broadcast %broadcast_in_dim3A : vector<512x1xf32> to vector<512x1024xf32>
        %gt3A_236 = arith.cmpf ogt, %gt3A, %gt3A_235 : vector<512x1024xf32>
        %jit3A_237 = arith.constant 1.000000e+00 : f32
        %jit3A_238 = arith.constant 0.000000e+00 : f32
        %broadcast_in_dim3A_239 = vector.broadcast %jit3A_237 : f32 to vector<512x1024xf32>
        %broadcast_in_dim3A_240 = vector.broadcast %jit3A_238 : f32 to vector<512x1024xf32>
        %select_n3A_241 = arith.select %gt3A_236, %broadcast_in_dim3A_239, %broadcast_in_dim3A_240 : vector<512x1024xi1>, vector<512x1024xf32>
        %get3A_242 = arith.constant 0 : index
        %get3A_243 = vector.load %arg5[%get3A_242] : memref<512xf32, #tpu.memory_space<vmem>>, vector<512xf32>
        %sub3A = arith.subf %select_n3A_234, %select_n3A_241 : vector<512x1024xf32>
        %mul3A_244 = arith.mulf %sub3A, %select_n3A : vector<512x1024xf32>
        %add3A_245 = arith.addf %select_n3A_241, %mul3A_244 : vector<512x1024xf32>
        %reduce_sum3A = arith.constant dense<0.000000e+00> : vector<512xf32>
        %reduce_sum3A_246 = vector.multi_reduction <add>, %add3A_245, %reduce_sum3A [1] : vector<512x1024xf32> to vector<512xf32>
        %add3A_247 = arith.addf %get3A_243, %reduce_sum3A_246 : vector<512xf32>
        %swap3A_248 = arith.constant 0 : index
        %swap3A_249 = vector.load %arg5[%swap3A_248] : memref<512xf32, #tpu.memory_space<vmem>>, vector<512xf32>
        tpu.vector_store %arg5[%swap3A_248], %add3A_247 {strides = array<i32>} : memref<512xf32, #tpu.memory_space<vmem>>, vector<512xf32>,
      } else {
      }
      %get3A_134 = arith.constant 5120 : index
      %get3A_135 = vector.load %arg2[%get3A_134] : memref<8192xf32, #tpu.memory_space<vmem>>, vector<1024xf32>
      %broadcast_in_dim3A_136 = vector.shape_cast %get3A_135 : vector<1024xf32> to vector<1x1024xf32>
      %mul3A_137 = arith.constant 512 : i32
      %mul3A_138 = arith.muli %arg0, %mul3A_137 : i32
      %ge3A_139 = arith.constant 6144 : i32
      %ge3A_140 = arith.cmpi sge, %mul3A_138, %ge3A_139 : i32
      %add3A_141 = arith.constant 1 : i32
      %add3A_142 = arith.addi %arg0, %add3A_141 : i32
      %mul3A_143 = arith.constant 512 : i32
      %mul3A_144 = arith.muli %add3A_142, %mul3A_143 : i32
      %le3A_145 = arith.constant 5120 : i32
      %le3A_146 = arith.cmpi sle, %mul3A_144, %le3A_145 : i32
      %convert_element_type3A_147 = arith.extui %ge3A_140 : i1 to i32
      %cond3A_148 = arith.constant 0 : i32
      %cond3A_149 = arith.cmpi ne, %convert_element_type3A_147, %cond3A_148 : i32
      scf.if %cond3A_149 {
        %get3A_219 = arith.constant 0 : index
        %get3A_220 = vector.load %arg5[%get3A_219] : memref<512xf32, #tpu.memory_space<vmem>>, vector<512xf32>
        %ge3A_221 = vector.broadcast %broadcast_in_dim3A_136 : vector<1x1024xf32> to vector<512x1024xf32>
        %ge3A_222 = vector.broadcast %broadcast_in_dim3A : vector<512x1xf32> to vector<512x1024xf32>
        %ge3A_223 = arith.cmpf oge, %ge3A_221, %ge3A_222 : vector<512x1024xf32>
        %jit3A = arith.constant 1.000000e+00 : f32
        %jit3A_224 = arith.constant 0.000000e+00 : f32
        %broadcast_in_dim3A_225 = vector.broadcast %jit3A : f32 to vector<512x1024xf32>
        %broadcast_in_dim3A_226 = vector.broadcast %jit3A_224 : f32 to vector<512x1024xf32>
        %select_n3A = arith.select %ge3A_223, %broadcast_in_dim3A_225, %broadcast_in_dim3A_226 : vector<512x1024xi1>, vector<512x1024xf32>
        %reduce_sum3A = arith.constant dense<0.000000e+00> : vector<512xf32>
        %reduce_sum3A_227 = vector.multi_reduction <add>, %select_n3A, %reduce_sum3A [1] : vector<512x1024xf32> to vector<512xf32>
        %add3A_228 = arith.addf %get3A_220, %reduce_sum3A_227 : vector<512xf32>
        %swap3A_229 = arith.constant 0 : index
        %swap3A_230 = vector.load %arg5[%swap3A_229] : memref<512xf32, #tpu.memory_space<vmem>>, vector<512xf32>
        tpu.vector_store %arg5[%swap3A_229], %add3A_228 {strides = array<i32>} : memref<512xf32, #tpu.memory_space<vmem>>, vector<512xf32>,
      } else {
      }
      %convert_element_type3A_150 = arith.extui %le3A_146 : i1 to i32
      %cond3A_151 = arith.constant 0 : i32
      %cond3A_152 = arith.cmpi ne, %convert_element_type3A_150, %cond3A_151 : i32
      scf.if %cond3A_152 {
        %get3A_219 = arith.constant 0 : index
        %get3A_220 = vector.load %arg5[%get3A_219] : memref<512xf32, #tpu.memory_space<vmem>>, vector<512xf32>
        %gt3A = vector.broadcast %broadcast_in_dim3A_136 : vector<1x1024xf32> to vector<512x1024xf32>
        %gt3A_221 = vector.broadcast %broadcast_in_dim3A : vector<512x1xf32> to vector<512x1024xf32>
        %gt3A_222 = arith.cmpf ogt, %gt3A, %gt3A_221 : vector<512x1024xf32>
        %jit3A = arith.constant 1.000000e+00 : f32
        %jit3A_223 = arith.constant 0.000000e+00 : f32
        %broadcast_in_dim3A_224 = vector.broadcast %jit3A : f32 to vector<512x1024xf32>
        %broadcast_in_dim3A_225 = vector.broadcast %jit3A_223 : f32 to vector<512x1024xf32>
        %select_n3A = arith.select %gt3A_222, %broadcast_in_dim3A_224, %broadcast_in_dim3A_225 : vector<512x1024xi1>, vector<512x1024xf32>
        %reduce_sum3A = arith.constant dense<0.000000e+00> : vector<512xf32>
        %reduce_sum3A_226 = vector.multi_reduction <add>, %select_n3A, %reduce_sum3A [1] : vector<512x1024xf32> to vector<512xf32>
        %add3A_227 = arith.addf %get3A_220, %reduce_sum3A_226 : vector<512xf32>
        %swap3A_228 = arith.constant 0 : index
        %swap3A_229 = vector.load %arg5[%swap3A_228] : memref<512xf32, #tpu.memory_space<vmem>>, vector<512xf32>
        tpu.vector_store %arg5[%swap3A_228], %add3A_227 {strides = array<i32>} : memref<512xf32, #tpu.memory_space<vmem>>, vector<512xf32>,
      } else {
      }
      %or3A_153 = arith.ori %ge3A_140, %le3A_146 : i1
      %not3A_154 = arith.constant true
      %not3A_155 = arith.xori %or3A_153, %not3A_154 : i1
      %convert_element_type3A_156 = arith.extui %not3A_155 : i1 to i32
      %cond3A_157 = arith.constant 0 : i32
      %cond3A_158 = arith.cmpi ne, %convert_element_type3A_156, %cond3A_157 : i32
      scf.if %cond3A_158 {
        %iota3A_219 = tpu.iota {dimensions = array<i32: 1>} : vector<512x1024xi32>
        %add3A_220 = arith.constant 5120 : i32
        %add3A_221 = vector.broadcast %add3A_220 : i32 to vector<512x1024xi32>
        %add3A_222 = arith.addi %add3A_221, %iota3A_219 : vector<512x1024xi32>
        %lt3A_223 = arith.cmpi slt, %add3A_222, %add3A_8 : vector<512x1024xi32>
        %jit3A = arith.constant 1.000000e+00 : f32
        %jit3A_224 = arith.constant 0.000000e+00 : f32
        %broadcast_in_dim3A_225 = vector.broadcast %jit3A : f32 to vector<512x1024xf32>
        %broadcast_in_dim3A_226 = vector.broadcast %jit3A_224 : f32 to vector<512x1024xf32>
        %select_n3A = arith.select %lt3A_223, %broadcast_in_dim3A_225, %broadcast_in_dim3A_226 : vector<512x1024xi1>, vector<512x1024xf32>
        %ge3A_227 = vector.broadcast %broadcast_in_dim3A_136 : vector<1x1024xf32> to vector<512x1024xf32>
        %ge3A_228 = vector.broadcast %broadcast_in_dim3A : vector<512x1xf32> to vector<512x1024xf32>
        %ge3A_229 = arith.cmpf oge, %ge3A_227, %ge3A_228 : vector<512x1024xf32>
        %jit3A_230 = arith.constant 1.000000e+00 : f32
        %jit3A_231 = arith.constant 0.000000e+00 : f32
        %broadcast_in_dim3A_232 = vector.broadcast %jit3A_230 : f32 to vector<512x1024xf32>
        %broadcast_in_dim3A_233 = vector.broadcast %jit3A_231 : f32 to vector<512x1024xf32>
        %select_n3A_234 = arith.select %ge3A_229, %broadcast_in_dim3A_232, %broadcast_in_dim3A_233 : vector<512x1024xi1>, vector<512x1024xf32>
        %gt3A = vector.broadcast %broadcast_in_dim3A_136 : vector<1x1024xf32> to vector<512x1024xf32>
        %gt3A_235 = vector.broadcast %broadcast_in_dim3A : vector<512x1xf32> to vector<512x1024xf32>
        %gt3A_236 = arith.cmpf ogt, %gt3A, %gt3A_235 : vector<512x1024xf32>
        %jit3A_237 = arith.constant 1.000000e+00 : f32
        %jit3A_238 = arith.constant 0.000000e+00 : f32
        %broadcast_in_dim3A_239 = vector.broadcast %jit3A_237 : f32 to vector<512x1024xf32>
        %broadcast_in_dim3A_240 = vector.broadcast %jit3A_238 : f32 to vector<512x1024xf32>
        %select_n3A_241 = arith.select %gt3A_236, %broadcast_in_dim3A_239, %broadcast_in_dim3A_240 : vector<512x1024xi1>, vector<512x1024xf32>
        %get3A_242 = arith.constant 0 : index
        %get3A_243 = vector.load %arg5[%get3A_242] : memref<512xf32, #tpu.memory_space<vmem>>, vector<512xf32>
        %sub3A = arith.subf %select_n3A_234, %select_n3A_241 : vector<512x1024xf32>
        %mul3A_244 = arith.mulf %sub3A, %select_n3A : vector<512x1024xf32>
        %add3A_245 = arith.addf %select_n3A_241, %mul3A_244 : vector<512x1024xf32>
        %reduce_sum3A = arith.constant dense<0.000000e+00> : vector<512xf32>
        %reduce_sum3A_246 = vector.multi_reduction <add>, %add3A_245, %reduce_sum3A [1] : vector<512x1024xf32> to vector<512xf32>
        %add3A_247 = arith.addf %get3A_243, %reduce_sum3A_246 : vector<512xf32>
        %swap3A_248 = arith.constant 0 : index
        %swap3A_249 = vector.load %arg5[%swap3A_248] : memref<512xf32, #tpu.memory_space<vmem>>, vector<512xf32>
        tpu.vector_store %arg5[%swap3A_248], %add3A_247 {strides = array<i32>} : memref<512xf32, #tpu.memory_space<vmem>>, vector<512xf32>,
      } else {
      }
      %get3A_159 = arith.constant 6144 : index
      %get3A_160 = vector.load %arg2[%get3A_159] : memref<8192xf32, #tpu.memory_space<vmem>>, vector<1024xf32>
      %broadcast_in_dim3A_161 = vector.shape_cast %get3A_160 : vector<1024xf32> to vector<1x1024xf32>
      %mul3A_162 = arith.constant 512 : i32
      %mul3A_163 = arith.muli %arg0, %mul3A_162 : i32
      %ge3A_164 = arith.constant 7168 : i32
      %ge3A_165 = arith.cmpi sge, %mul3A_163, %ge3A_164 : i32
      %add3A_166 = arith.constant 1 : i32
      %add3A_167 = arith.addi %arg0, %add3A_166 : i32
      %mul3A_168 = arith.constant 512 : i32
      %mul3A_169 = arith.muli %add3A_167, %mul3A_168 : i32
      %le3A_170 = arith.constant 6144 : i32
      %le3A_171 = arith.cmpi sle, %mul3A_169, %le3A_170 : i32
      %convert_element_type3A_172 = arith.extui %ge3A_165 : i1 to i32
      %cond3A_173 = arith.constant 0 : i32
      %cond3A_174 = arith.cmpi ne, %convert_element_type3A_172, %cond3A_173 : i32
      scf.if %cond3A_174 {
        %get3A_219 = arith.constant 0 : index
        %get3A_220 = vector.load %arg5[%get3A_219] : memref<512xf32, #tpu.memory_space<vmem>>, vector<512xf32>
        %ge3A_221 = vector.broadcast %broadcast_in_dim3A_161 : vector<1x1024xf32> to vector<512x1024xf32>
        %ge3A_222 = vector.broadcast %broadcast_in_dim3A : vector<512x1xf32> to vector<512x1024xf32>
        %ge3A_223 = arith.cmpf oge, %ge3A_221, %ge3A_222 : vector<512x1024xf32>
        %jit3A = arith.constant 1.000000e+00 : f32
        %jit3A_224 = arith.constant 0.000000e+00 : f32
        %broadcast_in_dim3A_225 = vector.broadcast %jit3A : f32 to vector<512x1024xf32>
        %broadcast_in_dim3A_226 = vector.broadcast %jit3A_224 : f32 to vector<512x1024xf32>
        %select_n3A = arith.select %ge3A_223, %broadcast_in_dim3A_225, %broadcast_in_dim3A_226 : vector<512x1024xi1>, vector<512x1024xf32>
        %reduce_sum3A = arith.constant dense<0.000000e+00> : vector<512xf32>
        %reduce_sum3A_227 = vector.multi_reduction <add>, %select_n3A, %reduce_sum3A [1] : vector<512x1024xf32> to vector<512xf32>
        %add3A_228 = arith.addf %get3A_220, %reduce_sum3A_227 : vector<512xf32>
        %swap3A_229 = arith.constant 0 : index
        %swap3A_230 = vector.load %arg5[%swap3A_229] : memref<512xf32, #tpu.memory_space<vmem>>, vector<512xf32>
        tpu.vector_store %arg5[%swap3A_229], %add3A_228 {strides = array<i32>} : memref<512xf32, #tpu.memory_space<vmem>>, vector<512xf32>,
      } else {
      }
      %convert_element_type3A_175 = arith.extui %le3A_171 : i1 to i32
      %cond3A_176 = arith.constant 0 : i32
      %cond3A_177 = arith.cmpi ne, %convert_element_type3A_175, %cond3A_176 : i32
      scf.if %cond3A_177 {
        %get3A_219 = arith.constant 0 : index
        %get3A_220 = vector.load %arg5[%get3A_219] : memref<512xf32, #tpu.memory_space<vmem>>, vector<512xf32>
        %gt3A = vector.broadcast %broadcast_in_dim3A_161 : vector<1x1024xf32> to vector<512x1024xf32>
        %gt3A_221 = vector.broadcast %broadcast_in_dim3A : vector<512x1xf32> to vector<512x1024xf32>
        %gt3A_222 = arith.cmpf ogt, %gt3A, %gt3A_221 : vector<512x1024xf32>
        %jit3A = arith.constant 1.000000e+00 : f32
        %jit3A_223 = arith.constant 0.000000e+00 : f32
        %broadcast_in_dim3A_224 = vector.broadcast %jit3A : f32 to vector<512x1024xf32>
        %broadcast_in_dim3A_225 = vector.broadcast %jit3A_223 : f32 to vector<512x1024xf32>
        %select_n3A = arith.select %gt3A_222, %broadcast_in_dim3A_224, %broadcast_in_dim3A_225 : vector<512x1024xi1>, vector<512x1024xf32>
        %reduce_sum3A = arith.constant dense<0.000000e+00> : vector<512xf32>
        %reduce_sum3A_226 = vector.multi_reduction <add>, %select_n3A, %reduce_sum3A [1] : vector<512x1024xf32> to vector<512xf32>
        %add3A_227 = arith.addf %get3A_220, %reduce_sum3A_226 : vector<512xf32>
        %swap3A_228 = arith.constant 0 : index
        %swap3A_229 = vector.load %arg5[%swap3A_228] : memref<512xf32, #tpu.memory_space<vmem>>, vector<512xf32>
        tpu.vector_store %arg5[%swap3A_228], %add3A_227 {strides = array<i32>} : memref<512xf32, #tpu.memory_space<vmem>>, vector<512xf32>,
      } else {
      }
      %or3A_178 = arith.ori %ge3A_165, %le3A_171 : i1
      %not3A_179 = arith.constant true
      %not3A_180 = arith.xori %or3A_178, %not3A_179 : i1
      %convert_element_type3A_181 = arith.extui %not3A_180 : i1 to i32
      %cond3A_182 = arith.constant 0 : i32
      %cond3A_183 = arith.cmpi ne, %convert_element_type3A_181, %cond3A_182 : i32
      scf.if %cond3A_183 {
        %iota3A_219 = tpu.iota {dimensions = array<i32: 1>} : vector<512x1024xi32>
        %add3A_220 = arith.constant 6144 : i32
        %add3A_221 = vector.broadcast %add3A_220 : i32 to vector<512x1024xi32>
        %add3A_222 = arith.addi %add3A_221, %iota3A_219 : vector<512x1024xi32>
        %lt3A_223 = arith.cmpi slt, %add3A_222, %add3A_8 : vector<512x1024xi32>
        %jit3A = arith.constant 1.000000e+00 : f32
        %jit3A_224 = arith.constant 0.000000e+00 : f32
        %broadcast_in_dim3A_225 = vector.broadcast %jit3A : f32 to vector<512x1024xf32>
        %broadcast_in_dim3A_226 = vector.broadcast %jit3A_224 : f32 to vector<512x1024xf32>
        %select_n3A = arith.select %lt3A_223, %broadcast_in_dim3A_225, %broadcast_in_dim3A_226 : vector<512x1024xi1>, vector<512x1024xf32>
        %ge3A_227 = vector.broadcast %broadcast_in_dim3A_161 : vector<1x1024xf32> to vector<512x1024xf32>
        %ge3A_228 = vector.broadcast %broadcast_in_dim3A : vector<512x1xf32> to vector<512x1024xf32>
        %ge3A_229 = arith.cmpf oge, %ge3A_227, %ge3A_228 : vector<512x1024xf32>
        %jit3A_230 = arith.constant 1.000000e+00 : f32
        %jit3A_231 = arith.constant 0.000000e+00 : f32
        %broadcast_in_dim3A_232 = vector.broadcast %jit3A_230 : f32 to vector<512x1024xf32>
        %broadcast_in_dim3A_233 = vector.broadcast %jit3A_231 : f32 to vector<512x1024xf32>
        %select_n3A_234 = arith.select %ge3A_229, %broadcast_in_dim3A_232, %broadcast_in_dim3A_233 : vector<512x1024xi1>, vector<512x1024xf32>
        %gt3A = vector.broadcast %broadcast_in_dim3A_161 : vector<1x1024xf32> to vector<512x1024xf32>
        %gt3A_235 = vector.broadcast %broadcast_in_dim3A : vector<512x1xf32> to vector<512x1024xf32>
        %gt3A_236 = arith.cmpf ogt, %gt3A, %gt3A_235 : vector<512x1024xf32>
        %jit3A_237 = arith.constant 1.000000e+00 : f32
        %jit3A_238 = arith.constant 0.000000e+00 : f32
        %broadcast_in_dim3A_239 = vector.broadcast %jit3A_237 : f32 to vector<512x1024xf32>
        %broadcast_in_dim3A_240 = vector.broadcast %jit3A_238 : f32 to vector<512x1024xf32>
        %select_n3A_241 = arith.select %gt3A_236, %broadcast_in_dim3A_239, %broadcast_in_dim3A_240 : vector<512x1024xi1>, vector<512x1024xf32>
        %get3A_242 = arith.constant 0 : index
        %get3A_243 = vector.load %arg5[%get3A_242] : memref<512xf32, #tpu.memory_space<vmem>>, vector<512xf32>
        %sub3A = arith.subf %select_n3A_234, %select_n3A_241 : vector<512x1024xf32>
        %mul3A_244 = arith.mulf %sub3A, %select_n3A : vector<512x1024xf32>
        %add3A_245 = arith.addf %select_n3A_241, %mul3A_244 : vector<512x1024xf32>
        %reduce_sum3A = arith.constant dense<0.000000e+00> : vector<512xf32>
        %reduce_sum3A_246 = vector.multi_reduction <add>, %add3A_245, %reduce_sum3A [1] : vector<512x1024xf32> to vector<512xf32>
        %add3A_247 = arith.addf %get3A_243, %reduce_sum3A_246 : vector<512xf32>
        %swap3A_248 = arith.constant 0 : index
        %swap3A_249 = vector.load %arg5[%swap3A_248] : memref<512xf32, #tpu.memory_space<vmem>>, vector<512xf32>
        tpu.vector_store %arg5[%swap3A_248], %add3A_247 {strides = array<i32>} : memref<512xf32, #tpu.memory_space<vmem>>, vector<512xf32>,
      } else {
      }
      %get3A_184 = arith.constant 7168 : index
      %get3A_185 = vector.load %arg2[%get3A_184] : memref<8192xf32, #tpu.memory_space<vmem>>, vector<1024xf32>
      %broadcast_in_dim3A_186 = vector.shape_cast %get3A_185 : vector<1024xf32> to vector<1x1024xf32>
      %mul3A_187 = arith.constant 512 : i32
      %mul3A_188 = arith.muli %arg0, %mul3A_187 : i32
      %ge3A_189 = arith.constant 8192 : i32
      %ge3A_190 = arith.cmpi sge, %mul3A_188, %ge3A_189 : i32
      %add3A_191 = arith.constant 1 : i32
      %add3A_192 = arith.addi %arg0, %add3A_191 : i32
      %mul3A_193 = arith.constant 512 : i32
      %mul3A_194 = arith.muli %add3A_192, %mul3A_193 : i32
      %le3A_195 = arith.constant 7168 : i32
      %le3A_196 = arith.cmpi sle, %mul3A_194, %le3A_195 : i32
      %convert_element_type3A_197 = arith.extui %ge3A_190 : i1 to i32
      %cond3A_198 = arith.constant 0 : i32
      %cond3A_199 = arith.cmpi ne, %convert_element_type3A_197, %cond3A_198 : i32
      scf.if %cond3A_199 {
        %get3A_219 = arith.constant 0 : index
        %get3A_220 = vector.load %arg5[%get3A_219] : memref<512xf32, #tpu.memory_space<vmem>>, vector<512xf32>
        %ge3A_221 = vector.broadcast %broadcast_in_dim3A_186 : vector<1x1024xf32> to vector<512x1024xf32>
        %ge3A_222 = vector.broadcast %broadcast_in_dim3A : vector<512x1xf32> to vector<512x1024xf32>
        %ge3A_223 = arith.cmpf oge, %ge3A_221, %ge3A_222 : vector<512x1024xf32>
        %jit3A = arith.constant 1.000000e+00 : f32
        %jit3A_224 = arith.constant 0.000000e+00 : f32
        %broadcast_in_dim3A_225 = vector.broadcast %jit3A : f32 to vector<512x1024xf32>
        %broadcast_in_dim3A_226 = vector.broadcast %jit3A_224 : f32 to vector<512x1024xf32>
        %select_n3A = arith.select %ge3A_223, %broadcast_in_dim3A_225, %broadcast_in_dim3A_226 : vector<512x1024xi1>, vector<512x1024xf32>
        %reduce_sum3A = arith.constant dense<0.000000e+00> : vector<512xf32>
        %reduce_sum3A_227 = vector.multi_reduction <add>, %select_n3A, %reduce_sum3A [1] : vector<512x1024xf32> to vector<512xf32>
        %add3A_228 = arith.addf %get3A_220, %reduce_sum3A_227 : vector<512xf32>
        %swap3A_229 = arith.constant 0 : index
        %swap3A_230 = vector.load %arg5[%swap3A_229] : memref<512xf32, #tpu.memory_space<vmem>>, vector<512xf32>
        tpu.vector_store %arg5[%swap3A_229], %add3A_228 {strides = array<i32>} : memref<512xf32, #tpu.memory_space<vmem>>, vector<512xf32>,
      } else {
      }
      %convert_element_type3A_200 = arith.extui %le3A_196 : i1 to i32
      %cond3A_201 = arith.constant 0 : i32
      %cond3A_202 = arith.cmpi ne, %convert_element_type3A_200, %cond3A_201 : i32
      scf.if %cond3A_202 {
        %get3A_219 = arith.constant 0 : index
        %get3A_220 = vector.load %arg5[%get3A_219] : memref<512xf32, #tpu.memory_space<vmem>>, vector<512xf32>
        %gt3A = vector.broadcast %broadcast_in_dim3A_186 : vector<1x1024xf32> to vector<512x1024xf32>
        %gt3A_221 = vector.broadcast %broadcast_in_dim3A : vector<512x1xf32> to vector<512x1024xf32>
        %gt3A_222 = arith.cmpf ogt, %gt3A, %gt3A_221 : vector<512x1024xf32>
        %jit3A = arith.constant 1.000000e+00 : f32
        %jit3A_223 = arith.constant 0.000000e+00 : f32
        %broadcast_in_dim3A_224 = vector.broadcast %jit3A : f32 to vector<512x1024xf32>
        %broadcast_in_dim3A_225 = vector.broadcast %jit3A_223 : f32 to vector<512x1024xf32>
        %select_n3A = arith.select %gt3A_222, %broadcast_in_dim3A_224, %broadcast_in_dim3A_225 : vector<512x1024xi1>, vector<512x1024xf32>
        %reduce_sum3A = arith.constant dense<0.000000e+00> : vector<512xf32>
        %reduce_sum3A_226 = vector.multi_reduction <add>, %select_n3A, %reduce_sum3A [1] : vector<512x1024xf32> to vector<512xf32>
        %add3A_227 = arith.addf %get3A_220, %reduce_sum3A_226 : vector<512xf32>
        %swap3A_228 = arith.constant 0 : index
        %swap3A_229 = vector.load %arg5[%swap3A_228] : memref<512xf32, #tpu.memory_space<vmem>>, vector<512xf32>
        tpu.vector_store %arg5[%swap3A_228], %add3A_227 {strides = array<i32>} : memref<512xf32, #tpu.memory_space<vmem>>, vector<512xf32>,
      } else {
      }
      %or3A_203 = arith.ori %ge3A_190, %le3A_196 : i1
      %not3A_204 = arith.constant true
      %not3A_205 = arith.xori %or3A_203, %not3A_204 : i1
      %convert_element_type3A_206 = arith.extui %not3A_205 : i1 to i32
      %cond3A_207 = arith.constant 0 : i32
      %cond3A_208 = arith.cmpi ne, %convert_element_type3A_206, %cond3A_207 : i32
      scf.if %cond3A_208 {
        %iota3A_219 = tpu.iota {dimensions = array<i32: 1>} : vector<512x1024xi32>
        %add3A_220 = arith.constant 7168 : i32
        %add3A_221 = vector.broadcast %add3A_220 : i32 to vector<512x1024xi32>
        %add3A_222 = arith.addi %add3A_221, %iota3A_219 : vector<512x1024xi32>
        %lt3A_223 = arith.cmpi slt, %add3A_222, %add3A_8 : vector<512x1024xi32>
        %jit3A = arith.constant 1.000000e+00 : f32
        %jit3A_224 = arith.constant 0.000000e+00 : f32
        %broadcast_in_dim3A_225 = vector.broadcast %jit3A : f32 to vector<512x1024xf32>
        %broadcast_in_dim3A_226 = vector.broadcast %jit3A_224 : f32 to vector<512x1024xf32>
        %select_n3A = arith.select %lt3A_223, %broadcast_in_dim3A_225, %broadcast_in_dim3A_226 : vector<512x1024xi1>, vector<512x1024xf32>
        %ge3A_227 = vector.broadcast %broadcast_in_dim3A_186 : vector<1x1024xf32> to vector<512x1024xf32>
        %ge3A_228 = vector.broadcast %broadcast_in_dim3A : vector<512x1xf32> to vector<512x1024xf32>
        %ge3A_229 = arith.cmpf oge, %ge3A_227, %ge3A_228 : vector<512x1024xf32>
        %jit3A_230 = arith.constant 1.000000e+00 : f32
        %jit3A_231 = arith.constant 0.000000e+00 : f32
        %broadcast_in_dim3A_232 = vector.broadcast %jit3A_230 : f32 to vector<512x1024xf32>
        %broadcast_in_dim3A_233 = vector.broadcast %jit3A_231 : f32 to vector<512x1024xf32>
        %select_n3A_234 = arith.select %ge3A_229, %broadcast_in_dim3A_232, %broadcast_in_dim3A_233 : vector<512x1024xi1>, vector<512x1024xf32>
        %gt3A = vector.broadcast %broadcast_in_dim3A_186 : vector<1x1024xf32> to vector<512x1024xf32>
        %gt3A_235 = vector.broadcast %broadcast_in_dim3A : vector<512x1xf32> to vector<512x1024xf32>
        %gt3A_236 = arith.cmpf ogt, %gt3A, %gt3A_235 : vector<512x1024xf32>
        %jit3A_237 = arith.constant 1.000000e+00 : f32
        %jit3A_238 = arith.constant 0.000000e+00 : f32
        %broadcast_in_dim3A_239 = vector.broadcast %jit3A_237 : f32 to vector<512x1024xf32>
        %broadcast_in_dim3A_240 = vector.broadcast %jit3A_238 : f32 to vector<512x1024xf32>
        %select_n3A_241 = arith.select %gt3A_236, %broadcast_in_dim3A_239, %broadcast_in_dim3A_240 : vector<512x1024xi1>, vector<512x1024xf32>
        %get3A_242 = arith.constant 0 : index
        %get3A_243 = vector.load %arg5[%get3A_242] : memref<512xf32, #tpu.memory_space<vmem>>, vector<512xf32>
        %sub3A = arith.subf %select_n3A_234, %select_n3A_241 : vector<512x1024xf32>
        %mul3A_244 = arith.mulf %sub3A, %select_n3A : vector<512x1024xf32>
        %add3A_245 = arith.addf %select_n3A_241, %mul3A_244 : vector<512x1024xf32>
        %reduce_sum3A = arith.constant dense<0.000000e+00> : vector<512xf32>
        %reduce_sum3A_246 = vector.multi_reduction <add>, %add3A_245, %reduce_sum3A [1] : vector<512x1024xf32> to vector<512xf32>
        %add3A_247 = arith.addf %get3A_243, %reduce_sum3A_246 : vector<512xf32>
        %swap3A_248 = arith.constant 0 : index
        %swap3A_249 = vector.load %arg5[%swap3A_248] : memref<512xf32, #tpu.memory_space<vmem>>, vector<512xf32>
        tpu.vector_store %arg5[%swap3A_248], %add3A_247 {strides = array<i32>} : memref<512xf32, #tpu.memory_space<vmem>>, vector<512xf32>,
      } else {
      }
      %mul3A_209 = arith.constant 512 : i32
      %mul3A_210 = arith.muli %arg0, %mul3A_209 : i32
      %multiple_of3A = tpu.assume_multiple %mul3A_210, 512 : i32
      %get3A_211 = arith.constant 0 : index
      %get3A_212 = vector.load %arg5[%get3A_211] : memref<512xf32, #tpu.memory_space<vmem>>, vector<512xf32>
      %swap3A_213 = arith.index_cast %multiple_of3A : i32 to index
      %swap3A_214 = vector.load %arg4[%swap3A_213] : memref<8192xf32, #tpu.memory_space<vmem>>, vector<512xf32>
      tpu.vector_store %arg4[%swap3A_213], %get3A_212 {strides = array<i32>} : memref<8192xf32, #tpu.memory_space<vmem>>, vector<512xf32>,
      %broadcast_in_dim3A_215 = arith.constant 0 : i32
      %broadcast_in_dim3A_216 = vector.broadcast %broadcast_in_dim3A_215 : i32 to vector<512xi32>
      %swap3A_217 = arith.constant 0 : index
      %swap3A_218 = vector.load %arg3[%swap3A_217] : memref<512xi32, #tpu.memory_space<vmem>>, vector<512xi32>
      tpu.vector_store %arg3[%swap3A_217], %broadcast_in_dim3A_216 {strides = array<i32>} : memref<512xi32, #tpu.memory_space<vmem>>, vector<512xi32>,
    } else {
    }
    %ge3A = arith.constant 16 : i32
    %ge3A_2 = arith.cmpi sge, %arg0, %ge3A : i32
    %convert_element_type3A_3 = arith.extui %ge3A_2 : i1 to i32
    %cond3A_4 = arith.constant 0 : i32
    %cond3A_5 = arith.cmpi ne, %convert_element_type3A_3, %cond3A_4 : i32
    scf.if %cond3A_5 {
      %sub3A = arith.constant 16 : i32
      %sub3A_6 = arith.subi %arg0, %sub3A : i32
      %mul3A = arith.constant 512 : i32
      %mul3A_7 = arith.muli %sub3A_6, %mul3A : i32
      %iota3A = tpu.iota {dimensions = array<i32: 0>} : vector<512x1024xi32>
      %add3A = vector.broadcast %mul3A_7 : i32 to vector<512x1024xi32>
      %add3A_8 = arith.addi %add3A, %iota3A : vector<512x1024xi32>
      %convert_element_type3A_9 = arith.sitofp %add3A_8 : vector<512x1024xi32> to vector<512x1024xf32>
      %broadcast_in_dim3A = arith.constant 0.000000e+00 : f32
      %broadcast_in_dim3A_10 = vector.broadcast %broadcast_in_dim3A : f32 to vector<512x1024xf32>
      %get3A = arith.constant 0 : index
      %get3A_11 = vector.load %arg4[%get3A] : memref<8192xf32, #tpu.memory_space<vmem>>, vector<1024xf32>
      %broadcast_in_dim3A_12 = vector.shape_cast %get3A_11 : vector<1024xf32> to vector<1x1024xf32>
      %iota3A_13 = tpu.iota {dimensions = array<i32: 1>} : vector<512x1024xi32>
      %add3A_14 = arith.constant 0 : i32
      %add3A_15 = vector.broadcast %add3A_14 : i32 to vector<512x1024xi32>
      %add3A_16 = arith.addi %add3A_15, %iota3A_13 : vector<512x1024xi32>
      %convert_element_type3A_17 = arith.sitofp %add3A_16 : vector<512x1024xi32> to vector<512x1024xf32>
      %eq3A = vector.broadcast %broadcast_in_dim3A_12 : vector<1x1024xf32> to vector<512x1024xf32>
      %eq3A_18 = arith.cmpf oeq, %eq3A, %convert_element_type3A_9 : vector<512x1024xf32>
      %jit3A = arith.constant 0.000000e+00 : f32
      %broadcast_in_dim3A_19 = vector.broadcast %jit3A : f32 to vector<512x1024xf32>
      %select_n3A = arith.select %eq3A_18, %convert_element_type3A_17, %broadcast_in_dim3A_19 : vector<512x1024xi1>, vector<512x1024xf32>
      %add3A_20 = arith.addf %broadcast_in_dim3A_10, %select_n3A : vector<512x1024xf32>
      %get3A_21 = arith.constant 1024 : index
      %get3A_22 = vector.load %arg4[%get3A_21] : memref<8192xf32, #tpu.memory_space<vmem>>, vector<1024xf32>
      %broadcast_in_dim3A_23 = vector.shape_cast %get3A_22 : vector<1024xf32> to vector<1x1024xf32>
      %iota3A_24 = tpu.iota {dimensions = array<i32: 1>} : vector<512x1024xi32>
      %add3A_25 = arith.constant 1024 : i32
      %add3A_26 = vector.broadcast %add3A_25 : i32 to vector<512x1024xi32>
      %add3A_27 = arith.addi %add3A_26, %iota3A_24 : vector<512x1024xi32>
      %convert_element_type3A_28 = arith.sitofp %add3A_27 : vector<512x1024xi32> to vector<512x1024xf32>
      %eq3A_29 = vector.broadcast %broadcast_in_dim3A_23 : vector<1x1024xf32> to vector<512x1024xf32>
      %eq3A_30 = arith.cmpf oeq, %eq3A_29, %convert_element_type3A_9 : vector<512x1024xf32>
      %jit3A_31 = arith.constant 0.000000e+00 : f32
      %broadcast_in_dim3A_32 = vector.broadcast %jit3A_31 : f32 to vector<512x1024xf32>
      %select_n3A_33 = arith.select %eq3A_30, %convert_element_type3A_28, %broadcast_in_dim3A_32 : vector<512x1024xi1>, vector<512x1024xf32>
      %add3A_34 = arith.addf %add3A_20, %select_n3A_33 : vector<512x1024xf32>
      %get3A_35 = arith.constant 2048 : index
      %get3A_36 = vector.load %arg4[%get3A_35] : memref<8192xf32, #tpu.memory_space<vmem>>, vector<1024xf32>
      %broadcast_in_dim3A_37 = vector.shape_cast %get3A_36 : vector<1024xf32> to vector<1x1024xf32>
      %iota3A_38 = tpu.iota {dimensions = array<i32: 1>} : vector<512x1024xi32>
      %add3A_39 = arith.constant 2048 : i32
      %add3A_40 = vector.broadcast %add3A_39 : i32 to vector<512x1024xi32>
      %add3A_41 = arith.addi %add3A_40, %iota3A_38 : vector<512x1024xi32>
      %convert_element_type3A_42 = arith.sitofp %add3A_41 : vector<512x1024xi32> to vector<512x1024xf32>
      %eq3A_43 = vector.broadcast %broadcast_in_dim3A_37 : vector<1x1024xf32> to vector<512x1024xf32>
      %eq3A_44 = arith.cmpf oeq, %eq3A_43, %convert_element_type3A_9 : vector<512x1024xf32>
      %jit3A_45 = arith.constant 0.000000e+00 : f32
      %broadcast_in_dim3A_46 = vector.broadcast %jit3A_45 : f32 to vector<512x1024xf32>
      %select_n3A_47 = arith.select %eq3A_44, %convert_element_type3A_42, %broadcast_in_dim3A_46 : vector<512x1024xi1>, vector<512x1024xf32>
      %add3A_48 = arith.addf %add3A_34, %select_n3A_47 : vector<512x1024xf32>
      %get3A_49 = arith.constant 3072 : index
      %get3A_50 = vector.load %arg4[%get3A_49] : memref<8192xf32, #tpu.memory_space<vmem>>, vector<1024xf32>
      %broadcast_in_dim3A_51 = vector.shape_cast %get3A_50 : vector<1024xf32> to vector<1x1024xf32>
      %iota3A_52 = tpu.iota {dimensions = array<i32: 1>} : vector<512x1024xi32>
      %add3A_53 = arith.constant 3072 : i32
      %add3A_54 = vector.broadcast %add3A_53 : i32 to vector<512x1024xi32>
      %add3A_55 = arith.addi %add3A_54, %iota3A_52 : vector<512x1024xi32>
      %convert_element_type3A_56 = arith.sitofp %add3A_55 : vector<512x1024xi32> to vector<512x1024xf32>
      %eq3A_57 = vector.broadcast %broadcast_in_dim3A_51 : vector<1x1024xf32> to vector<512x1024xf32>
      %eq3A_58 = arith.cmpf oeq, %eq3A_57, %convert_element_type3A_9 : vector<512x1024xf32>
      %jit3A_59 = arith.constant 0.000000e+00 : f32
      %broadcast_in_dim3A_60 = vector.broadcast %jit3A_59 : f32 to vector<512x1024xf32>
      %select_n3A_61 = arith.select %eq3A_58, %convert_element_type3A_56, %broadcast_in_dim3A_60 : vector<512x1024xi1>, vector<512x1024xf32>
      %add3A_62 = arith.addf %add3A_48, %select_n3A_61 : vector<512x1024xf32>
      %get3A_63 = arith.constant 4096 : index
      %get3A_64 = vector.load %arg4[%get3A_63] : memref<8192xf32, #tpu.memory_space<vmem>>, vector<1024xf32>
      %broadcast_in_dim3A_65 = vector.shape_cast %get3A_64 : vector<1024xf32> to vector<1x1024xf32>
      %iota3A_66 = tpu.iota {dimensions = array<i32: 1>} : vector<512x1024xi32>
      %add3A_67 = arith.constant 4096 : i32
      %add3A_68 = vector.broadcast %add3A_67 : i32 to vector<512x1024xi32>
      %add3A_69 = arith.addi %add3A_68, %iota3A_66 : vector<512x1024xi32>
      %convert_element_type3A_70 = arith.sitofp %add3A_69 : vector<512x1024xi32> to vector<512x1024xf32>
      %eq3A_71 = vector.broadcast %broadcast_in_dim3A_65 : vector<1x1024xf32> to vector<512x1024xf32>
      %eq3A_72 = arith.cmpf oeq, %eq3A_71, %convert_element_type3A_9 : vector<512x1024xf32>
      %jit3A_73 = arith.constant 0.000000e+00 : f32
      %broadcast_in_dim3A_74 = vector.broadcast %jit3A_73 : f32 to vector<512x1024xf32>
      %select_n3A_75 = arith.select %eq3A_72, %convert_element_type3A_70, %broadcast_in_dim3A_74 : vector<512x1024xi1>, vector<512x1024xf32>
      %add3A_76 = arith.addf %add3A_62, %select_n3A_75 : vector<512x1024xf32>
      %get3A_77 = arith.constant 5120 : index
      %get3A_78 = vector.load %arg4[%get3A_77] : memref<8192xf32, #tpu.memory_space<vmem>>, vector<1024xf32>
      %broadcast_in_dim3A_79 = vector.shape_cast %get3A_78 : vector<1024xf32> to vector<1x1024xf32>
      %iota3A_80 = tpu.iota {dimensions = array<i32: 1>} : vector<512x1024xi32>
      %add3A_81 = arith.constant 5120 : i32
      %add3A_82 = vector.broadcast %add3A_81 : i32 to vector<512x1024xi32>
      %add3A_83 = arith.addi %add3A_82, %iota3A_80 : vector<512x1024xi32>
      %convert_element_type3A_84 = arith.sitofp %add3A_83 : vector<512x1024xi32> to vector<512x1024xf32>
      %eq3A_85 = vector.broadcast %broadcast_in_dim3A_79 : vector<1x1024xf32> to vector<512x1024xf32>
      %eq3A_86 = arith.cmpf oeq, %eq3A_85, %convert_element_type3A_9 : vector<512x1024xf32>
      %jit3A_87 = arith.constant 0.000000e+00 : f32
      %broadcast_in_dim3A_88 = vector.broadcast %jit3A_87 : f32 to vector<512x1024xf32>
      %select_n3A_89 = arith.select %eq3A_86, %convert_element_type3A_84, %broadcast_in_dim3A_88 : vector<512x1024xi1>, vector<512x1024xf32>
      %add3A_90 = arith.addf %add3A_76, %select_n3A_89 : vector<512x1024xf32>
      %get3A_91 = arith.constant 6144 : index
      %get3A_92 = vector.load %arg4[%get3A_91] : memref<8192xf32, #tpu.memory_space<vmem>>, vector<1024xf32>
      %broadcast_in_dim3A_93 = vector.shape_cast %get3A_92 : vector<1024xf32> to vector<1x1024xf32>
      %iota3A_94 = tpu.iota {dimensions = array<i32: 1>} : vector<512x1024xi32>
      %add3A_95 = arith.constant 6144 : i32
      %add3A_96 = vector.broadcast %add3A_95 : i32 to vector<512x1024xi32>
      %add3A_97 = arith.addi %add3A_96, %iota3A_94 : vector<512x1024xi32>
      %convert_element_type3A_98 = arith.sitofp %add3A_97 : vector<512x1024xi32> to vector<512x1024xf32>
      %eq3A_99 = vector.broadcast %broadcast_in_dim3A_93 : vector<1x1024xf32> to vector<512x1024xf32>
      %eq3A_100 = arith.cmpf oeq, %eq3A_99, %convert_element_type3A_9 : vector<512x1024xf32>
      %jit3A_101 = arith.constant 0.000000e+00 : f32
      %broadcast_in_dim3A_102 = vector.broadcast %jit3A_101 : f32 to vector<512x1024xf32>
      %select_n3A_103 = arith.select %eq3A_100, %convert_element_type3A_98, %broadcast_in_dim3A_102 : vector<512x1024xi1>, vector<512x1024xf32>
      %add3A_104 = arith.addf %add3A_90, %select_n3A_103 : vector<512x1024xf32>
      %get3A_105 = arith.constant 7168 : index
      %get3A_106 = vector.load %arg4[%get3A_105] : memref<8192xf32, #tpu.memory_space<vmem>>, vector<1024xf32>
      %broadcast_in_dim3A_107 = vector.shape_cast %get3A_106 : vector<1024xf32> to vector<1x1024xf32>
      %iota3A_108 = tpu.iota {dimensions = array<i32: 1>} : vector<512x1024xi32>
      %add3A_109 = arith.constant 7168 : i32
      %add3A_110 = vector.broadcast %add3A_109 : i32 to vector<512x1024xi32>
      %add3A_111 = arith.addi %add3A_110, %iota3A_108 : vector<512x1024xi32>
      %convert_element_type3A_112 = arith.sitofp %add3A_111 : vector<512x1024xi32> to vector<512x1024xf32>
      %eq3A_113 = vector.broadcast %broadcast_in_dim3A_107 : vector<1x1024xf32> to vector<512x1024xf32>
      %eq3A_114 = arith.cmpf oeq, %eq3A_113, %convert_element_type3A_9 : vector<512x1024xf32>
      %jit3A_115 = arith.constant 0.000000e+00 : f32
      %broadcast_in_dim3A_116 = vector.broadcast %jit3A_115 : f32 to vector<512x1024xf32>
      %select_n3A_117 = arith.select %eq3A_114, %convert_element_type3A_112, %broadcast_in_dim3A_116 : vector<512x1024xi1>, vector<512x1024xf32>
      %add3A_118 = arith.addf %add3A_104, %select_n3A_117 : vector<512x1024xf32>
      %reduce_sum3A = arith.constant dense<0.000000e+00> : vector<512xf32>
      %reduce_sum3A_119 = vector.multi_reduction <add>, %add3A_118, %reduce_sum3A [1] : vector<512x1024xf32> to vector<512xf32>
      %convert_element_type3A_120 = arith.fptosi %reduce_sum3A_119 : vector<512xf32> to vector<512xi32>
      %swap3A = arith.constant 0 : index
      %swap3A_121 = vector.load %arg3[%swap3A] : memref<512xi32, #tpu.memory_space<vmem>>, vector<512xi32>
      tpu.vector_store %arg3[%swap3A], %convert_element_type3A_120 {strides = array<i32>} : memref<512xi32, #tpu.memory_space<vmem>>, vector<512xi32>,
    } else {
    }
    return
  }
  func.func @transform_0(%arg0: i32) -> i32 {
    %min3A = arith.constant 15 : i32
    %min3A_0 = arith.minsi %arg0, %min3A : i32
    %c0_i32 = arith.constant 0 : i32
    return %min3A_0 : i32
  }
  func.func @transform_1(%arg0: i32) -> i32 {
    %c0_i32 = arith.constant 0 : i32
    %c0_i32_0 = arith.constant 0 : i32
    return %c0_i32 : i32
  }
  func.func @transform_2(%arg0: i32) -> i32 {
    %sub3A = arith.constant 16 : i32
    %sub3A_0 = arith.subi %arg0, %sub3A : i32
    %max3A = arith.constant 0 : i32
    %max3A_1 = arith.maxsi %sub3A_0, %max3A : i32
    %c0_i32 = arith.constant 0 : i32
    return %max3A_1 : i32
  }
}

module attributes {stable_mosaic.version = 14 : i64} {
  func.func @_p2_kernel(%arg0: i32, %arg1: memref<256x4x768xf32, #tpu.memory_space<vmem>>, %arg2: memref<256xf32, #tpu.memory_space<vmem>>, %arg3: memref<4x768xf32, #tpu.memory_space<vmem>>, %arg4: memref<256xf32, #tpu.memory_space<vmem>>, %arg5: memref<256xf32, #tpu.memory_space<vmem>>) attributes {dimension_semantics = [#tpu.dimension_semantics<arbitrary>], iteration_bounds = array<i64: 32>, scalar_prefetch = 0 : i64, scratch_operands = 0 : i64, tpu.core_type = #tpu.core_type<tc>, window_params = [{transform_indices = @transform_0, window_bounds = array<i64: 256, 4, 768>}, {transform_indices = @transform_1, window_bounds = array<i64: 256>}, {pipeline_mode = #tpu.pipeline_mode<synchronous>, transform_indices = @transform_2, window_bounds = array<i64: 4, 768>}, {transform_indices = @transform_3, window_bounds = array<i64: 256>}, {transform_indices = @transform_4, window_bounds = array<i64: 256>}]} {
    %get3A = arith.constant 0 : index
    %get3A_0 = arith.constant 0 : index
    %get3A_1 = arith.constant 0 : index
    %get3A_2 = vector.load %arg1[%get3A, %get3A_0, %get3A_1] : memref<256x4x768xf32, #tpu.memory_space<vmem>>, vector<256x4x768xf32>
    %get3A_3 = arith.constant 0 : index
    %get3A_4 = vector.load %arg2[%get3A_3] : memref<256xf32, #tpu.memory_space<vmem>>, vector<256xf32>
    %broadcast_in_dim3A = vector.shape_cast %get3A_4 : vector<256xf32> to vector<256x1x1xf32>
    %div3A = vector.broadcast %broadcast_in_dim3A : vector<256x1x1xf32> to vector<256x4x768xf32>
    %div3A_5 = arith.divf %get3A_2, %div3A : vector<256x4x768xf32>
    %get3A_6 = arith.constant 0 : index
    %get3A_7 = arith.constant 0 : index
    %get3A_8 = vector.load %arg3[%get3A_6, %get3A_7] : memref<4x768xf32, #tpu.memory_space<vmem>>, vector<4x768xf32>
    %mul3A = arith.constant 1.22070313E-4 : f32
    %mul3A_9 = vector.broadcast %mul3A : f32 to vector<4x768xf32>
    %mul3A_10 = arith.mulf %get3A_8, %mul3A_9 : vector<4x768xf32>
    %broadcast_in_dim3A_11 = vector.shape_cast %mul3A_10 : vector<4x768xf32> to vector<1x4x768xf32>
    %mul3A_12 = vector.broadcast %broadcast_in_dim3A_11 : vector<1x4x768xf32> to vector<256x4x768xf32>
    %mul3A_13 = arith.mulf %div3A_5, %mul3A_12 : vector<256x4x768xf32>
    %slice3A = vector.extract_strided_slice %mul3A_13 {offsets = [0, 0, 0], sizes = [256, 4, 128], strides = [1, 1, 1]} : vector<256x4x768xf32> to vector<256x4x128xf32>
    %slice3A_14 = vector.extract_strided_slice %slice3A {offsets = [0, 0, 0], sizes = [256, 1, 128], strides = [1, 1, 1]} : vector<256x4x128xf32> to vector<256x1x128xf32>
    %squeeze3A = vector.shape_cast %slice3A_14 : vector<256x1x128xf32> to vector<256x128xf32>
    %slice3A_15 = vector.extract_strided_slice %slice3A {offsets = [0, 2, 0], sizes = [256, 1, 128], strides = [1, 1, 1]} : vector<256x4x128xf32> to vector<256x1x128xf32>
    %squeeze3A_16 = vector.shape_cast %slice3A_15 : vector<256x1x128xf32> to vector<256x128xf32>
    %add3A = arith.addf %squeeze3A, %squeeze3A_16 : vector<256x128xf32>
    %slice3A_17 = vector.extract_strided_slice %slice3A {offsets = [0, 1, 0], sizes = [256, 1, 128], strides = [1, 1, 1]} : vector<256x4x128xf32> to vector<256x1x128xf32>
    %squeeze3A_18 = vector.shape_cast %slice3A_17 : vector<256x1x128xf32> to vector<256x128xf32>
    %slice3A_19 = vector.extract_strided_slice %slice3A {offsets = [0, 3, 0], sizes = [256, 1, 128], strides = [1, 1, 1]} : vector<256x4x128xf32> to vector<256x1x128xf32>
    %squeeze3A_20 = vector.shape_cast %slice3A_19 : vector<256x1x128xf32> to vector<256x128xf32>
    %add3A_21 = arith.addf %squeeze3A_18, %squeeze3A_20 : vector<256x128xf32>
    %add3A_22 = arith.addf %add3A, %add3A_21 : vector<256x128xf32>
    %reduce_sum3A = arith.constant dense<0.000000e+00> : vector<256xf32>
    %reduce_sum3A_23 = vector.multi_reduction <add>, %add3A_22, %reduce_sum3A [1] : vector<256x128xf32> to vector<256xf32>
    %slice3A_24 = vector.extract_strided_slice %mul3A_13 {offsets = [0, 0, 128], sizes = [256, 4, 128], strides = [1, 1, 1]} : vector<256x4x768xf32> to vector<256x4x128xf32>
    %slice3A_25 = vector.extract_strided_slice %slice3A_24 {offsets = [0, 0, 0], sizes = [256, 1, 128], strides = [1, 1, 1]} : vector<256x4x128xf32> to vector<256x1x128xf32>
    %squeeze3A_26 = vector.shape_cast %slice3A_25 : vector<256x1x128xf32> to vector<256x128xf32>
    %slice3A_27 = vector.extract_strided_slice %slice3A_24 {offsets = [0, 2, 0], sizes = [256, 1, 128], strides = [1, 1, 1]} : vector<256x4x128xf32> to vector<256x1x128xf32>
    %squeeze3A_28 = vector.shape_cast %slice3A_27 : vector<256x1x128xf32> to vector<256x128xf32>
    %add3A_29 = arith.addf %squeeze3A_26, %squeeze3A_28 : vector<256x128xf32>
    %slice3A_30 = vector.extract_strided_slice %slice3A_24 {offsets = [0, 1, 0], sizes = [256, 1, 128], strides = [1, 1, 1]} : vector<256x4x128xf32> to vector<256x1x128xf32>
    %squeeze3A_31 = vector.shape_cast %slice3A_30 : vector<256x1x128xf32> to vector<256x128xf32>
    %slice3A_32 = vector.extract_strided_slice %slice3A_24 {offsets = [0, 3, 0], sizes = [256, 1, 128], strides = [1, 1, 1]} : vector<256x4x128xf32> to vector<256x1x128xf32>
    %squeeze3A_33 = vector.shape_cast %slice3A_32 : vector<256x1x128xf32> to vector<256x128xf32>
    %add3A_34 = arith.addf %squeeze3A_31, %squeeze3A_33 : vector<256x128xf32>
    %add3A_35 = arith.addf %add3A_29, %add3A_34 : vector<256x128xf32>
    %reduce_sum3A_36 = arith.constant dense<0.000000e+00> : vector<256xf32>
    %reduce_sum3A_37 = vector.multi_reduction <add>, %add3A_35, %reduce_sum3A_36 [1] : vector<256x128xf32> to vector<256xf32>
    %add3A_38 = arith.addf %reduce_sum3A_23, %reduce_sum3A_37 : vector<256xf32>
    %slice3A_39 = vector.extract_strided_slice %mul3A_13 {offsets = [0, 0, 256], sizes = [256, 4, 128], strides = [1, 1, 1]} : vector<256x4x768xf32> to vector<256x4x128xf32>
    %slice3A_40 = vector.extract_strided_slice %slice3A_39 {offsets = [0, 0, 0], sizes = [256, 1, 128], strides = [1, 1, 1]} : vector<256x4x128xf32> to vector<256x1x128xf32>
    %squeeze3A_41 = vector.shape_cast %slice3A_40 : vector<256x1x128xf32> to vector<256x128xf32>
    %slice3A_42 = vector.extract_strided_slice %slice3A_39 {offsets = [0, 2, 0], sizes = [256, 1, 128], strides = [1, 1, 1]} : vector<256x4x128xf32> to vector<256x1x128xf32>
    %squeeze3A_43 = vector.shape_cast %slice3A_42 : vector<256x1x128xf32> to vector<256x128xf32>
    %add3A_44 = arith.addf %squeeze3A_41, %squeeze3A_43 : vector<256x128xf32>
    %slice3A_45 = vector.extract_strided_slice %slice3A_39 {offsets = [0, 1, 0], sizes = [256, 1, 128], strides = [1, 1, 1]} : vector<256x4x128xf32> to vector<256x1x128xf32>
    %squeeze3A_46 = vector.shape_cast %slice3A_45 : vector<256x1x128xf32> to vector<256x128xf32>
    %slice3A_47 = vector.extract_strided_slice %slice3A_39 {offsets = [0, 3, 0], sizes = [256, 1, 128], strides = [1, 1, 1]} : vector<256x4x128xf32> to vector<256x1x128xf32>
    %squeeze3A_48 = vector.shape_cast %slice3A_47 : vector<256x1x128xf32> to vector<256x128xf32>
    %add3A_49 = arith.addf %squeeze3A_46, %squeeze3A_48 : vector<256x128xf32>
    %add3A_50 = arith.addf %add3A_44, %add3A_49 : vector<256x128xf32>
    %reduce_sum3A_51 = arith.constant dense<0.000000e+00> : vector<256xf32>
    %reduce_sum3A_52 = vector.multi_reduction <add>, %add3A_50, %reduce_sum3A_51 [1] : vector<256x128xf32> to vector<256xf32>
    %add3A_53 = arith.addf %add3A_38, %reduce_sum3A_52 : vector<256xf32>
    %slice3A_54 = vector.extract_strided_slice %mul3A_13 {offsets = [0, 0, 384], sizes = [256, 4, 128], strides = [1, 1, 1]} : vector<256x4x768xf32> to vector<256x4x128xf32>
    %slice3A_55 = vector.extract_strided_slice %slice3A_54 {offsets = [0, 0, 0], sizes = [256, 1, 128], strides = [1, 1, 1]} : vector<256x4x128xf32> to vector<256x1x128xf32>
    %squeeze3A_56 = vector.shape_cast %slice3A_55 : vector<256x1x128xf32> to vector<256x128xf32>
    %slice3A_57 = vector.extract_strided_slice %slice3A_54 {offsets = [0, 2, 0], sizes = [256, 1, 128], strides = [1, 1, 1]} : vector<256x4x128xf32> to vector<256x1x128xf32>
    %squeeze3A_58 = vector.shape_cast %slice3A_57 : vector<256x1x128xf32> to vector<256x128xf32>
    %add3A_59 = arith.addf %squeeze3A_56, %squeeze3A_58 : vector<256x128xf32>
    %slice3A_60 = vector.extract_strided_slice %slice3A_54 {offsets = [0, 1, 0], sizes = [256, 1, 128], strides = [1, 1, 1]} : vector<256x4x128xf32> to vector<256x1x128xf32>
    %squeeze3A_61 = vector.shape_cast %slice3A_60 : vector<256x1x128xf32> to vector<256x128xf32>
    %slice3A_62 = vector.extract_strided_slice %slice3A_54 {offsets = [0, 3, 0], sizes = [256, 1, 128], strides = [1, 1, 1]} : vector<256x4x128xf32> to vector<256x1x128xf32>
    %squeeze3A_63 = vector.shape_cast %slice3A_62 : vector<256x1x128xf32> to vector<256x128xf32>
    %add3A_64 = arith.addf %squeeze3A_61, %squeeze3A_63 : vector<256x128xf32>
    %add3A_65 = arith.addf %add3A_59, %add3A_64 : vector<256x128xf32>
    %reduce_sum3A_66 = arith.constant dense<0.000000e+00> : vector<256xf32>
    %reduce_sum3A_67 = vector.multi_reduction <add>, %add3A_65, %reduce_sum3A_66 [1] : vector<256x128xf32> to vector<256xf32>
    %add3A_68 = arith.addf %add3A_53, %reduce_sum3A_67 : vector<256xf32>
    %slice3A_69 = vector.extract_strided_slice %mul3A_13 {offsets = [0, 0, 512], sizes = [256, 4, 128], strides = [1, 1, 1]} : vector<256x4x768xf32> to vector<256x4x128xf32>
    %slice3A_70 = vector.extract_strided_slice %slice3A_69 {offsets = [0, 0, 0], sizes = [256, 1, 128], strides = [1, 1, 1]} : vector<256x4x128xf32> to vector<256x1x128xf32>
    %squeeze3A_71 = vector.shape_cast %slice3A_70 : vector<256x1x128xf32> to vector<256x128xf32>
    %slice3A_72 = vector.extract_strided_slice %slice3A_69 {offsets = [0, 2, 0], sizes = [256, 1, 128], strides = [1, 1, 1]} : vector<256x4x128xf32> to vector<256x1x128xf32>
    %squeeze3A_73 = vector.shape_cast %slice3A_72 : vector<256x1x128xf32> to vector<256x128xf32>
    %add3A_74 = arith.addf %squeeze3A_71, %squeeze3A_73 : vector<256x128xf32>
    %slice3A_75 = vector.extract_strided_slice %slice3A_69 {offsets = [0, 1, 0], sizes = [256, 1, 128], strides = [1, 1, 1]} : vector<256x4x128xf32> to vector<256x1x128xf32>
    %squeeze3A_76 = vector.shape_cast %slice3A_75 : vector<256x1x128xf32> to vector<256x128xf32>
    %slice3A_77 = vector.extract_strided_slice %slice3A_69 {offsets = [0, 3, 0], sizes = [256, 1, 128], strides = [1, 1, 1]} : vector<256x4x128xf32> to vector<256x1x128xf32>
    %squeeze3A_78 = vector.shape_cast %slice3A_77 : vector<256x1x128xf32> to vector<256x128xf32>
    %add3A_79 = arith.addf %squeeze3A_76, %squeeze3A_78 : vector<256x128xf32>
    %add3A_80 = arith.addf %add3A_74, %add3A_79 : vector<256x128xf32>
    %reduce_sum3A_81 = arith.constant dense<0.000000e+00> : vector<256xf32>
    %reduce_sum3A_82 = vector.multi_reduction <add>, %add3A_80, %reduce_sum3A_81 [1] : vector<256x128xf32> to vector<256xf32>
    %add3A_83 = arith.addf %add3A_68, %reduce_sum3A_82 : vector<256xf32>
    %slice3A_84 = vector.extract_strided_slice %mul3A_13 {offsets = [0, 0, 640], sizes = [256, 4, 128], strides = [1, 1, 1]} : vector<256x4x768xf32> to vector<256x4x128xf32>
    %slice3A_85 = vector.extract_strided_slice %slice3A_84 {offsets = [0, 0, 0], sizes = [256, 1, 128], strides = [1, 1, 1]} : vector<256x4x128xf32> to vector<256x1x128xf32>
    %squeeze3A_86 = vector.shape_cast %slice3A_85 : vector<256x1x128xf32> to vector<256x128xf32>
    %slice3A_87 = vector.extract_strided_slice %slice3A_84 {offsets = [0, 2, 0], sizes = [256, 1, 128], strides = [1, 1, 1]} : vector<256x4x128xf32> to vector<256x1x128xf32>
    %squeeze3A_88 = vector.shape_cast %slice3A_87 : vector<256x1x128xf32> to vector<256x128xf32>
    %add3A_89 = arith.addf %squeeze3A_86, %squeeze3A_88 : vector<256x128xf32>
    %slice3A_90 = vector.extract_strided_slice %slice3A_84 {offsets = [0, 1, 0], sizes = [256, 1, 128], strides = [1, 1, 1]} : vector<256x4x128xf32> to vector<256x1x128xf32>
    %squeeze3A_91 = vector.shape_cast %slice3A_90 : vector<256x1x128xf32> to vector<256x128xf32>
    %slice3A_92 = vector.extract_strided_slice %slice3A_84 {offsets = [0, 3, 0], sizes = [256, 1, 128], strides = [1, 1, 1]} : vector<256x4x128xf32> to vector<256x1x128xf32>
    %squeeze3A_93 = vector.shape_cast %slice3A_92 : vector<256x1x128xf32> to vector<256x128xf32>
    %add3A_94 = arith.addf %squeeze3A_91, %squeeze3A_93 : vector<256x128xf32>
    %add3A_95 = arith.addf %add3A_89, %add3A_94 : vector<256x128xf32>
    %reduce_sum3A_96 = arith.constant dense<0.000000e+00> : vector<256xf32>
    %reduce_sum3A_97 = vector.multi_reduction <add>, %add3A_95, %reduce_sum3A_96 [1] : vector<256x128xf32> to vector<256xf32>
    %add3A_98 = arith.addf %add3A_83, %reduce_sum3A_97 : vector<256xf32>
    %mul3A_99 = arith.mulf %mul3A_10, %mul3A_10 : vector<4x768xf32>
    %broadcast_in_dim3A_100 = vector.shape_cast %mul3A_99 : vector<4x768xf32> to vector<1x4x768xf32>
    %slice3A_101 = vector.extract_strided_slice %broadcast_in_dim3A_100 {offsets = [0, 0, 0], sizes = [1, 4, 128], strides = [1, 1, 1]} : vector<1x4x768xf32> to vector<1x4x128xf32>
    %slice3A_102 = vector.extract_strided_slice %broadcast_in_dim3A_100 {offsets = [0, 0, 128], sizes = [1, 4, 128], strides = [1, 1, 1]} : vector<1x4x768xf32> to vector<1x4x128xf32>
    %add3A_103 = arith.addf %slice3A_101, %slice3A_102 : vector<1x4x128xf32>
    %slice3A_104 = vector.extract_strided_slice %broadcast_in_dim3A_100 {offsets = [0, 0, 256], sizes = [1, 4, 128], strides = [1, 1, 1]} : vector<1x4x768xf32> to vector<1x4x128xf32>
    %add3A_105 = arith.addf %add3A_103, %slice3A_104 : vector<1x4x128xf32>
    %slice3A_106 = vector.extract_strided_slice %broadcast_in_dim3A_100 {offsets = [0, 0, 384], sizes = [1, 4, 128], strides = [1, 1, 1]} : vector<1x4x768xf32> to vector<1x4x128xf32>
    %add3A_107 = arith.addf %add3A_105, %slice3A_106 : vector<1x4x128xf32>
    %slice3A_108 = vector.extract_strided_slice %broadcast_in_dim3A_100 {offsets = [0, 0, 512], sizes = [1, 4, 128], strides = [1, 1, 1]} : vector<1x4x768xf32> to vector<1x4x128xf32>
    %add3A_109 = arith.addf %add3A_107, %slice3A_108 : vector<1x4x128xf32>
    %slice3A_110 = vector.extract_strided_slice %broadcast_in_dim3A_100 {offsets = [0, 0, 640], sizes = [1, 4, 128], strides = [1, 1, 1]} : vector<1x4x768xf32> to vector<1x4x128xf32>
    %add3A_111 = arith.addf %add3A_109, %slice3A_110 : vector<1x4x128xf32>
    %slice3A_112 = vector.extract_strided_slice %add3A_111 {offsets = [0, 0, 0], sizes = [1, 1, 128], strides = [1, 1, 1]} : vector<1x4x128xf32> to vector<1x1x128xf32>
    %squeeze3A_113 = vector.shape_cast %slice3A_112 : vector<1x1x128xf32> to vector<1x128xf32>
    %slice3A_114 = vector.extract_strided_slice %add3A_111 {offsets = [0, 2, 0], sizes = [1, 1, 128], strides = [1, 1, 1]} : vector<1x4x128xf32> to vector<1x1x128xf32>
    %squeeze3A_115 = vector.shape_cast %slice3A_114 : vector<1x1x128xf32> to vector<1x128xf32>
    %add3A_116 = arith.addf %squeeze3A_113, %squeeze3A_115 : vector<1x128xf32>
    %slice3A_117 = vector.extract_strided_slice %add3A_111 {offsets = [0, 1, 0], sizes = [1, 1, 128], strides = [1, 1, 1]} : vector<1x4x128xf32> to vector<1x1x128xf32>
    %squeeze3A_118 = vector.shape_cast %slice3A_117 : vector<1x1x128xf32> to vector<1x128xf32>
    %slice3A_119 = vector.extract_strided_slice %add3A_111 {offsets = [0, 3, 0], sizes = [1, 1, 128], strides = [1, 1, 1]} : vector<1x4x128xf32> to vector<1x1x128xf32>
    %squeeze3A_120 = vector.shape_cast %slice3A_119 : vector<1x1x128xf32> to vector<1x128xf32>
    %add3A_121 = arith.addf %squeeze3A_118, %squeeze3A_120 : vector<1x128xf32>
    %add3A_122 = arith.addf %add3A_116, %add3A_121 : vector<1x128xf32>
    %reduce_sum3A_123 = arith.constant dense<0.000000e+00> : vector<1xf32>
    %reduce_sum3A_124 = vector.multi_reduction <add>, %add3A_122, %reduce_sum3A_123 [1] : vector<1x128xf32> to vector<1xf32>
    %squeeze3A_125 = vector.extract %reduce_sum3A_124[0] : f32 from vector<1xf32>
    %sqrt3A = math.sqrt %squeeze3A_125 : f32
    %get3A_126 = arith.constant 0 : index
    %get3A_127 = vector.load %arg4[%get3A_126] : memref<256xf32, #tpu.memory_space<vmem>>, vector<256xf32>
    %mul3A_128 = vector.broadcast %sqrt3A : f32 to vector<256xf32>
    %mul3A_129 = arith.mulf %get3A_127, %mul3A_128 : vector<256xf32>
    %max3A = arith.constant 9.99999993E-9 : f32
    %max3A_130 = vector.broadcast %max3A : f32 to vector<256xf32>
    %max3A_131 = arith.maximumf %mul3A_129, %max3A_130 : vector<256xf32>
    %div3A_132 = arith.divf %add3A_98, %max3A_131 : vector<256xf32>
    %sub3A = arith.constant 1.000000e+00 : f32
    %sub3A_133 = vector.broadcast %sub3A : f32 to vector<256xf32>
    %sub3A_134 = arith.subf %sub3A_133, %div3A_132 : vector<256xf32>
    %mul3A_135 = arith.constant 1.000000e+00 : f32
    %mul3A_136 = vector.broadcast %mul3A_135 : f32 to vector<256xf32>
    %mul3A_137 = arith.mulf %mul3A_136, %sub3A_134 : vector<256xf32>
    %add3A_138 = arith.addf %get3A_127, %mul3A_137 : vector<256xf32>
    %swap3A = arith.constant 0 : index
    %swap3A_139 = vector.load %arg5[%swap3A] : memref<256xf32, #tpu.memory_space<vmem>>, vector<256xf32>
    tpu.vector_store %arg5[%swap3A], %add3A_138 {strides = array<i32>} : memref<256xf32, #tpu.memory_space<vmem>>, vector<256xf32>,
    return
  }
  func.func @transform_0(%arg0: i32) -> (i32, i32, i32) {
    %c0_i32 = arith.constant 0 : i32
    %c0_i32_0 = arith.constant 0 : i32
    %c0_i32_1 = arith.constant 0 : i32
    return %arg0, %c0_i32, %c0_i32_0 : i32, i32, i32
  }
  func.func @transform_1(%arg0: i32) -> i32 {
    %c0_i32 = arith.constant 0 : i32
    return %arg0 : i32
  }
  func.func @transform_2(%arg0: i32) -> (i32, i32) {
    %c0_i32 = arith.constant 0 : i32
    %c0_i32_0 = arith.constant 0 : i32
    %c0_i32_1 = arith.constant 0 : i32
    return %c0_i32, %c0_i32_0 : i32, i32
  }
  func.func @transform_3(%arg0: i32) -> i32 {
    %c0_i32 = arith.constant 0 : i32
    return %arg0 : i32
  }
  func.func @transform_4(%arg0: i32) -> i32 {
    %c0_i32 = arith.constant 0 : i32
    return %arg0 : i32
  }
}

module attributes {stable_mosaic.version = 14 : i64} {
  func.func @_p1_kernel(%arg0: i32, %arg1: memref<256x4x768xf32, #tpu.memory_space<vmem>>, %arg2: memref<256xf32, #tpu.memory_space<vmem>>, %arg3: memref<256xf32, #tpu.memory_space<vmem>>, %arg4: memref<4x768xf32, #tpu.memory_space<vmem>>, %arg5: memref<256x4x768xf32, #tpu.memory_space<vmem>>, %arg6: memref<4x768xf32, #tpu.memory_space<vmem>>) attributes {dimension_semantics = [#tpu.dimension_semantics<arbitrary>], iteration_bounds = array<i64: 32>, scalar_prefetch = 0 : i64, scratch_operands = 2 : i64, tpu.core_type = #tpu.core_type<tc>, window_params = [{transform_indices = @transform_0, window_bounds = array<i64: 256, 4, 768>}, {transform_indices = @transform_1, window_bounds = array<i64: 256>}, {transform_indices = @transform_2, window_bounds = array<i64: 256>}, {pipeline_mode = #tpu.pipeline_mode<synchronous>, transform_indices = @transform_3, window_bounds = array<i64: 4, 768>}]} {
    %get3A = arith.constant 0 : index
    %get3A_0 = arith.constant 0 : index
    %get3A_1 = arith.constant 0 : index
    %get3A_2 = vector.load %arg1[%get3A, %get3A_0, %get3A_1] : memref<256x4x768xf32, #tpu.memory_space<vmem>>, vector<256x4x768xf32>
    %mul3A = arith.mulf %get3A_2, %get3A_2 : vector<256x4x768xf32>
    %slice3A = vector.extract_strided_slice %mul3A {offsets = [0, 0, 0], sizes = [256, 4, 128], strides = [1, 1, 1]} : vector<256x4x768xf32> to vector<256x4x128xf32>
    %slice3A_3 = vector.extract_strided_slice %mul3A {offsets = [0, 0, 128], sizes = [256, 4, 128], strides = [1, 1, 1]} : vector<256x4x768xf32> to vector<256x4x128xf32>
    %add3A = arith.addf %slice3A, %slice3A_3 : vector<256x4x128xf32>
    %slice3A_4 = vector.extract_strided_slice %add3A {offsets = [0, 0, 0], sizes = [256, 1, 128], strides = [1, 1, 1]} : vector<256x4x128xf32> to vector<256x1x128xf32>
    %squeeze3A = vector.shape_cast %slice3A_4 : vector<256x1x128xf32> to vector<256x128xf32>
    %slice3A_5 = vector.extract_strided_slice %add3A {offsets = [0, 2, 0], sizes = [256, 1, 128], strides = [1, 1, 1]} : vector<256x4x128xf32> to vector<256x1x128xf32>
    %squeeze3A_6 = vector.shape_cast %slice3A_5 : vector<256x1x128xf32> to vector<256x128xf32>
    %add3A_7 = arith.addf %squeeze3A, %squeeze3A_6 : vector<256x128xf32>
    %slice3A_8 = vector.extract_strided_slice %add3A {offsets = [0, 1, 0], sizes = [256, 1, 128], strides = [1, 1, 1]} : vector<256x4x128xf32> to vector<256x1x128xf32>
    %squeeze3A_9 = vector.shape_cast %slice3A_8 : vector<256x1x128xf32> to vector<256x128xf32>
    %slice3A_10 = vector.extract_strided_slice %add3A {offsets = [0, 3, 0], sizes = [256, 1, 128], strides = [1, 1, 1]} : vector<256x4x128xf32> to vector<256x1x128xf32>
    %squeeze3A_11 = vector.shape_cast %slice3A_10 : vector<256x1x128xf32> to vector<256x128xf32>
    %add3A_12 = arith.addf %squeeze3A_9, %squeeze3A_11 : vector<256x128xf32>
    %add3A_13 = arith.addf %add3A_7, %add3A_12 : vector<256x128xf32>
    %reduce_sum3A = arith.constant dense<0.000000e+00> : vector<256xf32>
    %reduce_sum3A_14 = vector.multi_reduction <add>, %add3A_13, %reduce_sum3A [1] : vector<256x128xf32> to vector<256xf32>
    %slice3A_15 = vector.extract_strided_slice %mul3A {offsets = [0, 0, 256], sizes = [256, 4, 128], strides = [1, 1, 1]} : vector<256x4x768xf32> to vector<256x4x128xf32>
    %slice3A_16 = vector.extract_strided_slice %mul3A {offsets = [0, 0, 384], sizes = [256, 4, 128], strides = [1, 1, 1]} : vector<256x4x768xf32> to vector<256x4x128xf32>
    %add3A_17 = arith.addf %slice3A_15, %slice3A_16 : vector<256x4x128xf32>
    %slice3A_18 = vector.extract_strided_slice %add3A_17 {offsets = [0, 0, 0], sizes = [256, 1, 128], strides = [1, 1, 1]} : vector<256x4x128xf32> to vector<256x1x128xf32>
    %squeeze3A_19 = vector.shape_cast %slice3A_18 : vector<256x1x128xf32> to vector<256x128xf32>
    %slice3A_20 = vector.extract_strided_slice %add3A_17 {offsets = [0, 2, 0], sizes = [256, 1, 128], strides = [1, 1, 1]} : vector<256x4x128xf32> to vector<256x1x128xf32>
    %squeeze3A_21 = vector.shape_cast %slice3A_20 : vector<256x1x128xf32> to vector<256x128xf32>
    %add3A_22 = arith.addf %squeeze3A_19, %squeeze3A_21 : vector<256x128xf32>
    %slice3A_23 = vector.extract_strided_slice %add3A_17 {offsets = [0, 1, 0], sizes = [256, 1, 128], strides = [1, 1, 1]} : vector<256x4x128xf32> to vector<256x1x128xf32>
    %squeeze3A_24 = vector.shape_cast %slice3A_23 : vector<256x1x128xf32> to vector<256x128xf32>
    %slice3A_25 = vector.extract_strided_slice %add3A_17 {offsets = [0, 3, 0], sizes = [256, 1, 128], strides = [1, 1, 1]} : vector<256x4x128xf32> to vector<256x1x128xf32>
    %squeeze3A_26 = vector.shape_cast %slice3A_25 : vector<256x1x128xf32> to vector<256x128xf32>
    %add3A_27 = arith.addf %squeeze3A_24, %squeeze3A_26 : vector<256x128xf32>
    %add3A_28 = arith.addf %add3A_22, %add3A_27 : vector<256x128xf32>
    %reduce_sum3A_29 = arith.constant dense<0.000000e+00> : vector<256xf32>
    %reduce_sum3A_30 = vector.multi_reduction <add>, %add3A_28, %reduce_sum3A_29 [1] : vector<256x128xf32> to vector<256xf32>
    %slice3A_31 = vector.extract_strided_slice %mul3A {offsets = [0, 0, 512], sizes = [256, 4, 128], strides = [1, 1, 1]} : vector<256x4x768xf32> to vector<256x4x128xf32>
    %slice3A_32 = vector.extract_strided_slice %mul3A {offsets = [0, 0, 640], sizes = [256, 4, 128], strides = [1, 1, 1]} : vector<256x4x768xf32> to vector<256x4x128xf32>
    %add3A_33 = arith.addf %slice3A_31, %slice3A_32 : vector<256x4x128xf32>
    %slice3A_34 = vector.extract_strided_slice %add3A_33 {offsets = [0, 0, 0], sizes = [256, 1, 128], strides = [1, 1, 1]} : vector<256x4x128xf32> to vector<256x1x128xf32>
    %squeeze3A_35 = vector.shape_cast %slice3A_34 : vector<256x1x128xf32> to vector<256x128xf32>
    %slice3A_36 = vector.extract_strided_slice %add3A_33 {offsets = [0, 2, 0], sizes = [256, 1, 128], strides = [1, 1, 1]} : vector<256x4x128xf32> to vector<256x1x128xf32>
    %squeeze3A_37 = vector.shape_cast %slice3A_36 : vector<256x1x128xf32> to vector<256x128xf32>
    %add3A_38 = arith.addf %squeeze3A_35, %squeeze3A_37 : vector<256x128xf32>
    %slice3A_39 = vector.extract_strided_slice %add3A_33 {offsets = [0, 1, 0], sizes = [256, 1, 128], strides = [1, 1, 1]} : vector<256x4x128xf32> to vector<256x1x128xf32>
    %squeeze3A_40 = vector.shape_cast %slice3A_39 : vector<256x1x128xf32> to vector<256x128xf32>
    %slice3A_41 = vector.extract_strided_slice %add3A_33 {offsets = [0, 3, 0], sizes = [256, 1, 128], strides = [1, 1, 1]} : vector<256x4x128xf32> to vector<256x1x128xf32>
    %squeeze3A_42 = vector.shape_cast %slice3A_41 : vector<256x1x128xf32> to vector<256x128xf32>
    %add3A_43 = arith.addf %squeeze3A_40, %squeeze3A_42 : vector<256x128xf32>
    %add3A_44 = arith.addf %add3A_38, %add3A_43 : vector<256x128xf32>
    %reduce_sum3A_45 = arith.constant dense<0.000000e+00> : vector<256xf32>
    %reduce_sum3A_46 = vector.multi_reduction <add>, %add3A_44, %reduce_sum3A_45 [1] : vector<256x128xf32> to vector<256xf32>
    %add3A_47 = arith.addf %reduce_sum3A_14, %reduce_sum3A_30 : vector<256xf32>
    %add3A_48 = arith.addf %add3A_47, %reduce_sum3A_46 : vector<256xf32>
    %sqrt3A = math.sqrt %add3A_48 : vector<256xf32>
    %max3A = arith.constant 9.99999996E-13 : f32
    %max3A_49 = vector.broadcast %max3A : f32 to vector<256xf32>
    %max3A_50 = arith.maximumf %sqrt3A, %max3A_49 : vector<256xf32>
    %swap3A = arith.constant 0 : index
    %swap3A_51 = vector.load %arg2[%swap3A] : memref<256xf32, #tpu.memory_space<vmem>>, vector<256xf32>
    tpu.vector_store %arg2[%swap3A], %max3A_50 {strides = array<i32>} : memref<256xf32, #tpu.memory_space<vmem>>, vector<256xf32>,
    %broadcast_in_dim3A = vector.shape_cast %max3A_50 : vector<256xf32> to vector<256x1x1xf32>
    %div3A = vector.broadcast %broadcast_in_dim3A : vector<256x1x1xf32> to vector<256x4x768xf32>
    %div3A_52 = arith.divf %get3A_2, %div3A : vector<256x4x768xf32>
    %swap3A_53 = arith.constant 0 : index
    %swap3A_54 = arith.constant 0 : index
    %swap3A_55 = arith.constant 0 : index
    %swap3A_56 = vector.load %arg5[%swap3A_53, %swap3A_54, %swap3A_55] : memref<256x4x768xf32, #tpu.memory_space<vmem>>, vector<256x4x768xf32>
    tpu.vector_store %arg5[%swap3A_53, %swap3A_54, %swap3A_55], %div3A_52 {strides = array<i32>} : memref<256x4x768xf32, #tpu.memory_space<vmem>>, vector<256x4x768xf32>,
    %mul3A_57 = arith.mulf %div3A_52, %div3A_52 : vector<256x4x768xf32>
    %slice3A_58 = vector.extract_strided_slice %mul3A_57 {offsets = [0, 0, 0], sizes = [256, 4, 128], strides = [1, 1, 1]} : vector<256x4x768xf32> to vector<256x4x128xf32>
    %slice3A_59 = vector.extract_strided_slice %mul3A_57 {offsets = [0, 0, 128], sizes = [256, 4, 128], strides = [1, 1, 1]} : vector<256x4x768xf32> to vector<256x4x128xf32>
    %add3A_60 = arith.addf %slice3A_58, %slice3A_59 : vector<256x4x128xf32>
    %slice3A_61 = vector.extract_strided_slice %mul3A_57 {offsets = [0, 0, 256], sizes = [256, 4, 128], strides = [1, 1, 1]} : vector<256x4x768xf32> to vector<256x4x128xf32>
    %add3A_62 = arith.addf %add3A_60, %slice3A_61 : vector<256x4x128xf32>
    %slice3A_63 = vector.extract_strided_slice %mul3A_57 {offsets = [0, 0, 384], sizes = [256, 4, 128], strides = [1, 1, 1]} : vector<256x4x768xf32> to vector<256x4x128xf32>
    %add3A_64 = arith.addf %add3A_62, %slice3A_63 : vector<256x4x128xf32>
    %slice3A_65 = vector.extract_strided_slice %mul3A_57 {offsets = [0, 0, 512], sizes = [256, 4, 128], strides = [1, 1, 1]} : vector<256x4x768xf32> to vector<256x4x128xf32>
    %add3A_66 = arith.addf %add3A_64, %slice3A_65 : vector<256x4x128xf32>
    %slice3A_67 = vector.extract_strided_slice %mul3A_57 {offsets = [0, 0, 640], sizes = [256, 4, 128], strides = [1, 1, 1]} : vector<256x4x768xf32> to vector<256x4x128xf32>
    %add3A_68 = arith.addf %add3A_66, %slice3A_67 : vector<256x4x128xf32>
    %slice3A_69 = vector.extract_strided_slice %add3A_68 {offsets = [0, 0, 0], sizes = [256, 1, 128], strides = [1, 1, 1]} : vector<256x4x128xf32> to vector<256x1x128xf32>
    %squeeze3A_70 = vector.shape_cast %slice3A_69 : vector<256x1x128xf32> to vector<256x128xf32>
    %slice3A_71 = vector.extract_strided_slice %add3A_68 {offsets = [0, 2, 0], sizes = [256, 1, 128], strides = [1, 1, 1]} : vector<256x4x128xf32> to vector<256x1x128xf32>
    %squeeze3A_72 = vector.shape_cast %slice3A_71 : vector<256x1x128xf32> to vector<256x128xf32>
    %add3A_73 = arith.addf %squeeze3A_70, %squeeze3A_72 : vector<256x128xf32>
    %slice3A_74 = vector.extract_strided_slice %add3A_68 {offsets = [0, 1, 0], sizes = [256, 1, 128], strides = [1, 1, 1]} : vector<256x4x128xf32> to vector<256x1x128xf32>
    %squeeze3A_75 = vector.shape_cast %slice3A_74 : vector<256x1x128xf32> to vector<256x128xf32>
    %slice3A_76 = vector.extract_strided_slice %add3A_68 {offsets = [0, 3, 0], sizes = [256, 1, 128], strides = [1, 1, 1]} : vector<256x4x128xf32> to vector<256x1x128xf32>
    %squeeze3A_77 = vector.shape_cast %slice3A_76 : vector<256x1x128xf32> to vector<256x128xf32>
    %add3A_78 = arith.addf %squeeze3A_75, %squeeze3A_77 : vector<256x128xf32>
    %add3A_79 = arith.addf %add3A_73, %add3A_78 : vector<256x128xf32>
    %reduce_sum3A_80 = arith.constant dense<0.000000e+00> : vector<256xf32>
    %reduce_sum3A_81 = vector.multi_reduction <add>, %add3A_79, %reduce_sum3A_80 [1] : vector<256x128xf32> to vector<256xf32>
    %sqrt3A_82 = math.sqrt %reduce_sum3A_81 : vector<256xf32>
    %swap3A_83 = arith.constant 0 : index
    %swap3A_84 = vector.load %arg3[%swap3A_83] : memref<256xf32, #tpu.memory_space<vmem>>, vector<256xf32>
    tpu.vector_store %arg3[%swap3A_83], %sqrt3A_82 {strides = array<i32>} : memref<256xf32, #tpu.memory_space<vmem>>, vector<256xf32>,
    %eq3A = arith.constant 0 : i32
    %eq3A_85 = arith.cmpi eq, %arg0, %eq3A : i32
    %convert_element_type3A = arith.extui %eq3A_85 : i1 to i32
    %cond3A = arith.constant 0 : i32
    %cond3A_86 = arith.cmpi ne, %convert_element_type3A, %cond3A : i32
    scf.if %cond3A_86 {
      %broadcast_in_dim3A_5246 = arith.constant 0.000000e+00 : f32
      %broadcast_in_dim3A_5247 = vector.broadcast %broadcast_in_dim3A_5246 : f32 to vector<4x768xf32>
      %swap3A_5248 = arith.constant 0 : index
      %swap3A_5249 = arith.constant 0 : index
      %swap3A_5250 = vector.load %arg4[%swap3A_5248, %swap3A_5249] : memref<4x768xf32, #tpu.memory_space<vmem>>, vector<4x768xf32>
      tpu.vector_store %arg4[%swap3A_5248, %swap3A_5249], %broadcast_in_dim3A_5247 {strides = array<i32>} : memref<4x768xf32, #tpu.memory_space<vmem>>, vector<4x768xf32>,
      %broadcast_in_dim3A_5251 = arith.constant 0.000000e+00 : f32
      %broadcast_in_dim3A_5252 = vector.broadcast %broadcast_in_dim3A_5251 : f32 to vector<4x768xf32>
      %swap3A_5253 = arith.constant 0 : index
      %swap3A_5254 = arith.constant 0 : index
      %swap3A_5255 = vector.load %arg6[%swap3A_5253, %swap3A_5254] : memref<4x768xf32, #tpu.memory_space<vmem>>, vector<4x768xf32>
      tpu.vector_store %arg6[%swap3A_5253, %swap3A_5254], %broadcast_in_dim3A_5252 {strides = array<i32>} : memref<4x768xf32, #tpu.memory_space<vmem>>, vector<4x768xf32>,
    } else {
    }
    %mul3A_87 = arith.constant 256 : i32
    %mul3A_88 = arith.muli %arg0, %mul3A_87 : i32
    %jit3A = arith.constant 171 : i32
    %eq3A_89 = arith.constant 0 : i32
    %eq3A_90 = arith.cmpi eq, %jit3A, %eq3A_89 : i32
    %jit3A_91 = arith.constant 1 : i32
    %select_n3A = arith.select %eq3A_90, %jit3A_91, %jit3A : i32
    %rem3A = arith.remsi %mul3A_88, %select_n3A : i32
    %ne3A = arith.constant 0 : i32
    %ne3A_92 = arith.cmpi ne, %rem3A, %ne3A : i32
    %lt3A = arith.constant 0 : i32
    %lt3A_93 = arith.cmpi slt, %rem3A, %lt3A : i32
    %lt3A_94 = arith.constant 0 : i32
    %lt3A_95 = arith.cmpi slt, %select_n3A, %lt3A_94 : i32
    %ne3A_96 = arith.xori %lt3A_93, %lt3A_95 : i1
    %and3A = arith.andi %ne3A_96, %ne3A_92 : i1
    %add3A_97 = arith.addi %rem3A, %select_n3A : i32
    %select_n3A_98 = arith.select %and3A, %add3A_97, %rem3A : i32
    %eq3A_99 = arith.constant 0 : i32
    %eq3A_100 = arith.cmpi eq, %select_n3A_98, %eq3A_99 : i32
    %sub3A = arith.constant 171 : i32
    %sub3A_101 = arith.subi %sub3A, %select_n3A_98 : i32
    %jit3A_102 = arith.constant 0 : i32
    %select_n3A_103 = arith.select %eq3A_100, %jit3A_102, %sub3A_101 : i32
    %eq3A_104 = arith.constant 0 : i32
    %eq3A_105 = arith.cmpi eq, %arg0, %eq3A_104 : i32
    %jit3A_106 = arith.constant 171 : i32
    %select_n3A_107 = arith.select %eq3A_105, %jit3A_106, %select_n3A_103 : i32
    %add3A_108 = arith.constant 171 : i32
    %add3A_109 = arith.addi %select_n3A_107, %add3A_108 : i32
    %get3A_110 = arith.constant 0 : index
    %get3A_111 = arith.constant 0 : index
    %get3A_112 = vector.load %arg4[%get3A_110, %get3A_111] : memref<4x768xf32, #tpu.memory_space<vmem>>, vector<4x768xf32>
    %get3A_113 = arith.constant 0 : index
    %get3A_114 = arith.constant 0 : index
    %get3A_115 = vector.load %arg6[%get3A_113, %get3A_114] : memref<4x768xf32, #tpu.memory_space<vmem>>, vector<4x768xf32>
    %eq3A_116 = arith.constant 0 : i32
    %eq3A_117 = arith.cmpi eq, %select_n3A_107, %eq3A_116 : i32
    %eq3A_118 = arith.constant 0 : i32
    %eq3A_119 = arith.cmpi eq, %add3A_109, %eq3A_118 : i32
    %or3A = arith.ori %eq3A_117, %eq3A_119 : i1
    %convert_element_type3A_120 = arith.extui %or3A : i1 to i32
    %convert_element_type3A_121 = arith.sitofp %convert_element_type3A_120 : i32 to f32
    %sub3A_122 = arith.constant 1.000000e+00 : f32
    %sub3A_123 = arith.subf %sub3A_122, %convert_element_type3A_121 : f32
    %mul3A_124 = vector.broadcast %convert_element_type3A_121 : f32 to vector<4x768xf32>
    %mul3A_125 = arith.mulf %get3A_115, %mul3A_124 : vector<4x768xf32>
    %add3A_126 = arith.addf %get3A_112, %mul3A_125 : vector<4x768xf32>
    %mul3A_127 = vector.broadcast %sub3A_123 : f32 to vector<4x768xf32>
    %mul3A_128 = arith.mulf %get3A_115, %mul3A_127 : vector<4x768xf32>
    %get3A_129 = arith.constant 0 : index
    %get3A_130 = arith.constant 0 : index
    %get3A_131 = arith.constant 0 : index
    %get3A_132 = vector.load %arg5[%get3A_129, %get3A_130, %get3A_131] : memref<256x4x768xf32, #tpu.memory_space<vmem>>, vector<1x4x768xf32>
    %get3A_133 = vector.shape_cast %get3A_132 : vector<1x4x768xf32> to vector<4x768xf32>
    %add3A_134 = arith.addf %mul3A_128, %get3A_133 : vector<4x768xf32>
    %eq3A_135 = arith.constant 1 : i32
    %eq3A_136 = arith.cmpi eq, %select_n3A_107, %eq3A_135 : i32
    %eq3A_137 = arith.constant 1 : i32
    %eq3A_138 = arith.cmpi eq, %add3A_109, %eq3A_137 : i32
    %or3A_139 = arith.ori %eq3A_136, %eq3A_138 : i1
    %convert_element_type3A_140 = arith.extui %or3A_139 : i1 to i32
    %convert_element_type3A_141 = arith.sitofp %convert_element_type3A_140 : i32 to f32
    %sub3A_142 = arith.constant 1.000000e+00 : f32
    %sub3A_143 = arith.subf %sub3A_142, %convert_element_type3A_141 : f32
    %mul3A_144 = vector.broadcast %convert_element_type3A_141 : f32 to vector<4x768xf32>
    %mul3A_145 = arith.mulf %add3A_134, %mul3A_144 : vector<4x768xf32>
    %add3A_146 = arith.addf %add3A_126, %mul3A_145 : vector<4x768xf32>
    %mul3A_147 = vector.broadcast %sub3A_143 : f32 to vector<4x768xf32>
    %mul3A_148 = arith.mulf %add3A_134, %mul3A_147 : vector<4x768xf32>
    %get3A_149 = arith.constant 1 : index
    %get3A_150 = arith.constant 0 : index
    %get3A_151 = arith.constant 0 : index
    %get3A_152 = vector.load %arg5[%get3A_149, %get3A_150, %get3A_151] : memref<256x4x768xf32, #tpu.memory_space<vmem>>, vector<1x4x768xf32>
    %get3A_153 = vector.shape_cast %get3A_152 : vector<1x4x768xf32> to vector<4x768xf32>
    %add3A_154 = arith.addf %mul3A_148, %get3A_153 : vector<4x768xf32>
    %eq3A_155 = arith.constant 2 : i32
    %eq3A_156 = arith.cmpi eq, %select_n3A_107, %eq3A_155 : i32
    %eq3A_157 = arith.constant 2 : i32
    %eq3A_158 = arith.cmpi eq, %add3A_109, %eq3A_157 : i32
    %or3A_159 = arith.ori %eq3A_156, %eq3A_158 : i1
    %convert_element_type3A_160 = arith.extui %or3A_159 : i1 to i32
    %convert_element_type3A_161 = arith.sitofp %convert_element_type3A_160 : i32 to f32
    %sub3A_162 = arith.constant 1.000000e+00 : f32
    %sub3A_163 = arith.subf %sub3A_162, %convert_element_type3A_161 : f32
    %mul3A_164 = vector.broadcast %convert_element_type3A_161 : f32 to vector<4x768xf32>
    %mul3A_165 = arith.mulf %add3A_154, %mul3A_164 : vector<4x768xf32>
    %add3A_166 = arith.addf %add3A_146, %mul3A_165 : vector<4x768xf32>
    %mul3A_167 = vector.broadcast %sub3A_163 : f32 to vector<4x768xf32>
    %mul3A_168 = arith.mulf %add3A_154, %mul3A_167 : vector<4x768xf32>
    %get3A_169 = arith.constant 2 : index
    %get3A_170 = arith.constant 0 : index
    %get3A_171 = arith.constant 0 : index
    %get3A_172 = vector.load %arg5[%get3A_169, %get3A_170, %get3A_171] : memref<256x4x768xf32, #tpu.memory_space<vmem>>, vector<1x4x768xf32>
    %get3A_173 = vector.shape_cast %get3A_172 : vector<1x4x768xf32> to vector<4x768xf32>
    %add3A_174 = arith.addf %mul3A_168, %get3A_173 : vector<4x768xf32>
    %eq3A_175 = arith.constant 3 : i32
    %eq3A_176 = arith.cmpi eq, %select_n3A_107, %eq3A_175 : i32
    %eq3A_177 = arith.constant 3 : i32
    %eq3A_178 = arith.cmpi eq, %add3A_109, %eq3A_177 : i32
    %or3A_179 = arith.ori %eq3A_176, %eq3A_178 : i1
    %convert_element_type3A_180 = arith.extui %or3A_179 : i1 to i32
    %convert_element_type3A_181 = arith.sitofp %convert_element_type3A_180 : i32 to f32
    %sub3A_182 = arith.constant 1.000000e+00 : f32
    %sub3A_183 = arith.subf %sub3A_182, %convert_element_type3A_181 : f32
    %mul3A_184 = vector.broadcast %convert_element_type3A_181 : f32 to vector<4x768xf32>
    %mul3A_185 = arith.mulf %add3A_174, %mul3A_184 : vector<4x768xf32>
    %add3A_186 = arith.addf %add3A_166, %mul3A_185 : vector<4x768xf32>
    %mul3A_187 = vector.broadcast %sub3A_183 : f32 to vector<4x768xf32>
    %mul3A_188 = arith.mulf %add3A_174, %mul3A_187 : vector<4x768xf32>
    %get3A_189 = arith.constant 3 : index
    %get3A_190 = arith.constant 0 : index
    %get3A_191 = arith.constant 0 : index
    %get3A_192 = vector.load %arg5[%get3A_189, %get3A_190, %get3A_191] : memref<256x4x768xf32, #tpu.memory_space<vmem>>, vector<1x4x768xf32>
    %get3A_193 = vector.shape_cast %get3A_192 : vector<1x4x768xf32> to vector<4x768xf32>
    %add3A_194 = arith.addf %mul3A_188, %get3A_193 : vector<4x768xf32>
    %eq3A_195 = arith.constant 4 : i32
    %eq3A_196 = arith.cmpi eq, %select_n3A_107, %eq3A_195 : i32
    %eq3A_197 = arith.constant 4 : i32
    %eq3A_198 = arith.cmpi eq, %add3A_109, %eq3A_197 : i32
    %or3A_199 = arith.ori %eq3A_196, %eq3A_198 : i1
    %convert_element_type3A_200 = arith.extui %or3A_199 : i1 to i32
    %convert_element_type3A_201 = arith.sitofp %convert_element_type3A_200 : i32 to f32
    %sub3A_202 = arith.constant 1.000000e+00 : f32
    %sub3A_203 = arith.subf %sub3A_202, %convert_element_type3A_201 : f32
    %mul3A_204 = vector.broadcast %convert_element_type3A_201 : f32 to vector<4x768xf32>
    %mul3A_205 = arith.mulf %add3A_194, %mul3A_204 : vector<4x768xf32>
    %add3A_206 = arith.addf %add3A_186, %mul3A_205 : vector<4x768xf32>
    %mul3A_207 = vector.broadcast %sub3A_203 : f32 to vector<4x768xf32>
    %mul3A_208 = arith.mulf %add3A_194, %mul3A_207 : vector<4x768xf32>
    %get3A_209 = arith.constant 4 : index
    %get3A_210 = arith.constant 0 : index
    %get3A_211 = arith.constant 0 : index
    %get3A_212 = vector.load %arg5[%get3A_209, %get3A_210, %get3A_211] : memref<256x4x768xf32, #tpu.memory_space<vmem>>, vector<1x4x768xf32>
    %get3A_213 = vector.shape_cast %get3A_212 : vector<1x4x768xf32> to vector<4x768xf32>
    %add3A_214 = arith.addf %mul3A_208, %get3A_213 : vector<4x768xf32>
    %eq3A_215 = arith.constant 5 : i32
    %eq3A_216 = arith.cmpi eq, %select_n3A_107, %eq3A_215 : i32
    %eq3A_217 = arith.constant 5 : i32
    %eq3A_218 = arith.cmpi eq, %add3A_109, %eq3A_217 : i32
    %or3A_219 = arith.ori %eq3A_216, %eq3A_218 : i1
    %convert_element_type3A_220 = arith.extui %or3A_219 : i1 to i32
    %convert_element_type3A_221 = arith.sitofp %convert_element_type3A_220 : i32 to f32
    %sub3A_222 = arith.constant 1.000000e+00 : f32
    %sub3A_223 = arith.subf %sub3A_222, %convert_element_type3A_221 : f32
    %mul3A_224 = vector.broadcast %convert_element_type3A_221 : f32 to vector<4x768xf32>
    %mul3A_225 = arith.mulf %add3A_214, %mul3A_224 : vector<4x768xf32>
    %add3A_226 = arith.addf %add3A_206, %mul3A_225 : vector<4x768xf32>
    %mul3A_227 = vector.broadcast %sub3A_223 : f32 to vector<4x768xf32>
    %mul3A_228 = arith.mulf %add3A_214, %mul3A_227 : vector<4x768xf32>
    %get3A_229 = arith.constant 5 : index
    %get3A_230 = arith.constant 0 : index
    %get3A_231 = arith.constant 0 : index
    %get3A_232 = vector.load %arg5[%get3A_229, %get3A_230, %get3A_231] : memref<256x4x768xf32, #tpu.memory_space<vmem>>, vector<1x4x768xf32>
    %get3A_233 = vector.shape_cast %get3A_232 : vector<1x4x768xf32> to vector<4x768xf32>
    %add3A_234 = arith.addf %mul3A_228, %get3A_233 : vector<4x768xf32>
    %eq3A_235 = arith.constant 6 : i32
    %eq3A_236 = arith.cmpi eq, %select_n3A_107, %eq3A_235 : i32
    %eq3A_237 = arith.constant 6 : i32
    %eq3A_238 = arith.cmpi eq, %add3A_109, %eq3A_237 : i32
    %or3A_239 = arith.ori %eq3A_236, %eq3A_238 : i1
    %convert_element_type3A_240 = arith.extui %or3A_239 : i1 to i32
    %convert_element_type3A_241 = arith.sitofp %convert_element_type3A_240 : i32 to f32
    %sub3A_242 = arith.constant 1.000000e+00 : f32
    %sub3A_243 = arith.subf %sub3A_242, %convert_element_type3A_241 : f32
    %mul3A_244 = vector.broadcast %convert_element_type3A_241 : f32 to vector<4x768xf32>
    %mul3A_245 = arith.mulf %add3A_234, %mul3A_244 : vector<4x768xf32>
    %add3A_246 = arith.addf %add3A_226, %mul3A_245 : vector<4x768xf32>
    %mul3A_247 = vector.broadcast %sub3A_243 : f32 to vector<4x768xf32>
    %mul3A_248 = arith.mulf %add3A_234, %mul3A_247 : vector<4x768xf32>
    %get3A_249 = arith.constant 6 : index
    %get3A_250 = arith.constant 0 : index
    %get3A_251 = arith.constant 0 : index
    %get3A_252 = vector.load %arg5[%get3A_249, %get3A_250, %get3A_251] : memref<256x4x768xf32, #tpu.memory_space<vmem>>, vector<1x4x768xf32>
    %get3A_253 = vector.shape_cast %get3A_252 : vector<1x4x768xf32> to vector<4x768xf32>
    %add3A_254 = arith.addf %mul3A_248, %get3A_253 : vector<4x768xf32>
    %eq3A_255 = arith.constant 7 : i32
    %eq3A_256 = arith.cmpi eq, %select_n3A_107, %eq3A_255 : i32
    %eq3A_257 = arith.constant 7 : i32
    %eq3A_258 = arith.cmpi eq, %add3A_109, %eq3A_257 : i32
    %or3A_259 = arith.ori %eq3A_256, %eq3A_258 : i1
    %convert_element_type3A_260 = arith.extui %or3A_259 : i1 to i32
    %convert_element_type3A_261 = arith.sitofp %convert_element_type3A_260 : i32 to f32
    %sub3A_262 = arith.constant 1.000000e+00 : f32
    %sub3A_263 = arith.subf %sub3A_262, %convert_element_type3A_261 : f32
    %mul3A_264 = vector.broadcast %convert_element_type3A_261 : f32 to vector<4x768xf32>
    %mul3A_265 = arith.mulf %add3A_254, %mul3A_264 : vector<4x768xf32>
    %add3A_266 = arith.addf %add3A_246, %mul3A_265 : vector<4x768xf32>
    %mul3A_267 = vector.broadcast %sub3A_263 : f32 to vector<4x768xf32>
    %mul3A_268 = arith.mulf %add3A_254, %mul3A_267 : vector<4x768xf32>
    %get3A_269 = arith.constant 7 : index
    %get3A_270 = arith.constant 0 : index
    %get3A_271 = arith.constant 0 : index
    %get3A_272 = vector.load %arg5[%get3A_269, %get3A_270, %get3A_271] : memref<256x4x768xf32, #tpu.memory_space<vmem>>, vector<1x4x768xf32>
    %get3A_273 = vector.shape_cast %get3A_272 : vector<1x4x768xf32> to vector<4x768xf32>
    %add3A_274 = arith.addf %mul3A_268, %get3A_273 : vector<4x768xf32>
    %eq3A_275 = arith.constant 8 : i32
    %eq3A_276 = arith.cmpi eq, %select_n3A_107, %eq3A_275 : i32
    %eq3A_277 = arith.constant 8 : i32
    %eq3A_278 = arith.cmpi eq, %add3A_109, %eq3A_277 : i32
    %or3A_279 = arith.ori %eq3A_276, %eq3A_278 : i1
    %convert_element_type3A_280 = arith.extui %or3A_279 : i1 to i32
    %convert_element_type3A_281 = arith.sitofp %convert_element_type3A_280 : i32 to f32
    %sub3A_282 = arith.constant 1.000000e+00 : f32
    %sub3A_283 = arith.subf %sub3A_282, %convert_element_type3A_281 : f32
    %mul3A_284 = vector.broadcast %convert_element_type3A_281 : f32 to vector<4x768xf32>
    %mul3A_285 = arith.mulf %add3A_274, %mul3A_284 : vector<4x768xf32>
    %add3A_286 = arith.addf %add3A_266, %mul3A_285 : vector<4x768xf32>
    %mul3A_287 = vector.broadcast %sub3A_283 : f32 to vector<4x768xf32>
    %mul3A_288 = arith.mulf %add3A_274, %mul3A_287 : vector<4x768xf32>
    %get3A_289 = arith.constant 8 : index
    %get3A_290 = arith.constant 0 : index
    %get3A_291 = arith.constant 0 : index
    %get3A_292 = vector.load %arg5[%get3A_289, %get3A_290, %get3A_291] : memref<256x4x768xf32, #tpu.memory_space<vmem>>, vector<1x4x768xf32>
    %get3A_293 = vector.shape_cast %get3A_292 : vector<1x4x768xf32> to vector<4x768xf32>
    %add3A_294 = arith.addf %mul3A_288, %get3A_293 : vector<4x768xf32>
    %eq3A_295 = arith.constant 9 : i32
    %eq3A_296 = arith.cmpi eq, %select_n3A_107, %eq3A_295 : i32
    %eq3A_297 = arith.constant 9 : i32
    %eq3A_298 = arith.cmpi eq, %add3A_109, %eq3A_297 : i32
    %or3A_299 = arith.ori %eq3A_296, %eq3A_298 : i1
    %convert_element_type3A_300 = arith.extui %or3A_299 : i1 to i32
    %convert_element_type3A_301 = arith.sitofp %convert_element_type3A_300 : i32 to f32
    %sub3A_302 = arith.constant 1.000000e+00 : f32
    %sub3A_303 = arith.subf %sub3A_302, %convert_element_type3A_301 : f32
    %mul3A_304 = vector.broadcast %convert_element_type3A_301 : f32 to vector<4x768xf32>
    %mul3A_305 = arith.mulf %add3A_294, %mul3A_304 : vector<4x768xf32>
    %add3A_306 = arith.addf %add3A_286, %mul3A_305 : vector<4x768xf32>
    %mul3A_307 = vector.broadcast %sub3A_303 : f32 to vector<4x768xf32>
    %mul3A_308 = arith.mulf %add3A_294, %mul3A_307 : vector<4x768xf32>
    %get3A_309 = arith.constant 9 : index
    %get3A_310 = arith.constant 0 : index
    %get3A_311 = arith.constant 0 : index
    %get3A_312 = vector.load %arg5[%get3A_309, %get3A_310, %get3A_311] : memref<256x4x768xf32, #tpu.memory_space<vmem>>, vector<1x4x768xf32>
    %get3A_313 = vector.shape_cast %get3A_312 : vector<1x4x768xf32> to vector<4x768xf32>
    %add3A_314 = arith.addf %mul3A_308, %get3A_313 : vector<4x768xf32>
    %eq3A_315 = arith.constant 10 : i32
    %eq3A_316 = arith.cmpi eq, %select_n3A_107, %eq3A_315 : i32
    %eq3A_317 = arith.constant 10 : i32
    %eq3A_318 = arith.cmpi eq, %add3A_109, %eq3A_317 : i32
    %or3A_319 = arith.ori %eq3A_316, %eq3A_318 : i1
    %convert_element_type3A_320 = arith.extui %or3A_319 : i1 to i32
    %convert_element_type3A_321 = arith.sitofp %convert_element_type3A_320 : i32 to f32
    %sub3A_322 = arith.constant 1.000000e+00 : f32
    %sub3A_323 = arith.subf %sub3A_322, %convert_element_type3A_321 : f32
    %mul3A_324 = vector.broadcast %convert_element_type3A_321 : f32 to vector<4x768xf32>
    %mul3A_325 = arith.mulf %add3A_314, %mul3A_324 : vector<4x768xf32>
    %add3A_326 = arith.addf %add3A_306, %mul3A_325 : vector<4x768xf32>
    %mul3A_327 = vector.broadcast %sub3A_323 : f32 to vector<4x768xf32>
    %mul3A_328 = arith.mulf %add3A_314, %mul3A_327 : vector<4x768xf32>
    %get3A_329 = arith.constant 10 : index
    %get3A_330 = arith.constant 0 : index
    %get3A_331 = arith.constant 0 : index
    %get3A_332 = vector.load %arg5[%get3A_329, %get3A_330, %get3A_331] : memref<256x4x768xf32, #tpu.memory_space<vmem>>, vector<1x4x768xf32>
    %get3A_333 = vector.shape_cast %get3A_332 : vector<1x4x768xf32> to vector<4x768xf32>
    %add3A_334 = arith.addf %mul3A_328, %get3A_333 : vector<4x768xf32>
    %eq3A_335 = arith.constant 11 : i32
    %eq3A_336 = arith.cmpi eq, %select_n3A_107, %eq3A_335 : i32
    %eq3A_337 = arith.constant 11 : i32
    %eq3A_338 = arith.cmpi eq, %add3A_109, %eq3A_337 : i32
    %or3A_339 = arith.ori %eq3A_336, %eq3A_338 : i1
    %convert_element_type3A_340 = arith.extui %or3A_339 : i1 to i32
    %convert_element_type3A_341 = arith.sitofp %convert_element_type3A_340 : i32 to f32
    %sub3A_342 = arith.constant 1.000000e+00 : f32
    %sub3A_343 = arith.subf %sub3A_342, %convert_element_type3A_341 : f32
    %mul3A_344 = vector.broadcast %convert_element_type3A_341 : f32 to vector<4x768xf32>
    %mul3A_345 = arith.mulf %add3A_334, %mul3A_344 : vector<4x768xf32>
    %add3A_346 = arith.addf %add3A_326, %mul3A_345 : vector<4x768xf32>
    %mul3A_347 = vector.broadcast %sub3A_343 : f32 to vector<4x768xf32>
    %mul3A_348 = arith.mulf %add3A_334, %mul3A_347 : vector<4x768xf32>
    %get3A_349 = arith.constant 11 : index
    %get3A_350 = arith.constant 0 : index
    %get3A_351 = arith.constant 0 : index
    %get3A_352 = vector.load %arg5[%get3A_349, %get3A_350, %get3A_351] : memref<256x4x768xf32, #tpu.memory_space<vmem>>, vector<1x4x768xf32>
    %get3A_353 = vector.shape_cast %get3A_352 : vector<1x4x768xf32> to vector<4x768xf32>
    %add3A_354 = arith.addf %mul3A_348, %get3A_353 : vector<4x768xf32>
    %eq3A_355 = arith.constant 12 : i32
    %eq3A_356 = arith.cmpi eq, %select_n3A_107, %eq3A_355 : i32
    %eq3A_357 = arith.constant 12 : i32
    %eq3A_358 = arith.cmpi eq, %add3A_109, %eq3A_357 : i32
    %or3A_359 = arith.ori %eq3A_356, %eq3A_358 : i1
    %convert_element_type3A_360 = arith.extui %or3A_359 : i1 to i32
    %convert_element_type3A_361 = arith.sitofp %convert_element_type3A_360 : i32 to f32
    %sub3A_362 = arith.constant 1.000000e+00 : f32
    %sub3A_363 = arith.subf %sub3A_362, %convert_element_type3A_361 : f32
    %mul3A_364 = vector.broadcast %convert_element_type3A_361 : f32 to vector<4x768xf32>
    %mul3A_365 = arith.mulf %add3A_354, %mul3A_364 : vector<4x768xf32>
    %add3A_366 = arith.addf %add3A_346, %mul3A_365 : vector<4x768xf32>
    %mul3A_367 = vector.broadcast %sub3A_363 : f32 to vector<4x768xf32>
    %mul3A_368 = arith.mulf %add3A_354, %mul3A_367 : vector<4x768xf32>
    %get3A_369 = arith.constant 12 : index
    %get3A_370 = arith.constant 0 : index
    %get3A_371 = arith.constant 0 : index
    %get3A_372 = vector.load %arg5[%get3A_369, %get3A_370, %get3A_371] : memref<256x4x768xf32, #tpu.memory_space<vmem>>, vector<1x4x768xf32>
    %get3A_373 = vector.shape_cast %get3A_372 : vector<1x4x768xf32> to vector<4x768xf32>
    %add3A_374 = arith.addf %mul3A_368, %get3A_373 : vector<4x768xf32>
    %eq3A_375 = arith.constant 13 : i32
    %eq3A_376 = arith.cmpi eq, %select_n3A_107, %eq3A_375 : i32
    %eq3A_377 = arith.constant 13 : i32
    %eq3A_378 = arith.cmpi eq, %add3A_109, %eq3A_377 : i32
    %or3A_379 = arith.ori %eq3A_376, %eq3A_378 : i1
    %convert_element_type3A_380 = arith.extui %or3A_379 : i1 to i32
    %convert_element_type3A_381 = arith.sitofp %convert_element_type3A_380 : i32 to f32
    %sub3A_382 = arith.constant 1.000000e+00 : f32
    %sub3A_383 = arith.subf %sub3A_382, %convert_element_type3A_381 : f32
    %mul3A_384 = vector.broadcast %convert_element_type3A_381 : f32 to vector<4x768xf32>
    %mul3A_385 = arith.mulf %add3A_374, %mul3A_384 : vector<4x768xf32>
    %add3A_386 = arith.addf %add3A_366, %mul3A_385 : vector<4x768xf32>
    %mul3A_387 = vector.broadcast %sub3A_383 : f32 to vector<4x768xf32>
    %mul3A_388 = arith.mulf %add3A_374, %mul3A_387 : vector<4x768xf32>
    %get3A_389 = arith.constant 13 : index
    %get3A_390 = arith.constant 0 : index
    %get3A_391 = arith.constant 0 : index
    %get3A_392 = vector.load %arg5[%get3A_389, %get3A_390, %get3A_391] : memref<256x4x768xf32, #tpu.memory_space<vmem>>, vector<1x4x768xf32>
    %get3A_393 = vector.shape_cast %get3A_392 : vector<1x4x768xf32> to vector<4x768xf32>
    %add3A_394 = arith.addf %mul3A_388, %get3A_393 : vector<4x768xf32>
    %eq3A_395 = arith.constant 14 : i32
    %eq3A_396 = arith.cmpi eq, %select_n3A_107, %eq3A_395 : i32
    %eq3A_397 = arith.constant 14 : i32
    %eq3A_398 = arith.cmpi eq, %add3A_109, %eq3A_397 : i32
    %or3A_399 = arith.ori %eq3A_396, %eq3A_398 : i1
    %convert_element_type3A_400 = arith.extui %or3A_399 : i1 to i32
    %convert_element_type3A_401 = arith.sitofp %convert_element_type3A_400 : i32 to f32
    %sub3A_402 = arith.constant 1.000000e+00 : f32
    %sub3A_403 = arith.subf %sub3A_402, %convert_element_type3A_401 : f32
    %mul3A_404 = vector.broadcast %convert_element_type3A_401 : f32 to vector<4x768xf32>
    %mul3A_405 = arith.mulf %add3A_394, %mul3A_404 : vector<4x768xf32>
    %add3A_406 = arith.addf %add3A_386, %mul3A_405 : vector<4x768xf32>
    %mul3A_407 = vector.broadcast %sub3A_403 : f32 to vector<4x768xf32>
    %mul3A_408 = arith.mulf %add3A_394, %mul3A_407 : vector<4x768xf32>
    %get3A_409 = arith.constant 14 : index
    %get3A_410 = arith.constant 0 : index
    %get3A_411 = arith.constant 0 : index
    %get3A_412 = vector.load %arg5[%get3A_409, %get3A_410, %get3A_411] : memref<256x4x768xf32, #tpu.memory_space<vmem>>, vector<1x4x768xf32>
    %get3A_413 = vector.shape_cast %get3A_412 : vector<1x4x768xf32> to vector<4x768xf32>
    %add3A_414 = arith.addf %mul3A_408, %get3A_413 : vector<4x768xf32>
    %eq3A_415 = arith.constant 15 : i32
    %eq3A_416 = arith.cmpi eq, %select_n3A_107, %eq3A_415 : i32
    %eq3A_417 = arith.constant 15 : i32
    %eq3A_418 = arith.cmpi eq, %add3A_109, %eq3A_417 : i32
    %or3A_419 = arith.ori %eq3A_416, %eq3A_418 : i1
    %convert_element_type3A_420 = arith.extui %or3A_419 : i1 to i32
    %convert_element_type3A_421 = arith.sitofp %convert_element_type3A_420 : i32 to f32
    %sub3A_422 = arith.constant 1.000000e+00 : f32
    %sub3A_423 = arith.subf %sub3A_422, %convert_element_type3A_421 : f32
    %mul3A_424 = vector.broadcast %convert_element_type3A_421 : f32 to vector<4x768xf32>
    %mul3A_425 = arith.mulf %add3A_414, %mul3A_424 : vector<4x768xf32>
    %add3A_426 = arith.addf %add3A_406, %mul3A_425 : vector<4x768xf32>
    %mul3A_427 = vector.broadcast %sub3A_423 : f32 to vector<4x768xf32>
    %mul3A_428 = arith.mulf %add3A_414, %mul3A_427 : vector<4x768xf32>
    %get3A_429 = arith.constant 15 : index
    %get3A_430 = arith.constant 0 : index
    %get3A_431 = arith.constant 0 : index
    %get3A_432 = vector.load %arg5[%get3A_429, %get3A_430, %get3A_431] : memref<256x4x768xf32, #tpu.memory_space<vmem>>, vector<1x4x768xf32>
    %get3A_433 = vector.shape_cast %get3A_432 : vector<1x4x768xf32> to vector<4x768xf32>
    %add3A_434 = arith.addf %mul3A_428, %get3A_433 : vector<4x768xf32>
    %eq3A_435 = arith.constant 16 : i32
    %eq3A_436 = arith.cmpi eq, %select_n3A_107, %eq3A_435 : i32
    %eq3A_437 = arith.constant 16 : i32
    %eq3A_438 = arith.cmpi eq, %add3A_109, %eq3A_437 : i32
    %or3A_439 = arith.ori %eq3A_436, %eq3A_438 : i1
    %convert_element_type3A_440 = arith.extui %or3A_439 : i1 to i32
    %convert_element_type3A_441 = arith.sitofp %convert_element_type3A_440 : i32 to f32
    %sub3A_442 = arith.constant 1.000000e+00 : f32
    %sub3A_443 = arith.subf %sub3A_442, %convert_element_type3A_441 : f32
    %mul3A_444 = vector.broadcast %convert_element_type3A_441 : f32 to vector<4x768xf32>
    %mul3A_445 = arith.mulf %add3A_434, %mul3A_444 : vector<4x768xf32>
    %add3A_446 = arith.addf %add3A_426, %mul3A_445 : vector<4x768xf32>
    %mul3A_447 = vector.broadcast %sub3A_443 : f32 to vector<4x768xf32>
    %mul3A_448 = arith.mulf %add3A_434, %mul3A_447 : vector<4x768xf32>
    %get3A_449 = arith.constant 16 : index
    %get3A_450 = arith.constant 0 : index
    %get3A_451 = arith.constant 0 : index
    %get3A_452 = vector.load %arg5[%get3A_449, %get3A_450, %get3A_451] : memref<256x4x768xf32, #tpu.memory_space<vmem>>, vector<1x4x768xf32>
    %get3A_453 = vector.shape_cast %get3A_452 : vector<1x4x768xf32> to vector<4x768xf32>
    %add3A_454 = arith.addf %mul3A_448, %get3A_453 : vector<4x768xf32>
    %eq3A_455 = arith.constant 17 : i32
    %eq3A_456 = arith.cmpi eq, %select_n3A_107, %eq3A_455 : i32
    %eq3A_457 = arith.constant 17 : i32
    %eq3A_458 = arith.cmpi eq, %add3A_109, %eq3A_457 : i32
    %or3A_459 = arith.ori %eq3A_456, %eq3A_458 : i1
    %convert_element_type3A_460 = arith.extui %or3A_459 : i1 to i32
    %convert_element_type3A_461 = arith.sitofp %convert_element_type3A_460 : i32 to f32
    %sub3A_462 = arith.constant 1.000000e+00 : f32
    %sub3A_463 = arith.subf %sub3A_462, %convert_element_type3A_461 : f32
    %mul3A_464 = vector.broadcast %convert_element_type3A_461 : f32 to vector<4x768xf32>
    %mul3A_465 = arith.mulf %add3A_454, %mul3A_464 : vector<4x768xf32>
    %add3A_466 = arith.addf %add3A_446, %mul3A_465 : vector<4x768xf32>
    %mul3A_467 = vector.broadcast %sub3A_463 : f32 to vector<4x768xf32>
    %mul3A_468 = arith.mulf %add3A_454, %mul3A_467 : vector<4x768xf32>
    %get3A_469 = arith.constant 17 : index
    %get3A_470 = arith.constant 0 : index
    %get3A_471 = arith.constant 0 : index
    %get3A_472 = vector.load %arg5[%get3A_469, %get3A_470, %get3A_471] : memref<256x4x768xf32, #tpu.memory_space<vmem>>, vector<1x4x768xf32>
    %get3A_473 = vector.shape_cast %get3A_472 : vector<1x4x768xf32> to vector<4x768xf32>
    %add3A_474 = arith.addf %mul3A_468, %get3A_473 : vector<4x768xf32>
    %eq3A_475 = arith.constant 18 : i32
    %eq3A_476 = arith.cmpi eq, %select_n3A_107, %eq3A_475 : i32
    %eq3A_477 = arith.constant 18 : i32
    %eq3A_478 = arith.cmpi eq, %add3A_109, %eq3A_477 : i32
    %or3A_479 = arith.ori %eq3A_476, %eq3A_478 : i1
    %convert_element_type3A_480 = arith.extui %or3A_479 : i1 to i32
    %convert_element_type3A_481 = arith.sitofp %convert_element_type3A_480 : i32 to f32
    %sub3A_482 = arith.constant 1.000000e+00 : f32
    %sub3A_483 = arith.subf %sub3A_482, %convert_element_type3A_481 : f32
    %mul3A_484 = vector.broadcast %convert_element_type3A_481 : f32 to vector<4x768xf32>
    %mul3A_485 = arith.mulf %add3A_474, %mul3A_484 : vector<4x768xf32>
    %add3A_486 = arith.addf %add3A_466, %mul3A_485 : vector<4x768xf32>
    %mul3A_487 = vector.broadcast %sub3A_483 : f32 to vector<4x768xf32>
    %mul3A_488 = arith.mulf %add3A_474, %mul3A_487 : vector<4x768xf32>
    %get3A_489 = arith.constant 18 : index
    %get3A_490 = arith.constant 0 : index
    %get3A_491 = arith.constant 0 : index
    %get3A_492 = vector.load %arg5[%get3A_489, %get3A_490, %get3A_491] : memref<256x4x768xf32, #tpu.memory_space<vmem>>, vector<1x4x768xf32>
    %get3A_493 = vector.shape_cast %get3A_492 : vector<1x4x768xf32> to vector<4x768xf32>
    %add3A_494 = arith.addf %mul3A_488, %get3A_493 : vector<4x768xf32>
    %eq3A_495 = arith.constant 19 : i32
    %eq3A_496 = arith.cmpi eq, %select_n3A_107, %eq3A_495 : i32
    %eq3A_497 = arith.constant 19 : i32
    %eq3A_498 = arith.cmpi eq, %add3A_109, %eq3A_497 : i32
    %or3A_499 = arith.ori %eq3A_496, %eq3A_498 : i1
    %convert_element_type3A_500 = arith.extui %or3A_499 : i1 to i32
    %convert_element_type3A_501 = arith.sitofp %convert_element_type3A_500 : i32 to f32
    %sub3A_502 = arith.constant 1.000000e+00 : f32
    %sub3A_503 = arith.subf %sub3A_502, %convert_element_type3A_501 : f32
    %mul3A_504 = vector.broadcast %convert_element_type3A_501 : f32 to vector<4x768xf32>
    %mul3A_505 = arith.mulf %add3A_494, %mul3A_504 : vector<4x768xf32>
    %add3A_506 = arith.addf %add3A_486, %mul3A_505 : vector<4x768xf32>
    %mul3A_507 = vector.broadcast %sub3A_503 : f32 to vector<4x768xf32>
    %mul3A_508 = arith.mulf %add3A_494, %mul3A_507 : vector<4x768xf32>
    %get3A_509 = arith.constant 19 : index
    %get3A_510 = arith.constant 0 : index
    %get3A_511 = arith.constant 0 : index
    %get3A_512 = vector.load %arg5[%get3A_509, %get3A_510, %get3A_511] : memref<256x4x768xf32, #tpu.memory_space<vmem>>, vector<1x4x768xf32>
    %get3A_513 = vector.shape_cast %get3A_512 : vector<1x4x768xf32> to vector<4x768xf32>
    %add3A_514 = arith.addf %mul3A_508, %get3A_513 : vector<4x768xf32>
    %eq3A_515 = arith.constant 20 : i32
    %eq3A_516 = arith.cmpi eq, %select_n3A_107, %eq3A_515 : i32
    %eq3A_517 = arith.constant 20 : i32
    %eq3A_518 = arith.cmpi eq, %add3A_109, %eq3A_517 : i32
    %or3A_519 = arith.ori %eq3A_516, %eq3A_518 : i1
    %convert_element_type3A_520 = arith.extui %or3A_519 : i1 to i32
    %convert_element_type3A_521 = arith.sitofp %convert_element_type3A_520 : i32 to f32
    %sub3A_522 = arith.constant 1.000000e+00 : f32
    %sub3A_523 = arith.subf %sub3A_522, %convert_element_type3A_521 : f32
    %mul3A_524 = vector.broadcast %convert_element_type3A_521 : f32 to vector<4x768xf32>
    %mul3A_525 = arith.mulf %add3A_514, %mul3A_524 : vector<4x768xf32>
    %add3A_526 = arith.addf %add3A_506, %mul3A_525 : vector<4x768xf32>
    %mul3A_527 = vector.broadcast %sub3A_523 : f32 to vector<4x768xf32>
    %mul3A_528 = arith.mulf %add3A_514, %mul3A_527 : vector<4x768xf32>
    %get3A_529 = arith.constant 20 : index
    %get3A_530 = arith.constant 0 : index
    %get3A_531 = arith.constant 0 : index
    %get3A_532 = vector.load %arg5[%get3A_529, %get3A_530, %get3A_531] : memref<256x4x768xf32, #tpu.memory_space<vmem>>, vector<1x4x768xf32>
    %get3A_533 = vector.shape_cast %get3A_532 : vector<1x4x768xf32> to vector<4x768xf32>
    %add3A_534 = arith.addf %mul3A_528, %get3A_533 : vector<4x768xf32>
    %eq3A_535 = arith.constant 21 : i32
    %eq3A_536 = arith.cmpi eq, %select_n3A_107, %eq3A_535 : i32
    %eq3A_537 = arith.constant 21 : i32
    %eq3A_538 = arith.cmpi eq, %add3A_109, %eq3A_537 : i32
    %or3A_539 = arith.ori %eq3A_536, %eq3A_538 : i1
    %convert_element_type3A_540 = arith.extui %or3A_539 : i1 to i32
    %convert_element_type3A_541 = arith.sitofp %convert_element_type3A_540 : i32 to f32
    %sub3A_542 = arith.constant 1.000000e+00 : f32
    %sub3A_543 = arith.subf %sub3A_542, %convert_element_type3A_541 : f32
    %mul3A_544 = vector.broadcast %convert_element_type3A_541 : f32 to vector<4x768xf32>
    %mul3A_545 = arith.mulf %add3A_534, %mul3A_544 : vector<4x768xf32>
    %add3A_546 = arith.addf %add3A_526, %mul3A_545 : vector<4x768xf32>
    %mul3A_547 = vector.broadcast %sub3A_543 : f32 to vector<4x768xf32>
    %mul3A_548 = arith.mulf %add3A_534, %mul3A_547 : vector<4x768xf32>
    %get3A_549 = arith.constant 21 : index
    %get3A_550 = arith.constant 0 : index
    %get3A_551 = arith.constant 0 : index
    %get3A_552 = vector.load %arg5[%get3A_549, %get3A_550, %get3A_551] : memref<256x4x768xf32, #tpu.memory_space<vmem>>, vector<1x4x768xf32>
    %get3A_553 = vector.shape_cast %get3A_552 : vector<1x4x768xf32> to vector<4x768xf32>
    %add3A_554 = arith.addf %mul3A_548, %get3A_553 : vector<4x768xf32>
    %eq3A_555 = arith.constant 22 : i32
    %eq3A_556 = arith.cmpi eq, %select_n3A_107, %eq3A_555 : i32
    %eq3A_557 = arith.constant 22 : i32
    %eq3A_558 = arith.cmpi eq, %add3A_109, %eq3A_557 : i32
    %or3A_559 = arith.ori %eq3A_556, %eq3A_558 : i1
    %convert_element_type3A_560 = arith.extui %or3A_559 : i1 to i32
    %convert_element_type3A_561 = arith.sitofp %convert_element_type3A_560 : i32 to f32
    %sub3A_562 = arith.constant 1.000000e+00 : f32
    %sub3A_563 = arith.subf %sub3A_562, %convert_element_type3A_561 : f32
    %mul3A_564 = vector.broadcast %convert_element_type3A_561 : f32 to vector<4x768xf32>
    %mul3A_565 = arith.mulf %add3A_554, %mul3A_564 : vector<4x768xf32>
    %add3A_566 = arith.addf %add3A_546, %mul3A_565 : vector<4x768xf32>
    %mul3A_567 = vector.broadcast %sub3A_563 : f32 to vector<4x768xf32>
    %mul3A_568 = arith.mulf %add3A_554, %mul3A_567 : vector<4x768xf32>
    %get3A_569 = arith.constant 22 : index
    %get3A_570 = arith.constant 0 : index
    %get3A_571 = arith.constant 0 : index
    %get3A_572 = vector.load %arg5[%get3A_569, %get3A_570, %get3A_571] : memref<256x4x768xf32, #tpu.memory_space<vmem>>, vector<1x4x768xf32>
    %get3A_573 = vector.shape_cast %get3A_572 : vector<1x4x768xf32> to vector<4x768xf32>
    %add3A_574 = arith.addf %mul3A_568, %get3A_573 : vector<4x768xf32>
    %eq3A_575 = arith.constant 23 : i32
    %eq3A_576 = arith.cmpi eq, %select_n3A_107, %eq3A_575 : i32
    %eq3A_577 = arith.constant 23 : i32
    %eq3A_578 = arith.cmpi eq, %add3A_109, %eq3A_577 : i32
    %or3A_579 = arith.ori %eq3A_576, %eq3A_578 : i1
    %convert_element_type3A_580 = arith.extui %or3A_579 : i1 to i32
    %convert_element_type3A_581 = arith.sitofp %convert_element_type3A_580 : i32 to f32
    %sub3A_582 = arith.constant 1.000000e+00 : f32
    %sub3A_583 = arith.subf %sub3A_582, %convert_element_type3A_581 : f32
    %mul3A_584 = vector.broadcast %convert_element_type3A_581 : f32 to vector<4x768xf32>
    %mul3A_585 = arith.mulf %add3A_574, %mul3A_584 : vector<4x768xf32>
    %add3A_586 = arith.addf %add3A_566, %mul3A_585 : vector<4x768xf32>
    %mul3A_587 = vector.broadcast %sub3A_583 : f32 to vector<4x768xf32>
    %mul3A_588 = arith.mulf %add3A_574, %mul3A_587 : vector<4x768xf32>
    %get3A_589 = arith.constant 23 : index
    %get3A_590 = arith.constant 0 : index
    %get3A_591 = arith.constant 0 : index
    %get3A_592 = vector.load %arg5[%get3A_589, %get3A_590, %get3A_591] : memref<256x4x768xf32, #tpu.memory_space<vmem>>, vector<1x4x768xf32>
    %get3A_593 = vector.shape_cast %get3A_592 : vector<1x4x768xf32> to vector<4x768xf32>
    %add3A_594 = arith.addf %mul3A_588, %get3A_593 : vector<4x768xf32>
    %eq3A_595 = arith.constant 24 : i32
    %eq3A_596 = arith.cmpi eq, %select_n3A_107, %eq3A_595 : i32
    %eq3A_597 = arith.constant 24 : i32
    %eq3A_598 = arith.cmpi eq, %add3A_109, %eq3A_597 : i32
    %or3A_599 = arith.ori %eq3A_596, %eq3A_598 : i1
    %convert_element_type3A_600 = arith.extui %or3A_599 : i1 to i32
    %convert_element_type3A_601 = arith.sitofp %convert_element_type3A_600 : i32 to f32
    %sub3A_602 = arith.constant 1.000000e+00 : f32
    %sub3A_603 = arith.subf %sub3A_602, %convert_element_type3A_601 : f32
    %mul3A_604 = vector.broadcast %convert_element_type3A_601 : f32 to vector<4x768xf32>
    %mul3A_605 = arith.mulf %add3A_594, %mul3A_604 : vector<4x768xf32>
    %add3A_606 = arith.addf %add3A_586, %mul3A_605 : vector<4x768xf32>
    %mul3A_607 = vector.broadcast %sub3A_603 : f32 to vector<4x768xf32>
    %mul3A_608 = arith.mulf %add3A_594, %mul3A_607 : vector<4x768xf32>
    %get3A_609 = arith.constant 24 : index
    %get3A_610 = arith.constant 0 : index
    %get3A_611 = arith.constant 0 : index
    %get3A_612 = vector.load %arg5[%get3A_609, %get3A_610, %get3A_611] : memref<256x4x768xf32, #tpu.memory_space<vmem>>, vector<1x4x768xf32>
    %get3A_613 = vector.shape_cast %get3A_612 : vector<1x4x768xf32> to vector<4x768xf32>
    %add3A_614 = arith.addf %mul3A_608, %get3A_613 : vector<4x768xf32>
    %eq3A_615 = arith.constant 25 : i32
    %eq3A_616 = arith.cmpi eq, %select_n3A_107, %eq3A_615 : i32
    %eq3A_617 = arith.constant 25 : i32
    %eq3A_618 = arith.cmpi eq, %add3A_109, %eq3A_617 : i32
    %or3A_619 = arith.ori %eq3A_616, %eq3A_618 : i1
    %convert_element_type3A_620 = arith.extui %or3A_619 : i1 to i32
    %convert_element_type3A_621 = arith.sitofp %convert_element_type3A_620 : i32 to f32
    %sub3A_622 = arith.constant 1.000000e+00 : f32
    %sub3A_623 = arith.subf %sub3A_622, %convert_element_type3A_621 : f32
    %mul3A_624 = vector.broadcast %convert_element_type3A_621 : f32 to vector<4x768xf32>
    %mul3A_625 = arith.mulf %add3A_614, %mul3A_624 : vector<4x768xf32>
    %add3A_626 = arith.addf %add3A_606, %mul3A_625 : vector<4x768xf32>
    %mul3A_627 = vector.broadcast %sub3A_623 : f32 to vector<4x768xf32>
    %mul3A_628 = arith.mulf %add3A_614, %mul3A_627 : vector<4x768xf32>
    %get3A_629 = arith.constant 25 : index
    %get3A_630 = arith.constant 0 : index
    %get3A_631 = arith.constant 0 : index
    %get3A_632 = vector.load %arg5[%get3A_629, %get3A_630, %get3A_631] : memref<256x4x768xf32, #tpu.memory_space<vmem>>, vector<1x4x768xf32>
    %get3A_633 = vector.shape_cast %get3A_632 : vector<1x4x768xf32> to vector<4x768xf32>
    %add3A_634 = arith.addf %mul3A_628, %get3A_633 : vector<4x768xf32>
    %eq3A_635 = arith.constant 26 : i32
    %eq3A_636 = arith.cmpi eq, %select_n3A_107, %eq3A_635 : i32
    %eq3A_637 = arith.constant 26 : i32
    %eq3A_638 = arith.cmpi eq, %add3A_109, %eq3A_637 : i32
    %or3A_639 = arith.ori %eq3A_636, %eq3A_638 : i1
    %convert_element_type3A_640 = arith.extui %or3A_639 : i1 to i32
    %convert_element_type3A_641 = arith.sitofp %convert_element_type3A_640 : i32 to f32
    %sub3A_642 = arith.constant 1.000000e+00 : f32
    %sub3A_643 = arith.subf %sub3A_642, %convert_element_type3A_641 : f32
    %mul3A_644 = vector.broadcast %convert_element_type3A_641 : f32 to vector<4x768xf32>
    %mul3A_645 = arith.mulf %add3A_634, %mul3A_644 : vector<4x768xf32>
    %add3A_646 = arith.addf %add3A_626, %mul3A_645 : vector<4x768xf32>
    %mul3A_647 = vector.broadcast %sub3A_643 : f32 to vector<4x768xf32>
    %mul3A_648 = arith.mulf %add3A_634, %mul3A_647 : vector<4x768xf32>
    %get3A_649 = arith.constant 26 : index
    %get3A_650 = arith.constant 0 : index
    %get3A_651 = arith.constant 0 : index
    %get3A_652 = vector.load %arg5[%get3A_649, %get3A_650, %get3A_651] : memref<256x4x768xf32, #tpu.memory_space<vmem>>, vector<1x4x768xf32>
    %get3A_653 = vector.shape_cast %get3A_652 : vector<1x4x768xf32> to vector<4x768xf32>
    %add3A_654 = arith.addf %mul3A_648, %get3A_653 : vector<4x768xf32>
    %eq3A_655 = arith.constant 27 : i32
    %eq3A_656 = arith.cmpi eq, %select_n3A_107, %eq3A_655 : i32
    %eq3A_657 = arith.constant 27 : i32
    %eq3A_658 = arith.cmpi eq, %add3A_109, %eq3A_657 : i32
    %or3A_659 = arith.ori %eq3A_656, %eq3A_658 : i1
    %convert_element_type3A_660 = arith.extui %or3A_659 : i1 to i32
    %convert_element_type3A_661 = arith.sitofp %convert_element_type3A_660 : i32 to f32
    %sub3A_662 = arith.constant 1.000000e+00 : f32
    %sub3A_663 = arith.subf %sub3A_662, %convert_element_type3A_661 : f32
    %mul3A_664 = vector.broadcast %convert_element_type3A_661 : f32 to vector<4x768xf32>
    %mul3A_665 = arith.mulf %add3A_654, %mul3A_664 : vector<4x768xf32>
    %add3A_666 = arith.addf %add3A_646, %mul3A_665 : vector<4x768xf32>
    %mul3A_667 = vector.broadcast %sub3A_663 : f32 to vector<4x768xf32>
    %mul3A_668 = arith.mulf %add3A_654, %mul3A_667 : vector<4x768xf32>
    %get3A_669 = arith.constant 27 : index
    %get3A_670 = arith.constant 0 : index
    %get3A_671 = arith.constant 0 : index
    %get3A_672 = vector.load %arg5[%get3A_669, %get3A_670, %get3A_671] : memref<256x4x768xf32, #tpu.memory_space<vmem>>, vector<1x4x768xf32>
    %get3A_673 = vector.shape_cast %get3A_672 : vector<1x4x768xf32> to vector<4x768xf32>
    %add3A_674 = arith.addf %mul3A_668, %get3A_673 : vector<4x768xf32>
    %eq3A_675 = arith.constant 28 : i32
    %eq3A_676 = arith.cmpi eq, %select_n3A_107, %eq3A_675 : i32
    %eq3A_677 = arith.constant 28 : i32
    %eq3A_678 = arith.cmpi eq, %add3A_109, %eq3A_677 : i32
    %or3A_679 = arith.ori %eq3A_676, %eq3A_678 : i1
    %convert_element_type3A_680 = arith.extui %or3A_679 : i1 to i32
    %convert_element_type3A_681 = arith.sitofp %convert_element_type3A_680 : i32 to f32
    %sub3A_682 = arith.constant 1.000000e+00 : f32
    %sub3A_683 = arith.subf %sub3A_682, %convert_element_type3A_681 : f32
    %mul3A_684 = vector.broadcast %convert_element_type3A_681 : f32 to vector<4x768xf32>
    %mul3A_685 = arith.mulf %add3A_674, %mul3A_684 : vector<4x768xf32>
    %add3A_686 = arith.addf %add3A_666, %mul3A_685 : vector<4x768xf32>
    %mul3A_687 = vector.broadcast %sub3A_683 : f32 to vector<4x768xf32>
    %mul3A_688 = arith.mulf %add3A_674, %mul3A_687 : vector<4x768xf32>
    %get3A_689 = arith.constant 28 : index
    %get3A_690 = arith.constant 0 : index
    %get3A_691 = arith.constant 0 : index
    %get3A_692 = vector.load %arg5[%get3A_689, %get3A_690, %get3A_691] : memref<256x4x768xf32, #tpu.memory_space<vmem>>, vector<1x4x768xf32>
    %get3A_693 = vector.shape_cast %get3A_692 : vector<1x4x768xf32> to vector<4x768xf32>
    %add3A_694 = arith.addf %mul3A_688, %get3A_693 : vector<4x768xf32>
    %eq3A_695 = arith.constant 29 : i32
    %eq3A_696 = arith.cmpi eq, %select_n3A_107, %eq3A_695 : i32
    %eq3A_697 = arith.constant 29 : i32
    %eq3A_698 = arith.cmpi eq, %add3A_109, %eq3A_697 : i32
    %or3A_699 = arith.ori %eq3A_696, %eq3A_698 : i1
    %convert_element_type3A_700 = arith.extui %or3A_699 : i1 to i32
    %convert_element_type3A_701 = arith.sitofp %convert_element_type3A_700 : i32 to f32
    %sub3A_702 = arith.constant 1.000000e+00 : f32
    %sub3A_703 = arith.subf %sub3A_702, %convert_element_type3A_701 : f32
    %mul3A_704 = vector.broadcast %convert_element_type3A_701 : f32 to vector<4x768xf32>
    %mul3A_705 = arith.mulf %add3A_694, %mul3A_704 : vector<4x768xf32>
    %add3A_706 = arith.addf %add3A_686, %mul3A_705 : vector<4x768xf32>
    %mul3A_707 = vector.broadcast %sub3A_703 : f32 to vector<4x768xf32>
    %mul3A_708 = arith.mulf %add3A_694, %mul3A_707 : vector<4x768xf32>
    %get3A_709 = arith.constant 29 : index
    %get3A_710 = arith.constant 0 : index
    %get3A_711 = arith.constant 0 : index
    %get3A_712 = vector.load %arg5[%get3A_709, %get3A_710, %get3A_711] : memref<256x4x768xf32, #tpu.memory_space<vmem>>, vector<1x4x768xf32>
    %get3A_713 = vector.shape_cast %get3A_712 : vector<1x4x768xf32> to vector<4x768xf32>
    %add3A_714 = arith.addf %mul3A_708, %get3A_713 : vector<4x768xf32>
    %eq3A_715 = arith.constant 30 : i32
    %eq3A_716 = arith.cmpi eq, %select_n3A_107, %eq3A_715 : i32
    %eq3A_717 = arith.constant 30 : i32
    %eq3A_718 = arith.cmpi eq, %add3A_109, %eq3A_717 : i32
    %or3A_719 = arith.ori %eq3A_716, %eq3A_718 : i1
    %convert_element_type3A_720 = arith.extui %or3A_719 : i1 to i32
    %convert_element_type3A_721 = arith.sitofp %convert_element_type3A_720 : i32 to f32
    %sub3A_722 = arith.constant 1.000000e+00 : f32
    %sub3A_723 = arith.subf %sub3A_722, %convert_element_type3A_721 : f32
    %mul3A_724 = vector.broadcast %convert_element_type3A_721 : f32 to vector<4x768xf32>
    %mul3A_725 = arith.mulf %add3A_714, %mul3A_724 : vector<4x768xf32>
    %add3A_726 = arith.addf %add3A_706, %mul3A_725 : vector<4x768xf32>
    %mul3A_727 = vector.broadcast %sub3A_723 : f32 to vector<4x768xf32>
    %mul3A_728 = arith.mulf %add3A_714, %mul3A_727 : vector<4x768xf32>
    %get3A_729 = arith.constant 30 : index
    %get3A_730 = arith.constant 0 : index
    %get3A_731 = arith.constant 0 : index
    %get3A_732 = vector.load %arg5[%get3A_729, %get3A_730, %get3A_731] : memref<256x4x768xf32, #tpu.memory_space<vmem>>, vector<1x4x768xf32>
    %get3A_733 = vector.shape_cast %get3A_732 : vector<1x4x768xf32> to vector<4x768xf32>
    %add3A_734 = arith.addf %mul3A_728, %get3A_733 : vector<4x768xf32>
    %eq3A_735 = arith.constant 31 : i32
    %eq3A_736 = arith.cmpi eq, %select_n3A_107, %eq3A_735 : i32
    %eq3A_737 = arith.constant 31 : i32
    %eq3A_738 = arith.cmpi eq, %add3A_109, %eq3A_737 : i32
    %or3A_739 = arith.ori %eq3A_736, %eq3A_738 : i1
    %convert_element_type3A_740 = arith.extui %or3A_739 : i1 to i32
    %convert_element_type3A_741 = arith.sitofp %convert_element_type3A_740 : i32 to f32
    %sub3A_742 = arith.constant 1.000000e+00 : f32
    %sub3A_743 = arith.subf %sub3A_742, %convert_element_type3A_741 : f32
    %mul3A_744 = vector.broadcast %convert_element_type3A_741 : f32 to vector<4x768xf32>
    %mul3A_745 = arith.mulf %add3A_734, %mul3A_744 : vector<4x768xf32>
    %add3A_746 = arith.addf %add3A_726, %mul3A_745 : vector<4x768xf32>
    %mul3A_747 = vector.broadcast %sub3A_743 : f32 to vector<4x768xf32>
    %mul3A_748 = arith.mulf %add3A_734, %mul3A_747 : vector<4x768xf32>
    %get3A_749 = arith.constant 31 : index
    %get3A_750 = arith.constant 0 : index
    %get3A_751 = arith.constant 0 : index
    %get3A_752 = vector.load %arg5[%get3A_749, %get3A_750, %get3A_751] : memref<256x4x768xf32, #tpu.memory_space<vmem>>, vector<1x4x768xf32>
    %get3A_753 = vector.shape_cast %get3A_752 : vector<1x4x768xf32> to vector<4x768xf32>
    %add3A_754 = arith.addf %mul3A_748, %get3A_753 : vector<4x768xf32>
    %eq3A_755 = arith.constant 32 : i32
    %eq3A_756 = arith.cmpi eq, %select_n3A_107, %eq3A_755 : i32
    %eq3A_757 = arith.constant 32 : i32
    %eq3A_758 = arith.cmpi eq, %add3A_109, %eq3A_757 : i32
    %or3A_759 = arith.ori %eq3A_756, %eq3A_758 : i1
    %convert_element_type3A_760 = arith.extui %or3A_759 : i1 to i32
    %convert_element_type3A_761 = arith.sitofp %convert_element_type3A_760 : i32 to f32
    %sub3A_762 = arith.constant 1.000000e+00 : f32
    %sub3A_763 = arith.subf %sub3A_762, %convert_element_type3A_761 : f32
    %mul3A_764 = vector.broadcast %convert_element_type3A_761 : f32 to vector<4x768xf32>
    %mul3A_765 = arith.mulf %add3A_754, %mul3A_764 : vector<4x768xf32>
    %add3A_766 = arith.addf %add3A_746, %mul3A_765 : vector<4x768xf32>
    %mul3A_767 = vector.broadcast %sub3A_763 : f32 to vector<4x768xf32>
    %mul3A_768 = arith.mulf %add3A_754, %mul3A_767 : vector<4x768xf32>
    %get3A_769 = arith.constant 32 : index
    %get3A_770 = arith.constant 0 : index
    %get3A_771 = arith.constant 0 : index
    %get3A_772 = vector.load %arg5[%get3A_769, %get3A_770, %get3A_771] : memref<256x4x768xf32, #tpu.memory_space<vmem>>, vector<1x4x768xf32>
    %get3A_773 = vector.shape_cast %get3A_772 : vector<1x4x768xf32> to vector<4x768xf32>
    %add3A_774 = arith.addf %mul3A_768, %get3A_773 : vector<4x768xf32>
    %eq3A_775 = arith.constant 33 : i32
    %eq3A_776 = arith.cmpi eq, %select_n3A_107, %eq3A_775 : i32
    %eq3A_777 = arith.constant 33 : i32
    %eq3A_778 = arith.cmpi eq, %add3A_109, %eq3A_777 : i32
    %or3A_779 = arith.ori %eq3A_776, %eq3A_778 : i1
    %convert_element_type3A_780 = arith.extui %or3A_779 : i1 to i32
    %convert_element_type3A_781 = arith.sitofp %convert_element_type3A_780 : i32 to f32
    %sub3A_782 = arith.constant 1.000000e+00 : f32
    %sub3A_783 = arith.subf %sub3A_782, %convert_element_type3A_781 : f32
    %mul3A_784 = vector.broadcast %convert_element_type3A_781 : f32 to vector<4x768xf32>
    %mul3A_785 = arith.mulf %add3A_774, %mul3A_784 : vector<4x768xf32>
    %add3A_786 = arith.addf %add3A_766, %mul3A_785 : vector<4x768xf32>
    %mul3A_787 = vector.broadcast %sub3A_783 : f32 to vector<4x768xf32>
    %mul3A_788 = arith.mulf %add3A_774, %mul3A_787 : vector<4x768xf32>
    %get3A_789 = arith.constant 33 : index
    %get3A_790 = arith.constant 0 : index
    %get3A_791 = arith.constant 0 : index
    %get3A_792 = vector.load %arg5[%get3A_789, %get3A_790, %get3A_791] : memref<256x4x768xf32, #tpu.memory_space<vmem>>, vector<1x4x768xf32>
    %get3A_793 = vector.shape_cast %get3A_792 : vector<1x4x768xf32> to vector<4x768xf32>
    %add3A_794 = arith.addf %mul3A_788, %get3A_793 : vector<4x768xf32>
    %eq3A_795 = arith.constant 34 : i32
    %eq3A_796 = arith.cmpi eq, %select_n3A_107, %eq3A_795 : i32
    %eq3A_797 = arith.constant 34 : i32
    %eq3A_798 = arith.cmpi eq, %add3A_109, %eq3A_797 : i32
    %or3A_799 = arith.ori %eq3A_796, %eq3A_798 : i1
    %convert_element_type3A_800 = arith.extui %or3A_799 : i1 to i32
    %convert_element_type3A_801 = arith.sitofp %convert_element_type3A_800 : i32 to f32
    %sub3A_802 = arith.constant 1.000000e+00 : f32
    %sub3A_803 = arith.subf %sub3A_802, %convert_element_type3A_801 : f32
    %mul3A_804 = vector.broadcast %convert_element_type3A_801 : f32 to vector<4x768xf32>
    %mul3A_805 = arith.mulf %add3A_794, %mul3A_804 : vector<4x768xf32>
    %add3A_806 = arith.addf %add3A_786, %mul3A_805 : vector<4x768xf32>
    %mul3A_807 = vector.broadcast %sub3A_803 : f32 to vector<4x768xf32>
    %mul3A_808 = arith.mulf %add3A_794, %mul3A_807 : vector<4x768xf32>
    %get3A_809 = arith.constant 34 : index
    %get3A_810 = arith.constant 0 : index
    %get3A_811 = arith.constant 0 : index
    %get3A_812 = vector.load %arg5[%get3A_809, %get3A_810, %get3A_811] : memref<256x4x768xf32, #tpu.memory_space<vmem>>, vector<1x4x768xf32>
    %get3A_813 = vector.shape_cast %get3A_812 : vector<1x4x768xf32> to vector<4x768xf32>
    %add3A_814 = arith.addf %mul3A_808, %get3A_813 : vector<4x768xf32>
    %eq3A_815 = arith.constant 35 : i32
    %eq3A_816 = arith.cmpi eq, %select_n3A_107, %eq3A_815 : i32
    %eq3A_817 = arith.constant 35 : i32
    %eq3A_818 = arith.cmpi eq, %add3A_109, %eq3A_817 : i32
    %or3A_819 = arith.ori %eq3A_816, %eq3A_818 : i1
    %convert_element_type3A_820 = arith.extui %or3A_819 : i1 to i32
    %convert_element_type3A_821 = arith.sitofp %convert_element_type3A_820 : i32 to f32
    %sub3A_822 = arith.constant 1.000000e+00 : f32
    %sub3A_823 = arith.subf %sub3A_822, %convert_element_type3A_821 : f32
    %mul3A_824 = vector.broadcast %convert_element_type3A_821 : f32 to vector<4x768xf32>
    %mul3A_825 = arith.mulf %add3A_814, %mul3A_824 : vector<4x768xf32>
    %add3A_826 = arith.addf %add3A_806, %mul3A_825 : vector<4x768xf32>
    %mul3A_827 = vector.broadcast %sub3A_823 : f32 to vector<4x768xf32>
    %mul3A_828 = arith.mulf %add3A_814, %mul3A_827 : vector<4x768xf32>
    %get3A_829 = arith.constant 35 : index
    %get3A_830 = arith.constant 0 : index
    %get3A_831 = arith.constant 0 : index
    %get3A_832 = vector.load %arg5[%get3A_829, %get3A_830, %get3A_831] : memref<256x4x768xf32, #tpu.memory_space<vmem>>, vector<1x4x768xf32>
    %get3A_833 = vector.shape_cast %get3A_832 : vector<1x4x768xf32> to vector<4x768xf32>
    %add3A_834 = arith.addf %mul3A_828, %get3A_833 : vector<4x768xf32>
    %eq3A_835 = arith.constant 36 : i32
    %eq3A_836 = arith.cmpi eq, %select_n3A_107, %eq3A_835 : i32
    %eq3A_837 = arith.constant 36 : i32
    %eq3A_838 = arith.cmpi eq, %add3A_109, %eq3A_837 : i32
    %or3A_839 = arith.ori %eq3A_836, %eq3A_838 : i1
    %convert_element_type3A_840 = arith.extui %or3A_839 : i1 to i32
    %convert_element_type3A_841 = arith.sitofp %convert_element_type3A_840 : i32 to f32
    %sub3A_842 = arith.constant 1.000000e+00 : f32
    %sub3A_843 = arith.subf %sub3A_842, %convert_element_type3A_841 : f32
    %mul3A_844 = vector.broadcast %convert_element_type3A_841 : f32 to vector<4x768xf32>
    %mul3A_845 = arith.mulf %add3A_834, %mul3A_844 : vector<4x768xf32>
    %add3A_846 = arith.addf %add3A_826, %mul3A_845 : vector<4x768xf32>
    %mul3A_847 = vector.broadcast %sub3A_843 : f32 to vector<4x768xf32>
    %mul3A_848 = arith.mulf %add3A_834, %mul3A_847 : vector<4x768xf32>
    %get3A_849 = arith.constant 36 : index
    %get3A_850 = arith.constant 0 : index
    %get3A_851 = arith.constant 0 : index
    %get3A_852 = vector.load %arg5[%get3A_849, %get3A_850, %get3A_851] : memref<256x4x768xf32, #tpu.memory_space<vmem>>, vector<1x4x768xf32>
    %get3A_853 = vector.shape_cast %get3A_852 : vector<1x4x768xf32> to vector<4x768xf32>
    %add3A_854 = arith.addf %mul3A_848, %get3A_853 : vector<4x768xf32>
    %eq3A_855 = arith.constant 37 : i32
    %eq3A_856 = arith.cmpi eq, %select_n3A_107, %eq3A_855 : i32
    %eq3A_857 = arith.constant 37 : i32
    %eq3A_858 = arith.cmpi eq, %add3A_109, %eq3A_857 : i32
    %or3A_859 = arith.ori %eq3A_856, %eq3A_858 : i1
    %convert_element_type3A_860 = arith.extui %or3A_859 : i1 to i32
    %convert_element_type3A_861 = arith.sitofp %convert_element_type3A_860 : i32 to f32
    %sub3A_862 = arith.constant 1.000000e+00 : f32
    %sub3A_863 = arith.subf %sub3A_862, %convert_element_type3A_861 : f32
    %mul3A_864 = vector.broadcast %convert_element_type3A_861 : f32 to vector<4x768xf32>
    %mul3A_865 = arith.mulf %add3A_854, %mul3A_864 : vector<4x768xf32>
    %add3A_866 = arith.addf %add3A_846, %mul3A_865 : vector<4x768xf32>
    %mul3A_867 = vector.broadcast %sub3A_863 : f32 to vector<4x768xf32>
    %mul3A_868 = arith.mulf %add3A_854, %mul3A_867 : vector<4x768xf32>
    %get3A_869 = arith.constant 37 : index
    %get3A_870 = arith.constant 0 : index
    %get3A_871 = arith.constant 0 : index
    %get3A_872 = vector.load %arg5[%get3A_869, %get3A_870, %get3A_871] : memref<256x4x768xf32, #tpu.memory_space<vmem>>, vector<1x4x768xf32>
    %get3A_873 = vector.shape_cast %get3A_872 : vector<1x4x768xf32> to vector<4x768xf32>
    %add3A_874 = arith.addf %mul3A_868, %get3A_873 : vector<4x768xf32>
    %eq3A_875 = arith.constant 38 : i32
    %eq3A_876 = arith.cmpi eq, %select_n3A_107, %eq3A_875 : i32
    %eq3A_877 = arith.constant 38 : i32
    %eq3A_878 = arith.cmpi eq, %add3A_109, %eq3A_877 : i32
    %or3A_879 = arith.ori %eq3A_876, %eq3A_878 : i1
    %convert_element_type3A_880 = arith.extui %or3A_879 : i1 to i32
    %convert_element_type3A_881 = arith.sitofp %convert_element_type3A_880 : i32 to f32
    %sub3A_882 = arith.constant 1.000000e+00 : f32
    %sub3A_883 = arith.subf %sub3A_882, %convert_element_type3A_881 : f32
    %mul3A_884 = vector.broadcast %convert_element_type3A_881 : f32 to vector<4x768xf32>
    %mul3A_885 = arith.mulf %add3A_874, %mul3A_884 : vector<4x768xf32>
    %add3A_886 = arith.addf %add3A_866, %mul3A_885 : vector<4x768xf32>
    %mul3A_887 = vector.broadcast %sub3A_883 : f32 to vector<4x768xf32>
    %mul3A_888 = arith.mulf %add3A_874, %mul3A_887 : vector<4x768xf32>
    %get3A_889 = arith.constant 38 : index
    %get3A_890 = arith.constant 0 : index
    %get3A_891 = arith.constant 0 : index
    %get3A_892 = vector.load %arg5[%get3A_889, %get3A_890, %get3A_891] : memref<256x4x768xf32, #tpu.memory_space<vmem>>, vector<1x4x768xf32>
    %get3A_893 = vector.shape_cast %get3A_892 : vector<1x4x768xf32> to vector<4x768xf32>
    %add3A_894 = arith.addf %mul3A_888, %get3A_893 : vector<4x768xf32>
    %eq3A_895 = arith.constant 39 : i32
    %eq3A_896 = arith.cmpi eq, %select_n3A_107, %eq3A_895 : i32
    %eq3A_897 = arith.constant 39 : i32
    %eq3A_898 = arith.cmpi eq, %add3A_109, %eq3A_897 : i32
    %or3A_899 = arith.ori %eq3A_896, %eq3A_898 : i1
    %convert_element_type3A_900 = arith.extui %or3A_899 : i1 to i32
    %convert_element_type3A_901 = arith.sitofp %convert_element_type3A_900 : i32 to f32
    %sub3A_902 = arith.constant 1.000000e+00 : f32
    %sub3A_903 = arith.subf %sub3A_902, %convert_element_type3A_901 : f32
    %mul3A_904 = vector.broadcast %convert_element_type3A_901 : f32 to vector<4x768xf32>
    %mul3A_905 = arith.mulf %add3A_894, %mul3A_904 : vector<4x768xf32>
    %add3A_906 = arith.addf %add3A_886, %mul3A_905 : vector<4x768xf32>
    %mul3A_907 = vector.broadcast %sub3A_903 : f32 to vector<4x768xf32>
    %mul3A_908 = arith.mulf %add3A_894, %mul3A_907 : vector<4x768xf32>
    %get3A_909 = arith.constant 39 : index
    %get3A_910 = arith.constant 0 : index
    %get3A_911 = arith.constant 0 : index
    %get3A_912 = vector.load %arg5[%get3A_909, %get3A_910, %get3A_911] : memref<256x4x768xf32, #tpu.memory_space<vmem>>, vector<1x4x768xf32>
    %get3A_913 = vector.shape_cast %get3A_912 : vector<1x4x768xf32> to vector<4x768xf32>
    %add3A_914 = arith.addf %mul3A_908, %get3A_913 : vector<4x768xf32>
    %eq3A_915 = arith.constant 40 : i32
    %eq3A_916 = arith.cmpi eq, %select_n3A_107, %eq3A_915 : i32
    %eq3A_917 = arith.constant 40 : i32
    %eq3A_918 = arith.cmpi eq, %add3A_109, %eq3A_917 : i32
    %or3A_919 = arith.ori %eq3A_916, %eq3A_918 : i1
    %convert_element_type3A_920 = arith.extui %or3A_919 : i1 to i32
    %convert_element_type3A_921 = arith.sitofp %convert_element_type3A_920 : i32 to f32
    %sub3A_922 = arith.constant 1.000000e+00 : f32
    %sub3A_923 = arith.subf %sub3A_922, %convert_element_type3A_921 : f32
    %mul3A_924 = vector.broadcast %convert_element_type3A_921 : f32 to vector<4x768xf32>
    %mul3A_925 = arith.mulf %add3A_914, %mul3A_924 : vector<4x768xf32>
    %add3A_926 = arith.addf %add3A_906, %mul3A_925 : vector<4x768xf32>
    %mul3A_927 = vector.broadcast %sub3A_923 : f32 to vector<4x768xf32>
    %mul3A_928 = arith.mulf %add3A_914, %mul3A_927 : vector<4x768xf32>
    %get3A_929 = arith.constant 40 : index
    %get3A_930 = arith.constant 0 : index
    %get3A_931 = arith.constant 0 : index
    %get3A_932 = vector.load %arg5[%get3A_929, %get3A_930, %get3A_931] : memref<256x4x768xf32, #tpu.memory_space<vmem>>, vector<1x4x768xf32>
    %get3A_933 = vector.shape_cast %get3A_932 : vector<1x4x768xf32> to vector<4x768xf32>
    %add3A_934 = arith.addf %mul3A_928, %get3A_933 : vector<4x768xf32>
    %eq3A_935 = arith.constant 41 : i32
    %eq3A_936 = arith.cmpi eq, %select_n3A_107, %eq3A_935 : i32
    %eq3A_937 = arith.constant 41 : i32
    %eq3A_938 = arith.cmpi eq, %add3A_109, %eq3A_937 : i32
    %or3A_939 = arith.ori %eq3A_936, %eq3A_938 : i1
    %convert_element_type3A_940 = arith.extui %or3A_939 : i1 to i32
    %convert_element_type3A_941 = arith.sitofp %convert_element_type3A_940 : i32 to f32
    %sub3A_942 = arith.constant 1.000000e+00 : f32
    %sub3A_943 = arith.subf %sub3A_942, %convert_element_type3A_941 : f32
    %mul3A_944 = vector.broadcast %convert_element_type3A_941 : f32 to vector<4x768xf32>
    %mul3A_945 = arith.mulf %add3A_934, %mul3A_944 : vector<4x768xf32>
    %add3A_946 = arith.addf %add3A_926, %mul3A_945 : vector<4x768xf32>
    %mul3A_947 = vector.broadcast %sub3A_943 : f32 to vector<4x768xf32>
    %mul3A_948 = arith.mulf %add3A_934, %mul3A_947 : vector<4x768xf32>
    %get3A_949 = arith.constant 41 : index
    %get3A_950 = arith.constant 0 : index
    %get3A_951 = arith.constant 0 : index
    %get3A_952 = vector.load %arg5[%get3A_949, %get3A_950, %get3A_951] : memref<256x4x768xf32, #tpu.memory_space<vmem>>, vector<1x4x768xf32>
    %get3A_953 = vector.shape_cast %get3A_952 : vector<1x4x768xf32> to vector<4x768xf32>
    %add3A_954 = arith.addf %mul3A_948, %get3A_953 : vector<4x768xf32>
    %eq3A_955 = arith.constant 42 : i32
    %eq3A_956 = arith.cmpi eq, %select_n3A_107, %eq3A_955 : i32
    %eq3A_957 = arith.constant 42 : i32
    %eq3A_958 = arith.cmpi eq, %add3A_109, %eq3A_957 : i32
    %or3A_959 = arith.ori %eq3A_956, %eq3A_958 : i1
    %convert_element_type3A_960 = arith.extui %or3A_959 : i1 to i32
    %convert_element_type3A_961 = arith.sitofp %convert_element_type3A_960 : i32 to f32
    %sub3A_962 = arith.constant 1.000000e+00 : f32
    %sub3A_963 = arith.subf %sub3A_962, %convert_element_type3A_961 : f32
    %mul3A_964 = vector.broadcast %convert_element_type3A_961 : f32 to vector<4x768xf32>
    %mul3A_965 = arith.mulf %add3A_954, %mul3A_964 : vector<4x768xf32>
    %add3A_966 = arith.addf %add3A_946, %mul3A_965 : vector<4x768xf32>
    %mul3A_967 = vector.broadcast %sub3A_963 : f32 to vector<4x768xf32>
    %mul3A_968 = arith.mulf %add3A_954, %mul3A_967 : vector<4x768xf32>
    %get3A_969 = arith.constant 42 : index
    %get3A_970 = arith.constant 0 : index
    %get3A_971 = arith.constant 0 : index
    %get3A_972 = vector.load %arg5[%get3A_969, %get3A_970, %get3A_971] : memref<256x4x768xf32, #tpu.memory_space<vmem>>, vector<1x4x768xf32>
    %get3A_973 = vector.shape_cast %get3A_972 : vector<1x4x768xf32> to vector<4x768xf32>
    %add3A_974 = arith.addf %mul3A_968, %get3A_973 : vector<4x768xf32>
    %eq3A_975 = arith.constant 43 : i32
    %eq3A_976 = arith.cmpi eq, %select_n3A_107, %eq3A_975 : i32
    %eq3A_977 = arith.constant 43 : i32
    %eq3A_978 = arith.cmpi eq, %add3A_109, %eq3A_977 : i32
    %or3A_979 = arith.ori %eq3A_976, %eq3A_978 : i1
    %convert_element_type3A_980 = arith.extui %or3A_979 : i1 to i32
    %convert_element_type3A_981 = arith.sitofp %convert_element_type3A_980 : i32 to f32
    %sub3A_982 = arith.constant 1.000000e+00 : f32
    %sub3A_983 = arith.subf %sub3A_982, %convert_element_type3A_981 : f32
    %mul3A_984 = vector.broadcast %convert_element_type3A_981 : f32 to vector<4x768xf32>
    %mul3A_985 = arith.mulf %add3A_974, %mul3A_984 : vector<4x768xf32>
    %add3A_986 = arith.addf %add3A_966, %mul3A_985 : vector<4x768xf32>
    %mul3A_987 = vector.broadcast %sub3A_983 : f32 to vector<4x768xf32>
    %mul3A_988 = arith.mulf %add3A_974, %mul3A_987 : vector<4x768xf32>
    %get3A_989 = arith.constant 43 : index
    %get3A_990 = arith.constant 0 : index
    %get3A_991 = arith.constant 0 : index
    %get3A_992 = vector.load %arg5[%get3A_989, %get3A_990, %get3A_991] : memref<256x4x768xf32, #tpu.memory_space<vmem>>, vector<1x4x768xf32>
    %get3A_993 = vector.shape_cast %get3A_992 : vector<1x4x768xf32> to vector<4x768xf32>
    %add3A_994 = arith.addf %mul3A_988, %get3A_993 : vector<4x768xf32>
    %eq3A_995 = arith.constant 44 : i32
    %eq3A_996 = arith.cmpi eq, %select_n3A_107, %eq3A_995 : i32
    %eq3A_997 = arith.constant 44 : i32
    %eq3A_998 = arith.cmpi eq, %add3A_109, %eq3A_997 : i32
    %or3A_999 = arith.ori %eq3A_996, %eq3A_998 : i1
    %convert_element_type3A_1000 = arith.extui %or3A_999 : i1 to i32
    %convert_element_type3A_1001 = arith.sitofp %convert_element_type3A_1000 : i32 to f32
    %sub3A_1002 = arith.constant 1.000000e+00 : f32
    %sub3A_1003 = arith.subf %sub3A_1002, %convert_element_type3A_1001 : f32
    %mul3A_1004 = vector.broadcast %convert_element_type3A_1001 : f32 to vector<4x768xf32>
    %mul3A_1005 = arith.mulf %add3A_994, %mul3A_1004 : vector<4x768xf32>
    %add3A_1006 = arith.addf %add3A_986, %mul3A_1005 : vector<4x768xf32>
    %mul3A_1007 = vector.broadcast %sub3A_1003 : f32 to vector<4x768xf32>
    %mul3A_1008 = arith.mulf %add3A_994, %mul3A_1007 : vector<4x768xf32>
    %get3A_1009 = arith.constant 44 : index
    %get3A_1010 = arith.constant 0 : index
    %get3A_1011 = arith.constant 0 : index
    %get3A_1012 = vector.load %arg5[%get3A_1009, %get3A_1010, %get3A_1011] : memref<256x4x768xf32, #tpu.memory_space<vmem>>, vector<1x4x768xf32>
    %get3A_1013 = vector.shape_cast %get3A_1012 : vector<1x4x768xf32> to vector<4x768xf32>
    %add3A_1014 = arith.addf %mul3A_1008, %get3A_1013 : vector<4x768xf32>
    %eq3A_1015 = arith.constant 45 : i32
    %eq3A_1016 = arith.cmpi eq, %select_n3A_107, %eq3A_1015 : i32
    %eq3A_1017 = arith.constant 45 : i32
    %eq3A_1018 = arith.cmpi eq, %add3A_109, %eq3A_1017 : i32
    %or3A_1019 = arith.ori %eq3A_1016, %eq3A_1018 : i1
    %convert_element_type3A_1020 = arith.extui %or3A_1019 : i1 to i32
    %convert_element_type3A_1021 = arith.sitofp %convert_element_type3A_1020 : i32 to f32
    %sub3A_1022 = arith.constant 1.000000e+00 : f32
    %sub3A_1023 = arith.subf %sub3A_1022, %convert_element_type3A_1021 : f32
    %mul3A_1024 = vector.broadcast %convert_element_type3A_1021 : f32 to vector<4x768xf32>
    %mul3A_1025 = arith.mulf %add3A_1014, %mul3A_1024 : vector<4x768xf32>
    %add3A_1026 = arith.addf %add3A_1006, %mul3A_1025 : vector<4x768xf32>
    %mul3A_1027 = vector.broadcast %sub3A_1023 : f32 to vector<4x768xf32>
    %mul3A_1028 = arith.mulf %add3A_1014, %mul3A_1027 : vector<4x768xf32>
    %get3A_1029 = arith.constant 45 : index
    %get3A_1030 = arith.constant 0 : index
    %get3A_1031 = arith.constant 0 : index
    %get3A_1032 = vector.load %arg5[%get3A_1029, %get3A_1030, %get3A_1031] : memref<256x4x768xf32, #tpu.memory_space<vmem>>, vector<1x4x768xf32>
    %get3A_1033 = vector.shape_cast %get3A_1032 : vector<1x4x768xf32> to vector<4x768xf32>
    %add3A_1034 = arith.addf %mul3A_1028, %get3A_1033 : vector<4x768xf32>
    %eq3A_1035 = arith.constant 46 : i32
    %eq3A_1036 = arith.cmpi eq, %select_n3A_107, %eq3A_1035 : i32
    %eq3A_1037 = arith.constant 46 : i32
    %eq3A_1038 = arith.cmpi eq, %add3A_109, %eq3A_1037 : i32
    %or3A_1039 = arith.ori %eq3A_1036, %eq3A_1038 : i1
    %convert_element_type3A_1040 = arith.extui %or3A_1039 : i1 to i32
    %convert_element_type3A_1041 = arith.sitofp %convert_element_type3A_1040 : i32 to f32
    %sub3A_1042 = arith.constant 1.000000e+00 : f32
    %sub3A_1043 = arith.subf %sub3A_1042, %convert_element_type3A_1041 : f32
    %mul3A_1044 = vector.broadcast %convert_element_type3A_1041 : f32 to vector<4x768xf32>
    %mul3A_1045 = arith.mulf %add3A_1034, %mul3A_1044 : vector<4x768xf32>
    %add3A_1046 = arith.addf %add3A_1026, %mul3A_1045 : vector<4x768xf32>
    %mul3A_1047 = vector.broadcast %sub3A_1043 : f32 to vector<4x768xf32>
    %mul3A_1048 = arith.mulf %add3A_1034, %mul3A_1047 : vector<4x768xf32>
    %get3A_1049 = arith.constant 46 : index
    %get3A_1050 = arith.constant 0 : index
    %get3A_1051 = arith.constant 0 : index
    %get3A_1052 = vector.load %arg5[%get3A_1049, %get3A_1050, %get3A_1051] : memref<256x4x768xf32, #tpu.memory_space<vmem>>, vector<1x4x768xf32>
    %get3A_1053 = vector.shape_cast %get3A_1052 : vector<1x4x768xf32> to vector<4x768xf32>
    %add3A_1054 = arith.addf %mul3A_1048, %get3A_1053 : vector<4x768xf32>
    %eq3A_1055 = arith.constant 47 : i32
    %eq3A_1056 = arith.cmpi eq, %select_n3A_107, %eq3A_1055 : i32
    %eq3A_1057 = arith.constant 47 : i32
    %eq3A_1058 = arith.cmpi eq, %add3A_109, %eq3A_1057 : i32
    %or3A_1059 = arith.ori %eq3A_1056, %eq3A_1058 : i1
    %convert_element_type3A_1060 = arith.extui %or3A_1059 : i1 to i32
    %convert_element_type3A_1061 = arith.sitofp %convert_element_type3A_1060 : i32 to f32
    %sub3A_1062 = arith.constant 1.000000e+00 : f32
    %sub3A_1063 = arith.subf %sub3A_1062, %convert_element_type3A_1061 : f32
    %mul3A_1064 = vector.broadcast %convert_element_type3A_1061 : f32 to vector<4x768xf32>
    %mul3A_1065 = arith.mulf %add3A_1054, %mul3A_1064 : vector<4x768xf32>
    %add3A_1066 = arith.addf %add3A_1046, %mul3A_1065 : vector<4x768xf32>
    %mul3A_1067 = vector.broadcast %sub3A_1063 : f32 to vector<4x768xf32>
    %mul3A_1068 = arith.mulf %add3A_1054, %mul3A_1067 : vector<4x768xf32>
    %get3A_1069 = arith.constant 47 : index
    %get3A_1070 = arith.constant 0 : index
    %get3A_1071 = arith.constant 0 : index
    %get3A_1072 = vector.load %arg5[%get3A_1069, %get3A_1070, %get3A_1071] : memref<256x4x768xf32, #tpu.memory_space<vmem>>, vector<1x4x768xf32>
    %get3A_1073 = vector.shape_cast %get3A_1072 : vector<1x4x768xf32> to vector<4x768xf32>
    %add3A_1074 = arith.addf %mul3A_1068, %get3A_1073 : vector<4x768xf32>
    %eq3A_1075 = arith.constant 48 : i32
    %eq3A_1076 = arith.cmpi eq, %select_n3A_107, %eq3A_1075 : i32
    %eq3A_1077 = arith.constant 48 : i32
    %eq3A_1078 = arith.cmpi eq, %add3A_109, %eq3A_1077 : i32
    %or3A_1079 = arith.ori %eq3A_1076, %eq3A_1078 : i1
    %convert_element_type3A_1080 = arith.extui %or3A_1079 : i1 to i32
    %convert_element_type3A_1081 = arith.sitofp %convert_element_type3A_1080 : i32 to f32
    %sub3A_1082 = arith.constant 1.000000e+00 : f32
    %sub3A_1083 = arith.subf %sub3A_1082, %convert_element_type3A_1081 : f32
    %mul3A_1084 = vector.broadcast %convert_element_type3A_1081 : f32 to vector<4x768xf32>
    %mul3A_1085 = arith.mulf %add3A_1074, %mul3A_1084 : vector<4x768xf32>
    %add3A_1086 = arith.addf %add3A_1066, %mul3A_1085 : vector<4x768xf32>
    %mul3A_1087 = vector.broadcast %sub3A_1083 : f32 to vector<4x768xf32>
    %mul3A_1088 = arith.mulf %add3A_1074, %mul3A_1087 : vector<4x768xf32>
    %get3A_1089 = arith.constant 48 : index
    %get3A_1090 = arith.constant 0 : index
    %get3A_1091 = arith.constant 0 : index
    %get3A_1092 = vector.load %arg5[%get3A_1089, %get3A_1090, %get3A_1091] : memref<256x4x768xf32, #tpu.memory_space<vmem>>, vector<1x4x768xf32>
    %get3A_1093 = vector.shape_cast %get3A_1092 : vector<1x4x768xf32> to vector<4x768xf32>
    %add3A_1094 = arith.addf %mul3A_1088, %get3A_1093 : vector<4x768xf32>
    %eq3A_1095 = arith.constant 49 : i32
    %eq3A_1096 = arith.cmpi eq, %select_n3A_107, %eq3A_1095 : i32
    %eq3A_1097 = arith.constant 49 : i32
    %eq3A_1098 = arith.cmpi eq, %add3A_109, %eq3A_1097 : i32
    %or3A_1099 = arith.ori %eq3A_1096, %eq3A_1098 : i1
    %convert_element_type3A_1100 = arith.extui %or3A_1099 : i1 to i32
    %convert_element_type3A_1101 = arith.sitofp %convert_element_type3A_1100 : i32 to f32
    %sub3A_1102 = arith.constant 1.000000e+00 : f32
    %sub3A_1103 = arith.subf %sub3A_1102, %convert_element_type3A_1101 : f32
    %mul3A_1104 = vector.broadcast %convert_element_type3A_1101 : f32 to vector<4x768xf32>
    %mul3A_1105 = arith.mulf %add3A_1094, %mul3A_1104 : vector<4x768xf32>
    %add3A_1106 = arith.addf %add3A_1086, %mul3A_1105 : vector<4x768xf32>
    %mul3A_1107 = vector.broadcast %sub3A_1103 : f32 to vector<4x768xf32>
    %mul3A_1108 = arith.mulf %add3A_1094, %mul3A_1107 : vector<4x768xf32>
    %get3A_1109 = arith.constant 49 : index
    %get3A_1110 = arith.constant 0 : index
    %get3A_1111 = arith.constant 0 : index
    %get3A_1112 = vector.load %arg5[%get3A_1109, %get3A_1110, %get3A_1111] : memref<256x4x768xf32, #tpu.memory_space<vmem>>, vector<1x4x768xf32>
    %get3A_1113 = vector.shape_cast %get3A_1112 : vector<1x4x768xf32> to vector<4x768xf32>
    %add3A_1114 = arith.addf %mul3A_1108, %get3A_1113 : vector<4x768xf32>
    %eq3A_1115 = arith.constant 50 : i32
    %eq3A_1116 = arith.cmpi eq, %select_n3A_107, %eq3A_1115 : i32
    %eq3A_1117 = arith.constant 50 : i32
    %eq3A_1118 = arith.cmpi eq, %add3A_109, %eq3A_1117 : i32
    %or3A_1119 = arith.ori %eq3A_1116, %eq3A_1118 : i1
    %convert_element_type3A_1120 = arith.extui %or3A_1119 : i1 to i32
    %convert_element_type3A_1121 = arith.sitofp %convert_element_type3A_1120 : i32 to f32
    %sub3A_1122 = arith.constant 1.000000e+00 : f32
    %sub3A_1123 = arith.subf %sub3A_1122, %convert_element_type3A_1121 : f32
    %mul3A_1124 = vector.broadcast %convert_element_type3A_1121 : f32 to vector<4x768xf32>
    %mul3A_1125 = arith.mulf %add3A_1114, %mul3A_1124 : vector<4x768xf32>
    %add3A_1126 = arith.addf %add3A_1106, %mul3A_1125 : vector<4x768xf32>
    %mul3A_1127 = vector.broadcast %sub3A_1123 : f32 to vector<4x768xf32>
    %mul3A_1128 = arith.mulf %add3A_1114, %mul3A_1127 : vector<4x768xf32>
    %get3A_1129 = arith.constant 50 : index
    %get3A_1130 = arith.constant 0 : index
    %get3A_1131 = arith.constant 0 : index
    %get3A_1132 = vector.load %arg5[%get3A_1129, %get3A_1130, %get3A_1131] : memref<256x4x768xf32, #tpu.memory_space<vmem>>, vector<1x4x768xf32>
    %get3A_1133 = vector.shape_cast %get3A_1132 : vector<1x4x768xf32> to vector<4x768xf32>
    %add3A_1134 = arith.addf %mul3A_1128, %get3A_1133 : vector<4x768xf32>
    %eq3A_1135 = arith.constant 51 : i32
    %eq3A_1136 = arith.cmpi eq, %select_n3A_107, %eq3A_1135 : i32
    %eq3A_1137 = arith.constant 51 : i32
    %eq3A_1138 = arith.cmpi eq, %add3A_109, %eq3A_1137 : i32
    %or3A_1139 = arith.ori %eq3A_1136, %eq3A_1138 : i1
    %convert_element_type3A_1140 = arith.extui %or3A_1139 : i1 to i32
    %convert_element_type3A_1141 = arith.sitofp %convert_element_type3A_1140 : i32 to f32
    %sub3A_1142 = arith.constant 1.000000e+00 : f32
    %sub3A_1143 = arith.subf %sub3A_1142, %convert_element_type3A_1141 : f32
    %mul3A_1144 = vector.broadcast %convert_element_type3A_1141 : f32 to vector<4x768xf32>
    %mul3A_1145 = arith.mulf %add3A_1134, %mul3A_1144 : vector<4x768xf32>
    %add3A_1146 = arith.addf %add3A_1126, %mul3A_1145 : vector<4x768xf32>
    %mul3A_1147 = vector.broadcast %sub3A_1143 : f32 to vector<4x768xf32>
    %mul3A_1148 = arith.mulf %add3A_1134, %mul3A_1147 : vector<4x768xf32>
    %get3A_1149 = arith.constant 51 : index
    %get3A_1150 = arith.constant 0 : index
    %get3A_1151 = arith.constant 0 : index
    %get3A_1152 = vector.load %arg5[%get3A_1149, %get3A_1150, %get3A_1151] : memref<256x4x768xf32, #tpu.memory_space<vmem>>, vector<1x4x768xf32>
    %get3A_1153 = vector.shape_cast %get3A_1152 : vector<1x4x768xf32> to vector<4x768xf32>
    %add3A_1154 = arith.addf %mul3A_1148, %get3A_1153 : vector<4x768xf32>
    %eq3A_1155 = arith.constant 52 : i32
    %eq3A_1156 = arith.cmpi eq, %select_n3A_107, %eq3A_1155 : i32
    %eq3A_1157 = arith.constant 52 : i32
    %eq3A_1158 = arith.cmpi eq, %add3A_109, %eq3A_1157 : i32
    %or3A_1159 = arith.ori %eq3A_1156, %eq3A_1158 : i1
    %convert_element_type3A_1160 = arith.extui %or3A_1159 : i1 to i32
    %convert_element_type3A_1161 = arith.sitofp %convert_element_type3A_1160 : i32 to f32
    %sub3A_1162 = arith.constant 1.000000e+00 : f32
    %sub3A_1163 = arith.subf %sub3A_1162, %convert_element_type3A_1161 : f32
    %mul3A_1164 = vector.broadcast %convert_element_type3A_1161 : f32 to vector<4x768xf32>
    %mul3A_1165 = arith.mulf %add3A_1154, %mul3A_1164 : vector<4x768xf32>
    %add3A_1166 = arith.addf %add3A_1146, %mul3A_1165 : vector<4x768xf32>
    %mul3A_1167 = vector.broadcast %sub3A_1163 : f32 to vector<4x768xf32>
    %mul3A_1168 = arith.mulf %add3A_1154, %mul3A_1167 : vector<4x768xf32>
    %get3A_1169 = arith.constant 52 : index
    %get3A_1170 = arith.constant 0 : index
    %get3A_1171 = arith.constant 0 : index
    %get3A_1172 = vector.load %arg5[%get3A_1169, %get3A_1170, %get3A_1171] : memref<256x4x768xf32, #tpu.memory_space<vmem>>, vector<1x4x768xf32>
    %get3A_1173 = vector.shape_cast %get3A_1172 : vector<1x4x768xf32> to vector<4x768xf32>
    %add3A_1174 = arith.addf %mul3A_1168, %get3A_1173 : vector<4x768xf32>
    %eq3A_1175 = arith.constant 53 : i32
    %eq3A_1176 = arith.cmpi eq, %select_n3A_107, %eq3A_1175 : i32
    %eq3A_1177 = arith.constant 53 : i32
    %eq3A_1178 = arith.cmpi eq, %add3A_109, %eq3A_1177 : i32
    %or3A_1179 = arith.ori %eq3A_1176, %eq3A_1178 : i1
    %convert_element_type3A_1180 = arith.extui %or3A_1179 : i1 to i32
    %convert_element_type3A_1181 = arith.sitofp %convert_element_type3A_1180 : i32 to f32
    %sub3A_1182 = arith.constant 1.000000e+00 : f32
    %sub3A_1183 = arith.subf %sub3A_1182, %convert_element_type3A_1181 : f32
    %mul3A_1184 = vector.broadcast %convert_element_type3A_1181 : f32 to vector<4x768xf32>
    %mul3A_1185 = arith.mulf %add3A_1174, %mul3A_1184 : vector<4x768xf32>
    %add3A_1186 = arith.addf %add3A_1166, %mul3A_1185 : vector<4x768xf32>
    %mul3A_1187 = vector.broadcast %sub3A_1183 : f32 to vector<4x768xf32>
    %mul3A_1188 = arith.mulf %add3A_1174, %mul3A_1187 : vector<4x768xf32>
    %get3A_1189 = arith.constant 53 : index
    %get3A_1190 = arith.constant 0 : index
    %get3A_1191 = arith.constant 0 : index
    %get3A_1192 = vector.load %arg5[%get3A_1189, %get3A_1190, %get3A_1191] : memref<256x4x768xf32, #tpu.memory_space<vmem>>, vector<1x4x768xf32>
    %get3A_1193 = vector.shape_cast %get3A_1192 : vector<1x4x768xf32> to vector<4x768xf32>
    %add3A_1194 = arith.addf %mul3A_1188, %get3A_1193 : vector<4x768xf32>
    %eq3A_1195 = arith.constant 54 : i32
    %eq3A_1196 = arith.cmpi eq, %select_n3A_107, %eq3A_1195 : i32
    %eq3A_1197 = arith.constant 54 : i32
    %eq3A_1198 = arith.cmpi eq, %add3A_109, %eq3A_1197 : i32
    %or3A_1199 = arith.ori %eq3A_1196, %eq3A_1198 : i1
    %convert_element_type3A_1200 = arith.extui %or3A_1199 : i1 to i32
    %convert_element_type3A_1201 = arith.sitofp %convert_element_type3A_1200 : i32 to f32
    %sub3A_1202 = arith.constant 1.000000e+00 : f32
    %sub3A_1203 = arith.subf %sub3A_1202, %convert_element_type3A_1201 : f32
    %mul3A_1204 = vector.broadcast %convert_element_type3A_1201 : f32 to vector<4x768xf32>
    %mul3A_1205 = arith.mulf %add3A_1194, %mul3A_1204 : vector<4x768xf32>
    %add3A_1206 = arith.addf %add3A_1186, %mul3A_1205 : vector<4x768xf32>
    %mul3A_1207 = vector.broadcast %sub3A_1203 : f32 to vector<4x768xf32>
    %mul3A_1208 = arith.mulf %add3A_1194, %mul3A_1207 : vector<4x768xf32>
    %get3A_1209 = arith.constant 54 : index
    %get3A_1210 = arith.constant 0 : index
    %get3A_1211 = arith.constant 0 : index
    %get3A_1212 = vector.load %arg5[%get3A_1209, %get3A_1210, %get3A_1211] : memref<256x4x768xf32, #tpu.memory_space<vmem>>, vector<1x4x768xf32>
    %get3A_1213 = vector.shape_cast %get3A_1212 : vector<1x4x768xf32> to vector<4x768xf32>
    %add3A_1214 = arith.addf %mul3A_1208, %get3A_1213 : vector<4x768xf32>
    %eq3A_1215 = arith.constant 55 : i32
    %eq3A_1216 = arith.cmpi eq, %select_n3A_107, %eq3A_1215 : i32
    %eq3A_1217 = arith.constant 55 : i32
    %eq3A_1218 = arith.cmpi eq, %add3A_109, %eq3A_1217 : i32
    %or3A_1219 = arith.ori %eq3A_1216, %eq3A_1218 : i1
    %convert_element_type3A_1220 = arith.extui %or3A_1219 : i1 to i32
    %convert_element_type3A_1221 = arith.sitofp %convert_element_type3A_1220 : i32 to f32
    %sub3A_1222 = arith.constant 1.000000e+00 : f32
    %sub3A_1223 = arith.subf %sub3A_1222, %convert_element_type3A_1221 : f32
    %mul3A_1224 = vector.broadcast %convert_element_type3A_1221 : f32 to vector<4x768xf32>
    %mul3A_1225 = arith.mulf %add3A_1214, %mul3A_1224 : vector<4x768xf32>
    %add3A_1226 = arith.addf %add3A_1206, %mul3A_1225 : vector<4x768xf32>
    %mul3A_1227 = vector.broadcast %sub3A_1223 : f32 to vector<4x768xf32>
    %mul3A_1228 = arith.mulf %add3A_1214, %mul3A_1227 : vector<4x768xf32>
    %get3A_1229 = arith.constant 55 : index
    %get3A_1230 = arith.constant 0 : index
    %get3A_1231 = arith.constant 0 : index
    %get3A_1232 = vector.load %arg5[%get3A_1229, %get3A_1230, %get3A_1231] : memref<256x4x768xf32, #tpu.memory_space<vmem>>, vector<1x4x768xf32>
    %get3A_1233 = vector.shape_cast %get3A_1232 : vector<1x4x768xf32> to vector<4x768xf32>
    %add3A_1234 = arith.addf %mul3A_1228, %get3A_1233 : vector<4x768xf32>
    %eq3A_1235 = arith.constant 56 : i32
    %eq3A_1236 = arith.cmpi eq, %select_n3A_107, %eq3A_1235 : i32
    %eq3A_1237 = arith.constant 56 : i32
    %eq3A_1238 = arith.cmpi eq, %add3A_109, %eq3A_1237 : i32
    %or3A_1239 = arith.ori %eq3A_1236, %eq3A_1238 : i1
    %convert_element_type3A_1240 = arith.extui %or3A_1239 : i1 to i32
    %convert_element_type3A_1241 = arith.sitofp %convert_element_type3A_1240 : i32 to f32
    %sub3A_1242 = arith.constant 1.000000e+00 : f32
    %sub3A_1243 = arith.subf %sub3A_1242, %convert_element_type3A_1241 : f32
    %mul3A_1244 = vector.broadcast %convert_element_type3A_1241 : f32 to vector<4x768xf32>
    %mul3A_1245 = arith.mulf %add3A_1234, %mul3A_1244 : vector<4x768xf32>
    %add3A_1246 = arith.addf %add3A_1226, %mul3A_1245 : vector<4x768xf32>
    %mul3A_1247 = vector.broadcast %sub3A_1243 : f32 to vector<4x768xf32>
    %mul3A_1248 = arith.mulf %add3A_1234, %mul3A_1247 : vector<4x768xf32>
    %get3A_1249 = arith.constant 56 : index
    %get3A_1250 = arith.constant 0 : index
    %get3A_1251 = arith.constant 0 : index
    %get3A_1252 = vector.load %arg5[%get3A_1249, %get3A_1250, %get3A_1251] : memref<256x4x768xf32, #tpu.memory_space<vmem>>, vector<1x4x768xf32>
    %get3A_1253 = vector.shape_cast %get3A_1252 : vector<1x4x768xf32> to vector<4x768xf32>
    %add3A_1254 = arith.addf %mul3A_1248, %get3A_1253 : vector<4x768xf32>
    %eq3A_1255 = arith.constant 57 : i32
    %eq3A_1256 = arith.cmpi eq, %select_n3A_107, %eq3A_1255 : i32
    %eq3A_1257 = arith.constant 57 : i32
    %eq3A_1258 = arith.cmpi eq, %add3A_109, %eq3A_1257 : i32
    %or3A_1259 = arith.ori %eq3A_1256, %eq3A_1258 : i1
    %convert_element_type3A_1260 = arith.extui %or3A_1259 : i1 to i32
    %convert_element_type3A_1261 = arith.sitofp %convert_element_type3A_1260 : i32 to f32
    %sub3A_1262 = arith.constant 1.000000e+00 : f32
    %sub3A_1263 = arith.subf %sub3A_1262, %convert_element_type3A_1261 : f32
    %mul3A_1264 = vector.broadcast %convert_element_type3A_1261 : f32 to vector<4x768xf32>
    %mul3A_1265 = arith.mulf %add3A_1254, %mul3A_1264 : vector<4x768xf32>
    %add3A_1266 = arith.addf %add3A_1246, %mul3A_1265 : vector<4x768xf32>
    %mul3A_1267 = vector.broadcast %sub3A_1263 : f32 to vector<4x768xf32>
    %mul3A_1268 = arith.mulf %add3A_1254, %mul3A_1267 : vector<4x768xf32>
    %get3A_1269 = arith.constant 57 : index
    %get3A_1270 = arith.constant 0 : index
    %get3A_1271 = arith.constant 0 : index
    %get3A_1272 = vector.load %arg5[%get3A_1269, %get3A_1270, %get3A_1271] : memref<256x4x768xf32, #tpu.memory_space<vmem>>, vector<1x4x768xf32>
    %get3A_1273 = vector.shape_cast %get3A_1272 : vector<1x4x768xf32> to vector<4x768xf32>
    %add3A_1274 = arith.addf %mul3A_1268, %get3A_1273 : vector<4x768xf32>
    %eq3A_1275 = arith.constant 58 : i32
    %eq3A_1276 = arith.cmpi eq, %select_n3A_107, %eq3A_1275 : i32
    %eq3A_1277 = arith.constant 58 : i32
    %eq3A_1278 = arith.cmpi eq, %add3A_109, %eq3A_1277 : i32
    %or3A_1279 = arith.ori %eq3A_1276, %eq3A_1278 : i1
    %convert_element_type3A_1280 = arith.extui %or3A_1279 : i1 to i32
    %convert_element_type3A_1281 = arith.sitofp %convert_element_type3A_1280 : i32 to f32
    %sub3A_1282 = arith.constant 1.000000e+00 : f32
    %sub3A_1283 = arith.subf %sub3A_1282, %convert_element_type3A_1281 : f32
    %mul3A_1284 = vector.broadcast %convert_element_type3A_1281 : f32 to vector<4x768xf32>
    %mul3A_1285 = arith.mulf %add3A_1274, %mul3A_1284 : vector<4x768xf32>
    %add3A_1286 = arith.addf %add3A_1266, %mul3A_1285 : vector<4x768xf32>
    %mul3A_1287 = vector.broadcast %sub3A_1283 : f32 to vector<4x768xf32>
    %mul3A_1288 = arith.mulf %add3A_1274, %mul3A_1287 : vector<4x768xf32>
    %get3A_1289 = arith.constant 58 : index
    %get3A_1290 = arith.constant 0 : index
    %get3A_1291 = arith.constant 0 : index
    %get3A_1292 = vector.load %arg5[%get3A_1289, %get3A_1290, %get3A_1291] : memref<256x4x768xf32, #tpu.memory_space<vmem>>, vector<1x4x768xf32>
    %get3A_1293 = vector.shape_cast %get3A_1292 : vector<1x4x768xf32> to vector<4x768xf32>
    %add3A_1294 = arith.addf %mul3A_1288, %get3A_1293 : vector<4x768xf32>
    %eq3A_1295 = arith.constant 59 : i32
    %eq3A_1296 = arith.cmpi eq, %select_n3A_107, %eq3A_1295 : i32
    %eq3A_1297 = arith.constant 59 : i32
    %eq3A_1298 = arith.cmpi eq, %add3A_109, %eq3A_1297 : i32
    %or3A_1299 = arith.ori %eq3A_1296, %eq3A_1298 : i1
    %convert_element_type3A_1300 = arith.extui %or3A_1299 : i1 to i32
    %convert_element_type3A_1301 = arith.sitofp %convert_element_type3A_1300 : i32 to f32
    %sub3A_1302 = arith.constant 1.000000e+00 : f32
    %sub3A_1303 = arith.subf %sub3A_1302, %convert_element_type3A_1301 : f32
    %mul3A_1304 = vector.broadcast %convert_element_type3A_1301 : f32 to vector<4x768xf32>
    %mul3A_1305 = arith.mulf %add3A_1294, %mul3A_1304 : vector<4x768xf32>
    %add3A_1306 = arith.addf %add3A_1286, %mul3A_1305 : vector<4x768xf32>
    %mul3A_1307 = vector.broadcast %sub3A_1303 : f32 to vector<4x768xf32>
    %mul3A_1308 = arith.mulf %add3A_1294, %mul3A_1307 : vector<4x768xf32>
    %get3A_1309 = arith.constant 59 : index
    %get3A_1310 = arith.constant 0 : index
    %get3A_1311 = arith.constant 0 : index
    %get3A_1312 = vector.load %arg5[%get3A_1309, %get3A_1310, %get3A_1311] : memref<256x4x768xf32, #tpu.memory_space<vmem>>, vector<1x4x768xf32>
    %get3A_1313 = vector.shape_cast %get3A_1312 : vector<1x4x768xf32> to vector<4x768xf32>
    %add3A_1314 = arith.addf %mul3A_1308, %get3A_1313 : vector<4x768xf32>
    %eq3A_1315 = arith.constant 60 : i32
    %eq3A_1316 = arith.cmpi eq, %select_n3A_107, %eq3A_1315 : i32
    %eq3A_1317 = arith.constant 60 : i32
    %eq3A_1318 = arith.cmpi eq, %add3A_109, %eq3A_1317 : i32
    %or3A_1319 = arith.ori %eq3A_1316, %eq3A_1318 : i1
    %convert_element_type3A_1320 = arith.extui %or3A_1319 : i1 to i32
    %convert_element_type3A_1321 = arith.sitofp %convert_element_type3A_1320 : i32 to f32
    %sub3A_1322 = arith.constant 1.000000e+00 : f32
    %sub3A_1323 = arith.subf %sub3A_1322, %convert_element_type3A_1321 : f32
    %mul3A_1324 = vector.broadcast %convert_element_type3A_1321 : f32 to vector<4x768xf32>
    %mul3A_1325 = arith.mulf %add3A_1314, %mul3A_1324 : vector<4x768xf32>
    %add3A_1326 = arith.addf %add3A_1306, %mul3A_1325 : vector<4x768xf32>
    %mul3A_1327 = vector.broadcast %sub3A_1323 : f32 to vector<4x768xf32>
    %mul3A_1328 = arith.mulf %add3A_1314, %mul3A_1327 : vector<4x768xf32>
    %get3A_1329 = arith.constant 60 : index
    %get3A_1330 = arith.constant 0 : index
    %get3A_1331 = arith.constant 0 : index
    %get3A_1332 = vector.load %arg5[%get3A_1329, %get3A_1330, %get3A_1331] : memref<256x4x768xf32, #tpu.memory_space<vmem>>, vector<1x4x768xf32>
    %get3A_1333 = vector.shape_cast %get3A_1332 : vector<1x4x768xf32> to vector<4x768xf32>
    %add3A_1334 = arith.addf %mul3A_1328, %get3A_1333 : vector<4x768xf32>
    %eq3A_1335 = arith.constant 61 : i32
    %eq3A_1336 = arith.cmpi eq, %select_n3A_107, %eq3A_1335 : i32
    %eq3A_1337 = arith.constant 61 : i32
    %eq3A_1338 = arith.cmpi eq, %add3A_109, %eq3A_1337 : i32
    %or3A_1339 = arith.ori %eq3A_1336, %eq3A_1338 : i1
    %convert_element_type3A_1340 = arith.extui %or3A_1339 : i1 to i32
    %convert_element_type3A_1341 = arith.sitofp %convert_element_type3A_1340 : i32 to f32
    %sub3A_1342 = arith.constant 1.000000e+00 : f32
    %sub3A_1343 = arith.subf %sub3A_1342, %convert_element_type3A_1341 : f32
    %mul3A_1344 = vector.broadcast %convert_element_type3A_1341 : f32 to vector<4x768xf32>
    %mul3A_1345 = arith.mulf %add3A_1334, %mul3A_1344 : vector<4x768xf32>
    %add3A_1346 = arith.addf %add3A_1326, %mul3A_1345 : vector<4x768xf32>
    %mul3A_1347 = vector.broadcast %sub3A_1343 : f32 to vector<4x768xf32>
    %mul3A_1348 = arith.mulf %add3A_1334, %mul3A_1347 : vector<4x768xf32>
    %get3A_1349 = arith.constant 61 : index
    %get3A_1350 = arith.constant 0 : index
    %get3A_1351 = arith.constant 0 : index
    %get3A_1352 = vector.load %arg5[%get3A_1349, %get3A_1350, %get3A_1351] : memref<256x4x768xf32, #tpu.memory_space<vmem>>, vector<1x4x768xf32>
    %get3A_1353 = vector.shape_cast %get3A_1352 : vector<1x4x768xf32> to vector<4x768xf32>
    %add3A_1354 = arith.addf %mul3A_1348, %get3A_1353 : vector<4x768xf32>
    %eq3A_1355 = arith.constant 62 : i32
    %eq3A_1356 = arith.cmpi eq, %select_n3A_107, %eq3A_1355 : i32
    %eq3A_1357 = arith.constant 62 : i32
    %eq3A_1358 = arith.cmpi eq, %add3A_109, %eq3A_1357 : i32
    %or3A_1359 = arith.ori %eq3A_1356, %eq3A_1358 : i1
    %convert_element_type3A_1360 = arith.extui %or3A_1359 : i1 to i32
    %convert_element_type3A_1361 = arith.sitofp %convert_element_type3A_1360 : i32 to f32
    %sub3A_1362 = arith.constant 1.000000e+00 : f32
    %sub3A_1363 = arith.subf %sub3A_1362, %convert_element_type3A_1361 : f32
    %mul3A_1364 = vector.broadcast %convert_element_type3A_1361 : f32 to vector<4x768xf32>
    %mul3A_1365 = arith.mulf %add3A_1354, %mul3A_1364 : vector<4x768xf32>
    %add3A_1366 = arith.addf %add3A_1346, %mul3A_1365 : vector<4x768xf32>
    %mul3A_1367 = vector.broadcast %sub3A_1363 : f32 to vector<4x768xf32>
    %mul3A_1368 = arith.mulf %add3A_1354, %mul3A_1367 : vector<4x768xf32>
    %get3A_1369 = arith.constant 62 : index
    %get3A_1370 = arith.constant 0 : index
    %get3A_1371 = arith.constant 0 : index
    %get3A_1372 = vector.load %arg5[%get3A_1369, %get3A_1370, %get3A_1371] : memref<256x4x768xf32, #tpu.memory_space<vmem>>, vector<1x4x768xf32>
    %get3A_1373 = vector.shape_cast %get3A_1372 : vector<1x4x768xf32> to vector<4x768xf32>
    %add3A_1374 = arith.addf %mul3A_1368, %get3A_1373 : vector<4x768xf32>
    %eq3A_1375 = arith.constant 63 : i32
    %eq3A_1376 = arith.cmpi eq, %select_n3A_107, %eq3A_1375 : i32
    %eq3A_1377 = arith.constant 63 : i32
    %eq3A_1378 = arith.cmpi eq, %add3A_109, %eq3A_1377 : i32
    %or3A_1379 = arith.ori %eq3A_1376, %eq3A_1378 : i1
    %convert_element_type3A_1380 = arith.extui %or3A_1379 : i1 to i32
    %convert_element_type3A_1381 = arith.sitofp %convert_element_type3A_1380 : i32 to f32
    %sub3A_1382 = arith.constant 1.000000e+00 : f32
    %sub3A_1383 = arith.subf %sub3A_1382, %convert_element_type3A_1381 : f32
    %mul3A_1384 = vector.broadcast %convert_element_type3A_1381 : f32 to vector<4x768xf32>
    %mul3A_1385 = arith.mulf %add3A_1374, %mul3A_1384 : vector<4x768xf32>
    %add3A_1386 = arith.addf %add3A_1366, %mul3A_1385 : vector<4x768xf32>
    %mul3A_1387 = vector.broadcast %sub3A_1383 : f32 to vector<4x768xf32>
    %mul3A_1388 = arith.mulf %add3A_1374, %mul3A_1387 : vector<4x768xf32>
    %get3A_1389 = arith.constant 63 : index
    %get3A_1390 = arith.constant 0 : index
    %get3A_1391 = arith.constant 0 : index
    %get3A_1392 = vector.load %arg5[%get3A_1389, %get3A_1390, %get3A_1391] : memref<256x4x768xf32, #tpu.memory_space<vmem>>, vector<1x4x768xf32>
    %get3A_1393 = vector.shape_cast %get3A_1392 : vector<1x4x768xf32> to vector<4x768xf32>
    %add3A_1394 = arith.addf %mul3A_1388, %get3A_1393 : vector<4x768xf32>
    %eq3A_1395 = arith.constant 64 : i32
    %eq3A_1396 = arith.cmpi eq, %select_n3A_107, %eq3A_1395 : i32
    %eq3A_1397 = arith.constant 64 : i32
    %eq3A_1398 = arith.cmpi eq, %add3A_109, %eq3A_1397 : i32
    %or3A_1399 = arith.ori %eq3A_1396, %eq3A_1398 : i1
    %convert_element_type3A_1400 = arith.extui %or3A_1399 : i1 to i32
    %convert_element_type3A_1401 = arith.sitofp %convert_element_type3A_1400 : i32 to f32
    %sub3A_1402 = arith.constant 1.000000e+00 : f32
    %sub3A_1403 = arith.subf %sub3A_1402, %convert_element_type3A_1401 : f32
    %mul3A_1404 = vector.broadcast %convert_element_type3A_1401 : f32 to vector<4x768xf32>
    %mul3A_1405 = arith.mulf %add3A_1394, %mul3A_1404 : vector<4x768xf32>
    %add3A_1406 = arith.addf %add3A_1386, %mul3A_1405 : vector<4x768xf32>
    %mul3A_1407 = vector.broadcast %sub3A_1403 : f32 to vector<4x768xf32>
    %mul3A_1408 = arith.mulf %add3A_1394, %mul3A_1407 : vector<4x768xf32>
    %get3A_1409 = arith.constant 64 : index
    %get3A_1410 = arith.constant 0 : index
    %get3A_1411 = arith.constant 0 : index
    %get3A_1412 = vector.load %arg5[%get3A_1409, %get3A_1410, %get3A_1411] : memref<256x4x768xf32, #tpu.memory_space<vmem>>, vector<1x4x768xf32>
    %get3A_1413 = vector.shape_cast %get3A_1412 : vector<1x4x768xf32> to vector<4x768xf32>
    %add3A_1414 = arith.addf %mul3A_1408, %get3A_1413 : vector<4x768xf32>
    %eq3A_1415 = arith.constant 65 : i32
    %eq3A_1416 = arith.cmpi eq, %select_n3A_107, %eq3A_1415 : i32
    %eq3A_1417 = arith.constant 65 : i32
    %eq3A_1418 = arith.cmpi eq, %add3A_109, %eq3A_1417 : i32
    %or3A_1419 = arith.ori %eq3A_1416, %eq3A_1418 : i1
    %convert_element_type3A_1420 = arith.extui %or3A_1419 : i1 to i32
    %convert_element_type3A_1421 = arith.sitofp %convert_element_type3A_1420 : i32 to f32
    %sub3A_1422 = arith.constant 1.000000e+00 : f32
    %sub3A_1423 = arith.subf %sub3A_1422, %convert_element_type3A_1421 : f32
    %mul3A_1424 = vector.broadcast %convert_element_type3A_1421 : f32 to vector<4x768xf32>
    %mul3A_1425 = arith.mulf %add3A_1414, %mul3A_1424 : vector<4x768xf32>
    %add3A_1426 = arith.addf %add3A_1406, %mul3A_1425 : vector<4x768xf32>
    %mul3A_1427 = vector.broadcast %sub3A_1423 : f32 to vector<4x768xf32>
    %mul3A_1428 = arith.mulf %add3A_1414, %mul3A_1427 : vector<4x768xf32>
    %get3A_1429 = arith.constant 65 : index
    %get3A_1430 = arith.constant 0 : index
    %get3A_1431 = arith.constant 0 : index
    %get3A_1432 = vector.load %arg5[%get3A_1429, %get3A_1430, %get3A_1431] : memref<256x4x768xf32, #tpu.memory_space<vmem>>, vector<1x4x768xf32>
    %get3A_1433 = vector.shape_cast %get3A_1432 : vector<1x4x768xf32> to vector<4x768xf32>
    %add3A_1434 = arith.addf %mul3A_1428, %get3A_1433 : vector<4x768xf32>
    %eq3A_1435 = arith.constant 66 : i32
    %eq3A_1436 = arith.cmpi eq, %select_n3A_107, %eq3A_1435 : i32
    %eq3A_1437 = arith.constant 66 : i32
    %eq3A_1438 = arith.cmpi eq, %add3A_109, %eq3A_1437 : i32
    %or3A_1439 = arith.ori %eq3A_1436, %eq3A_1438 : i1
    %convert_element_type3A_1440 = arith.extui %or3A_1439 : i1 to i32
    %convert_element_type3A_1441 = arith.sitofp %convert_element_type3A_1440 : i32 to f32
    %sub3A_1442 = arith.constant 1.000000e+00 : f32
    %sub3A_1443 = arith.subf %sub3A_1442, %convert_element_type3A_1441 : f32
    %mul3A_1444 = vector.broadcast %convert_element_type3A_1441 : f32 to vector<4x768xf32>
    %mul3A_1445 = arith.mulf %add3A_1434, %mul3A_1444 : vector<4x768xf32>
    %add3A_1446 = arith.addf %add3A_1426, %mul3A_1445 : vector<4x768xf32>
    %mul3A_1447 = vector.broadcast %sub3A_1443 : f32 to vector<4x768xf32>
    %mul3A_1448 = arith.mulf %add3A_1434, %mul3A_1447 : vector<4x768xf32>
    %get3A_1449 = arith.constant 66 : index
    %get3A_1450 = arith.constant 0 : index
    %get3A_1451 = arith.constant 0 : index
    %get3A_1452 = vector.load %arg5[%get3A_1449, %get3A_1450, %get3A_1451] : memref<256x4x768xf32, #tpu.memory_space<vmem>>, vector<1x4x768xf32>
    %get3A_1453 = vector.shape_cast %get3A_1452 : vector<1x4x768xf32> to vector<4x768xf32>
    %add3A_1454 = arith.addf %mul3A_1448, %get3A_1453 : vector<4x768xf32>
    %eq3A_1455 = arith.constant 67 : i32
    %eq3A_1456 = arith.cmpi eq, %select_n3A_107, %eq3A_1455 : i32
    %eq3A_1457 = arith.constant 67 : i32
    %eq3A_1458 = arith.cmpi eq, %add3A_109, %eq3A_1457 : i32
    %or3A_1459 = arith.ori %eq3A_1456, %eq3A_1458 : i1
    %convert_element_type3A_1460 = arith.extui %or3A_1459 : i1 to i32
    %convert_element_type3A_1461 = arith.sitofp %convert_element_type3A_1460 : i32 to f32
    %sub3A_1462 = arith.constant 1.000000e+00 : f32
    %sub3A_1463 = arith.subf %sub3A_1462, %convert_element_type3A_1461 : f32
    %mul3A_1464 = vector.broadcast %convert_element_type3A_1461 : f32 to vector<4x768xf32>
    %mul3A_1465 = arith.mulf %add3A_1454, %mul3A_1464 : vector<4x768xf32>
    %add3A_1466 = arith.addf %add3A_1446, %mul3A_1465 : vector<4x768xf32>
    %mul3A_1467 = vector.broadcast %sub3A_1463 : f32 to vector<4x768xf32>
    %mul3A_1468 = arith.mulf %add3A_1454, %mul3A_1467 : vector<4x768xf32>
    %get3A_1469 = arith.constant 67 : index
    %get3A_1470 = arith.constant 0 : index
    %get3A_1471 = arith.constant 0 : index
    %get3A_1472 = vector.load %arg5[%get3A_1469, %get3A_1470, %get3A_1471] : memref<256x4x768xf32, #tpu.memory_space<vmem>>, vector<1x4x768xf32>
    %get3A_1473 = vector.shape_cast %get3A_1472 : vector<1x4x768xf32> to vector<4x768xf32>
    %add3A_1474 = arith.addf %mul3A_1468, %get3A_1473 : vector<4x768xf32>
    %eq3A_1475 = arith.constant 68 : i32
    %eq3A_1476 = arith.cmpi eq, %select_n3A_107, %eq3A_1475 : i32
    %eq3A_1477 = arith.constant 68 : i32
    %eq3A_1478 = arith.cmpi eq, %add3A_109, %eq3A_1477 : i32
    %or3A_1479 = arith.ori %eq3A_1476, %eq3A_1478 : i1
    %convert_element_type3A_1480 = arith.extui %or3A_1479 : i1 to i32
    %convert_element_type3A_1481 = arith.sitofp %convert_element_type3A_1480 : i32 to f32
    %sub3A_1482 = arith.constant 1.000000e+00 : f32
    %sub3A_1483 = arith.subf %sub3A_1482, %convert_element_type3A_1481 : f32
    %mul3A_1484 = vector.broadcast %convert_element_type3A_1481 : f32 to vector<4x768xf32>
    %mul3A_1485 = arith.mulf %add3A_1474, %mul3A_1484 : vector<4x768xf32>
    %add3A_1486 = arith.addf %add3A_1466, %mul3A_1485 : vector<4x768xf32>
    %mul3A_1487 = vector.broadcast %sub3A_1483 : f32 to vector<4x768xf32>
    %mul3A_1488 = arith.mulf %add3A_1474, %mul3A_1487 : vector<4x768xf32>
    %get3A_1489 = arith.constant 68 : index
    %get3A_1490 = arith.constant 0 : index
    %get3A_1491 = arith.constant 0 : index
    %get3A_1492 = vector.load %arg5[%get3A_1489, %get3A_1490, %get3A_1491] : memref<256x4x768xf32, #tpu.memory_space<vmem>>, vector<1x4x768xf32>
    %get3A_1493 = vector.shape_cast %get3A_1492 : vector<1x4x768xf32> to vector<4x768xf32>
    %add3A_1494 = arith.addf %mul3A_1488, %get3A_1493 : vector<4x768xf32>
    %eq3A_1495 = arith.constant 69 : i32
    %eq3A_1496 = arith.cmpi eq, %select_n3A_107, %eq3A_1495 : i32
    %eq3A_1497 = arith.constant 69 : i32
    %eq3A_1498 = arith.cmpi eq, %add3A_109, %eq3A_1497 : i32
    %or3A_1499 = arith.ori %eq3A_1496, %eq3A_1498 : i1
    %convert_element_type3A_1500 = arith.extui %or3A_1499 : i1 to i32
    %convert_element_type3A_1501 = arith.sitofp %convert_element_type3A_1500 : i32 to f32
    %sub3A_1502 = arith.constant 1.000000e+00 : f32
    %sub3A_1503 = arith.subf %sub3A_1502, %convert_element_type3A_1501 : f32
    %mul3A_1504 = vector.broadcast %convert_element_type3A_1501 : f32 to vector<4x768xf32>
    %mul3A_1505 = arith.mulf %add3A_1494, %mul3A_1504 : vector<4x768xf32>
    %add3A_1506 = arith.addf %add3A_1486, %mul3A_1505 : vector<4x768xf32>
    %mul3A_1507 = vector.broadcast %sub3A_1503 : f32 to vector<4x768xf32>
    %mul3A_1508 = arith.mulf %add3A_1494, %mul3A_1507 : vector<4x768xf32>
    %get3A_1509 = arith.constant 69 : index
    %get3A_1510 = arith.constant 0 : index
    %get3A_1511 = arith.constant 0 : index
    %get3A_1512 = vector.load %arg5[%get3A_1509, %get3A_1510, %get3A_1511] : memref<256x4x768xf32, #tpu.memory_space<vmem>>, vector<1x4x768xf32>
    %get3A_1513 = vector.shape_cast %get3A_1512 : vector<1x4x768xf32> to vector<4x768xf32>
    %add3A_1514 = arith.addf %mul3A_1508, %get3A_1513 : vector<4x768xf32>
    %eq3A_1515 = arith.constant 70 : i32
    %eq3A_1516 = arith.cmpi eq, %select_n3A_107, %eq3A_1515 : i32
    %eq3A_1517 = arith.constant 70 : i32
    %eq3A_1518 = arith.cmpi eq, %add3A_109, %eq3A_1517 : i32
    %or3A_1519 = arith.ori %eq3A_1516, %eq3A_1518 : i1
    %convert_element_type3A_1520 = arith.extui %or3A_1519 : i1 to i32
    %convert_element_type3A_1521 = arith.sitofp %convert_element_type3A_1520 : i32 to f32
    %sub3A_1522 = arith.constant 1.000000e+00 : f32
    %sub3A_1523 = arith.subf %sub3A_1522, %convert_element_type3A_1521 : f32
    %mul3A_1524 = vector.broadcast %convert_element_type3A_1521 : f32 to vector<4x768xf32>
    %mul3A_1525 = arith.mulf %add3A_1514, %mul3A_1524 : vector<4x768xf32>
    %add3A_1526 = arith.addf %add3A_1506, %mul3A_1525 : vector<4x768xf32>
    %mul3A_1527 = vector.broadcast %sub3A_1523 : f32 to vector<4x768xf32>
    %mul3A_1528 = arith.mulf %add3A_1514, %mul3A_1527 : vector<4x768xf32>
    %get3A_1529 = arith.constant 70 : index
    %get3A_1530 = arith.constant 0 : index
    %get3A_1531 = arith.constant 0 : index
    %get3A_1532 = vector.load %arg5[%get3A_1529, %get3A_1530, %get3A_1531] : memref<256x4x768xf32, #tpu.memory_space<vmem>>, vector<1x4x768xf32>
    %get3A_1533 = vector.shape_cast %get3A_1532 : vector<1x4x768xf32> to vector<4x768xf32>
    %add3A_1534 = arith.addf %mul3A_1528, %get3A_1533 : vector<4x768xf32>
    %eq3A_1535 = arith.constant 71 : i32
    %eq3A_1536 = arith.cmpi eq, %select_n3A_107, %eq3A_1535 : i32
    %eq3A_1537 = arith.constant 71 : i32
    %eq3A_1538 = arith.cmpi eq, %add3A_109, %eq3A_1537 : i32
    %or3A_1539 = arith.ori %eq3A_1536, %eq3A_1538 : i1
    %convert_element_type3A_1540 = arith.extui %or3A_1539 : i1 to i32
    %convert_element_type3A_1541 = arith.sitofp %convert_element_type3A_1540 : i32 to f32
    %sub3A_1542 = arith.constant 1.000000e+00 : f32
    %sub3A_1543 = arith.subf %sub3A_1542, %convert_element_type3A_1541 : f32
    %mul3A_1544 = vector.broadcast %convert_element_type3A_1541 : f32 to vector<4x768xf32>
    %mul3A_1545 = arith.mulf %add3A_1534, %mul3A_1544 : vector<4x768xf32>
    %add3A_1546 = arith.addf %add3A_1526, %mul3A_1545 : vector<4x768xf32>
    %mul3A_1547 = vector.broadcast %sub3A_1543 : f32 to vector<4x768xf32>
    %mul3A_1548 = arith.mulf %add3A_1534, %mul3A_1547 : vector<4x768xf32>
    %get3A_1549 = arith.constant 71 : index
    %get3A_1550 = arith.constant 0 : index
    %get3A_1551 = arith.constant 0 : index
    %get3A_1552 = vector.load %arg5[%get3A_1549, %get3A_1550, %get3A_1551] : memref<256x4x768xf32, #tpu.memory_space<vmem>>, vector<1x4x768xf32>
    %get3A_1553 = vector.shape_cast %get3A_1552 : vector<1x4x768xf32> to vector<4x768xf32>
    %add3A_1554 = arith.addf %mul3A_1548, %get3A_1553 : vector<4x768xf32>
    %eq3A_1555 = arith.constant 72 : i32
    %eq3A_1556 = arith.cmpi eq, %select_n3A_107, %eq3A_1555 : i32
    %eq3A_1557 = arith.constant 72 : i32
    %eq3A_1558 = arith.cmpi eq, %add3A_109, %eq3A_1557 : i32
    %or3A_1559 = arith.ori %eq3A_1556, %eq3A_1558 : i1
    %convert_element_type3A_1560 = arith.extui %or3A_1559 : i1 to i32
    %convert_element_type3A_1561 = arith.sitofp %convert_element_type3A_1560 : i32 to f32
    %sub3A_1562 = arith.constant 1.000000e+00 : f32
    %sub3A_1563 = arith.subf %sub3A_1562, %convert_element_type3A_1561 : f32
    %mul3A_1564 = vector.broadcast %convert_element_type3A_1561 : f32 to vector<4x768xf32>
    %mul3A_1565 = arith.mulf %add3A_1554, %mul3A_1564 : vector<4x768xf32>
    %add3A_1566 = arith.addf %add3A_1546, %mul3A_1565 : vector<4x768xf32>
    %mul3A_1567 = vector.broadcast %sub3A_1563 : f32 to vector<4x768xf32>
    %mul3A_1568 = arith.mulf %add3A_1554, %mul3A_1567 : vector<4x768xf32>
    %get3A_1569 = arith.constant 72 : index
    %get3A_1570 = arith.constant 0 : index
    %get3A_1571 = arith.constant 0 : index
    %get3A_1572 = vector.load %arg5[%get3A_1569, %get3A_1570, %get3A_1571] : memref<256x4x768xf32, #tpu.memory_space<vmem>>, vector<1x4x768xf32>
    %get3A_1573 = vector.shape_cast %get3A_1572 : vector<1x4x768xf32> to vector<4x768xf32>
    %add3A_1574 = arith.addf %mul3A_1568, %get3A_1573 : vector<4x768xf32>
    %eq3A_1575 = arith.constant 73 : i32
    %eq3A_1576 = arith.cmpi eq, %select_n3A_107, %eq3A_1575 : i32
    %eq3A_1577 = arith.constant 73 : i32
    %eq3A_1578 = arith.cmpi eq, %add3A_109, %eq3A_1577 : i32
    %or3A_1579 = arith.ori %eq3A_1576, %eq3A_1578 : i1
    %convert_element_type3A_1580 = arith.extui %or3A_1579 : i1 to i32
    %convert_element_type3A_1581 = arith.sitofp %convert_element_type3A_1580 : i32 to f32
    %sub3A_1582 = arith.constant 1.000000e+00 : f32
    %sub3A_1583 = arith.subf %sub3A_1582, %convert_element_type3A_1581 : f32
    %mul3A_1584 = vector.broadcast %convert_element_type3A_1581 : f32 to vector<4x768xf32>
    %mul3A_1585 = arith.mulf %add3A_1574, %mul3A_1584 : vector<4x768xf32>
    %add3A_1586 = arith.addf %add3A_1566, %mul3A_1585 : vector<4x768xf32>
    %mul3A_1587 = vector.broadcast %sub3A_1583 : f32 to vector<4x768xf32>
    %mul3A_1588 = arith.mulf %add3A_1574, %mul3A_1587 : vector<4x768xf32>
    %get3A_1589 = arith.constant 73 : index
    %get3A_1590 = arith.constant 0 : index
    %get3A_1591 = arith.constant 0 : index
    %get3A_1592 = vector.load %arg5[%get3A_1589, %get3A_1590, %get3A_1591] : memref<256x4x768xf32, #tpu.memory_space<vmem>>, vector<1x4x768xf32>
    %get3A_1593 = vector.shape_cast %get3A_1592 : vector<1x4x768xf32> to vector<4x768xf32>
    %add3A_1594 = arith.addf %mul3A_1588, %get3A_1593 : vector<4x768xf32>
    %eq3A_1595 = arith.constant 74 : i32
    %eq3A_1596 = arith.cmpi eq, %select_n3A_107, %eq3A_1595 : i32
    %eq3A_1597 = arith.constant 74 : i32
    %eq3A_1598 = arith.cmpi eq, %add3A_109, %eq3A_1597 : i32
    %or3A_1599 = arith.ori %eq3A_1596, %eq3A_1598 : i1
    %convert_element_type3A_1600 = arith.extui %or3A_1599 : i1 to i32
    %convert_element_type3A_1601 = arith.sitofp %convert_element_type3A_1600 : i32 to f32
    %sub3A_1602 = arith.constant 1.000000e+00 : f32
    %sub3A_1603 = arith.subf %sub3A_1602, %convert_element_type3A_1601 : f32
    %mul3A_1604 = vector.broadcast %convert_element_type3A_1601 : f32 to vector<4x768xf32>
    %mul3A_1605 = arith.mulf %add3A_1594, %mul3A_1604 : vector<4x768xf32>
    %add3A_1606 = arith.addf %add3A_1586, %mul3A_1605 : vector<4x768xf32>
    %mul3A_1607 = vector.broadcast %sub3A_1603 : f32 to vector<4x768xf32>
    %mul3A_1608 = arith.mulf %add3A_1594, %mul3A_1607 : vector<4x768xf32>
    %get3A_1609 = arith.constant 74 : index
    %get3A_1610 = arith.constant 0 : index
    %get3A_1611 = arith.constant 0 : index
    %get3A_1612 = vector.load %arg5[%get3A_1609, %get3A_1610, %get3A_1611] : memref<256x4x768xf32, #tpu.memory_space<vmem>>, vector<1x4x768xf32>
    %get3A_1613 = vector.shape_cast %get3A_1612 : vector<1x4x768xf32> to vector<4x768xf32>
    %add3A_1614 = arith.addf %mul3A_1608, %get3A_1613 : vector<4x768xf32>
    %eq3A_1615 = arith.constant 75 : i32
    %eq3A_1616 = arith.cmpi eq, %select_n3A_107, %eq3A_1615 : i32
    %eq3A_1617 = arith.constant 75 : i32
    %eq3A_1618 = arith.cmpi eq, %add3A_109, %eq3A_1617 : i32
    %or3A_1619 = arith.ori %eq3A_1616, %eq3A_1618 : i1
    %convert_element_type3A_1620 = arith.extui %or3A_1619 : i1 to i32
    %convert_element_type3A_1621 = arith.sitofp %convert_element_type3A_1620 : i32 to f32
    %sub3A_1622 = arith.constant 1.000000e+00 : f32
    %sub3A_1623 = arith.subf %sub3A_1622, %convert_element_type3A_1621 : f32
    %mul3A_1624 = vector.broadcast %convert_element_type3A_1621 : f32 to vector<4x768xf32>
    %mul3A_1625 = arith.mulf %add3A_1614, %mul3A_1624 : vector<4x768xf32>
    %add3A_1626 = arith.addf %add3A_1606, %mul3A_1625 : vector<4x768xf32>
    %mul3A_1627 = vector.broadcast %sub3A_1623 : f32 to vector<4x768xf32>
    %mul3A_1628 = arith.mulf %add3A_1614, %mul3A_1627 : vector<4x768xf32>
    %get3A_1629 = arith.constant 75 : index
    %get3A_1630 = arith.constant 0 : index
    %get3A_1631 = arith.constant 0 : index
    %get3A_1632 = vector.load %arg5[%get3A_1629, %get3A_1630, %get3A_1631] : memref<256x4x768xf32, #tpu.memory_space<vmem>>, vector<1x4x768xf32>
    %get3A_1633 = vector.shape_cast %get3A_1632 : vector<1x4x768xf32> to vector<4x768xf32>
    %add3A_1634 = arith.addf %mul3A_1628, %get3A_1633 : vector<4x768xf32>
    %eq3A_1635 = arith.constant 76 : i32
    %eq3A_1636 = arith.cmpi eq, %select_n3A_107, %eq3A_1635 : i32
    %eq3A_1637 = arith.constant 76 : i32
    %eq3A_1638 = arith.cmpi eq, %add3A_109, %eq3A_1637 : i32
    %or3A_1639 = arith.ori %eq3A_1636, %eq3A_1638 : i1
    %convert_element_type3A_1640 = arith.extui %or3A_1639 : i1 to i32
    %convert_element_type3A_1641 = arith.sitofp %convert_element_type3A_1640 : i32 to f32
    %sub3A_1642 = arith.constant 1.000000e+00 : f32
    %sub3A_1643 = arith.subf %sub3A_1642, %convert_element_type3A_1641 : f32
    %mul3A_1644 = vector.broadcast %convert_element_type3A_1641 : f32 to vector<4x768xf32>
    %mul3A_1645 = arith.mulf %add3A_1634, %mul3A_1644 : vector<4x768xf32>
    %add3A_1646 = arith.addf %add3A_1626, %mul3A_1645 : vector<4x768xf32>
    %mul3A_1647 = vector.broadcast %sub3A_1643 : f32 to vector<4x768xf32>
    %mul3A_1648 = arith.mulf %add3A_1634, %mul3A_1647 : vector<4x768xf32>
    %get3A_1649 = arith.constant 76 : index
    %get3A_1650 = arith.constant 0 : index
    %get3A_1651 = arith.constant 0 : index
    %get3A_1652 = vector.load %arg5[%get3A_1649, %get3A_1650, %get3A_1651] : memref<256x4x768xf32, #tpu.memory_space<vmem>>, vector<1x4x768xf32>
    %get3A_1653 = vector.shape_cast %get3A_1652 : vector<1x4x768xf32> to vector<4x768xf32>
    %add3A_1654 = arith.addf %mul3A_1648, %get3A_1653 : vector<4x768xf32>
    %eq3A_1655 = arith.constant 77 : i32
    %eq3A_1656 = arith.cmpi eq, %select_n3A_107, %eq3A_1655 : i32
    %eq3A_1657 = arith.constant 77 : i32
    %eq3A_1658 = arith.cmpi eq, %add3A_109, %eq3A_1657 : i32
    %or3A_1659 = arith.ori %eq3A_1656, %eq3A_1658 : i1
    %convert_element_type3A_1660 = arith.extui %or3A_1659 : i1 to i32
    %convert_element_type3A_1661 = arith.sitofp %convert_element_type3A_1660 : i32 to f32
    %sub3A_1662 = arith.constant 1.000000e+00 : f32
    %sub3A_1663 = arith.subf %sub3A_1662, %convert_element_type3A_1661 : f32
    %mul3A_1664 = vector.broadcast %convert_element_type3A_1661 : f32 to vector<4x768xf32>
    %mul3A_1665 = arith.mulf %add3A_1654, %mul3A_1664 : vector<4x768xf32>
    %add3A_1666 = arith.addf %add3A_1646, %mul3A_1665 : vector<4x768xf32>
    %mul3A_1667 = vector.broadcast %sub3A_1663 : f32 to vector<4x768xf32>
    %mul3A_1668 = arith.mulf %add3A_1654, %mul3A_1667 : vector<4x768xf32>
    %get3A_1669 = arith.constant 77 : index
    %get3A_1670 = arith.constant 0 : index
    %get3A_1671 = arith.constant 0 : index
    %get3A_1672 = vector.load %arg5[%get3A_1669, %get3A_1670, %get3A_1671] : memref<256x4x768xf32, #tpu.memory_space<vmem>>, vector<1x4x768xf32>
    %get3A_1673 = vector.shape_cast %get3A_1672 : vector<1x4x768xf32> to vector<4x768xf32>
    %add3A_1674 = arith.addf %mul3A_1668, %get3A_1673 : vector<4x768xf32>
    %eq3A_1675 = arith.constant 78 : i32
    %eq3A_1676 = arith.cmpi eq, %select_n3A_107, %eq3A_1675 : i32
    %eq3A_1677 = arith.constant 78 : i32
    %eq3A_1678 = arith.cmpi eq, %add3A_109, %eq3A_1677 : i32
    %or3A_1679 = arith.ori %eq3A_1676, %eq3A_1678 : i1
    %convert_element_type3A_1680 = arith.extui %or3A_1679 : i1 to i32
    %convert_element_type3A_1681 = arith.sitofp %convert_element_type3A_1680 : i32 to f32
    %sub3A_1682 = arith.constant 1.000000e+00 : f32
    %sub3A_1683 = arith.subf %sub3A_1682, %convert_element_type3A_1681 : f32
    %mul3A_1684 = vector.broadcast %convert_element_type3A_1681 : f32 to vector<4x768xf32>
    %mul3A_1685 = arith.mulf %add3A_1674, %mul3A_1684 : vector<4x768xf32>
    %add3A_1686 = arith.addf %add3A_1666, %mul3A_1685 : vector<4x768xf32>
    %mul3A_1687 = vector.broadcast %sub3A_1683 : f32 to vector<4x768xf32>
    %mul3A_1688 = arith.mulf %add3A_1674, %mul3A_1687 : vector<4x768xf32>
    %get3A_1689 = arith.constant 78 : index
    %get3A_1690 = arith.constant 0 : index
    %get3A_1691 = arith.constant 0 : index
    %get3A_1692 = vector.load %arg5[%get3A_1689, %get3A_1690, %get3A_1691] : memref<256x4x768xf32, #tpu.memory_space<vmem>>, vector<1x4x768xf32>
    %get3A_1693 = vector.shape_cast %get3A_1692 : vector<1x4x768xf32> to vector<4x768xf32>
    %add3A_1694 = arith.addf %mul3A_1688, %get3A_1693 : vector<4x768xf32>
    %eq3A_1695 = arith.constant 79 : i32
    %eq3A_1696 = arith.cmpi eq, %select_n3A_107, %eq3A_1695 : i32
    %eq3A_1697 = arith.constant 79 : i32
    %eq3A_1698 = arith.cmpi eq, %add3A_109, %eq3A_1697 : i32
    %or3A_1699 = arith.ori %eq3A_1696, %eq3A_1698 : i1
    %convert_element_type3A_1700 = arith.extui %or3A_1699 : i1 to i32
    %convert_element_type3A_1701 = arith.sitofp %convert_element_type3A_1700 : i32 to f32
    %sub3A_1702 = arith.constant 1.000000e+00 : f32
    %sub3A_1703 = arith.subf %sub3A_1702, %convert_element_type3A_1701 : f32
    %mul3A_1704 = vector.broadcast %convert_element_type3A_1701 : f32 to vector<4x768xf32>
    %mul3A_1705 = arith.mulf %add3A_1694, %mul3A_1704 : vector<4x768xf32>
    %add3A_1706 = arith.addf %add3A_1686, %mul3A_1705 : vector<4x768xf32>
    %mul3A_1707 = vector.broadcast %sub3A_1703 : f32 to vector<4x768xf32>
    %mul3A_1708 = arith.mulf %add3A_1694, %mul3A_1707 : vector<4x768xf32>
    %get3A_1709 = arith.constant 79 : index
    %get3A_1710 = arith.constant 0 : index
    %get3A_1711 = arith.constant 0 : index
    %get3A_1712 = vector.load %arg5[%get3A_1709, %get3A_1710, %get3A_1711] : memref<256x4x768xf32, #tpu.memory_space<vmem>>, vector<1x4x768xf32>
    %get3A_1713 = vector.shape_cast %get3A_1712 : vector<1x4x768xf32> to vector<4x768xf32>
    %add3A_1714 = arith.addf %mul3A_1708, %get3A_1713 : vector<4x768xf32>
    %eq3A_1715 = arith.constant 80 : i32
    %eq3A_1716 = arith.cmpi eq, %select_n3A_107, %eq3A_1715 : i32
    %eq3A_1717 = arith.constant 80 : i32
    %eq3A_1718 = arith.cmpi eq, %add3A_109, %eq3A_1717 : i32
    %or3A_1719 = arith.ori %eq3A_1716, %eq3A_1718 : i1
    %convert_element_type3A_1720 = arith.extui %or3A_1719 : i1 to i32
    %convert_element_type3A_1721 = arith.sitofp %convert_element_type3A_1720 : i32 to f32
    %sub3A_1722 = arith.constant 1.000000e+00 : f32
    %sub3A_1723 = arith.subf %sub3A_1722, %convert_element_type3A_1721 : f32
    %mul3A_1724 = vector.broadcast %convert_element_type3A_1721 : f32 to vector<4x768xf32>
    %mul3A_1725 = arith.mulf %add3A_1714, %mul3A_1724 : vector<4x768xf32>
    %add3A_1726 = arith.addf %add3A_1706, %mul3A_1725 : vector<4x768xf32>
    %mul3A_1727 = vector.broadcast %sub3A_1723 : f32 to vector<4x768xf32>
    %mul3A_1728 = arith.mulf %add3A_1714, %mul3A_1727 : vector<4x768xf32>
    %get3A_1729 = arith.constant 80 : index
    %get3A_1730 = arith.constant 0 : index
    %get3A_1731 = arith.constant 0 : index
    %get3A_1732 = vector.load %arg5[%get3A_1729, %get3A_1730, %get3A_1731] : memref<256x4x768xf32, #tpu.memory_space<vmem>>, vector<1x4x768xf32>
    %get3A_1733 = vector.shape_cast %get3A_1732 : vector<1x4x768xf32> to vector<4x768xf32>
    %add3A_1734 = arith.addf %mul3A_1728, %get3A_1733 : vector<4x768xf32>
    %eq3A_1735 = arith.constant 81 : i32
    %eq3A_1736 = arith.cmpi eq, %select_n3A_107, %eq3A_1735 : i32
    %eq3A_1737 = arith.constant 81 : i32
    %eq3A_1738 = arith.cmpi eq, %add3A_109, %eq3A_1737 : i32
    %or3A_1739 = arith.ori %eq3A_1736, %eq3A_1738 : i1
    %convert_element_type3A_1740 = arith.extui %or3A_1739 : i1 to i32
    %convert_element_type3A_1741 = arith.sitofp %convert_element_type3A_1740 : i32 to f32
    %sub3A_1742 = arith.constant 1.000000e+00 : f32
    %sub3A_1743 = arith.subf %sub3A_1742, %convert_element_type3A_1741 : f32
    %mul3A_1744 = vector.broadcast %convert_element_type3A_1741 : f32 to vector<4x768xf32>
    %mul3A_1745 = arith.mulf %add3A_1734, %mul3A_1744 : vector<4x768xf32>
    %add3A_1746 = arith.addf %add3A_1726, %mul3A_1745 : vector<4x768xf32>
    %mul3A_1747 = vector.broadcast %sub3A_1743 : f32 to vector<4x768xf32>
    %mul3A_1748 = arith.mulf %add3A_1734, %mul3A_1747 : vector<4x768xf32>
    %get3A_1749 = arith.constant 81 : index
    %get3A_1750 = arith.constant 0 : index
    %get3A_1751 = arith.constant 0 : index
    %get3A_1752 = vector.load %arg5[%get3A_1749, %get3A_1750, %get3A_1751] : memref<256x4x768xf32, #tpu.memory_space<vmem>>, vector<1x4x768xf32>
    %get3A_1753 = vector.shape_cast %get3A_1752 : vector<1x4x768xf32> to vector<4x768xf32>
    %add3A_1754 = arith.addf %mul3A_1748, %get3A_1753 : vector<4x768xf32>
    %eq3A_1755 = arith.constant 82 : i32
    %eq3A_1756 = arith.cmpi eq, %select_n3A_107, %eq3A_1755 : i32
    %eq3A_1757 = arith.constant 82 : i32
    %eq3A_1758 = arith.cmpi eq, %add3A_109, %eq3A_1757 : i32
    %or3A_1759 = arith.ori %eq3A_1756, %eq3A_1758 : i1
    %convert_element_type3A_1760 = arith.extui %or3A_1759 : i1 to i32
    %convert_element_type3A_1761 = arith.sitofp %convert_element_type3A_1760 : i32 to f32
    %sub3A_1762 = arith.constant 1.000000e+00 : f32
    %sub3A_1763 = arith.subf %sub3A_1762, %convert_element_type3A_1761 : f32
    %mul3A_1764 = vector.broadcast %convert_element_type3A_1761 : f32 to vector<4x768xf32>
    %mul3A_1765 = arith.mulf %add3A_1754, %mul3A_1764 : vector<4x768xf32>
    %add3A_1766 = arith.addf %add3A_1746, %mul3A_1765 : vector<4x768xf32>
    %mul3A_1767 = vector.broadcast %sub3A_1763 : f32 to vector<4x768xf32>
    %mul3A_1768 = arith.mulf %add3A_1754, %mul3A_1767 : vector<4x768xf32>
    %get3A_1769 = arith.constant 82 : index
    %get3A_1770 = arith.constant 0 : index
    %get3A_1771 = arith.constant 0 : index
    %get3A_1772 = vector.load %arg5[%get3A_1769, %get3A_1770, %get3A_1771] : memref<256x4x768xf32, #tpu.memory_space<vmem>>, vector<1x4x768xf32>
    %get3A_1773 = vector.shape_cast %get3A_1772 : vector<1x4x768xf32> to vector<4x768xf32>
    %add3A_1774 = arith.addf %mul3A_1768, %get3A_1773 : vector<4x768xf32>
    %eq3A_1775 = arith.constant 83 : i32
    %eq3A_1776 = arith.cmpi eq, %select_n3A_107, %eq3A_1775 : i32
    %eq3A_1777 = arith.constant 83 : i32
    %eq3A_1778 = arith.cmpi eq, %add3A_109, %eq3A_1777 : i32
    %or3A_1779 = arith.ori %eq3A_1776, %eq3A_1778 : i1
    %convert_element_type3A_1780 = arith.extui %or3A_1779 : i1 to i32
    %convert_element_type3A_1781 = arith.sitofp %convert_element_type3A_1780 : i32 to f32
    %sub3A_1782 = arith.constant 1.000000e+00 : f32
    %sub3A_1783 = arith.subf %sub3A_1782, %convert_element_type3A_1781 : f32
    %mul3A_1784 = vector.broadcast %convert_element_type3A_1781 : f32 to vector<4x768xf32>
    %mul3A_1785 = arith.mulf %add3A_1774, %mul3A_1784 : vector<4x768xf32>
    %add3A_1786 = arith.addf %add3A_1766, %mul3A_1785 : vector<4x768xf32>
    %mul3A_1787 = vector.broadcast %sub3A_1783 : f32 to vector<4x768xf32>
    %mul3A_1788 = arith.mulf %add3A_1774, %mul3A_1787 : vector<4x768xf32>
    %get3A_1789 = arith.constant 83 : index
    %get3A_1790 = arith.constant 0 : index
    %get3A_1791 = arith.constant 0 : index
    %get3A_1792 = vector.load %arg5[%get3A_1789, %get3A_1790, %get3A_1791] : memref<256x4x768xf32, #tpu.memory_space<vmem>>, vector<1x4x768xf32>
    %get3A_1793 = vector.shape_cast %get3A_1792 : vector<1x4x768xf32> to vector<4x768xf32>
    %add3A_1794 = arith.addf %mul3A_1788, %get3A_1793 : vector<4x768xf32>
    %eq3A_1795 = arith.constant 84 : i32
    %eq3A_1796 = arith.cmpi eq, %select_n3A_107, %eq3A_1795 : i32
    %eq3A_1797 = arith.constant 84 : i32
    %eq3A_1798 = arith.cmpi eq, %add3A_109, %eq3A_1797 : i32
    %or3A_1799 = arith.ori %eq3A_1796, %eq3A_1798 : i1
    %convert_element_type3A_1800 = arith.extui %or3A_1799 : i1 to i32
    %convert_element_type3A_1801 = arith.sitofp %convert_element_type3A_1800 : i32 to f32
    %sub3A_1802 = arith.constant 1.000000e+00 : f32
    %sub3A_1803 = arith.subf %sub3A_1802, %convert_element_type3A_1801 : f32
    %mul3A_1804 = vector.broadcast %convert_element_type3A_1801 : f32 to vector<4x768xf32>
    %mul3A_1805 = arith.mulf %add3A_1794, %mul3A_1804 : vector<4x768xf32>
    %add3A_1806 = arith.addf %add3A_1786, %mul3A_1805 : vector<4x768xf32>
    %mul3A_1807 = vector.broadcast %sub3A_1803 : f32 to vector<4x768xf32>
    %mul3A_1808 = arith.mulf %add3A_1794, %mul3A_1807 : vector<4x768xf32>
    %get3A_1809 = arith.constant 84 : index
    %get3A_1810 = arith.constant 0 : index
    %get3A_1811 = arith.constant 0 : index
    %get3A_1812 = vector.load %arg5[%get3A_1809, %get3A_1810, %get3A_1811] : memref<256x4x768xf32, #tpu.memory_space<vmem>>, vector<1x4x768xf32>
    %get3A_1813 = vector.shape_cast %get3A_1812 : vector<1x4x768xf32> to vector<4x768xf32>
    %add3A_1814 = arith.addf %mul3A_1808, %get3A_1813 : vector<4x768xf32>
    %eq3A_1815 = arith.constant 85 : i32
    %eq3A_1816 = arith.cmpi eq, %select_n3A_107, %eq3A_1815 : i32
    %eq3A_1817 = arith.constant 85 : i32
    %eq3A_1818 = arith.cmpi eq, %add3A_109, %eq3A_1817 : i32
    %or3A_1819 = arith.ori %eq3A_1816, %eq3A_1818 : i1
    %convert_element_type3A_1820 = arith.extui %or3A_1819 : i1 to i32
    %convert_element_type3A_1821 = arith.sitofp %convert_element_type3A_1820 : i32 to f32
    %sub3A_1822 = arith.constant 1.000000e+00 : f32
    %sub3A_1823 = arith.subf %sub3A_1822, %convert_element_type3A_1821 : f32
    %mul3A_1824 = vector.broadcast %convert_element_type3A_1821 : f32 to vector<4x768xf32>
    %mul3A_1825 = arith.mulf %add3A_1814, %mul3A_1824 : vector<4x768xf32>
    %add3A_1826 = arith.addf %add3A_1806, %mul3A_1825 : vector<4x768xf32>
    %mul3A_1827 = vector.broadcast %sub3A_1823 : f32 to vector<4x768xf32>
    %mul3A_1828 = arith.mulf %add3A_1814, %mul3A_1827 : vector<4x768xf32>
    %get3A_1829 = arith.constant 85 : index
    %get3A_1830 = arith.constant 0 : index
    %get3A_1831 = arith.constant 0 : index
    %get3A_1832 = vector.load %arg5[%get3A_1829, %get3A_1830, %get3A_1831] : memref<256x4x768xf32, #tpu.memory_space<vmem>>, vector<1x4x768xf32>
    %get3A_1833 = vector.shape_cast %get3A_1832 : vector<1x4x768xf32> to vector<4x768xf32>
    %add3A_1834 = arith.addf %mul3A_1828, %get3A_1833 : vector<4x768xf32>
    %eq3A_1835 = arith.constant 86 : i32
    %eq3A_1836 = arith.cmpi eq, %select_n3A_107, %eq3A_1835 : i32
    %eq3A_1837 = arith.constant 86 : i32
    %eq3A_1838 = arith.cmpi eq, %add3A_109, %eq3A_1837 : i32
    %or3A_1839 = arith.ori %eq3A_1836, %eq3A_1838 : i1
    %convert_element_type3A_1840 = arith.extui %or3A_1839 : i1 to i32
    %convert_element_type3A_1841 = arith.sitofp %convert_element_type3A_1840 : i32 to f32
    %sub3A_1842 = arith.constant 1.000000e+00 : f32
    %sub3A_1843 = arith.subf %sub3A_1842, %convert_element_type3A_1841 : f32
    %mul3A_1844 = vector.broadcast %convert_element_type3A_1841 : f32 to vector<4x768xf32>
    %mul3A_1845 = arith.mulf %add3A_1834, %mul3A_1844 : vector<4x768xf32>
    %add3A_1846 = arith.addf %add3A_1826, %mul3A_1845 : vector<4x768xf32>
    %mul3A_1847 = vector.broadcast %sub3A_1843 : f32 to vector<4x768xf32>
    %mul3A_1848 = arith.mulf %add3A_1834, %mul3A_1847 : vector<4x768xf32>
    %get3A_1849 = arith.constant 86 : index
    %get3A_1850 = arith.constant 0 : index
    %get3A_1851 = arith.constant 0 : index
    %get3A_1852 = vector.load %arg5[%get3A_1849, %get3A_1850, %get3A_1851] : memref<256x4x768xf32, #tpu.memory_space<vmem>>, vector<1x4x768xf32>
    %get3A_1853 = vector.shape_cast %get3A_1852 : vector<1x4x768xf32> to vector<4x768xf32>
    %add3A_1854 = arith.addf %mul3A_1848, %get3A_1853 : vector<4x768xf32>
    %eq3A_1855 = arith.constant 87 : i32
    %eq3A_1856 = arith.cmpi eq, %select_n3A_107, %eq3A_1855 : i32
    %eq3A_1857 = arith.constant 87 : i32
    %eq3A_1858 = arith.cmpi eq, %add3A_109, %eq3A_1857 : i32
    %or3A_1859 = arith.ori %eq3A_1856, %eq3A_1858 : i1
    %convert_element_type3A_1860 = arith.extui %or3A_1859 : i1 to i32
    %convert_element_type3A_1861 = arith.sitofp %convert_element_type3A_1860 : i32 to f32
    %sub3A_1862 = arith.constant 1.000000e+00 : f32
    %sub3A_1863 = arith.subf %sub3A_1862, %convert_element_type3A_1861 : f32
    %mul3A_1864 = vector.broadcast %convert_element_type3A_1861 : f32 to vector<4x768xf32>
    %mul3A_1865 = arith.mulf %add3A_1854, %mul3A_1864 : vector<4x768xf32>
    %add3A_1866 = arith.addf %add3A_1846, %mul3A_1865 : vector<4x768xf32>
    %mul3A_1867 = vector.broadcast %sub3A_1863 : f32 to vector<4x768xf32>
    %mul3A_1868 = arith.mulf %add3A_1854, %mul3A_1867 : vector<4x768xf32>
    %get3A_1869 = arith.constant 87 : index
    %get3A_1870 = arith.constant 0 : index
    %get3A_1871 = arith.constant 0 : index
    %get3A_1872 = vector.load %arg5[%get3A_1869, %get3A_1870, %get3A_1871] : memref<256x4x768xf32, #tpu.memory_space<vmem>>, vector<1x4x768xf32>
    %get3A_1873 = vector.shape_cast %get3A_1872 : vector<1x4x768xf32> to vector<4x768xf32>
    %add3A_1874 = arith.addf %mul3A_1868, %get3A_1873 : vector<4x768xf32>
    %eq3A_1875 = arith.constant 88 : i32
    %eq3A_1876 = arith.cmpi eq, %select_n3A_107, %eq3A_1875 : i32
    %eq3A_1877 = arith.constant 88 : i32
    %eq3A_1878 = arith.cmpi eq, %add3A_109, %eq3A_1877 : i32
    %or3A_1879 = arith.ori %eq3A_1876, %eq3A_1878 : i1
    %convert_element_type3A_1880 = arith.extui %or3A_1879 : i1 to i32
    %convert_element_type3A_1881 = arith.sitofp %convert_element_type3A_1880 : i32 to f32
    %sub3A_1882 = arith.constant 1.000000e+00 : f32
    %sub3A_1883 = arith.subf %sub3A_1882, %convert_element_type3A_1881 : f32
    %mul3A_1884 = vector.broadcast %convert_element_type3A_1881 : f32 to vector<4x768xf32>
    %mul3A_1885 = arith.mulf %add3A_1874, %mul3A_1884 : vector<4x768xf32>
    %add3A_1886 = arith.addf %add3A_1866, %mul3A_1885 : vector<4x768xf32>
    %mul3A_1887 = vector.broadcast %sub3A_1883 : f32 to vector<4x768xf32>
    %mul3A_1888 = arith.mulf %add3A_1874, %mul3A_1887 : vector<4x768xf32>
    %get3A_1889 = arith.constant 88 : index
    %get3A_1890 = arith.constant 0 : index
    %get3A_1891 = arith.constant 0 : index
    %get3A_1892 = vector.load %arg5[%get3A_1889, %get3A_1890, %get3A_1891] : memref<256x4x768xf32, #tpu.memory_space<vmem>>, vector<1x4x768xf32>
    %get3A_1893 = vector.shape_cast %get3A_1892 : vector<1x4x768xf32> to vector<4x768xf32>
    %add3A_1894 = arith.addf %mul3A_1888, %get3A_1893 : vector<4x768xf32>
    %eq3A_1895 = arith.constant 89 : i32
    %eq3A_1896 = arith.cmpi eq, %select_n3A_107, %eq3A_1895 : i32
    %eq3A_1897 = arith.constant 89 : i32
    %eq3A_1898 = arith.cmpi eq, %add3A_109, %eq3A_1897 : i32
    %or3A_1899 = arith.ori %eq3A_1896, %eq3A_1898 : i1
    %convert_element_type3A_1900 = arith.extui %or3A_1899 : i1 to i32
    %convert_element_type3A_1901 = arith.sitofp %convert_element_type3A_1900 : i32 to f32
    %sub3A_1902 = arith.constant 1.000000e+00 : f32
    %sub3A_1903 = arith.subf %sub3A_1902, %convert_element_type3A_1901 : f32
    %mul3A_1904 = vector.broadcast %convert_element_type3A_1901 : f32 to vector<4x768xf32>
    %mul3A_1905 = arith.mulf %add3A_1894, %mul3A_1904 : vector<4x768xf32>
    %add3A_1906 = arith.addf %add3A_1886, %mul3A_1905 : vector<4x768xf32>
    %mul3A_1907 = vector.broadcast %sub3A_1903 : f32 to vector<4x768xf32>
    %mul3A_1908 = arith.mulf %add3A_1894, %mul3A_1907 : vector<4x768xf32>
    %get3A_1909 = arith.constant 89 : index
    %get3A_1910 = arith.constant 0 : index
    %get3A_1911 = arith.constant 0 : index
    %get3A_1912 = vector.load %arg5[%get3A_1909, %get3A_1910, %get3A_1911] : memref<256x4x768xf32, #tpu.memory_space<vmem>>, vector<1x4x768xf32>
    %get3A_1913 = vector.shape_cast %get3A_1912 : vector<1x4x768xf32> to vector<4x768xf32>
    %add3A_1914 = arith.addf %mul3A_1908, %get3A_1913 : vector<4x768xf32>
    %eq3A_1915 = arith.constant 90 : i32
    %eq3A_1916 = arith.cmpi eq, %select_n3A_107, %eq3A_1915 : i32
    %eq3A_1917 = arith.constant 90 : i32
    %eq3A_1918 = arith.cmpi eq, %add3A_109, %eq3A_1917 : i32
    %or3A_1919 = arith.ori %eq3A_1916, %eq3A_1918 : i1
    %convert_element_type3A_1920 = arith.extui %or3A_1919 : i1 to i32
    %convert_element_type3A_1921 = arith.sitofp %convert_element_type3A_1920 : i32 to f32
    %sub3A_1922 = arith.constant 1.000000e+00 : f32
    %sub3A_1923 = arith.subf %sub3A_1922, %convert_element_type3A_1921 : f32
    %mul3A_1924 = vector.broadcast %convert_element_type3A_1921 : f32 to vector<4x768xf32>
    %mul3A_1925 = arith.mulf %add3A_1914, %mul3A_1924 : vector<4x768xf32>
    %add3A_1926 = arith.addf %add3A_1906, %mul3A_1925 : vector<4x768xf32>
    %mul3A_1927 = vector.broadcast %sub3A_1923 : f32 to vector<4x768xf32>
    %mul3A_1928 = arith.mulf %add3A_1914, %mul3A_1927 : vector<4x768xf32>
    %get3A_1929 = arith.constant 90 : index
    %get3A_1930 = arith.constant 0 : index
    %get3A_1931 = arith.constant 0 : index
    %get3A_1932 = vector.load %arg5[%get3A_1929, %get3A_1930, %get3A_1931] : memref<256x4x768xf32, #tpu.memory_space<vmem>>, vector<1x4x768xf32>
    %get3A_1933 = vector.shape_cast %get3A_1932 : vector<1x4x768xf32> to vector<4x768xf32>
    %add3A_1934 = arith.addf %mul3A_1928, %get3A_1933 : vector<4x768xf32>
    %eq3A_1935 = arith.constant 91 : i32
    %eq3A_1936 = arith.cmpi eq, %select_n3A_107, %eq3A_1935 : i32
    %eq3A_1937 = arith.constant 91 : i32
    %eq3A_1938 = arith.cmpi eq, %add3A_109, %eq3A_1937 : i32
    %or3A_1939 = arith.ori %eq3A_1936, %eq3A_1938 : i1
    %convert_element_type3A_1940 = arith.extui %or3A_1939 : i1 to i32
    %convert_element_type3A_1941 = arith.sitofp %convert_element_type3A_1940 : i32 to f32
    %sub3A_1942 = arith.constant 1.000000e+00 : f32
    %sub3A_1943 = arith.subf %sub3A_1942, %convert_element_type3A_1941 : f32
    %mul3A_1944 = vector.broadcast %convert_element_type3A_1941 : f32 to vector<4x768xf32>
    %mul3A_1945 = arith.mulf %add3A_1934, %mul3A_1944 : vector<4x768xf32>
    %add3A_1946 = arith.addf %add3A_1926, %mul3A_1945 : vector<4x768xf32>
    %mul3A_1947 = vector.broadcast %sub3A_1943 : f32 to vector<4x768xf32>
    %mul3A_1948 = arith.mulf %add3A_1934, %mul3A_1947 : vector<4x768xf32>
    %get3A_1949 = arith.constant 91 : index
    %get3A_1950 = arith.constant 0 : index
    %get3A_1951 = arith.constant 0 : index
    %get3A_1952 = vector.load %arg5[%get3A_1949, %get3A_1950, %get3A_1951] : memref<256x4x768xf32, #tpu.memory_space<vmem>>, vector<1x4x768xf32>
    %get3A_1953 = vector.shape_cast %get3A_1952 : vector<1x4x768xf32> to vector<4x768xf32>
    %add3A_1954 = arith.addf %mul3A_1948, %get3A_1953 : vector<4x768xf32>
    %eq3A_1955 = arith.constant 92 : i32
    %eq3A_1956 = arith.cmpi eq, %select_n3A_107, %eq3A_1955 : i32
    %eq3A_1957 = arith.constant 92 : i32
    %eq3A_1958 = arith.cmpi eq, %add3A_109, %eq3A_1957 : i32
    %or3A_1959 = arith.ori %eq3A_1956, %eq3A_1958 : i1
    %convert_element_type3A_1960 = arith.extui %or3A_1959 : i1 to i32
    %convert_element_type3A_1961 = arith.sitofp %convert_element_type3A_1960 : i32 to f32
    %sub3A_1962 = arith.constant 1.000000e+00 : f32
    %sub3A_1963 = arith.subf %sub3A_1962, %convert_element_type3A_1961 : f32
    %mul3A_1964 = vector.broadcast %convert_element_type3A_1961 : f32 to vector<4x768xf32>
    %mul3A_1965 = arith.mulf %add3A_1954, %mul3A_1964 : vector<4x768xf32>
    %add3A_1966 = arith.addf %add3A_1946, %mul3A_1965 : vector<4x768xf32>
    %mul3A_1967 = vector.broadcast %sub3A_1963 : f32 to vector<4x768xf32>
    %mul3A_1968 = arith.mulf %add3A_1954, %mul3A_1967 : vector<4x768xf32>
    %get3A_1969 = arith.constant 92 : index
    %get3A_1970 = arith.constant 0 : index
    %get3A_1971 = arith.constant 0 : index
    %get3A_1972 = vector.load %arg5[%get3A_1969, %get3A_1970, %get3A_1971] : memref<256x4x768xf32, #tpu.memory_space<vmem>>, vector<1x4x768xf32>
    %get3A_1973 = vector.shape_cast %get3A_1972 : vector<1x4x768xf32> to vector<4x768xf32>
    %add3A_1974 = arith.addf %mul3A_1968, %get3A_1973 : vector<4x768xf32>
    %eq3A_1975 = arith.constant 93 : i32
    %eq3A_1976 = arith.cmpi eq, %select_n3A_107, %eq3A_1975 : i32
    %eq3A_1977 = arith.constant 93 : i32
    %eq3A_1978 = arith.cmpi eq, %add3A_109, %eq3A_1977 : i32
    %or3A_1979 = arith.ori %eq3A_1976, %eq3A_1978 : i1
    %convert_element_type3A_1980 = arith.extui %or3A_1979 : i1 to i32
    %convert_element_type3A_1981 = arith.sitofp %convert_element_type3A_1980 : i32 to f32
    %sub3A_1982 = arith.constant 1.000000e+00 : f32
    %sub3A_1983 = arith.subf %sub3A_1982, %convert_element_type3A_1981 : f32
    %mul3A_1984 = vector.broadcast %convert_element_type3A_1981 : f32 to vector<4x768xf32>
    %mul3A_1985 = arith.mulf %add3A_1974, %mul3A_1984 : vector<4x768xf32>
    %add3A_1986 = arith.addf %add3A_1966, %mul3A_1985 : vector<4x768xf32>
    %mul3A_1987 = vector.broadcast %sub3A_1983 : f32 to vector<4x768xf32>
    %mul3A_1988 = arith.mulf %add3A_1974, %mul3A_1987 : vector<4x768xf32>
    %get3A_1989 = arith.constant 93 : index
    %get3A_1990 = arith.constant 0 : index
    %get3A_1991 = arith.constant 0 : index
    %get3A_1992 = vector.load %arg5[%get3A_1989, %get3A_1990, %get3A_1991] : memref<256x4x768xf32, #tpu.memory_space<vmem>>, vector<1x4x768xf32>
    %get3A_1993 = vector.shape_cast %get3A_1992 : vector<1x4x768xf32> to vector<4x768xf32>
    %add3A_1994 = arith.addf %mul3A_1988, %get3A_1993 : vector<4x768xf32>
    %eq3A_1995 = arith.constant 94 : i32
    %eq3A_1996 = arith.cmpi eq, %select_n3A_107, %eq3A_1995 : i32
    %eq3A_1997 = arith.constant 94 : i32
    %eq3A_1998 = arith.cmpi eq, %add3A_109, %eq3A_1997 : i32
    %or3A_1999 = arith.ori %eq3A_1996, %eq3A_1998 : i1
    %convert_element_type3A_2000 = arith.extui %or3A_1999 : i1 to i32
    %convert_element_type3A_2001 = arith.sitofp %convert_element_type3A_2000 : i32 to f32
    %sub3A_2002 = arith.constant 1.000000e+00 : f32
    %sub3A_2003 = arith.subf %sub3A_2002, %convert_element_type3A_2001 : f32
    %mul3A_2004 = vector.broadcast %convert_element_type3A_2001 : f32 to vector<4x768xf32>
    %mul3A_2005 = arith.mulf %add3A_1994, %mul3A_2004 : vector<4x768xf32>
    %add3A_2006 = arith.addf %add3A_1986, %mul3A_2005 : vector<4x768xf32>
    %mul3A_2007 = vector.broadcast %sub3A_2003 : f32 to vector<4x768xf32>
    %mul3A_2008 = arith.mulf %add3A_1994, %mul3A_2007 : vector<4x768xf32>
    %get3A_2009 = arith.constant 94 : index
    %get3A_2010 = arith.constant 0 : index
    %get3A_2011 = arith.constant 0 : index
    %get3A_2012 = vector.load %arg5[%get3A_2009, %get3A_2010, %get3A_2011] : memref<256x4x768xf32, #tpu.memory_space<vmem>>, vector<1x4x768xf32>
    %get3A_2013 = vector.shape_cast %get3A_2012 : vector<1x4x768xf32> to vector<4x768xf32>
    %add3A_2014 = arith.addf %mul3A_2008, %get3A_2013 : vector<4x768xf32>
    %eq3A_2015 = arith.constant 95 : i32
    %eq3A_2016 = arith.cmpi eq, %select_n3A_107, %eq3A_2015 : i32
    %eq3A_2017 = arith.constant 95 : i32
    %eq3A_2018 = arith.cmpi eq, %add3A_109, %eq3A_2017 : i32
    %or3A_2019 = arith.ori %eq3A_2016, %eq3A_2018 : i1
    %convert_element_type3A_2020 = arith.extui %or3A_2019 : i1 to i32
    %convert_element_type3A_2021 = arith.sitofp %convert_element_type3A_2020 : i32 to f32
    %sub3A_2022 = arith.constant 1.000000e+00 : f32
    %sub3A_2023 = arith.subf %sub3A_2022, %convert_element_type3A_2021 : f32
    %mul3A_2024 = vector.broadcast %convert_element_type3A_2021 : f32 to vector<4x768xf32>
    %mul3A_2025 = arith.mulf %add3A_2014, %mul3A_2024 : vector<4x768xf32>
    %add3A_2026 = arith.addf %add3A_2006, %mul3A_2025 : vector<4x768xf32>
    %mul3A_2027 = vector.broadcast %sub3A_2023 : f32 to vector<4x768xf32>
    %mul3A_2028 = arith.mulf %add3A_2014, %mul3A_2027 : vector<4x768xf32>
    %get3A_2029 = arith.constant 95 : index
    %get3A_2030 = arith.constant 0 : index
    %get3A_2031 = arith.constant 0 : index
    %get3A_2032 = vector.load %arg5[%get3A_2029, %get3A_2030, %get3A_2031] : memref<256x4x768xf32, #tpu.memory_space<vmem>>, vector<1x4x768xf32>
    %get3A_2033 = vector.shape_cast %get3A_2032 : vector<1x4x768xf32> to vector<4x768xf32>
    %add3A_2034 = arith.addf %mul3A_2028, %get3A_2033 : vector<4x768xf32>
    %eq3A_2035 = arith.constant 96 : i32
    %eq3A_2036 = arith.cmpi eq, %select_n3A_107, %eq3A_2035 : i32
    %eq3A_2037 = arith.constant 96 : i32
    %eq3A_2038 = arith.cmpi eq, %add3A_109, %eq3A_2037 : i32
    %or3A_2039 = arith.ori %eq3A_2036, %eq3A_2038 : i1
    %convert_element_type3A_2040 = arith.extui %or3A_2039 : i1 to i32
    %convert_element_type3A_2041 = arith.sitofp %convert_element_type3A_2040 : i32 to f32
    %sub3A_2042 = arith.constant 1.000000e+00 : f32
    %sub3A_2043 = arith.subf %sub3A_2042, %convert_element_type3A_2041 : f32
    %mul3A_2044 = vector.broadcast %convert_element_type3A_2041 : f32 to vector<4x768xf32>
    %mul3A_2045 = arith.mulf %add3A_2034, %mul3A_2044 : vector<4x768xf32>
    %add3A_2046 = arith.addf %add3A_2026, %mul3A_2045 : vector<4x768xf32>
    %mul3A_2047 = vector.broadcast %sub3A_2043 : f32 to vector<4x768xf32>
    %mul3A_2048 = arith.mulf %add3A_2034, %mul3A_2047 : vector<4x768xf32>
    %get3A_2049 = arith.constant 96 : index
    %get3A_2050 = arith.constant 0 : index
    %get3A_2051 = arith.constant 0 : index
    %get3A_2052 = vector.load %arg5[%get3A_2049, %get3A_2050, %get3A_2051] : memref<256x4x768xf32, #tpu.memory_space<vmem>>, vector<1x4x768xf32>
    %get3A_2053 = vector.shape_cast %get3A_2052 : vector<1x4x768xf32> to vector<4x768xf32>
    %add3A_2054 = arith.addf %mul3A_2048, %get3A_2053 : vector<4x768xf32>
    %eq3A_2055 = arith.constant 97 : i32
    %eq3A_2056 = arith.cmpi eq, %select_n3A_107, %eq3A_2055 : i32
    %eq3A_2057 = arith.constant 97 : i32
    %eq3A_2058 = arith.cmpi eq, %add3A_109, %eq3A_2057 : i32
    %or3A_2059 = arith.ori %eq3A_2056, %eq3A_2058 : i1
    %convert_element_type3A_2060 = arith.extui %or3A_2059 : i1 to i32
    %convert_element_type3A_2061 = arith.sitofp %convert_element_type3A_2060 : i32 to f32
    %sub3A_2062 = arith.constant 1.000000e+00 : f32
    %sub3A_2063 = arith.subf %sub3A_2062, %convert_element_type3A_2061 : f32
    %mul3A_2064 = vector.broadcast %convert_element_type3A_2061 : f32 to vector<4x768xf32>
    %mul3A_2065 = arith.mulf %add3A_2054, %mul3A_2064 : vector<4x768xf32>
    %add3A_2066 = arith.addf %add3A_2046, %mul3A_2065 : vector<4x768xf32>
    %mul3A_2067 = vector.broadcast %sub3A_2063 : f32 to vector<4x768xf32>
    %mul3A_2068 = arith.mulf %add3A_2054, %mul3A_2067 : vector<4x768xf32>
    %get3A_2069 = arith.constant 97 : index
    %get3A_2070 = arith.constant 0 : index
    %get3A_2071 = arith.constant 0 : index
    %get3A_2072 = vector.load %arg5[%get3A_2069, %get3A_2070, %get3A_2071] : memref<256x4x768xf32, #tpu.memory_space<vmem>>, vector<1x4x768xf32>
    %get3A_2073 = vector.shape_cast %get3A_2072 : vector<1x4x768xf32> to vector<4x768xf32>
    %add3A_2074 = arith.addf %mul3A_2068, %get3A_2073 : vector<4x768xf32>
    %eq3A_2075 = arith.constant 98 : i32
    %eq3A_2076 = arith.cmpi eq, %select_n3A_107, %eq3A_2075 : i32
    %eq3A_2077 = arith.constant 98 : i32
    %eq3A_2078 = arith.cmpi eq, %add3A_109, %eq3A_2077 : i32
    %or3A_2079 = arith.ori %eq3A_2076, %eq3A_2078 : i1
    %convert_element_type3A_2080 = arith.extui %or3A_2079 : i1 to i32
    %convert_element_type3A_2081 = arith.sitofp %convert_element_type3A_2080 : i32 to f32
    %sub3A_2082 = arith.constant 1.000000e+00 : f32
    %sub3A_2083 = arith.subf %sub3A_2082, %convert_element_type3A_2081 : f32
    %mul3A_2084 = vector.broadcast %convert_element_type3A_2081 : f32 to vector<4x768xf32>
    %mul3A_2085 = arith.mulf %add3A_2074, %mul3A_2084 : vector<4x768xf32>
    %add3A_2086 = arith.addf %add3A_2066, %mul3A_2085 : vector<4x768xf32>
    %mul3A_2087 = vector.broadcast %sub3A_2083 : f32 to vector<4x768xf32>
    %mul3A_2088 = arith.mulf %add3A_2074, %mul3A_2087 : vector<4x768xf32>
    %get3A_2089 = arith.constant 98 : index
    %get3A_2090 = arith.constant 0 : index
    %get3A_2091 = arith.constant 0 : index
    %get3A_2092 = vector.load %arg5[%get3A_2089, %get3A_2090, %get3A_2091] : memref<256x4x768xf32, #tpu.memory_space<vmem>>, vector<1x4x768xf32>
    %get3A_2093 = vector.shape_cast %get3A_2092 : vector<1x4x768xf32> to vector<4x768xf32>
    %add3A_2094 = arith.addf %mul3A_2088, %get3A_2093 : vector<4x768xf32>
    %eq3A_2095 = arith.constant 99 : i32
    %eq3A_2096 = arith.cmpi eq, %select_n3A_107, %eq3A_2095 : i32
    %eq3A_2097 = arith.constant 99 : i32
    %eq3A_2098 = arith.cmpi eq, %add3A_109, %eq3A_2097 : i32
    %or3A_2099 = arith.ori %eq3A_2096, %eq3A_2098 : i1
    %convert_element_type3A_2100 = arith.extui %or3A_2099 : i1 to i32
    %convert_element_type3A_2101 = arith.sitofp %convert_element_type3A_2100 : i32 to f32
    %sub3A_2102 = arith.constant 1.000000e+00 : f32
    %sub3A_2103 = arith.subf %sub3A_2102, %convert_element_type3A_2101 : f32
    %mul3A_2104 = vector.broadcast %convert_element_type3A_2101 : f32 to vector<4x768xf32>
    %mul3A_2105 = arith.mulf %add3A_2094, %mul3A_2104 : vector<4x768xf32>
    %add3A_2106 = arith.addf %add3A_2086, %mul3A_2105 : vector<4x768xf32>
    %mul3A_2107 = vector.broadcast %sub3A_2103 : f32 to vector<4x768xf32>
    %mul3A_2108 = arith.mulf %add3A_2094, %mul3A_2107 : vector<4x768xf32>
    %get3A_2109 = arith.constant 99 : index
    %get3A_2110 = arith.constant 0 : index
    %get3A_2111 = arith.constant 0 : index
    %get3A_2112 = vector.load %arg5[%get3A_2109, %get3A_2110, %get3A_2111] : memref<256x4x768xf32, #tpu.memory_space<vmem>>, vector<1x4x768xf32>
    %get3A_2113 = vector.shape_cast %get3A_2112 : vector<1x4x768xf32> to vector<4x768xf32>
    %add3A_2114 = arith.addf %mul3A_2108, %get3A_2113 : vector<4x768xf32>
    %eq3A_2115 = arith.constant 100 : i32
    %eq3A_2116 = arith.cmpi eq, %select_n3A_107, %eq3A_2115 : i32
    %eq3A_2117 = arith.constant 100 : i32
    %eq3A_2118 = arith.cmpi eq, %add3A_109, %eq3A_2117 : i32
    %or3A_2119 = arith.ori %eq3A_2116, %eq3A_2118 : i1
    %convert_element_type3A_2120 = arith.extui %or3A_2119 : i1 to i32
    %convert_element_type3A_2121 = arith.sitofp %convert_element_type3A_2120 : i32 to f32
    %sub3A_2122 = arith.constant 1.000000e+00 : f32
    %sub3A_2123 = arith.subf %sub3A_2122, %convert_element_type3A_2121 : f32
    %mul3A_2124 = vector.broadcast %convert_element_type3A_2121 : f32 to vector<4x768xf32>
    %mul3A_2125 = arith.mulf %add3A_2114, %mul3A_2124 : vector<4x768xf32>
    %add3A_2126 = arith.addf %add3A_2106, %mul3A_2125 : vector<4x768xf32>
    %mul3A_2127 = vector.broadcast %sub3A_2123 : f32 to vector<4x768xf32>
    %mul3A_2128 = arith.mulf %add3A_2114, %mul3A_2127 : vector<4x768xf32>
    %get3A_2129 = arith.constant 100 : index
    %get3A_2130 = arith.constant 0 : index
    %get3A_2131 = arith.constant 0 : index
    %get3A_2132 = vector.load %arg5[%get3A_2129, %get3A_2130, %get3A_2131] : memref<256x4x768xf32, #tpu.memory_space<vmem>>, vector<1x4x768xf32>
    %get3A_2133 = vector.shape_cast %get3A_2132 : vector<1x4x768xf32> to vector<4x768xf32>
    %add3A_2134 = arith.addf %mul3A_2128, %get3A_2133 : vector<4x768xf32>
    %eq3A_2135 = arith.constant 101 : i32
    %eq3A_2136 = arith.cmpi eq, %select_n3A_107, %eq3A_2135 : i32
    %eq3A_2137 = arith.constant 101 : i32
    %eq3A_2138 = arith.cmpi eq, %add3A_109, %eq3A_2137 : i32
    %or3A_2139 = arith.ori %eq3A_2136, %eq3A_2138 : i1
    %convert_element_type3A_2140 = arith.extui %or3A_2139 : i1 to i32
    %convert_element_type3A_2141 = arith.sitofp %convert_element_type3A_2140 : i32 to f32
    %sub3A_2142 = arith.constant 1.000000e+00 : f32
    %sub3A_2143 = arith.subf %sub3A_2142, %convert_element_type3A_2141 : f32
    %mul3A_2144 = vector.broadcast %convert_element_type3A_2141 : f32 to vector<4x768xf32>
    %mul3A_2145 = arith.mulf %add3A_2134, %mul3A_2144 : vector<4x768xf32>
    %add3A_2146 = arith.addf %add3A_2126, %mul3A_2145 : vector<4x768xf32>
    %mul3A_2147 = vector.broadcast %sub3A_2143 : f32 to vector<4x768xf32>
    %mul3A_2148 = arith.mulf %add3A_2134, %mul3A_2147 : vector<4x768xf32>
    %get3A_2149 = arith.constant 101 : index
    %get3A_2150 = arith.constant 0 : index
    %get3A_2151 = arith.constant 0 : index
    %get3A_2152 = vector.load %arg5[%get3A_2149, %get3A_2150, %get3A_2151] : memref<256x4x768xf32, #tpu.memory_space<vmem>>, vector<1x4x768xf32>
    %get3A_2153 = vector.shape_cast %get3A_2152 : vector<1x4x768xf32> to vector<4x768xf32>
    %add3A_2154 = arith.addf %mul3A_2148, %get3A_2153 : vector<4x768xf32>
    %eq3A_2155 = arith.constant 102 : i32
    %eq3A_2156 = arith.cmpi eq, %select_n3A_107, %eq3A_2155 : i32
    %eq3A_2157 = arith.constant 102 : i32
    %eq3A_2158 = arith.cmpi eq, %add3A_109, %eq3A_2157 : i32
    %or3A_2159 = arith.ori %eq3A_2156, %eq3A_2158 : i1
    %convert_element_type3A_2160 = arith.extui %or3A_2159 : i1 to i32
    %convert_element_type3A_2161 = arith.sitofp %convert_element_type3A_2160 : i32 to f32
    %sub3A_2162 = arith.constant 1.000000e+00 : f32
    %sub3A_2163 = arith.subf %sub3A_2162, %convert_element_type3A_2161 : f32
    %mul3A_2164 = vector.broadcast %convert_element_type3A_2161 : f32 to vector<4x768xf32>
    %mul3A_2165 = arith.mulf %add3A_2154, %mul3A_2164 : vector<4x768xf32>
    %add3A_2166 = arith.addf %add3A_2146, %mul3A_2165 : vector<4x768xf32>
    %mul3A_2167 = vector.broadcast %sub3A_2163 : f32 to vector<4x768xf32>
    %mul3A_2168 = arith.mulf %add3A_2154, %mul3A_2167 : vector<4x768xf32>
    %get3A_2169 = arith.constant 102 : index
    %get3A_2170 = arith.constant 0 : index
    %get3A_2171 = arith.constant 0 : index
    %get3A_2172 = vector.load %arg5[%get3A_2169, %get3A_2170, %get3A_2171] : memref<256x4x768xf32, #tpu.memory_space<vmem>>, vector<1x4x768xf32>
    %get3A_2173 = vector.shape_cast %get3A_2172 : vector<1x4x768xf32> to vector<4x768xf32>
    %add3A_2174 = arith.addf %mul3A_2168, %get3A_2173 : vector<4x768xf32>
    %eq3A_2175 = arith.constant 103 : i32
    %eq3A_2176 = arith.cmpi eq, %select_n3A_107, %eq3A_2175 : i32
    %eq3A_2177 = arith.constant 103 : i32
    %eq3A_2178 = arith.cmpi eq, %add3A_109, %eq3A_2177 : i32
    %or3A_2179 = arith.ori %eq3A_2176, %eq3A_2178 : i1
    %convert_element_type3A_2180 = arith.extui %or3A_2179 : i1 to i32
    %convert_element_type3A_2181 = arith.sitofp %convert_element_type3A_2180 : i32 to f32
    %sub3A_2182 = arith.constant 1.000000e+00 : f32
    %sub3A_2183 = arith.subf %sub3A_2182, %convert_element_type3A_2181 : f32
    %mul3A_2184 = vector.broadcast %convert_element_type3A_2181 : f32 to vector<4x768xf32>
    %mul3A_2185 = arith.mulf %add3A_2174, %mul3A_2184 : vector<4x768xf32>
    %add3A_2186 = arith.addf %add3A_2166, %mul3A_2185 : vector<4x768xf32>
    %mul3A_2187 = vector.broadcast %sub3A_2183 : f32 to vector<4x768xf32>
    %mul3A_2188 = arith.mulf %add3A_2174, %mul3A_2187 : vector<4x768xf32>
    %get3A_2189 = arith.constant 103 : index
    %get3A_2190 = arith.constant 0 : index
    %get3A_2191 = arith.constant 0 : index
    %get3A_2192 = vector.load %arg5[%get3A_2189, %get3A_2190, %get3A_2191] : memref<256x4x768xf32, #tpu.memory_space<vmem>>, vector<1x4x768xf32>
    %get3A_2193 = vector.shape_cast %get3A_2192 : vector<1x4x768xf32> to vector<4x768xf32>
    %add3A_2194 = arith.addf %mul3A_2188, %get3A_2193 : vector<4x768xf32>
    %eq3A_2195 = arith.constant 104 : i32
    %eq3A_2196 = arith.cmpi eq, %select_n3A_107, %eq3A_2195 : i32
    %eq3A_2197 = arith.constant 104 : i32
    %eq3A_2198 = arith.cmpi eq, %add3A_109, %eq3A_2197 : i32
    %or3A_2199 = arith.ori %eq3A_2196, %eq3A_2198 : i1
    %convert_element_type3A_2200 = arith.extui %or3A_2199 : i1 to i32
    %convert_element_type3A_2201 = arith.sitofp %convert_element_type3A_2200 : i32 to f32
    %sub3A_2202 = arith.constant 1.000000e+00 : f32
    %sub3A_2203 = arith.subf %sub3A_2202, %convert_element_type3A_2201 : f32
    %mul3A_2204 = vector.broadcast %convert_element_type3A_2201 : f32 to vector<4x768xf32>
    %mul3A_2205 = arith.mulf %add3A_2194, %mul3A_2204 : vector<4x768xf32>
    %add3A_2206 = arith.addf %add3A_2186, %mul3A_2205 : vector<4x768xf32>
    %mul3A_2207 = vector.broadcast %sub3A_2203 : f32 to vector<4x768xf32>
    %mul3A_2208 = arith.mulf %add3A_2194, %mul3A_2207 : vector<4x768xf32>
    %get3A_2209 = arith.constant 104 : index
    %get3A_2210 = arith.constant 0 : index
    %get3A_2211 = arith.constant 0 : index
    %get3A_2212 = vector.load %arg5[%get3A_2209, %get3A_2210, %get3A_2211] : memref<256x4x768xf32, #tpu.memory_space<vmem>>, vector<1x4x768xf32>
    %get3A_2213 = vector.shape_cast %get3A_2212 : vector<1x4x768xf32> to vector<4x768xf32>
    %add3A_2214 = arith.addf %mul3A_2208, %get3A_2213 : vector<4x768xf32>
    %eq3A_2215 = arith.constant 105 : i32
    %eq3A_2216 = arith.cmpi eq, %select_n3A_107, %eq3A_2215 : i32
    %eq3A_2217 = arith.constant 105 : i32
    %eq3A_2218 = arith.cmpi eq, %add3A_109, %eq3A_2217 : i32
    %or3A_2219 = arith.ori %eq3A_2216, %eq3A_2218 : i1
    %convert_element_type3A_2220 = arith.extui %or3A_2219 : i1 to i32
    %convert_element_type3A_2221 = arith.sitofp %convert_element_type3A_2220 : i32 to f32
    %sub3A_2222 = arith.constant 1.000000e+00 : f32
    %sub3A_2223 = arith.subf %sub3A_2222, %convert_element_type3A_2221 : f32
    %mul3A_2224 = vector.broadcast %convert_element_type3A_2221 : f32 to vector<4x768xf32>
    %mul3A_2225 = arith.mulf %add3A_2214, %mul3A_2224 : vector<4x768xf32>
    %add3A_2226 = arith.addf %add3A_2206, %mul3A_2225 : vector<4x768xf32>
    %mul3A_2227 = vector.broadcast %sub3A_2223 : f32 to vector<4x768xf32>
    %mul3A_2228 = arith.mulf %add3A_2214, %mul3A_2227 : vector<4x768xf32>
    %get3A_2229 = arith.constant 105 : index
    %get3A_2230 = arith.constant 0 : index
    %get3A_2231 = arith.constant 0 : index
    %get3A_2232 = vector.load %arg5[%get3A_2229, %get3A_2230, %get3A_2231] : memref<256x4x768xf32, #tpu.memory_space<vmem>>, vector<1x4x768xf32>
    %get3A_2233 = vector.shape_cast %get3A_2232 : vector<1x4x768xf32> to vector<4x768xf32>
    %add3A_2234 = arith.addf %mul3A_2228, %get3A_2233 : vector<4x768xf32>
    %eq3A_2235 = arith.constant 106 : i32
    %eq3A_2236 = arith.cmpi eq, %select_n3A_107, %eq3A_2235 : i32
    %eq3A_2237 = arith.constant 106 : i32
    %eq3A_2238 = arith.cmpi eq, %add3A_109, %eq3A_2237 : i32
    %or3A_2239 = arith.ori %eq3A_2236, %eq3A_2238 : i1
    %convert_element_type3A_2240 = arith.extui %or3A_2239 : i1 to i32
    %convert_element_type3A_2241 = arith.sitofp %convert_element_type3A_2240 : i32 to f32
    %sub3A_2242 = arith.constant 1.000000e+00 : f32
    %sub3A_2243 = arith.subf %sub3A_2242, %convert_element_type3A_2241 : f32
    %mul3A_2244 = vector.broadcast %convert_element_type3A_2241 : f32 to vector<4x768xf32>
    %mul3A_2245 = arith.mulf %add3A_2234, %mul3A_2244 : vector<4x768xf32>
    %add3A_2246 = arith.addf %add3A_2226, %mul3A_2245 : vector<4x768xf32>
    %mul3A_2247 = vector.broadcast %sub3A_2243 : f32 to vector<4x768xf32>
    %mul3A_2248 = arith.mulf %add3A_2234, %mul3A_2247 : vector<4x768xf32>
    %get3A_2249 = arith.constant 106 : index
    %get3A_2250 = arith.constant 0 : index
    %get3A_2251 = arith.constant 0 : index
    %get3A_2252 = vector.load %arg5[%get3A_2249, %get3A_2250, %get3A_2251] : memref<256x4x768xf32, #tpu.memory_space<vmem>>, vector<1x4x768xf32>
    %get3A_2253 = vector.shape_cast %get3A_2252 : vector<1x4x768xf32> to vector<4x768xf32>
    %add3A_2254 = arith.addf %mul3A_2248, %get3A_2253 : vector<4x768xf32>
    %eq3A_2255 = arith.constant 107 : i32
    %eq3A_2256 = arith.cmpi eq, %select_n3A_107, %eq3A_2255 : i32
    %eq3A_2257 = arith.constant 107 : i32
    %eq3A_2258 = arith.cmpi eq, %add3A_109, %eq3A_2257 : i32
    %or3A_2259 = arith.ori %eq3A_2256, %eq3A_2258 : i1
    %convert_element_type3A_2260 = arith.extui %or3A_2259 : i1 to i32
    %convert_element_type3A_2261 = arith.sitofp %convert_element_type3A_2260 : i32 to f32
    %sub3A_2262 = arith.constant 1.000000e+00 : f32
    %sub3A_2263 = arith.subf %sub3A_2262, %convert_element_type3A_2261 : f32
    %mul3A_2264 = vector.broadcast %convert_element_type3A_2261 : f32 to vector<4x768xf32>
    %mul3A_2265 = arith.mulf %add3A_2254, %mul3A_2264 : vector<4x768xf32>
    %add3A_2266 = arith.addf %add3A_2246, %mul3A_2265 : vector<4x768xf32>
    %mul3A_2267 = vector.broadcast %sub3A_2263 : f32 to vector<4x768xf32>
    %mul3A_2268 = arith.mulf %add3A_2254, %mul3A_2267 : vector<4x768xf32>
    %get3A_2269 = arith.constant 107 : index
    %get3A_2270 = arith.constant 0 : index
    %get3A_2271 = arith.constant 0 : index
    %get3A_2272 = vector.load %arg5[%get3A_2269, %get3A_2270, %get3A_2271] : memref<256x4x768xf32, #tpu.memory_space<vmem>>, vector<1x4x768xf32>
    %get3A_2273 = vector.shape_cast %get3A_2272 : vector<1x4x768xf32> to vector<4x768xf32>
    %add3A_2274 = arith.addf %mul3A_2268, %get3A_2273 : vector<4x768xf32>
    %eq3A_2275 = arith.constant 108 : i32
    %eq3A_2276 = arith.cmpi eq, %select_n3A_107, %eq3A_2275 : i32
    %eq3A_2277 = arith.constant 108 : i32
    %eq3A_2278 = arith.cmpi eq, %add3A_109, %eq3A_2277 : i32
    %or3A_2279 = arith.ori %eq3A_2276, %eq3A_2278 : i1
    %convert_element_type3A_2280 = arith.extui %or3A_2279 : i1 to i32
    %convert_element_type3A_2281 = arith.sitofp %convert_element_type3A_2280 : i32 to f32
    %sub3A_2282 = arith.constant 1.000000e+00 : f32
    %sub3A_2283 = arith.subf %sub3A_2282, %convert_element_type3A_2281 : f32
    %mul3A_2284 = vector.broadcast %convert_element_type3A_2281 : f32 to vector<4x768xf32>
    %mul3A_2285 = arith.mulf %add3A_2274, %mul3A_2284 : vector<4x768xf32>
    %add3A_2286 = arith.addf %add3A_2266, %mul3A_2285 : vector<4x768xf32>
    %mul3A_2287 = vector.broadcast %sub3A_2283 : f32 to vector<4x768xf32>
    %mul3A_2288 = arith.mulf %add3A_2274, %mul3A_2287 : vector<4x768xf32>
    %get3A_2289 = arith.constant 108 : index
    %get3A_2290 = arith.constant 0 : index
    %get3A_2291 = arith.constant 0 : index
    %get3A_2292 = vector.load %arg5[%get3A_2289, %get3A_2290, %get3A_2291] : memref<256x4x768xf32, #tpu.memory_space<vmem>>, vector<1x4x768xf32>
    %get3A_2293 = vector.shape_cast %get3A_2292 : vector<1x4x768xf32> to vector<4x768xf32>
    %add3A_2294 = arith.addf %mul3A_2288, %get3A_2293 : vector<4x768xf32>
    %eq3A_2295 = arith.constant 109 : i32
    %eq3A_2296 = arith.cmpi eq, %select_n3A_107, %eq3A_2295 : i32
    %eq3A_2297 = arith.constant 109 : i32
    %eq3A_2298 = arith.cmpi eq, %add3A_109, %eq3A_2297 : i32
    %or3A_2299 = arith.ori %eq3A_2296, %eq3A_2298 : i1
    %convert_element_type3A_2300 = arith.extui %or3A_2299 : i1 to i32
    %convert_element_type3A_2301 = arith.sitofp %convert_element_type3A_2300 : i32 to f32
    %sub3A_2302 = arith.constant 1.000000e+00 : f32
    %sub3A_2303 = arith.subf %sub3A_2302, %convert_element_type3A_2301 : f32
    %mul3A_2304 = vector.broadcast %convert_element_type3A_2301 : f32 to vector<4x768xf32>
    %mul3A_2305 = arith.mulf %add3A_2294, %mul3A_2304 : vector<4x768xf32>
    %add3A_2306 = arith.addf %add3A_2286, %mul3A_2305 : vector<4x768xf32>
    %mul3A_2307 = vector.broadcast %sub3A_2303 : f32 to vector<4x768xf32>
    %mul3A_2308 = arith.mulf %add3A_2294, %mul3A_2307 : vector<4x768xf32>
    %get3A_2309 = arith.constant 109 : index
    %get3A_2310 = arith.constant 0 : index
    %get3A_2311 = arith.constant 0 : index
    %get3A_2312 = vector.load %arg5[%get3A_2309, %get3A_2310, %get3A_2311] : memref<256x4x768xf32, #tpu.memory_space<vmem>>, vector<1x4x768xf32>
    %get3A_2313 = vector.shape_cast %get3A_2312 : vector<1x4x768xf32> to vector<4x768xf32>
    %add3A_2314 = arith.addf %mul3A_2308, %get3A_2313 : vector<4x768xf32>
    %eq3A_2315 = arith.constant 110 : i32
    %eq3A_2316 = arith.cmpi eq, %select_n3A_107, %eq3A_2315 : i32
    %eq3A_2317 = arith.constant 110 : i32
    %eq3A_2318 = arith.cmpi eq, %add3A_109, %eq3A_2317 : i32
    %or3A_2319 = arith.ori %eq3A_2316, %eq3A_2318 : i1
    %convert_element_type3A_2320 = arith.extui %or3A_2319 : i1 to i32
    %convert_element_type3A_2321 = arith.sitofp %convert_element_type3A_2320 : i32 to f32
    %sub3A_2322 = arith.constant 1.000000e+00 : f32
    %sub3A_2323 = arith.subf %sub3A_2322, %convert_element_type3A_2321 : f32
    %mul3A_2324 = vector.broadcast %convert_element_type3A_2321 : f32 to vector<4x768xf32>
    %mul3A_2325 = arith.mulf %add3A_2314, %mul3A_2324 : vector<4x768xf32>
    %add3A_2326 = arith.addf %add3A_2306, %mul3A_2325 : vector<4x768xf32>
    %mul3A_2327 = vector.broadcast %sub3A_2323 : f32 to vector<4x768xf32>
    %mul3A_2328 = arith.mulf %add3A_2314, %mul3A_2327 : vector<4x768xf32>
    %get3A_2329 = arith.constant 110 : index
    %get3A_2330 = arith.constant 0 : index
    %get3A_2331 = arith.constant 0 : index
    %get3A_2332 = vector.load %arg5[%get3A_2329, %get3A_2330, %get3A_2331] : memref<256x4x768xf32, #tpu.memory_space<vmem>>, vector<1x4x768xf32>
    %get3A_2333 = vector.shape_cast %get3A_2332 : vector<1x4x768xf32> to vector<4x768xf32>
    %add3A_2334 = arith.addf %mul3A_2328, %get3A_2333 : vector<4x768xf32>
    %eq3A_2335 = arith.constant 111 : i32
    %eq3A_2336 = arith.cmpi eq, %select_n3A_107, %eq3A_2335 : i32
    %eq3A_2337 = arith.constant 111 : i32
    %eq3A_2338 = arith.cmpi eq, %add3A_109, %eq3A_2337 : i32
    %or3A_2339 = arith.ori %eq3A_2336, %eq3A_2338 : i1
    %convert_element_type3A_2340 = arith.extui %or3A_2339 : i1 to i32
    %convert_element_type3A_2341 = arith.sitofp %convert_element_type3A_2340 : i32 to f32
    %sub3A_2342 = arith.constant 1.000000e+00 : f32
    %sub3A_2343 = arith.subf %sub3A_2342, %convert_element_type3A_2341 : f32
    %mul3A_2344 = vector.broadcast %convert_element_type3A_2341 : f32 to vector<4x768xf32>
    %mul3A_2345 = arith.mulf %add3A_2334, %mul3A_2344 : vector<4x768xf32>
    %add3A_2346 = arith.addf %add3A_2326, %mul3A_2345 : vector<4x768xf32>
    %mul3A_2347 = vector.broadcast %sub3A_2343 : f32 to vector<4x768xf32>
    %mul3A_2348 = arith.mulf %add3A_2334, %mul3A_2347 : vector<4x768xf32>
    %get3A_2349 = arith.constant 111 : index
    %get3A_2350 = arith.constant 0 : index
    %get3A_2351 = arith.constant 0 : index
    %get3A_2352 = vector.load %arg5[%get3A_2349, %get3A_2350, %get3A_2351] : memref<256x4x768xf32, #tpu.memory_space<vmem>>, vector<1x4x768xf32>
    %get3A_2353 = vector.shape_cast %get3A_2352 : vector<1x4x768xf32> to vector<4x768xf32>
    %add3A_2354 = arith.addf %mul3A_2348, %get3A_2353 : vector<4x768xf32>
    %eq3A_2355 = arith.constant 112 : i32
    %eq3A_2356 = arith.cmpi eq, %select_n3A_107, %eq3A_2355 : i32
    %eq3A_2357 = arith.constant 112 : i32
    %eq3A_2358 = arith.cmpi eq, %add3A_109, %eq3A_2357 : i32
    %or3A_2359 = arith.ori %eq3A_2356, %eq3A_2358 : i1
    %convert_element_type3A_2360 = arith.extui %or3A_2359 : i1 to i32
    %convert_element_type3A_2361 = arith.sitofp %convert_element_type3A_2360 : i32 to f32
    %sub3A_2362 = arith.constant 1.000000e+00 : f32
    %sub3A_2363 = arith.subf %sub3A_2362, %convert_element_type3A_2361 : f32
    %mul3A_2364 = vector.broadcast %convert_element_type3A_2361 : f32 to vector<4x768xf32>
    %mul3A_2365 = arith.mulf %add3A_2354, %mul3A_2364 : vector<4x768xf32>
    %add3A_2366 = arith.addf %add3A_2346, %mul3A_2365 : vector<4x768xf32>
    %mul3A_2367 = vector.broadcast %sub3A_2363 : f32 to vector<4x768xf32>
    %mul3A_2368 = arith.mulf %add3A_2354, %mul3A_2367 : vector<4x768xf32>
    %get3A_2369 = arith.constant 112 : index
    %get3A_2370 = arith.constant 0 : index
    %get3A_2371 = arith.constant 0 : index
    %get3A_2372 = vector.load %arg5[%get3A_2369, %get3A_2370, %get3A_2371] : memref<256x4x768xf32, #tpu.memory_space<vmem>>, vector<1x4x768xf32>
    %get3A_2373 = vector.shape_cast %get3A_2372 : vector<1x4x768xf32> to vector<4x768xf32>
    %add3A_2374 = arith.addf %mul3A_2368, %get3A_2373 : vector<4x768xf32>
    %eq3A_2375 = arith.constant 113 : i32
    %eq3A_2376 = arith.cmpi eq, %select_n3A_107, %eq3A_2375 : i32
    %eq3A_2377 = arith.constant 113 : i32
    %eq3A_2378 = arith.cmpi eq, %add3A_109, %eq3A_2377 : i32
    %or3A_2379 = arith.ori %eq3A_2376, %eq3A_2378 : i1
    %convert_element_type3A_2380 = arith.extui %or3A_2379 : i1 to i32
    %convert_element_type3A_2381 = arith.sitofp %convert_element_type3A_2380 : i32 to f32
    %sub3A_2382 = arith.constant 1.000000e+00 : f32
    %sub3A_2383 = arith.subf %sub3A_2382, %convert_element_type3A_2381 : f32
    %mul3A_2384 = vector.broadcast %convert_element_type3A_2381 : f32 to vector<4x768xf32>
    %mul3A_2385 = arith.mulf %add3A_2374, %mul3A_2384 : vector<4x768xf32>
    %add3A_2386 = arith.addf %add3A_2366, %mul3A_2385 : vector<4x768xf32>
    %mul3A_2387 = vector.broadcast %sub3A_2383 : f32 to vector<4x768xf32>
    %mul3A_2388 = arith.mulf %add3A_2374, %mul3A_2387 : vector<4x768xf32>
    %get3A_2389 = arith.constant 113 : index
    %get3A_2390 = arith.constant 0 : index
    %get3A_2391 = arith.constant 0 : index
    %get3A_2392 = vector.load %arg5[%get3A_2389, %get3A_2390, %get3A_2391] : memref<256x4x768xf32, #tpu.memory_space<vmem>>, vector<1x4x768xf32>
    %get3A_2393 = vector.shape_cast %get3A_2392 : vector<1x4x768xf32> to vector<4x768xf32>
    %add3A_2394 = arith.addf %mul3A_2388, %get3A_2393 : vector<4x768xf32>
    %eq3A_2395 = arith.constant 114 : i32
    %eq3A_2396 = arith.cmpi eq, %select_n3A_107, %eq3A_2395 : i32
    %eq3A_2397 = arith.constant 114 : i32
    %eq3A_2398 = arith.cmpi eq, %add3A_109, %eq3A_2397 : i32
    %or3A_2399 = arith.ori %eq3A_2396, %eq3A_2398 : i1
    %convert_element_type3A_2400 = arith.extui %or3A_2399 : i1 to i32
    %convert_element_type3A_2401 = arith.sitofp %convert_element_type3A_2400 : i32 to f32
    %sub3A_2402 = arith.constant 1.000000e+00 : f32
    %sub3A_2403 = arith.subf %sub3A_2402, %convert_element_type3A_2401 : f32
    %mul3A_2404 = vector.broadcast %convert_element_type3A_2401 : f32 to vector<4x768xf32>
    %mul3A_2405 = arith.mulf %add3A_2394, %mul3A_2404 : vector<4x768xf32>
    %add3A_2406 = arith.addf %add3A_2386, %mul3A_2405 : vector<4x768xf32>
    %mul3A_2407 = vector.broadcast %sub3A_2403 : f32 to vector<4x768xf32>
    %mul3A_2408 = arith.mulf %add3A_2394, %mul3A_2407 : vector<4x768xf32>
    %get3A_2409 = arith.constant 114 : index
    %get3A_2410 = arith.constant 0 : index
    %get3A_2411 = arith.constant 0 : index
    %get3A_2412 = vector.load %arg5[%get3A_2409, %get3A_2410, %get3A_2411] : memref<256x4x768xf32, #tpu.memory_space<vmem>>, vector<1x4x768xf32>
    %get3A_2413 = vector.shape_cast %get3A_2412 : vector<1x4x768xf32> to vector<4x768xf32>
    %add3A_2414 = arith.addf %mul3A_2408, %get3A_2413 : vector<4x768xf32>
    %eq3A_2415 = arith.constant 115 : i32
    %eq3A_2416 = arith.cmpi eq, %select_n3A_107, %eq3A_2415 : i32
    %eq3A_2417 = arith.constant 115 : i32
    %eq3A_2418 = arith.cmpi eq, %add3A_109, %eq3A_2417 : i32
    %or3A_2419 = arith.ori %eq3A_2416, %eq3A_2418 : i1
    %convert_element_type3A_2420 = arith.extui %or3A_2419 : i1 to i32
    %convert_element_type3A_2421 = arith.sitofp %convert_element_type3A_2420 : i32 to f32
    %sub3A_2422 = arith.constant 1.000000e+00 : f32
    %sub3A_2423 = arith.subf %sub3A_2422, %convert_element_type3A_2421 : f32
    %mul3A_2424 = vector.broadcast %convert_element_type3A_2421 : f32 to vector<4x768xf32>
    %mul3A_2425 = arith.mulf %add3A_2414, %mul3A_2424 : vector<4x768xf32>
    %add3A_2426 = arith.addf %add3A_2406, %mul3A_2425 : vector<4x768xf32>
    %mul3A_2427 = vector.broadcast %sub3A_2423 : f32 to vector<4x768xf32>
    %mul3A_2428 = arith.mulf %add3A_2414, %mul3A_2427 : vector<4x768xf32>
    %get3A_2429 = arith.constant 115 : index
    %get3A_2430 = arith.constant 0 : index
    %get3A_2431 = arith.constant 0 : index
    %get3A_2432 = vector.load %arg5[%get3A_2429, %get3A_2430, %get3A_2431] : memref<256x4x768xf32, #tpu.memory_space<vmem>>, vector<1x4x768xf32>
    %get3A_2433 = vector.shape_cast %get3A_2432 : vector<1x4x768xf32> to vector<4x768xf32>
    %add3A_2434 = arith.addf %mul3A_2428, %get3A_2433 : vector<4x768xf32>
    %eq3A_2435 = arith.constant 116 : i32
    %eq3A_2436 = arith.cmpi eq, %select_n3A_107, %eq3A_2435 : i32
    %eq3A_2437 = arith.constant 116 : i32
    %eq3A_2438 = arith.cmpi eq, %add3A_109, %eq3A_2437 : i32
    %or3A_2439 = arith.ori %eq3A_2436, %eq3A_2438 : i1
    %convert_element_type3A_2440 = arith.extui %or3A_2439 : i1 to i32
    %convert_element_type3A_2441 = arith.sitofp %convert_element_type3A_2440 : i32 to f32
    %sub3A_2442 = arith.constant 1.000000e+00 : f32
    %sub3A_2443 = arith.subf %sub3A_2442, %convert_element_type3A_2441 : f32
    %mul3A_2444 = vector.broadcast %convert_element_type3A_2441 : f32 to vector<4x768xf32>
    %mul3A_2445 = arith.mulf %add3A_2434, %mul3A_2444 : vector<4x768xf32>
    %add3A_2446 = arith.addf %add3A_2426, %mul3A_2445 : vector<4x768xf32>
    %mul3A_2447 = vector.broadcast %sub3A_2443 : f32 to vector<4x768xf32>
    %mul3A_2448 = arith.mulf %add3A_2434, %mul3A_2447 : vector<4x768xf32>
    %get3A_2449 = arith.constant 116 : index
    %get3A_2450 = arith.constant 0 : index
    %get3A_2451 = arith.constant 0 : index
    %get3A_2452 = vector.load %arg5[%get3A_2449, %get3A_2450, %get3A_2451] : memref<256x4x768xf32, #tpu.memory_space<vmem>>, vector<1x4x768xf32>
    %get3A_2453 = vector.shape_cast %get3A_2452 : vector<1x4x768xf32> to vector<4x768xf32>
    %add3A_2454 = arith.addf %mul3A_2448, %get3A_2453 : vector<4x768xf32>
    %eq3A_2455 = arith.constant 117 : i32
    %eq3A_2456 = arith.cmpi eq, %select_n3A_107, %eq3A_2455 : i32
    %eq3A_2457 = arith.constant 117 : i32
    %eq3A_2458 = arith.cmpi eq, %add3A_109, %eq3A_2457 : i32
    %or3A_2459 = arith.ori %eq3A_2456, %eq3A_2458 : i1
    %convert_element_type3A_2460 = arith.extui %or3A_2459 : i1 to i32
    %convert_element_type3A_2461 = arith.sitofp %convert_element_type3A_2460 : i32 to f32
    %sub3A_2462 = arith.constant 1.000000e+00 : f32
    %sub3A_2463 = arith.subf %sub3A_2462, %convert_element_type3A_2461 : f32
    %mul3A_2464 = vector.broadcast %convert_element_type3A_2461 : f32 to vector<4x768xf32>
    %mul3A_2465 = arith.mulf %add3A_2454, %mul3A_2464 : vector<4x768xf32>
    %add3A_2466 = arith.addf %add3A_2446, %mul3A_2465 : vector<4x768xf32>
    %mul3A_2467 = vector.broadcast %sub3A_2463 : f32 to vector<4x768xf32>
    %mul3A_2468 = arith.mulf %add3A_2454, %mul3A_2467 : vector<4x768xf32>
    %get3A_2469 = arith.constant 117 : index
    %get3A_2470 = arith.constant 0 : index
    %get3A_2471 = arith.constant 0 : index
    %get3A_2472 = vector.load %arg5[%get3A_2469, %get3A_2470, %get3A_2471] : memref<256x4x768xf32, #tpu.memory_space<vmem>>, vector<1x4x768xf32>
    %get3A_2473 = vector.shape_cast %get3A_2472 : vector<1x4x768xf32> to vector<4x768xf32>
    %add3A_2474 = arith.addf %mul3A_2468, %get3A_2473 : vector<4x768xf32>
    %eq3A_2475 = arith.constant 118 : i32
    %eq3A_2476 = arith.cmpi eq, %select_n3A_107, %eq3A_2475 : i32
    %eq3A_2477 = arith.constant 118 : i32
    %eq3A_2478 = arith.cmpi eq, %add3A_109, %eq3A_2477 : i32
    %or3A_2479 = arith.ori %eq3A_2476, %eq3A_2478 : i1
    %convert_element_type3A_2480 = arith.extui %or3A_2479 : i1 to i32
    %convert_element_type3A_2481 = arith.sitofp %convert_element_type3A_2480 : i32 to f32
    %sub3A_2482 = arith.constant 1.000000e+00 : f32
    %sub3A_2483 = arith.subf %sub3A_2482, %convert_element_type3A_2481 : f32
    %mul3A_2484 = vector.broadcast %convert_element_type3A_2481 : f32 to vector<4x768xf32>
    %mul3A_2485 = arith.mulf %add3A_2474, %mul3A_2484 : vector<4x768xf32>
    %add3A_2486 = arith.addf %add3A_2466, %mul3A_2485 : vector<4x768xf32>
    %mul3A_2487 = vector.broadcast %sub3A_2483 : f32 to vector<4x768xf32>
    %mul3A_2488 = arith.mulf %add3A_2474, %mul3A_2487 : vector<4x768xf32>
    %get3A_2489 = arith.constant 118 : index
    %get3A_2490 = arith.constant 0 : index
    %get3A_2491 = arith.constant 0 : index
    %get3A_2492 = vector.load %arg5[%get3A_2489, %get3A_2490, %get3A_2491] : memref<256x4x768xf32, #tpu.memory_space<vmem>>, vector<1x4x768xf32>
    %get3A_2493 = vector.shape_cast %get3A_2492 : vector<1x4x768xf32> to vector<4x768xf32>
    %add3A_2494 = arith.addf %mul3A_2488, %get3A_2493 : vector<4x768xf32>
    %eq3A_2495 = arith.constant 119 : i32
    %eq3A_2496 = arith.cmpi eq, %select_n3A_107, %eq3A_2495 : i32
    %eq3A_2497 = arith.constant 119 : i32
    %eq3A_2498 = arith.cmpi eq, %add3A_109, %eq3A_2497 : i32
    %or3A_2499 = arith.ori %eq3A_2496, %eq3A_2498 : i1
    %convert_element_type3A_2500 = arith.extui %or3A_2499 : i1 to i32
    %convert_element_type3A_2501 = arith.sitofp %convert_element_type3A_2500 : i32 to f32
    %sub3A_2502 = arith.constant 1.000000e+00 : f32
    %sub3A_2503 = arith.subf %sub3A_2502, %convert_element_type3A_2501 : f32
    %mul3A_2504 = vector.broadcast %convert_element_type3A_2501 : f32 to vector<4x768xf32>
    %mul3A_2505 = arith.mulf %add3A_2494, %mul3A_2504 : vector<4x768xf32>
    %add3A_2506 = arith.addf %add3A_2486, %mul3A_2505 : vector<4x768xf32>
    %mul3A_2507 = vector.broadcast %sub3A_2503 : f32 to vector<4x768xf32>
    %mul3A_2508 = arith.mulf %add3A_2494, %mul3A_2507 : vector<4x768xf32>
    %get3A_2509 = arith.constant 119 : index
    %get3A_2510 = arith.constant 0 : index
    %get3A_2511 = arith.constant 0 : index
    %get3A_2512 = vector.load %arg5[%get3A_2509, %get3A_2510, %get3A_2511] : memref<256x4x768xf32, #tpu.memory_space<vmem>>, vector<1x4x768xf32>
    %get3A_2513 = vector.shape_cast %get3A_2512 : vector<1x4x768xf32> to vector<4x768xf32>
    %add3A_2514 = arith.addf %mul3A_2508, %get3A_2513 : vector<4x768xf32>
    %eq3A_2515 = arith.constant 120 : i32
    %eq3A_2516 = arith.cmpi eq, %select_n3A_107, %eq3A_2515 : i32
    %eq3A_2517 = arith.constant 120 : i32
    %eq3A_2518 = arith.cmpi eq, %add3A_109, %eq3A_2517 : i32
    %or3A_2519 = arith.ori %eq3A_2516, %eq3A_2518 : i1
    %convert_element_type3A_2520 = arith.extui %or3A_2519 : i1 to i32
    %convert_element_type3A_2521 = arith.sitofp %convert_element_type3A_2520 : i32 to f32
    %sub3A_2522 = arith.constant 1.000000e+00 : f32
    %sub3A_2523 = arith.subf %sub3A_2522, %convert_element_type3A_2521 : f32
    %mul3A_2524 = vector.broadcast %convert_element_type3A_2521 : f32 to vector<4x768xf32>
    %mul3A_2525 = arith.mulf %add3A_2514, %mul3A_2524 : vector<4x768xf32>
    %add3A_2526 = arith.addf %add3A_2506, %mul3A_2525 : vector<4x768xf32>
    %mul3A_2527 = vector.broadcast %sub3A_2523 : f32 to vector<4x768xf32>
    %mul3A_2528 = arith.mulf %add3A_2514, %mul3A_2527 : vector<4x768xf32>
    %get3A_2529 = arith.constant 120 : index
    %get3A_2530 = arith.constant 0 : index
    %get3A_2531 = arith.constant 0 : index
    %get3A_2532 = vector.load %arg5[%get3A_2529, %get3A_2530, %get3A_2531] : memref<256x4x768xf32, #tpu.memory_space<vmem>>, vector<1x4x768xf32>
    %get3A_2533 = vector.shape_cast %get3A_2532 : vector<1x4x768xf32> to vector<4x768xf32>
    %add3A_2534 = arith.addf %mul3A_2528, %get3A_2533 : vector<4x768xf32>
    %eq3A_2535 = arith.constant 121 : i32
    %eq3A_2536 = arith.cmpi eq, %select_n3A_107, %eq3A_2535 : i32
    %eq3A_2537 = arith.constant 121 : i32
    %eq3A_2538 = arith.cmpi eq, %add3A_109, %eq3A_2537 : i32
    %or3A_2539 = arith.ori %eq3A_2536, %eq3A_2538 : i1
    %convert_element_type3A_2540 = arith.extui %or3A_2539 : i1 to i32
    %convert_element_type3A_2541 = arith.sitofp %convert_element_type3A_2540 : i32 to f32
    %sub3A_2542 = arith.constant 1.000000e+00 : f32
    %sub3A_2543 = arith.subf %sub3A_2542, %convert_element_type3A_2541 : f32
    %mul3A_2544 = vector.broadcast %convert_element_type3A_2541 : f32 to vector<4x768xf32>
    %mul3A_2545 = arith.mulf %add3A_2534, %mul3A_2544 : vector<4x768xf32>
    %add3A_2546 = arith.addf %add3A_2526, %mul3A_2545 : vector<4x768xf32>
    %mul3A_2547 = vector.broadcast %sub3A_2543 : f32 to vector<4x768xf32>
    %mul3A_2548 = arith.mulf %add3A_2534, %mul3A_2547 : vector<4x768xf32>
    %get3A_2549 = arith.constant 121 : index
    %get3A_2550 = arith.constant 0 : index
    %get3A_2551 = arith.constant 0 : index
    %get3A_2552 = vector.load %arg5[%get3A_2549, %get3A_2550, %get3A_2551] : memref<256x4x768xf32, #tpu.memory_space<vmem>>, vector<1x4x768xf32>
    %get3A_2553 = vector.shape_cast %get3A_2552 : vector<1x4x768xf32> to vector<4x768xf32>
    %add3A_2554 = arith.addf %mul3A_2548, %get3A_2553 : vector<4x768xf32>
    %eq3A_2555 = arith.constant 122 : i32
    %eq3A_2556 = arith.cmpi eq, %select_n3A_107, %eq3A_2555 : i32
    %eq3A_2557 = arith.constant 122 : i32
    %eq3A_2558 = arith.cmpi eq, %add3A_109, %eq3A_2557 : i32
    %or3A_2559 = arith.ori %eq3A_2556, %eq3A_2558 : i1
    %convert_element_type3A_2560 = arith.extui %or3A_2559 : i1 to i32
    %convert_element_type3A_2561 = arith.sitofp %convert_element_type3A_2560 : i32 to f32
    %sub3A_2562 = arith.constant 1.000000e+00 : f32
    %sub3A_2563 = arith.subf %sub3A_2562, %convert_element_type3A_2561 : f32
    %mul3A_2564 = vector.broadcast %convert_element_type3A_2561 : f32 to vector<4x768xf32>
    %mul3A_2565 = arith.mulf %add3A_2554, %mul3A_2564 : vector<4x768xf32>
    %add3A_2566 = arith.addf %add3A_2546, %mul3A_2565 : vector<4x768xf32>
    %mul3A_2567 = vector.broadcast %sub3A_2563 : f32 to vector<4x768xf32>
    %mul3A_2568 = arith.mulf %add3A_2554, %mul3A_2567 : vector<4x768xf32>
    %get3A_2569 = arith.constant 122 : index
    %get3A_2570 = arith.constant 0 : index
    %get3A_2571 = arith.constant 0 : index
    %get3A_2572 = vector.load %arg5[%get3A_2569, %get3A_2570, %get3A_2571] : memref<256x4x768xf32, #tpu.memory_space<vmem>>, vector<1x4x768xf32>
    %get3A_2573 = vector.shape_cast %get3A_2572 : vector<1x4x768xf32> to vector<4x768xf32>
    %add3A_2574 = arith.addf %mul3A_2568, %get3A_2573 : vector<4x768xf32>
    %eq3A_2575 = arith.constant 123 : i32
    %eq3A_2576 = arith.cmpi eq, %select_n3A_107, %eq3A_2575 : i32
    %eq3A_2577 = arith.constant 123 : i32
    %eq3A_2578 = arith.cmpi eq, %add3A_109, %eq3A_2577 : i32
    %or3A_2579 = arith.ori %eq3A_2576, %eq3A_2578 : i1
    %convert_element_type3A_2580 = arith.extui %or3A_2579 : i1 to i32
    %convert_element_type3A_2581 = arith.sitofp %convert_element_type3A_2580 : i32 to f32
    %sub3A_2582 = arith.constant 1.000000e+00 : f32
    %sub3A_2583 = arith.subf %sub3A_2582, %convert_element_type3A_2581 : f32
    %mul3A_2584 = vector.broadcast %convert_element_type3A_2581 : f32 to vector<4x768xf32>
    %mul3A_2585 = arith.mulf %add3A_2574, %mul3A_2584 : vector<4x768xf32>
    %add3A_2586 = arith.addf %add3A_2566, %mul3A_2585 : vector<4x768xf32>
    %mul3A_2587 = vector.broadcast %sub3A_2583 : f32 to vector<4x768xf32>
    %mul3A_2588 = arith.mulf %add3A_2574, %mul3A_2587 : vector<4x768xf32>
    %get3A_2589 = arith.constant 123 : index
    %get3A_2590 = arith.constant 0 : index
    %get3A_2591 = arith.constant 0 : index
    %get3A_2592 = vector.load %arg5[%get3A_2589, %get3A_2590, %get3A_2591] : memref<256x4x768xf32, #tpu.memory_space<vmem>>, vector<1x4x768xf32>
    %get3A_2593 = vector.shape_cast %get3A_2592 : vector<1x4x768xf32> to vector<4x768xf32>
    %add3A_2594 = arith.addf %mul3A_2588, %get3A_2593 : vector<4x768xf32>
    %eq3A_2595 = arith.constant 124 : i32
    %eq3A_2596 = arith.cmpi eq, %select_n3A_107, %eq3A_2595 : i32
    %eq3A_2597 = arith.constant 124 : i32
    %eq3A_2598 = arith.cmpi eq, %add3A_109, %eq3A_2597 : i32
    %or3A_2599 = arith.ori %eq3A_2596, %eq3A_2598 : i1
    %convert_element_type3A_2600 = arith.extui %or3A_2599 : i1 to i32
    %convert_element_type3A_2601 = arith.sitofp %convert_element_type3A_2600 : i32 to f32
    %sub3A_2602 = arith.constant 1.000000e+00 : f32
    %sub3A_2603 = arith.subf %sub3A_2602, %convert_element_type3A_2601 : f32
    %mul3A_2604 = vector.broadcast %convert_element_type3A_2601 : f32 to vector<4x768xf32>
    %mul3A_2605 = arith.mulf %add3A_2594, %mul3A_2604 : vector<4x768xf32>
    %add3A_2606 = arith.addf %add3A_2586, %mul3A_2605 : vector<4x768xf32>
    %mul3A_2607 = vector.broadcast %sub3A_2603 : f32 to vector<4x768xf32>
    %mul3A_2608 = arith.mulf %add3A_2594, %mul3A_2607 : vector<4x768xf32>
    %get3A_2609 = arith.constant 124 : index
    %get3A_2610 = arith.constant 0 : index
    %get3A_2611 = arith.constant 0 : index
    %get3A_2612 = vector.load %arg5[%get3A_2609, %get3A_2610, %get3A_2611] : memref<256x4x768xf32, #tpu.memory_space<vmem>>, vector<1x4x768xf32>
    %get3A_2613 = vector.shape_cast %get3A_2612 : vector<1x4x768xf32> to vector<4x768xf32>
    %add3A_2614 = arith.addf %mul3A_2608, %get3A_2613 : vector<4x768xf32>
    %eq3A_2615 = arith.constant 125 : i32
    %eq3A_2616 = arith.cmpi eq, %select_n3A_107, %eq3A_2615 : i32
    %eq3A_2617 = arith.constant 125 : i32
    %eq3A_2618 = arith.cmpi eq, %add3A_109, %eq3A_2617 : i32
    %or3A_2619 = arith.ori %eq3A_2616, %eq3A_2618 : i1
    %convert_element_type3A_2620 = arith.extui %or3A_2619 : i1 to i32
    %convert_element_type3A_2621 = arith.sitofp %convert_element_type3A_2620 : i32 to f32
    %sub3A_2622 = arith.constant 1.000000e+00 : f32
    %sub3A_2623 = arith.subf %sub3A_2622, %convert_element_type3A_2621 : f32
    %mul3A_2624 = vector.broadcast %convert_element_type3A_2621 : f32 to vector<4x768xf32>
    %mul3A_2625 = arith.mulf %add3A_2614, %mul3A_2624 : vector<4x768xf32>
    %add3A_2626 = arith.addf %add3A_2606, %mul3A_2625 : vector<4x768xf32>
    %mul3A_2627 = vector.broadcast %sub3A_2623 : f32 to vector<4x768xf32>
    %mul3A_2628 = arith.mulf %add3A_2614, %mul3A_2627 : vector<4x768xf32>
    %get3A_2629 = arith.constant 125 : index
    %get3A_2630 = arith.constant 0 : index
    %get3A_2631 = arith.constant 0 : index
    %get3A_2632 = vector.load %arg5[%get3A_2629, %get3A_2630, %get3A_2631] : memref<256x4x768xf32, #tpu.memory_space<vmem>>, vector<1x4x768xf32>
    %get3A_2633 = vector.shape_cast %get3A_2632 : vector<1x4x768xf32> to vector<4x768xf32>
    %add3A_2634 = arith.addf %mul3A_2628, %get3A_2633 : vector<4x768xf32>
    %eq3A_2635 = arith.constant 126 : i32
    %eq3A_2636 = arith.cmpi eq, %select_n3A_107, %eq3A_2635 : i32
    %eq3A_2637 = arith.constant 126 : i32
    %eq3A_2638 = arith.cmpi eq, %add3A_109, %eq3A_2637 : i32
    %or3A_2639 = arith.ori %eq3A_2636, %eq3A_2638 : i1
    %convert_element_type3A_2640 = arith.extui %or3A_2639 : i1 to i32
    %convert_element_type3A_2641 = arith.sitofp %convert_element_type3A_2640 : i32 to f32
    %sub3A_2642 = arith.constant 1.000000e+00 : f32
    %sub3A_2643 = arith.subf %sub3A_2642, %convert_element_type3A_2641 : f32
    %mul3A_2644 = vector.broadcast %convert_element_type3A_2641 : f32 to vector<4x768xf32>
    %mul3A_2645 = arith.mulf %add3A_2634, %mul3A_2644 : vector<4x768xf32>
    %add3A_2646 = arith.addf %add3A_2626, %mul3A_2645 : vector<4x768xf32>
    %mul3A_2647 = vector.broadcast %sub3A_2643 : f32 to vector<4x768xf32>
    %mul3A_2648 = arith.mulf %add3A_2634, %mul3A_2647 : vector<4x768xf32>
    %get3A_2649 = arith.constant 126 : index
    %get3A_2650 = arith.constant 0 : index
    %get3A_2651 = arith.constant 0 : index
    %get3A_2652 = vector.load %arg5[%get3A_2649, %get3A_2650, %get3A_2651] : memref<256x4x768xf32, #tpu.memory_space<vmem>>, vector<1x4x768xf32>
    %get3A_2653 = vector.shape_cast %get3A_2652 : vector<1x4x768xf32> to vector<4x768xf32>
    %add3A_2654 = arith.addf %mul3A_2648, %get3A_2653 : vector<4x768xf32>
    %eq3A_2655 = arith.constant 127 : i32
    %eq3A_2656 = arith.cmpi eq, %select_n3A_107, %eq3A_2655 : i32
    %eq3A_2657 = arith.constant 127 : i32
    %eq3A_2658 = arith.cmpi eq, %add3A_109, %eq3A_2657 : i32
    %or3A_2659 = arith.ori %eq3A_2656, %eq3A_2658 : i1
    %convert_element_type3A_2660 = arith.extui %or3A_2659 : i1 to i32
    %convert_element_type3A_2661 = arith.sitofp %convert_element_type3A_2660 : i32 to f32
    %sub3A_2662 = arith.constant 1.000000e+00 : f32
    %sub3A_2663 = arith.subf %sub3A_2662, %convert_element_type3A_2661 : f32
    %mul3A_2664 = vector.broadcast %convert_element_type3A_2661 : f32 to vector<4x768xf32>
    %mul3A_2665 = arith.mulf %add3A_2654, %mul3A_2664 : vector<4x768xf32>
    %add3A_2666 = arith.addf %add3A_2646, %mul3A_2665 : vector<4x768xf32>
    %mul3A_2667 = vector.broadcast %sub3A_2663 : f32 to vector<4x768xf32>
    %mul3A_2668 = arith.mulf %add3A_2654, %mul3A_2667 : vector<4x768xf32>
    %get3A_2669 = arith.constant 127 : index
    %get3A_2670 = arith.constant 0 : index
    %get3A_2671 = arith.constant 0 : index
    %get3A_2672 = vector.load %arg5[%get3A_2669, %get3A_2670, %get3A_2671] : memref<256x4x768xf32, #tpu.memory_space<vmem>>, vector<1x4x768xf32>
    %get3A_2673 = vector.shape_cast %get3A_2672 : vector<1x4x768xf32> to vector<4x768xf32>
    %add3A_2674 = arith.addf %mul3A_2668, %get3A_2673 : vector<4x768xf32>
    %eq3A_2675 = arith.constant 128 : i32
    %eq3A_2676 = arith.cmpi eq, %select_n3A_107, %eq3A_2675 : i32
    %eq3A_2677 = arith.constant 128 : i32
    %eq3A_2678 = arith.cmpi eq, %add3A_109, %eq3A_2677 : i32
    %or3A_2679 = arith.ori %eq3A_2676, %eq3A_2678 : i1
    %convert_element_type3A_2680 = arith.extui %or3A_2679 : i1 to i32
    %convert_element_type3A_2681 = arith.sitofp %convert_element_type3A_2680 : i32 to f32
    %sub3A_2682 = arith.constant 1.000000e+00 : f32
    %sub3A_2683 = arith.subf %sub3A_2682, %convert_element_type3A_2681 : f32
    %mul3A_2684 = vector.broadcast %convert_element_type3A_2681 : f32 to vector<4x768xf32>
    %mul3A_2685 = arith.mulf %add3A_2674, %mul3A_2684 : vector<4x768xf32>
    %add3A_2686 = arith.addf %add3A_2666, %mul3A_2685 : vector<4x768xf32>
    %mul3A_2687 = vector.broadcast %sub3A_2683 : f32 to vector<4x768xf32>
    %mul3A_2688 = arith.mulf %add3A_2674, %mul3A_2687 : vector<4x768xf32>
    %get3A_2689 = arith.constant 128 : index
    %get3A_2690 = arith.constant 0 : index
    %get3A_2691 = arith.constant 0 : index
    %get3A_2692 = vector.load %arg5[%get3A_2689, %get3A_2690, %get3A_2691] : memref<256x4x768xf32, #tpu.memory_space<vmem>>, vector<1x4x768xf32>
    %get3A_2693 = vector.shape_cast %get3A_2692 : vector<1x4x768xf32> to vector<4x768xf32>
    %add3A_2694 = arith.addf %mul3A_2688, %get3A_2693 : vector<4x768xf32>
    %eq3A_2695 = arith.constant 129 : i32
    %eq3A_2696 = arith.cmpi eq, %select_n3A_107, %eq3A_2695 : i32
    %eq3A_2697 = arith.constant 129 : i32
    %eq3A_2698 = arith.cmpi eq, %add3A_109, %eq3A_2697 : i32
    %or3A_2699 = arith.ori %eq3A_2696, %eq3A_2698 : i1
    %convert_element_type3A_2700 = arith.extui %or3A_2699 : i1 to i32
    %convert_element_type3A_2701 = arith.sitofp %convert_element_type3A_2700 : i32 to f32
    %sub3A_2702 = arith.constant 1.000000e+00 : f32
    %sub3A_2703 = arith.subf %sub3A_2702, %convert_element_type3A_2701 : f32
    %mul3A_2704 = vector.broadcast %convert_element_type3A_2701 : f32 to vector<4x768xf32>
    %mul3A_2705 = arith.mulf %add3A_2694, %mul3A_2704 : vector<4x768xf32>
    %add3A_2706 = arith.addf %add3A_2686, %mul3A_2705 : vector<4x768xf32>
    %mul3A_2707 = vector.broadcast %sub3A_2703 : f32 to vector<4x768xf32>
    %mul3A_2708 = arith.mulf %add3A_2694, %mul3A_2707 : vector<4x768xf32>
    %get3A_2709 = arith.constant 129 : index
    %get3A_2710 = arith.constant 0 : index
    %get3A_2711 = arith.constant 0 : index
    %get3A_2712 = vector.load %arg5[%get3A_2709, %get3A_2710, %get3A_2711] : memref<256x4x768xf32, #tpu.memory_space<vmem>>, vector<1x4x768xf32>
    %get3A_2713 = vector.shape_cast %get3A_2712 : vector<1x4x768xf32> to vector<4x768xf32>
    %add3A_2714 = arith.addf %mul3A_2708, %get3A_2713 : vector<4x768xf32>
    %eq3A_2715 = arith.constant 130 : i32
    %eq3A_2716 = arith.cmpi eq, %select_n3A_107, %eq3A_2715 : i32
    %eq3A_2717 = arith.constant 130 : i32
    %eq3A_2718 = arith.cmpi eq, %add3A_109, %eq3A_2717 : i32
    %or3A_2719 = arith.ori %eq3A_2716, %eq3A_2718 : i1
    %convert_element_type3A_2720 = arith.extui %or3A_2719 : i1 to i32
    %convert_element_type3A_2721 = arith.sitofp %convert_element_type3A_2720 : i32 to f32
    %sub3A_2722 = arith.constant 1.000000e+00 : f32
    %sub3A_2723 = arith.subf %sub3A_2722, %convert_element_type3A_2721 : f32
    %mul3A_2724 = vector.broadcast %convert_element_type3A_2721 : f32 to vector<4x768xf32>
    %mul3A_2725 = arith.mulf %add3A_2714, %mul3A_2724 : vector<4x768xf32>
    %add3A_2726 = arith.addf %add3A_2706, %mul3A_2725 : vector<4x768xf32>
    %mul3A_2727 = vector.broadcast %sub3A_2723 : f32 to vector<4x768xf32>
    %mul3A_2728 = arith.mulf %add3A_2714, %mul3A_2727 : vector<4x768xf32>
    %get3A_2729 = arith.constant 130 : index
    %get3A_2730 = arith.constant 0 : index
    %get3A_2731 = arith.constant 0 : index
    %get3A_2732 = vector.load %arg5[%get3A_2729, %get3A_2730, %get3A_2731] : memref<256x4x768xf32, #tpu.memory_space<vmem>>, vector<1x4x768xf32>
    %get3A_2733 = vector.shape_cast %get3A_2732 : vector<1x4x768xf32> to vector<4x768xf32>
    %add3A_2734 = arith.addf %mul3A_2728, %get3A_2733 : vector<4x768xf32>
    %eq3A_2735 = arith.constant 131 : i32
    %eq3A_2736 = arith.cmpi eq, %select_n3A_107, %eq3A_2735 : i32
    %eq3A_2737 = arith.constant 131 : i32
    %eq3A_2738 = arith.cmpi eq, %add3A_109, %eq3A_2737 : i32
    %or3A_2739 = arith.ori %eq3A_2736, %eq3A_2738 : i1
    %convert_element_type3A_2740 = arith.extui %or3A_2739 : i1 to i32
    %convert_element_type3A_2741 = arith.sitofp %convert_element_type3A_2740 : i32 to f32
    %sub3A_2742 = arith.constant 1.000000e+00 : f32
    %sub3A_2743 = arith.subf %sub3A_2742, %convert_element_type3A_2741 : f32
    %mul3A_2744 = vector.broadcast %convert_element_type3A_2741 : f32 to vector<4x768xf32>
    %mul3A_2745 = arith.mulf %add3A_2734, %mul3A_2744 : vector<4x768xf32>
    %add3A_2746 = arith.addf %add3A_2726, %mul3A_2745 : vector<4x768xf32>
    %mul3A_2747 = vector.broadcast %sub3A_2743 : f32 to vector<4x768xf32>
    %mul3A_2748 = arith.mulf %add3A_2734, %mul3A_2747 : vector<4x768xf32>
    %get3A_2749 = arith.constant 131 : index
    %get3A_2750 = arith.constant 0 : index
    %get3A_2751 = arith.constant 0 : index
    %get3A_2752 = vector.load %arg5[%get3A_2749, %get3A_2750, %get3A_2751] : memref<256x4x768xf32, #tpu.memory_space<vmem>>, vector<1x4x768xf32>
    %get3A_2753 = vector.shape_cast %get3A_2752 : vector<1x4x768xf32> to vector<4x768xf32>
    %add3A_2754 = arith.addf %mul3A_2748, %get3A_2753 : vector<4x768xf32>
    %eq3A_2755 = arith.constant 132 : i32
    %eq3A_2756 = arith.cmpi eq, %select_n3A_107, %eq3A_2755 : i32
    %eq3A_2757 = arith.constant 132 : i32
    %eq3A_2758 = arith.cmpi eq, %add3A_109, %eq3A_2757 : i32
    %or3A_2759 = arith.ori %eq3A_2756, %eq3A_2758 : i1
    %convert_element_type3A_2760 = arith.extui %or3A_2759 : i1 to i32
    %convert_element_type3A_2761 = arith.sitofp %convert_element_type3A_2760 : i32 to f32
    %sub3A_2762 = arith.constant 1.000000e+00 : f32
    %sub3A_2763 = arith.subf %sub3A_2762, %convert_element_type3A_2761 : f32
    %mul3A_2764 = vector.broadcast %convert_element_type3A_2761 : f32 to vector<4x768xf32>
    %mul3A_2765 = arith.mulf %add3A_2754, %mul3A_2764 : vector<4x768xf32>
    %add3A_2766 = arith.addf %add3A_2746, %mul3A_2765 : vector<4x768xf32>
    %mul3A_2767 = vector.broadcast %sub3A_2763 : f32 to vector<4x768xf32>
    %mul3A_2768 = arith.mulf %add3A_2754, %mul3A_2767 : vector<4x768xf32>
    %get3A_2769 = arith.constant 132 : index
    %get3A_2770 = arith.constant 0 : index
    %get3A_2771 = arith.constant 0 : index
    %get3A_2772 = vector.load %arg5[%get3A_2769, %get3A_2770, %get3A_2771] : memref<256x4x768xf32, #tpu.memory_space<vmem>>, vector<1x4x768xf32>
    %get3A_2773 = vector.shape_cast %get3A_2772 : vector<1x4x768xf32> to vector<4x768xf32>
    %add3A_2774 = arith.addf %mul3A_2768, %get3A_2773 : vector<4x768xf32>
    %eq3A_2775 = arith.constant 133 : i32
    %eq3A_2776 = arith.cmpi eq, %select_n3A_107, %eq3A_2775 : i32
    %eq3A_2777 = arith.constant 133 : i32
    %eq3A_2778 = arith.cmpi eq, %add3A_109, %eq3A_2777 : i32
    %or3A_2779 = arith.ori %eq3A_2776, %eq3A_2778 : i1
    %convert_element_type3A_2780 = arith.extui %or3A_2779 : i1 to i32
    %convert_element_type3A_2781 = arith.sitofp %convert_element_type3A_2780 : i32 to f32
    %sub3A_2782 = arith.constant 1.000000e+00 : f32
    %sub3A_2783 = arith.subf %sub3A_2782, %convert_element_type3A_2781 : f32
    %mul3A_2784 = vector.broadcast %convert_element_type3A_2781 : f32 to vector<4x768xf32>
    %mul3A_2785 = arith.mulf %add3A_2774, %mul3A_2784 : vector<4x768xf32>
    %add3A_2786 = arith.addf %add3A_2766, %mul3A_2785 : vector<4x768xf32>
    %mul3A_2787 = vector.broadcast %sub3A_2783 : f32 to vector<4x768xf32>
    %mul3A_2788 = arith.mulf %add3A_2774, %mul3A_2787 : vector<4x768xf32>
    %get3A_2789 = arith.constant 133 : index
    %get3A_2790 = arith.constant 0 : index
    %get3A_2791 = arith.constant 0 : index
    %get3A_2792 = vector.load %arg5[%get3A_2789, %get3A_2790, %get3A_2791] : memref<256x4x768xf32, #tpu.memory_space<vmem>>, vector<1x4x768xf32>
    %get3A_2793 = vector.shape_cast %get3A_2792 : vector<1x4x768xf32> to vector<4x768xf32>
    %add3A_2794 = arith.addf %mul3A_2788, %get3A_2793 : vector<4x768xf32>
    %eq3A_2795 = arith.constant 134 : i32
    %eq3A_2796 = arith.cmpi eq, %select_n3A_107, %eq3A_2795 : i32
    %eq3A_2797 = arith.constant 134 : i32
    %eq3A_2798 = arith.cmpi eq, %add3A_109, %eq3A_2797 : i32
    %or3A_2799 = arith.ori %eq3A_2796, %eq3A_2798 : i1
    %convert_element_type3A_2800 = arith.extui %or3A_2799 : i1 to i32
    %convert_element_type3A_2801 = arith.sitofp %convert_element_type3A_2800 : i32 to f32
    %sub3A_2802 = arith.constant 1.000000e+00 : f32
    %sub3A_2803 = arith.subf %sub3A_2802, %convert_element_type3A_2801 : f32
    %mul3A_2804 = vector.broadcast %convert_element_type3A_2801 : f32 to vector<4x768xf32>
    %mul3A_2805 = arith.mulf %add3A_2794, %mul3A_2804 : vector<4x768xf32>
    %add3A_2806 = arith.addf %add3A_2786, %mul3A_2805 : vector<4x768xf32>
    %mul3A_2807 = vector.broadcast %sub3A_2803 : f32 to vector<4x768xf32>
    %mul3A_2808 = arith.mulf %add3A_2794, %mul3A_2807 : vector<4x768xf32>
    %get3A_2809 = arith.constant 134 : index
    %get3A_2810 = arith.constant 0 : index
    %get3A_2811 = arith.constant 0 : index
    %get3A_2812 = vector.load %arg5[%get3A_2809, %get3A_2810, %get3A_2811] : memref<256x4x768xf32, #tpu.memory_space<vmem>>, vector<1x4x768xf32>
    %get3A_2813 = vector.shape_cast %get3A_2812 : vector<1x4x768xf32> to vector<4x768xf32>
    %add3A_2814 = arith.addf %mul3A_2808, %get3A_2813 : vector<4x768xf32>
    %eq3A_2815 = arith.constant 135 : i32
    %eq3A_2816 = arith.cmpi eq, %select_n3A_107, %eq3A_2815 : i32
    %eq3A_2817 = arith.constant 135 : i32
    %eq3A_2818 = arith.cmpi eq, %add3A_109, %eq3A_2817 : i32
    %or3A_2819 = arith.ori %eq3A_2816, %eq3A_2818 : i1
    %convert_element_type3A_2820 = arith.extui %or3A_2819 : i1 to i32
    %convert_element_type3A_2821 = arith.sitofp %convert_element_type3A_2820 : i32 to f32
    %sub3A_2822 = arith.constant 1.000000e+00 : f32
    %sub3A_2823 = arith.subf %sub3A_2822, %convert_element_type3A_2821 : f32
    %mul3A_2824 = vector.broadcast %convert_element_type3A_2821 : f32 to vector<4x768xf32>
    %mul3A_2825 = arith.mulf %add3A_2814, %mul3A_2824 : vector<4x768xf32>
    %add3A_2826 = arith.addf %add3A_2806, %mul3A_2825 : vector<4x768xf32>
    %mul3A_2827 = vector.broadcast %sub3A_2823 : f32 to vector<4x768xf32>
    %mul3A_2828 = arith.mulf %add3A_2814, %mul3A_2827 : vector<4x768xf32>
    %get3A_2829 = arith.constant 135 : index
    %get3A_2830 = arith.constant 0 : index
    %get3A_2831 = arith.constant 0 : index
    %get3A_2832 = vector.load %arg5[%get3A_2829, %get3A_2830, %get3A_2831] : memref<256x4x768xf32, #tpu.memory_space<vmem>>, vector<1x4x768xf32>
    %get3A_2833 = vector.shape_cast %get3A_2832 : vector<1x4x768xf32> to vector<4x768xf32>
    %add3A_2834 = arith.addf %mul3A_2828, %get3A_2833 : vector<4x768xf32>
    %eq3A_2835 = arith.constant 136 : i32
    %eq3A_2836 = arith.cmpi eq, %select_n3A_107, %eq3A_2835 : i32
    %eq3A_2837 = arith.constant 136 : i32
    %eq3A_2838 = arith.cmpi eq, %add3A_109, %eq3A_2837 : i32
    %or3A_2839 = arith.ori %eq3A_2836, %eq3A_2838 : i1
    %convert_element_type3A_2840 = arith.extui %or3A_2839 : i1 to i32
    %convert_element_type3A_2841 = arith.sitofp %convert_element_type3A_2840 : i32 to f32
    %sub3A_2842 = arith.constant 1.000000e+00 : f32
    %sub3A_2843 = arith.subf %sub3A_2842, %convert_element_type3A_2841 : f32
    %mul3A_2844 = vector.broadcast %convert_element_type3A_2841 : f32 to vector<4x768xf32>
    %mul3A_2845 = arith.mulf %add3A_2834, %mul3A_2844 : vector<4x768xf32>
    %add3A_2846 = arith.addf %add3A_2826, %mul3A_2845 : vector<4x768xf32>
    %mul3A_2847 = vector.broadcast %sub3A_2843 : f32 to vector<4x768xf32>
    %mul3A_2848 = arith.mulf %add3A_2834, %mul3A_2847 : vector<4x768xf32>
    %get3A_2849 = arith.constant 136 : index
    %get3A_2850 = arith.constant 0 : index
    %get3A_2851 = arith.constant 0 : index
    %get3A_2852 = vector.load %arg5[%get3A_2849, %get3A_2850, %get3A_2851] : memref<256x4x768xf32, #tpu.memory_space<vmem>>, vector<1x4x768xf32>
    %get3A_2853 = vector.shape_cast %get3A_2852 : vector<1x4x768xf32> to vector<4x768xf32>
    %add3A_2854 = arith.addf %mul3A_2848, %get3A_2853 : vector<4x768xf32>
    %eq3A_2855 = arith.constant 137 : i32
    %eq3A_2856 = arith.cmpi eq, %select_n3A_107, %eq3A_2855 : i32
    %eq3A_2857 = arith.constant 137 : i32
    %eq3A_2858 = arith.cmpi eq, %add3A_109, %eq3A_2857 : i32
    %or3A_2859 = arith.ori %eq3A_2856, %eq3A_2858 : i1
    %convert_element_type3A_2860 = arith.extui %or3A_2859 : i1 to i32
    %convert_element_type3A_2861 = arith.sitofp %convert_element_type3A_2860 : i32 to f32
    %sub3A_2862 = arith.constant 1.000000e+00 : f32
    %sub3A_2863 = arith.subf %sub3A_2862, %convert_element_type3A_2861 : f32
    %mul3A_2864 = vector.broadcast %convert_element_type3A_2861 : f32 to vector<4x768xf32>
    %mul3A_2865 = arith.mulf %add3A_2854, %mul3A_2864 : vector<4x768xf32>
    %add3A_2866 = arith.addf %add3A_2846, %mul3A_2865 : vector<4x768xf32>
    %mul3A_2867 = vector.broadcast %sub3A_2863 : f32 to vector<4x768xf32>
    %mul3A_2868 = arith.mulf %add3A_2854, %mul3A_2867 : vector<4x768xf32>
    %get3A_2869 = arith.constant 137 : index
    %get3A_2870 = arith.constant 0 : index
    %get3A_2871 = arith.constant 0 : index
    %get3A_2872 = vector.load %arg5[%get3A_2869, %get3A_2870, %get3A_2871] : memref<256x4x768xf32, #tpu.memory_space<vmem>>, vector<1x4x768xf32>
    %get3A_2873 = vector.shape_cast %get3A_2872 : vector<1x4x768xf32> to vector<4x768xf32>
    %add3A_2874 = arith.addf %mul3A_2868, %get3A_2873 : vector<4x768xf32>
    %eq3A_2875 = arith.constant 138 : i32
    %eq3A_2876 = arith.cmpi eq, %select_n3A_107, %eq3A_2875 : i32
    %eq3A_2877 = arith.constant 138 : i32
    %eq3A_2878 = arith.cmpi eq, %add3A_109, %eq3A_2877 : i32
    %or3A_2879 = arith.ori %eq3A_2876, %eq3A_2878 : i1
    %convert_element_type3A_2880 = arith.extui %or3A_2879 : i1 to i32
    %convert_element_type3A_2881 = arith.sitofp %convert_element_type3A_2880 : i32 to f32
    %sub3A_2882 = arith.constant 1.000000e+00 : f32
    %sub3A_2883 = arith.subf %sub3A_2882, %convert_element_type3A_2881 : f32
    %mul3A_2884 = vector.broadcast %convert_element_type3A_2881 : f32 to vector<4x768xf32>
    %mul3A_2885 = arith.mulf %add3A_2874, %mul3A_2884 : vector<4x768xf32>
    %add3A_2886 = arith.addf %add3A_2866, %mul3A_2885 : vector<4x768xf32>
    %mul3A_2887 = vector.broadcast %sub3A_2883 : f32 to vector<4x768xf32>
    %mul3A_2888 = arith.mulf %add3A_2874, %mul3A_2887 : vector<4x768xf32>
    %get3A_2889 = arith.constant 138 : index
    %get3A_2890 = arith.constant 0 : index
    %get3A_2891 = arith.constant 0 : index
    %get3A_2892 = vector.load %arg5[%get3A_2889, %get3A_2890, %get3A_2891] : memref<256x4x768xf32, #tpu.memory_space<vmem>>, vector<1x4x768xf32>
    %get3A_2893 = vector.shape_cast %get3A_2892 : vector<1x4x768xf32> to vector<4x768xf32>
    %add3A_2894 = arith.addf %mul3A_2888, %get3A_2893 : vector<4x768xf32>
    %eq3A_2895 = arith.constant 139 : i32
    %eq3A_2896 = arith.cmpi eq, %select_n3A_107, %eq3A_2895 : i32
    %eq3A_2897 = arith.constant 139 : i32
    %eq3A_2898 = arith.cmpi eq, %add3A_109, %eq3A_2897 : i32
    %or3A_2899 = arith.ori %eq3A_2896, %eq3A_2898 : i1
    %convert_element_type3A_2900 = arith.extui %or3A_2899 : i1 to i32
    %convert_element_type3A_2901 = arith.sitofp %convert_element_type3A_2900 : i32 to f32
    %sub3A_2902 = arith.constant 1.000000e+00 : f32
    %sub3A_2903 = arith.subf %sub3A_2902, %convert_element_type3A_2901 : f32
    %mul3A_2904 = vector.broadcast %convert_element_type3A_2901 : f32 to vector<4x768xf32>
    %mul3A_2905 = arith.mulf %add3A_2894, %mul3A_2904 : vector<4x768xf32>
    %add3A_2906 = arith.addf %add3A_2886, %mul3A_2905 : vector<4x768xf32>
    %mul3A_2907 = vector.broadcast %sub3A_2903 : f32 to vector<4x768xf32>
    %mul3A_2908 = arith.mulf %add3A_2894, %mul3A_2907 : vector<4x768xf32>
    %get3A_2909 = arith.constant 139 : index
    %get3A_2910 = arith.constant 0 : index
    %get3A_2911 = arith.constant 0 : index
    %get3A_2912 = vector.load %arg5[%get3A_2909, %get3A_2910, %get3A_2911] : memref<256x4x768xf32, #tpu.memory_space<vmem>>, vector<1x4x768xf32>
    %get3A_2913 = vector.shape_cast %get3A_2912 : vector<1x4x768xf32> to vector<4x768xf32>
    %add3A_2914 = arith.addf %mul3A_2908, %get3A_2913 : vector<4x768xf32>
    %eq3A_2915 = arith.constant 140 : i32
    %eq3A_2916 = arith.cmpi eq, %select_n3A_107, %eq3A_2915 : i32
    %eq3A_2917 = arith.constant 140 : i32
    %eq3A_2918 = arith.cmpi eq, %add3A_109, %eq3A_2917 : i32
    %or3A_2919 = arith.ori %eq3A_2916, %eq3A_2918 : i1
    %convert_element_type3A_2920 = arith.extui %or3A_2919 : i1 to i32
    %convert_element_type3A_2921 = arith.sitofp %convert_element_type3A_2920 : i32 to f32
    %sub3A_2922 = arith.constant 1.000000e+00 : f32
    %sub3A_2923 = arith.subf %sub3A_2922, %convert_element_type3A_2921 : f32
    %mul3A_2924 = vector.broadcast %convert_element_type3A_2921 : f32 to vector<4x768xf32>
    %mul3A_2925 = arith.mulf %add3A_2914, %mul3A_2924 : vector<4x768xf32>
    %add3A_2926 = arith.addf %add3A_2906, %mul3A_2925 : vector<4x768xf32>
    %mul3A_2927 = vector.broadcast %sub3A_2923 : f32 to vector<4x768xf32>
    %mul3A_2928 = arith.mulf %add3A_2914, %mul3A_2927 : vector<4x768xf32>
    %get3A_2929 = arith.constant 140 : index
    %get3A_2930 = arith.constant 0 : index
    %get3A_2931 = arith.constant 0 : index
    %get3A_2932 = vector.load %arg5[%get3A_2929, %get3A_2930, %get3A_2931] : memref<256x4x768xf32, #tpu.memory_space<vmem>>, vector<1x4x768xf32>
    %get3A_2933 = vector.shape_cast %get3A_2932 : vector<1x4x768xf32> to vector<4x768xf32>
    %add3A_2934 = arith.addf %mul3A_2928, %get3A_2933 : vector<4x768xf32>
    %eq3A_2935 = arith.constant 141 : i32
    %eq3A_2936 = arith.cmpi eq, %select_n3A_107, %eq3A_2935 : i32
    %eq3A_2937 = arith.constant 141 : i32
    %eq3A_2938 = arith.cmpi eq, %add3A_109, %eq3A_2937 : i32
    %or3A_2939 = arith.ori %eq3A_2936, %eq3A_2938 : i1
    %convert_element_type3A_2940 = arith.extui %or3A_2939 : i1 to i32
    %convert_element_type3A_2941 = arith.sitofp %convert_element_type3A_2940 : i32 to f32
    %sub3A_2942 = arith.constant 1.000000e+00 : f32
    %sub3A_2943 = arith.subf %sub3A_2942, %convert_element_type3A_2941 : f32
    %mul3A_2944 = vector.broadcast %convert_element_type3A_2941 : f32 to vector<4x768xf32>
    %mul3A_2945 = arith.mulf %add3A_2934, %mul3A_2944 : vector<4x768xf32>
    %add3A_2946 = arith.addf %add3A_2926, %mul3A_2945 : vector<4x768xf32>
    %mul3A_2947 = vector.broadcast %sub3A_2943 : f32 to vector<4x768xf32>
    %mul3A_2948 = arith.mulf %add3A_2934, %mul3A_2947 : vector<4x768xf32>
    %get3A_2949 = arith.constant 141 : index
    %get3A_2950 = arith.constant 0 : index
    %get3A_2951 = arith.constant 0 : index
    %get3A_2952 = vector.load %arg5[%get3A_2949, %get3A_2950, %get3A_2951] : memref<256x4x768xf32, #tpu.memory_space<vmem>>, vector<1x4x768xf32>
    %get3A_2953 = vector.shape_cast %get3A_2952 : vector<1x4x768xf32> to vector<4x768xf32>
    %add3A_2954 = arith.addf %mul3A_2948, %get3A_2953 : vector<4x768xf32>
    %eq3A_2955 = arith.constant 142 : i32
    %eq3A_2956 = arith.cmpi eq, %select_n3A_107, %eq3A_2955 : i32
    %eq3A_2957 = arith.constant 142 : i32
    %eq3A_2958 = arith.cmpi eq, %add3A_109, %eq3A_2957 : i32
    %or3A_2959 = arith.ori %eq3A_2956, %eq3A_2958 : i1
    %convert_element_type3A_2960 = arith.extui %or3A_2959 : i1 to i32
    %convert_element_type3A_2961 = arith.sitofp %convert_element_type3A_2960 : i32 to f32
    %sub3A_2962 = arith.constant 1.000000e+00 : f32
    %sub3A_2963 = arith.subf %sub3A_2962, %convert_element_type3A_2961 : f32
    %mul3A_2964 = vector.broadcast %convert_element_type3A_2961 : f32 to vector<4x768xf32>
    %mul3A_2965 = arith.mulf %add3A_2954, %mul3A_2964 : vector<4x768xf32>
    %add3A_2966 = arith.addf %add3A_2946, %mul3A_2965 : vector<4x768xf32>
    %mul3A_2967 = vector.broadcast %sub3A_2963 : f32 to vector<4x768xf32>
    %mul3A_2968 = arith.mulf %add3A_2954, %mul3A_2967 : vector<4x768xf32>
    %get3A_2969 = arith.constant 142 : index
    %get3A_2970 = arith.constant 0 : index
    %get3A_2971 = arith.constant 0 : index
    %get3A_2972 = vector.load %arg5[%get3A_2969, %get3A_2970, %get3A_2971] : memref<256x4x768xf32, #tpu.memory_space<vmem>>, vector<1x4x768xf32>
    %get3A_2973 = vector.shape_cast %get3A_2972 : vector<1x4x768xf32> to vector<4x768xf32>
    %add3A_2974 = arith.addf %mul3A_2968, %get3A_2973 : vector<4x768xf32>
    %eq3A_2975 = arith.constant 143 : i32
    %eq3A_2976 = arith.cmpi eq, %select_n3A_107, %eq3A_2975 : i32
    %eq3A_2977 = arith.constant 143 : i32
    %eq3A_2978 = arith.cmpi eq, %add3A_109, %eq3A_2977 : i32
    %or3A_2979 = arith.ori %eq3A_2976, %eq3A_2978 : i1
    %convert_element_type3A_2980 = arith.extui %or3A_2979 : i1 to i32
    %convert_element_type3A_2981 = arith.sitofp %convert_element_type3A_2980 : i32 to f32
    %sub3A_2982 = arith.constant 1.000000e+00 : f32
    %sub3A_2983 = arith.subf %sub3A_2982, %convert_element_type3A_2981 : f32
    %mul3A_2984 = vector.broadcast %convert_element_type3A_2981 : f32 to vector<4x768xf32>
    %mul3A_2985 = arith.mulf %add3A_2974, %mul3A_2984 : vector<4x768xf32>
    %add3A_2986 = arith.addf %add3A_2966, %mul3A_2985 : vector<4x768xf32>
    %mul3A_2987 = vector.broadcast %sub3A_2983 : f32 to vector<4x768xf32>
    %mul3A_2988 = arith.mulf %add3A_2974, %mul3A_2987 : vector<4x768xf32>
    %get3A_2989 = arith.constant 143 : index
    %get3A_2990 = arith.constant 0 : index
    %get3A_2991 = arith.constant 0 : index
    %get3A_2992 = vector.load %arg5[%get3A_2989, %get3A_2990, %get3A_2991] : memref<256x4x768xf32, #tpu.memory_space<vmem>>, vector<1x4x768xf32>
    %get3A_2993 = vector.shape_cast %get3A_2992 : vector<1x4x768xf32> to vector<4x768xf32>
    %add3A_2994 = arith.addf %mul3A_2988, %get3A_2993 : vector<4x768xf32>
    %eq3A_2995 = arith.constant 144 : i32
    %eq3A_2996 = arith.cmpi eq, %select_n3A_107, %eq3A_2995 : i32
    %eq3A_2997 = arith.constant 144 : i32
    %eq3A_2998 = arith.cmpi eq, %add3A_109, %eq3A_2997 : i32
    %or3A_2999 = arith.ori %eq3A_2996, %eq3A_2998 : i1
    %convert_element_type3A_3000 = arith.extui %or3A_2999 : i1 to i32
    %convert_element_type3A_3001 = arith.sitofp %convert_element_type3A_3000 : i32 to f32
    %sub3A_3002 = arith.constant 1.000000e+00 : f32
    %sub3A_3003 = arith.subf %sub3A_3002, %convert_element_type3A_3001 : f32
    %mul3A_3004 = vector.broadcast %convert_element_type3A_3001 : f32 to vector<4x768xf32>
    %mul3A_3005 = arith.mulf %add3A_2994, %mul3A_3004 : vector<4x768xf32>
    %add3A_3006 = arith.addf %add3A_2986, %mul3A_3005 : vector<4x768xf32>
    %mul3A_3007 = vector.broadcast %sub3A_3003 : f32 to vector<4x768xf32>
    %mul3A_3008 = arith.mulf %add3A_2994, %mul3A_3007 : vector<4x768xf32>
    %get3A_3009 = arith.constant 144 : index
    %get3A_3010 = arith.constant 0 : index
    %get3A_3011 = arith.constant 0 : index
    %get3A_3012 = vector.load %arg5[%get3A_3009, %get3A_3010, %get3A_3011] : memref<256x4x768xf32, #tpu.memory_space<vmem>>, vector<1x4x768xf32>
    %get3A_3013 = vector.shape_cast %get3A_3012 : vector<1x4x768xf32> to vector<4x768xf32>
    %add3A_3014 = arith.addf %mul3A_3008, %get3A_3013 : vector<4x768xf32>
    %eq3A_3015 = arith.constant 145 : i32
    %eq3A_3016 = arith.cmpi eq, %select_n3A_107, %eq3A_3015 : i32
    %eq3A_3017 = arith.constant 145 : i32
    %eq3A_3018 = arith.cmpi eq, %add3A_109, %eq3A_3017 : i32
    %or3A_3019 = arith.ori %eq3A_3016, %eq3A_3018 : i1
    %convert_element_type3A_3020 = arith.extui %or3A_3019 : i1 to i32
    %convert_element_type3A_3021 = arith.sitofp %convert_element_type3A_3020 : i32 to f32
    %sub3A_3022 = arith.constant 1.000000e+00 : f32
    %sub3A_3023 = arith.subf %sub3A_3022, %convert_element_type3A_3021 : f32
    %mul3A_3024 = vector.broadcast %convert_element_type3A_3021 : f32 to vector<4x768xf32>
    %mul3A_3025 = arith.mulf %add3A_3014, %mul3A_3024 : vector<4x768xf32>
    %add3A_3026 = arith.addf %add3A_3006, %mul3A_3025 : vector<4x768xf32>
    %mul3A_3027 = vector.broadcast %sub3A_3023 : f32 to vector<4x768xf32>
    %mul3A_3028 = arith.mulf %add3A_3014, %mul3A_3027 : vector<4x768xf32>
    %get3A_3029 = arith.constant 145 : index
    %get3A_3030 = arith.constant 0 : index
    %get3A_3031 = arith.constant 0 : index
    %get3A_3032 = vector.load %arg5[%get3A_3029, %get3A_3030, %get3A_3031] : memref<256x4x768xf32, #tpu.memory_space<vmem>>, vector<1x4x768xf32>
    %get3A_3033 = vector.shape_cast %get3A_3032 : vector<1x4x768xf32> to vector<4x768xf32>
    %add3A_3034 = arith.addf %mul3A_3028, %get3A_3033 : vector<4x768xf32>
    %eq3A_3035 = arith.constant 146 : i32
    %eq3A_3036 = arith.cmpi eq, %select_n3A_107, %eq3A_3035 : i32
    %eq3A_3037 = arith.constant 146 : i32
    %eq3A_3038 = arith.cmpi eq, %add3A_109, %eq3A_3037 : i32
    %or3A_3039 = arith.ori %eq3A_3036, %eq3A_3038 : i1
    %convert_element_type3A_3040 = arith.extui %or3A_3039 : i1 to i32
    %convert_element_type3A_3041 = arith.sitofp %convert_element_type3A_3040 : i32 to f32
    %sub3A_3042 = arith.constant 1.000000e+00 : f32
    %sub3A_3043 = arith.subf %sub3A_3042, %convert_element_type3A_3041 : f32
    %mul3A_3044 = vector.broadcast %convert_element_type3A_3041 : f32 to vector<4x768xf32>
    %mul3A_3045 = arith.mulf %add3A_3034, %mul3A_3044 : vector<4x768xf32>
    %add3A_3046 = arith.addf %add3A_3026, %mul3A_3045 : vector<4x768xf32>
    %mul3A_3047 = vector.broadcast %sub3A_3043 : f32 to vector<4x768xf32>
    %mul3A_3048 = arith.mulf %add3A_3034, %mul3A_3047 : vector<4x768xf32>
    %get3A_3049 = arith.constant 146 : index
    %get3A_3050 = arith.constant 0 : index
    %get3A_3051 = arith.constant 0 : index
    %get3A_3052 = vector.load %arg5[%get3A_3049, %get3A_3050, %get3A_3051] : memref<256x4x768xf32, #tpu.memory_space<vmem>>, vector<1x4x768xf32>
    %get3A_3053 = vector.shape_cast %get3A_3052 : vector<1x4x768xf32> to vector<4x768xf32>
    %add3A_3054 = arith.addf %mul3A_3048, %get3A_3053 : vector<4x768xf32>
    %eq3A_3055 = arith.constant 147 : i32
    %eq3A_3056 = arith.cmpi eq, %select_n3A_107, %eq3A_3055 : i32
    %eq3A_3057 = arith.constant 147 : i32
    %eq3A_3058 = arith.cmpi eq, %add3A_109, %eq3A_3057 : i32
    %or3A_3059 = arith.ori %eq3A_3056, %eq3A_3058 : i1
    %convert_element_type3A_3060 = arith.extui %or3A_3059 : i1 to i32
    %convert_element_type3A_3061 = arith.sitofp %convert_element_type3A_3060 : i32 to f32
    %sub3A_3062 = arith.constant 1.000000e+00 : f32
    %sub3A_3063 = arith.subf %sub3A_3062, %convert_element_type3A_3061 : f32
    %mul3A_3064 = vector.broadcast %convert_element_type3A_3061 : f32 to vector<4x768xf32>
    %mul3A_3065 = arith.mulf %add3A_3054, %mul3A_3064 : vector<4x768xf32>
    %add3A_3066 = arith.addf %add3A_3046, %mul3A_3065 : vector<4x768xf32>
    %mul3A_3067 = vector.broadcast %sub3A_3063 : f32 to vector<4x768xf32>
    %mul3A_3068 = arith.mulf %add3A_3054, %mul3A_3067 : vector<4x768xf32>
    %get3A_3069 = arith.constant 147 : index
    %get3A_3070 = arith.constant 0 : index
    %get3A_3071 = arith.constant 0 : index
    %get3A_3072 = vector.load %arg5[%get3A_3069, %get3A_3070, %get3A_3071] : memref<256x4x768xf32, #tpu.memory_space<vmem>>, vector<1x4x768xf32>
    %get3A_3073 = vector.shape_cast %get3A_3072 : vector<1x4x768xf32> to vector<4x768xf32>
    %add3A_3074 = arith.addf %mul3A_3068, %get3A_3073 : vector<4x768xf32>
    %eq3A_3075 = arith.constant 148 : i32
    %eq3A_3076 = arith.cmpi eq, %select_n3A_107, %eq3A_3075 : i32
    %eq3A_3077 = arith.constant 148 : i32
    %eq3A_3078 = arith.cmpi eq, %add3A_109, %eq3A_3077 : i32
    %or3A_3079 = arith.ori %eq3A_3076, %eq3A_3078 : i1
    %convert_element_type3A_3080 = arith.extui %or3A_3079 : i1 to i32
    %convert_element_type3A_3081 = arith.sitofp %convert_element_type3A_3080 : i32 to f32
    %sub3A_3082 = arith.constant 1.000000e+00 : f32
    %sub3A_3083 = arith.subf %sub3A_3082, %convert_element_type3A_3081 : f32
    %mul3A_3084 = vector.broadcast %convert_element_type3A_3081 : f32 to vector<4x768xf32>
    %mul3A_3085 = arith.mulf %add3A_3074, %mul3A_3084 : vector<4x768xf32>
    %add3A_3086 = arith.addf %add3A_3066, %mul3A_3085 : vector<4x768xf32>
    %mul3A_3087 = vector.broadcast %sub3A_3083 : f32 to vector<4x768xf32>
    %mul3A_3088 = arith.mulf %add3A_3074, %mul3A_3087 : vector<4x768xf32>
    %get3A_3089 = arith.constant 148 : index
    %get3A_3090 = arith.constant 0 : index
    %get3A_3091 = arith.constant 0 : index
    %get3A_3092 = vector.load %arg5[%get3A_3089, %get3A_3090, %get3A_3091] : memref<256x4x768xf32, #tpu.memory_space<vmem>>, vector<1x4x768xf32>
    %get3A_3093 = vector.shape_cast %get3A_3092 : vector<1x4x768xf32> to vector<4x768xf32>
    %add3A_3094 = arith.addf %mul3A_3088, %get3A_3093 : vector<4x768xf32>
    %eq3A_3095 = arith.constant 149 : i32
    %eq3A_3096 = arith.cmpi eq, %select_n3A_107, %eq3A_3095 : i32
    %eq3A_3097 = arith.constant 149 : i32
    %eq3A_3098 = arith.cmpi eq, %add3A_109, %eq3A_3097 : i32
    %or3A_3099 = arith.ori %eq3A_3096, %eq3A_3098 : i1
    %convert_element_type3A_3100 = arith.extui %or3A_3099 : i1 to i32
    %convert_element_type3A_3101 = arith.sitofp %convert_element_type3A_3100 : i32 to f32
    %sub3A_3102 = arith.constant 1.000000e+00 : f32
    %sub3A_3103 = arith.subf %sub3A_3102, %convert_element_type3A_3101 : f32
    %mul3A_3104 = vector.broadcast %convert_element_type3A_3101 : f32 to vector<4x768xf32>
    %mul3A_3105 = arith.mulf %add3A_3094, %mul3A_3104 : vector<4x768xf32>
    %add3A_3106 = arith.addf %add3A_3086, %mul3A_3105 : vector<4x768xf32>
    %mul3A_3107 = vector.broadcast %sub3A_3103 : f32 to vector<4x768xf32>
    %mul3A_3108 = arith.mulf %add3A_3094, %mul3A_3107 : vector<4x768xf32>
    %get3A_3109 = arith.constant 149 : index
    %get3A_3110 = arith.constant 0 : index
    %get3A_3111 = arith.constant 0 : index
    %get3A_3112 = vector.load %arg5[%get3A_3109, %get3A_3110, %get3A_3111] : memref<256x4x768xf32, #tpu.memory_space<vmem>>, vector<1x4x768xf32>
    %get3A_3113 = vector.shape_cast %get3A_3112 : vector<1x4x768xf32> to vector<4x768xf32>
    %add3A_3114 = arith.addf %mul3A_3108, %get3A_3113 : vector<4x768xf32>
    %eq3A_3115 = arith.constant 150 : i32
    %eq3A_3116 = arith.cmpi eq, %select_n3A_107, %eq3A_3115 : i32
    %eq3A_3117 = arith.constant 150 : i32
    %eq3A_3118 = arith.cmpi eq, %add3A_109, %eq3A_3117 : i32
    %or3A_3119 = arith.ori %eq3A_3116, %eq3A_3118 : i1
    %convert_element_type3A_3120 = arith.extui %or3A_3119 : i1 to i32
    %convert_element_type3A_3121 = arith.sitofp %convert_element_type3A_3120 : i32 to f32
    %sub3A_3122 = arith.constant 1.000000e+00 : f32
    %sub3A_3123 = arith.subf %sub3A_3122, %convert_element_type3A_3121 : f32
    %mul3A_3124 = vector.broadcast %convert_element_type3A_3121 : f32 to vector<4x768xf32>
    %mul3A_3125 = arith.mulf %add3A_3114, %mul3A_3124 : vector<4x768xf32>
    %add3A_3126 = arith.addf %add3A_3106, %mul3A_3125 : vector<4x768xf32>
    %mul3A_3127 = vector.broadcast %sub3A_3123 : f32 to vector<4x768xf32>
    %mul3A_3128 = arith.mulf %add3A_3114, %mul3A_3127 : vector<4x768xf32>
    %get3A_3129 = arith.constant 150 : index
    %get3A_3130 = arith.constant 0 : index
    %get3A_3131 = arith.constant 0 : index
    %get3A_3132 = vector.load %arg5[%get3A_3129, %get3A_3130, %get3A_3131] : memref<256x4x768xf32, #tpu.memory_space<vmem>>, vector<1x4x768xf32>
    %get3A_3133 = vector.shape_cast %get3A_3132 : vector<1x4x768xf32> to vector<4x768xf32>
    %add3A_3134 = arith.addf %mul3A_3128, %get3A_3133 : vector<4x768xf32>
    %eq3A_3135 = arith.constant 151 : i32
    %eq3A_3136 = arith.cmpi eq, %select_n3A_107, %eq3A_3135 : i32
    %eq3A_3137 = arith.constant 151 : i32
    %eq3A_3138 = arith.cmpi eq, %add3A_109, %eq3A_3137 : i32
    %or3A_3139 = arith.ori %eq3A_3136, %eq3A_3138 : i1
    %convert_element_type3A_3140 = arith.extui %or3A_3139 : i1 to i32
    %convert_element_type3A_3141 = arith.sitofp %convert_element_type3A_3140 : i32 to f32
    %sub3A_3142 = arith.constant 1.000000e+00 : f32
    %sub3A_3143 = arith.subf %sub3A_3142, %convert_element_type3A_3141 : f32
    %mul3A_3144 = vector.broadcast %convert_element_type3A_3141 : f32 to vector<4x768xf32>
    %mul3A_3145 = arith.mulf %add3A_3134, %mul3A_3144 : vector<4x768xf32>
    %add3A_3146 = arith.addf %add3A_3126, %mul3A_3145 : vector<4x768xf32>
    %mul3A_3147 = vector.broadcast %sub3A_3143 : f32 to vector<4x768xf32>
    %mul3A_3148 = arith.mulf %add3A_3134, %mul3A_3147 : vector<4x768xf32>
    %get3A_3149 = arith.constant 151 : index
    %get3A_3150 = arith.constant 0 : index
    %get3A_3151 = arith.constant 0 : index
    %get3A_3152 = vector.load %arg5[%get3A_3149, %get3A_3150, %get3A_3151] : memref<256x4x768xf32, #tpu.memory_space<vmem>>, vector<1x4x768xf32>
    %get3A_3153 = vector.shape_cast %get3A_3152 : vector<1x4x768xf32> to vector<4x768xf32>
    %add3A_3154 = arith.addf %mul3A_3148, %get3A_3153 : vector<4x768xf32>
    %eq3A_3155 = arith.constant 152 : i32
    %eq3A_3156 = arith.cmpi eq, %select_n3A_107, %eq3A_3155 : i32
    %eq3A_3157 = arith.constant 152 : i32
    %eq3A_3158 = arith.cmpi eq, %add3A_109, %eq3A_3157 : i32
    %or3A_3159 = arith.ori %eq3A_3156, %eq3A_3158 : i1
    %convert_element_type3A_3160 = arith.extui %or3A_3159 : i1 to i32
    %convert_element_type3A_3161 = arith.sitofp %convert_element_type3A_3160 : i32 to f32
    %sub3A_3162 = arith.constant 1.000000e+00 : f32
    %sub3A_3163 = arith.subf %sub3A_3162, %convert_element_type3A_3161 : f32
    %mul3A_3164 = vector.broadcast %convert_element_type3A_3161 : f32 to vector<4x768xf32>
    %mul3A_3165 = arith.mulf %add3A_3154, %mul3A_3164 : vector<4x768xf32>
    %add3A_3166 = arith.addf %add3A_3146, %mul3A_3165 : vector<4x768xf32>
    %mul3A_3167 = vector.broadcast %sub3A_3163 : f32 to vector<4x768xf32>
    %mul3A_3168 = arith.mulf %add3A_3154, %mul3A_3167 : vector<4x768xf32>
    %get3A_3169 = arith.constant 152 : index
    %get3A_3170 = arith.constant 0 : index
    %get3A_3171 = arith.constant 0 : index
    %get3A_3172 = vector.load %arg5[%get3A_3169, %get3A_3170, %get3A_3171] : memref<256x4x768xf32, #tpu.memory_space<vmem>>, vector<1x4x768xf32>
    %get3A_3173 = vector.shape_cast %get3A_3172 : vector<1x4x768xf32> to vector<4x768xf32>
    %add3A_3174 = arith.addf %mul3A_3168, %get3A_3173 : vector<4x768xf32>
    %eq3A_3175 = arith.constant 153 : i32
    %eq3A_3176 = arith.cmpi eq, %select_n3A_107, %eq3A_3175 : i32
    %eq3A_3177 = arith.constant 153 : i32
    %eq3A_3178 = arith.cmpi eq, %add3A_109, %eq3A_3177 : i32
    %or3A_3179 = arith.ori %eq3A_3176, %eq3A_3178 : i1
    %convert_element_type3A_3180 = arith.extui %or3A_3179 : i1 to i32
    %convert_element_type3A_3181 = arith.sitofp %convert_element_type3A_3180 : i32 to f32
    %sub3A_3182 = arith.constant 1.000000e+00 : f32
    %sub3A_3183 = arith.subf %sub3A_3182, %convert_element_type3A_3181 : f32
    %mul3A_3184 = vector.broadcast %convert_element_type3A_3181 : f32 to vector<4x768xf32>
    %mul3A_3185 = arith.mulf %add3A_3174, %mul3A_3184 : vector<4x768xf32>
    %add3A_3186 = arith.addf %add3A_3166, %mul3A_3185 : vector<4x768xf32>
    %mul3A_3187 = vector.broadcast %sub3A_3183 : f32 to vector<4x768xf32>
    %mul3A_3188 = arith.mulf %add3A_3174, %mul3A_3187 : vector<4x768xf32>
    %get3A_3189 = arith.constant 153 : index
    %get3A_3190 = arith.constant 0 : index
    %get3A_3191 = arith.constant 0 : index
    %get3A_3192 = vector.load %arg5[%get3A_3189, %get3A_3190, %get3A_3191] : memref<256x4x768xf32, #tpu.memory_space<vmem>>, vector<1x4x768xf32>
    %get3A_3193 = vector.shape_cast %get3A_3192 : vector<1x4x768xf32> to vector<4x768xf32>
    %add3A_3194 = arith.addf %mul3A_3188, %get3A_3193 : vector<4x768xf32>
    %eq3A_3195 = arith.constant 154 : i32
    %eq3A_3196 = arith.cmpi eq, %select_n3A_107, %eq3A_3195 : i32
    %eq3A_3197 = arith.constant 154 : i32
    %eq3A_3198 = arith.cmpi eq, %add3A_109, %eq3A_3197 : i32
    %or3A_3199 = arith.ori %eq3A_3196, %eq3A_3198 : i1
    %convert_element_type3A_3200 = arith.extui %or3A_3199 : i1 to i32
    %convert_element_type3A_3201 = arith.sitofp %convert_element_type3A_3200 : i32 to f32
    %sub3A_3202 = arith.constant 1.000000e+00 : f32
    %sub3A_3203 = arith.subf %sub3A_3202, %convert_element_type3A_3201 : f32
    %mul3A_3204 = vector.broadcast %convert_element_type3A_3201 : f32 to vector<4x768xf32>
    %mul3A_3205 = arith.mulf %add3A_3194, %mul3A_3204 : vector<4x768xf32>
    %add3A_3206 = arith.addf %add3A_3186, %mul3A_3205 : vector<4x768xf32>
    %mul3A_3207 = vector.broadcast %sub3A_3203 : f32 to vector<4x768xf32>
    %mul3A_3208 = arith.mulf %add3A_3194, %mul3A_3207 : vector<4x768xf32>
    %get3A_3209 = arith.constant 154 : index
    %get3A_3210 = arith.constant 0 : index
    %get3A_3211 = arith.constant 0 : index
    %get3A_3212 = vector.load %arg5[%get3A_3209, %get3A_3210, %get3A_3211] : memref<256x4x768xf32, #tpu.memory_space<vmem>>, vector<1x4x768xf32>
    %get3A_3213 = vector.shape_cast %get3A_3212 : vector<1x4x768xf32> to vector<4x768xf32>
    %add3A_3214 = arith.addf %mul3A_3208, %get3A_3213 : vector<4x768xf32>
    %eq3A_3215 = arith.constant 155 : i32
    %eq3A_3216 = arith.cmpi eq, %select_n3A_107, %eq3A_3215 : i32
    %eq3A_3217 = arith.constant 155 : i32
    %eq3A_3218 = arith.cmpi eq, %add3A_109, %eq3A_3217 : i32
    %or3A_3219 = arith.ori %eq3A_3216, %eq3A_3218 : i1
    %convert_element_type3A_3220 = arith.extui %or3A_3219 : i1 to i32
    %convert_element_type3A_3221 = arith.sitofp %convert_element_type3A_3220 : i32 to f32
    %sub3A_3222 = arith.constant 1.000000e+00 : f32
    %sub3A_3223 = arith.subf %sub3A_3222, %convert_element_type3A_3221 : f32
    %mul3A_3224 = vector.broadcast %convert_element_type3A_3221 : f32 to vector<4x768xf32>
    %mul3A_3225 = arith.mulf %add3A_3214, %mul3A_3224 : vector<4x768xf32>
    %add3A_3226 = arith.addf %add3A_3206, %mul3A_3225 : vector<4x768xf32>
    %mul3A_3227 = vector.broadcast %sub3A_3223 : f32 to vector<4x768xf32>
    %mul3A_3228 = arith.mulf %add3A_3214, %mul3A_3227 : vector<4x768xf32>
    %get3A_3229 = arith.constant 155 : index
    %get3A_3230 = arith.constant 0 : index
    %get3A_3231 = arith.constant 0 : index
    %get3A_3232 = vector.load %arg5[%get3A_3229, %get3A_3230, %get3A_3231] : memref<256x4x768xf32, #tpu.memory_space<vmem>>, vector<1x4x768xf32>
    %get3A_3233 = vector.shape_cast %get3A_3232 : vector<1x4x768xf32> to vector<4x768xf32>
    %add3A_3234 = arith.addf %mul3A_3228, %get3A_3233 : vector<4x768xf32>
    %eq3A_3235 = arith.constant 156 : i32
    %eq3A_3236 = arith.cmpi eq, %select_n3A_107, %eq3A_3235 : i32
    %eq3A_3237 = arith.constant 156 : i32
    %eq3A_3238 = arith.cmpi eq, %add3A_109, %eq3A_3237 : i32
    %or3A_3239 = arith.ori %eq3A_3236, %eq3A_3238 : i1
    %convert_element_type3A_3240 = arith.extui %or3A_3239 : i1 to i32
    %convert_element_type3A_3241 = arith.sitofp %convert_element_type3A_3240 : i32 to f32
    %sub3A_3242 = arith.constant 1.000000e+00 : f32
    %sub3A_3243 = arith.subf %sub3A_3242, %convert_element_type3A_3241 : f32
    %mul3A_3244 = vector.broadcast %convert_element_type3A_3241 : f32 to vector<4x768xf32>
    %mul3A_3245 = arith.mulf %add3A_3234, %mul3A_3244 : vector<4x768xf32>
    %add3A_3246 = arith.addf %add3A_3226, %mul3A_3245 : vector<4x768xf32>
    %mul3A_3247 = vector.broadcast %sub3A_3243 : f32 to vector<4x768xf32>
    %mul3A_3248 = arith.mulf %add3A_3234, %mul3A_3247 : vector<4x768xf32>
    %get3A_3249 = arith.constant 156 : index
    %get3A_3250 = arith.constant 0 : index
    %get3A_3251 = arith.constant 0 : index
    %get3A_3252 = vector.load %arg5[%get3A_3249, %get3A_3250, %get3A_3251] : memref<256x4x768xf32, #tpu.memory_space<vmem>>, vector<1x4x768xf32>
    %get3A_3253 = vector.shape_cast %get3A_3252 : vector<1x4x768xf32> to vector<4x768xf32>
    %add3A_3254 = arith.addf %mul3A_3248, %get3A_3253 : vector<4x768xf32>
    %eq3A_3255 = arith.constant 157 : i32
    %eq3A_3256 = arith.cmpi eq, %select_n3A_107, %eq3A_3255 : i32
    %eq3A_3257 = arith.constant 157 : i32
    %eq3A_3258 = arith.cmpi eq, %add3A_109, %eq3A_3257 : i32
    %or3A_3259 = arith.ori %eq3A_3256, %eq3A_3258 : i1
    %convert_element_type3A_3260 = arith.extui %or3A_3259 : i1 to i32
    %convert_element_type3A_3261 = arith.sitofp %convert_element_type3A_3260 : i32 to f32
    %sub3A_3262 = arith.constant 1.000000e+00 : f32
    %sub3A_3263 = arith.subf %sub3A_3262, %convert_element_type3A_3261 : f32
    %mul3A_3264 = vector.broadcast %convert_element_type3A_3261 : f32 to vector<4x768xf32>
    %mul3A_3265 = arith.mulf %add3A_3254, %mul3A_3264 : vector<4x768xf32>
    %add3A_3266 = arith.addf %add3A_3246, %mul3A_3265 : vector<4x768xf32>
    %mul3A_3267 = vector.broadcast %sub3A_3263 : f32 to vector<4x768xf32>
    %mul3A_3268 = arith.mulf %add3A_3254, %mul3A_3267 : vector<4x768xf32>
    %get3A_3269 = arith.constant 157 : index
    %get3A_3270 = arith.constant 0 : index
    %get3A_3271 = arith.constant 0 : index
    %get3A_3272 = vector.load %arg5[%get3A_3269, %get3A_3270, %get3A_3271] : memref<256x4x768xf32, #tpu.memory_space<vmem>>, vector<1x4x768xf32>
    %get3A_3273 = vector.shape_cast %get3A_3272 : vector<1x4x768xf32> to vector<4x768xf32>
    %add3A_3274 = arith.addf %mul3A_3268, %get3A_3273 : vector<4x768xf32>
    %eq3A_3275 = arith.constant 158 : i32
    %eq3A_3276 = arith.cmpi eq, %select_n3A_107, %eq3A_3275 : i32
    %eq3A_3277 = arith.constant 158 : i32
    %eq3A_3278 = arith.cmpi eq, %add3A_109, %eq3A_3277 : i32
    %or3A_3279 = arith.ori %eq3A_3276, %eq3A_3278 : i1
    %convert_element_type3A_3280 = arith.extui %or3A_3279 : i1 to i32
    %convert_element_type3A_3281 = arith.sitofp %convert_element_type3A_3280 : i32 to f32
    %sub3A_3282 = arith.constant 1.000000e+00 : f32
    %sub3A_3283 = arith.subf %sub3A_3282, %convert_element_type3A_3281 : f32
    %mul3A_3284 = vector.broadcast %convert_element_type3A_3281 : f32 to vector<4x768xf32>
    %mul3A_3285 = arith.mulf %add3A_3274, %mul3A_3284 : vector<4x768xf32>
    %add3A_3286 = arith.addf %add3A_3266, %mul3A_3285 : vector<4x768xf32>
    %mul3A_3287 = vector.broadcast %sub3A_3283 : f32 to vector<4x768xf32>
    %mul3A_3288 = arith.mulf %add3A_3274, %mul3A_3287 : vector<4x768xf32>
    %get3A_3289 = arith.constant 158 : index
    %get3A_3290 = arith.constant 0 : index
    %get3A_3291 = arith.constant 0 : index
    %get3A_3292 = vector.load %arg5[%get3A_3289, %get3A_3290, %get3A_3291] : memref<256x4x768xf32, #tpu.memory_space<vmem>>, vector<1x4x768xf32>
    %get3A_3293 = vector.shape_cast %get3A_3292 : vector<1x4x768xf32> to vector<4x768xf32>
    %add3A_3294 = arith.addf %mul3A_3288, %get3A_3293 : vector<4x768xf32>
    %eq3A_3295 = arith.constant 159 : i32
    %eq3A_3296 = arith.cmpi eq, %select_n3A_107, %eq3A_3295 : i32
    %eq3A_3297 = arith.constant 159 : i32
    %eq3A_3298 = arith.cmpi eq, %add3A_109, %eq3A_3297 : i32
    %or3A_3299 = arith.ori %eq3A_3296, %eq3A_3298 : i1
    %convert_element_type3A_3300 = arith.extui %or3A_3299 : i1 to i32
    %convert_element_type3A_3301 = arith.sitofp %convert_element_type3A_3300 : i32 to f32
    %sub3A_3302 = arith.constant 1.000000e+00 : f32
    %sub3A_3303 = arith.subf %sub3A_3302, %convert_element_type3A_3301 : f32
    %mul3A_3304 = vector.broadcast %convert_element_type3A_3301 : f32 to vector<4x768xf32>
    %mul3A_3305 = arith.mulf %add3A_3294, %mul3A_3304 : vector<4x768xf32>
    %add3A_3306 = arith.addf %add3A_3286, %mul3A_3305 : vector<4x768xf32>
    %mul3A_3307 = vector.broadcast %sub3A_3303 : f32 to vector<4x768xf32>
    %mul3A_3308 = arith.mulf %add3A_3294, %mul3A_3307 : vector<4x768xf32>
    %get3A_3309 = arith.constant 159 : index
    %get3A_3310 = arith.constant 0 : index
    %get3A_3311 = arith.constant 0 : index
    %get3A_3312 = vector.load %arg5[%get3A_3309, %get3A_3310, %get3A_3311] : memref<256x4x768xf32, #tpu.memory_space<vmem>>, vector<1x4x768xf32>
    %get3A_3313 = vector.shape_cast %get3A_3312 : vector<1x4x768xf32> to vector<4x768xf32>
    %add3A_3314 = arith.addf %mul3A_3308, %get3A_3313 : vector<4x768xf32>
    %eq3A_3315 = arith.constant 160 : i32
    %eq3A_3316 = arith.cmpi eq, %select_n3A_107, %eq3A_3315 : i32
    %eq3A_3317 = arith.constant 160 : i32
    %eq3A_3318 = arith.cmpi eq, %add3A_109, %eq3A_3317 : i32
    %or3A_3319 = arith.ori %eq3A_3316, %eq3A_3318 : i1
    %convert_element_type3A_3320 = arith.extui %or3A_3319 : i1 to i32
    %convert_element_type3A_3321 = arith.sitofp %convert_element_type3A_3320 : i32 to f32
    %sub3A_3322 = arith.constant 1.000000e+00 : f32
    %sub3A_3323 = arith.subf %sub3A_3322, %convert_element_type3A_3321 : f32
    %mul3A_3324 = vector.broadcast %convert_element_type3A_3321 : f32 to vector<4x768xf32>
    %mul3A_3325 = arith.mulf %add3A_3314, %mul3A_3324 : vector<4x768xf32>
    %add3A_3326 = arith.addf %add3A_3306, %mul3A_3325 : vector<4x768xf32>
    %mul3A_3327 = vector.broadcast %sub3A_3323 : f32 to vector<4x768xf32>
    %mul3A_3328 = arith.mulf %add3A_3314, %mul3A_3327 : vector<4x768xf32>
    %get3A_3329 = arith.constant 160 : index
    %get3A_3330 = arith.constant 0 : index
    %get3A_3331 = arith.constant 0 : index
    %get3A_3332 = vector.load %arg5[%get3A_3329, %get3A_3330, %get3A_3331] : memref<256x4x768xf32, #tpu.memory_space<vmem>>, vector<1x4x768xf32>
    %get3A_3333 = vector.shape_cast %get3A_3332 : vector<1x4x768xf32> to vector<4x768xf32>
    %add3A_3334 = arith.addf %mul3A_3328, %get3A_3333 : vector<4x768xf32>
    %eq3A_3335 = arith.constant 161 : i32
    %eq3A_3336 = arith.cmpi eq, %select_n3A_107, %eq3A_3335 : i32
    %eq3A_3337 = arith.constant 161 : i32
    %eq3A_3338 = arith.cmpi eq, %add3A_109, %eq3A_3337 : i32
    %or3A_3339 = arith.ori %eq3A_3336, %eq3A_3338 : i1
    %convert_element_type3A_3340 = arith.extui %or3A_3339 : i1 to i32
    %convert_element_type3A_3341 = arith.sitofp %convert_element_type3A_3340 : i32 to f32
    %sub3A_3342 = arith.constant 1.000000e+00 : f32
    %sub3A_3343 = arith.subf %sub3A_3342, %convert_element_type3A_3341 : f32
    %mul3A_3344 = vector.broadcast %convert_element_type3A_3341 : f32 to vector<4x768xf32>
    %mul3A_3345 = arith.mulf %add3A_3334, %mul3A_3344 : vector<4x768xf32>
    %add3A_3346 = arith.addf %add3A_3326, %mul3A_3345 : vector<4x768xf32>
    %mul3A_3347 = vector.broadcast %sub3A_3343 : f32 to vector<4x768xf32>
    %mul3A_3348 = arith.mulf %add3A_3334, %mul3A_3347 : vector<4x768xf32>
    %get3A_3349 = arith.constant 161 : index
    %get3A_3350 = arith.constant 0 : index
    %get3A_3351 = arith.constant 0 : index
    %get3A_3352 = vector.load %arg5[%get3A_3349, %get3A_3350, %get3A_3351] : memref<256x4x768xf32, #tpu.memory_space<vmem>>, vector<1x4x768xf32>
    %get3A_3353 = vector.shape_cast %get3A_3352 : vector<1x4x768xf32> to vector<4x768xf32>
    %add3A_3354 = arith.addf %mul3A_3348, %get3A_3353 : vector<4x768xf32>
    %eq3A_3355 = arith.constant 162 : i32
    %eq3A_3356 = arith.cmpi eq, %select_n3A_107, %eq3A_3355 : i32
    %eq3A_3357 = arith.constant 162 : i32
    %eq3A_3358 = arith.cmpi eq, %add3A_109, %eq3A_3357 : i32
    %or3A_3359 = arith.ori %eq3A_3356, %eq3A_3358 : i1
    %convert_element_type3A_3360 = arith.extui %or3A_3359 : i1 to i32
    %convert_element_type3A_3361 = arith.sitofp %convert_element_type3A_3360 : i32 to f32
    %sub3A_3362 = arith.constant 1.000000e+00 : f32
    %sub3A_3363 = arith.subf %sub3A_3362, %convert_element_type3A_3361 : f32
    %mul3A_3364 = vector.broadcast %convert_element_type3A_3361 : f32 to vector<4x768xf32>
    %mul3A_3365 = arith.mulf %add3A_3354, %mul3A_3364 : vector<4x768xf32>
    %add3A_3366 = arith.addf %add3A_3346, %mul3A_3365 : vector<4x768xf32>
    %mul3A_3367 = vector.broadcast %sub3A_3363 : f32 to vector<4x768xf32>
    %mul3A_3368 = arith.mulf %add3A_3354, %mul3A_3367 : vector<4x768xf32>
    %get3A_3369 = arith.constant 162 : index
    %get3A_3370 = arith.constant 0 : index
    %get3A_3371 = arith.constant 0 : index
    %get3A_3372 = vector.load %arg5[%get3A_3369, %get3A_3370, %get3A_3371] : memref<256x4x768xf32, #tpu.memory_space<vmem>>, vector<1x4x768xf32>
    %get3A_3373 = vector.shape_cast %get3A_3372 : vector<1x4x768xf32> to vector<4x768xf32>
    %add3A_3374 = arith.addf %mul3A_3368, %get3A_3373 : vector<4x768xf32>
    %eq3A_3375 = arith.constant 163 : i32
    %eq3A_3376 = arith.cmpi eq, %select_n3A_107, %eq3A_3375 : i32
    %eq3A_3377 = arith.constant 163 : i32
    %eq3A_3378 = arith.cmpi eq, %add3A_109, %eq3A_3377 : i32
    %or3A_3379 = arith.ori %eq3A_3376, %eq3A_3378 : i1
    %convert_element_type3A_3380 = arith.extui %or3A_3379 : i1 to i32
    %convert_element_type3A_3381 = arith.sitofp %convert_element_type3A_3380 : i32 to f32
    %sub3A_3382 = arith.constant 1.000000e+00 : f32
    %sub3A_3383 = arith.subf %sub3A_3382, %convert_element_type3A_3381 : f32
    %mul3A_3384 = vector.broadcast %convert_element_type3A_3381 : f32 to vector<4x768xf32>
    %mul3A_3385 = arith.mulf %add3A_3374, %mul3A_3384 : vector<4x768xf32>
    %add3A_3386 = arith.addf %add3A_3366, %mul3A_3385 : vector<4x768xf32>
    %mul3A_3387 = vector.broadcast %sub3A_3383 : f32 to vector<4x768xf32>
    %mul3A_3388 = arith.mulf %add3A_3374, %mul3A_3387 : vector<4x768xf32>
    %get3A_3389 = arith.constant 163 : index
    %get3A_3390 = arith.constant 0 : index
    %get3A_3391 = arith.constant 0 : index
    %get3A_3392 = vector.load %arg5[%get3A_3389, %get3A_3390, %get3A_3391] : memref<256x4x768xf32, #tpu.memory_space<vmem>>, vector<1x4x768xf32>
    %get3A_3393 = vector.shape_cast %get3A_3392 : vector<1x4x768xf32> to vector<4x768xf32>
    %add3A_3394 = arith.addf %mul3A_3388, %get3A_3393 : vector<4x768xf32>
    %eq3A_3395 = arith.constant 164 : i32
    %eq3A_3396 = arith.cmpi eq, %select_n3A_107, %eq3A_3395 : i32
    %eq3A_3397 = arith.constant 164 : i32
    %eq3A_3398 = arith.cmpi eq, %add3A_109, %eq3A_3397 : i32
    %or3A_3399 = arith.ori %eq3A_3396, %eq3A_3398 : i1
    %convert_element_type3A_3400 = arith.extui %or3A_3399 : i1 to i32
    %convert_element_type3A_3401 = arith.sitofp %convert_element_type3A_3400 : i32 to f32
    %sub3A_3402 = arith.constant 1.000000e+00 : f32
    %sub3A_3403 = arith.subf %sub3A_3402, %convert_element_type3A_3401 : f32
    %mul3A_3404 = vector.broadcast %convert_element_type3A_3401 : f32 to vector<4x768xf32>
    %mul3A_3405 = arith.mulf %add3A_3394, %mul3A_3404 : vector<4x768xf32>
    %add3A_3406 = arith.addf %add3A_3386, %mul3A_3405 : vector<4x768xf32>
    %mul3A_3407 = vector.broadcast %sub3A_3403 : f32 to vector<4x768xf32>
    %mul3A_3408 = arith.mulf %add3A_3394, %mul3A_3407 : vector<4x768xf32>
    %get3A_3409 = arith.constant 164 : index
    %get3A_3410 = arith.constant 0 : index
    %get3A_3411 = arith.constant 0 : index
    %get3A_3412 = vector.load %arg5[%get3A_3409, %get3A_3410, %get3A_3411] : memref<256x4x768xf32, #tpu.memory_space<vmem>>, vector<1x4x768xf32>
    %get3A_3413 = vector.shape_cast %get3A_3412 : vector<1x4x768xf32> to vector<4x768xf32>
    %add3A_3414 = arith.addf %mul3A_3408, %get3A_3413 : vector<4x768xf32>
    %eq3A_3415 = arith.constant 165 : i32
    %eq3A_3416 = arith.cmpi eq, %select_n3A_107, %eq3A_3415 : i32
    %eq3A_3417 = arith.constant 165 : i32
    %eq3A_3418 = arith.cmpi eq, %add3A_109, %eq3A_3417 : i32
    %or3A_3419 = arith.ori %eq3A_3416, %eq3A_3418 : i1
    %convert_element_type3A_3420 = arith.extui %or3A_3419 : i1 to i32
    %convert_element_type3A_3421 = arith.sitofp %convert_element_type3A_3420 : i32 to f32
    %sub3A_3422 = arith.constant 1.000000e+00 : f32
    %sub3A_3423 = arith.subf %sub3A_3422, %convert_element_type3A_3421 : f32
    %mul3A_3424 = vector.broadcast %convert_element_type3A_3421 : f32 to vector<4x768xf32>
    %mul3A_3425 = arith.mulf %add3A_3414, %mul3A_3424 : vector<4x768xf32>
    %add3A_3426 = arith.addf %add3A_3406, %mul3A_3425 : vector<4x768xf32>
    %mul3A_3427 = vector.broadcast %sub3A_3423 : f32 to vector<4x768xf32>
    %mul3A_3428 = arith.mulf %add3A_3414, %mul3A_3427 : vector<4x768xf32>
    %get3A_3429 = arith.constant 165 : index
    %get3A_3430 = arith.constant 0 : index
    %get3A_3431 = arith.constant 0 : index
    %get3A_3432 = vector.load %arg5[%get3A_3429, %get3A_3430, %get3A_3431] : memref<256x4x768xf32, #tpu.memory_space<vmem>>, vector<1x4x768xf32>
    %get3A_3433 = vector.shape_cast %get3A_3432 : vector<1x4x768xf32> to vector<4x768xf32>
    %add3A_3434 = arith.addf %mul3A_3428, %get3A_3433 : vector<4x768xf32>
    %eq3A_3435 = arith.constant 166 : i32
    %eq3A_3436 = arith.cmpi eq, %select_n3A_107, %eq3A_3435 : i32
    %eq3A_3437 = arith.constant 166 : i32
    %eq3A_3438 = arith.cmpi eq, %add3A_109, %eq3A_3437 : i32
    %or3A_3439 = arith.ori %eq3A_3436, %eq3A_3438 : i1
    %convert_element_type3A_3440 = arith.extui %or3A_3439 : i1 to i32
    %convert_element_type3A_3441 = arith.sitofp %convert_element_type3A_3440 : i32 to f32
    %sub3A_3442 = arith.constant 1.000000e+00 : f32
    %sub3A_3443 = arith.subf %sub3A_3442, %convert_element_type3A_3441 : f32
    %mul3A_3444 = vector.broadcast %convert_element_type3A_3441 : f32 to vector<4x768xf32>
    %mul3A_3445 = arith.mulf %add3A_3434, %mul3A_3444 : vector<4x768xf32>
    %add3A_3446 = arith.addf %add3A_3426, %mul3A_3445 : vector<4x768xf32>
    %mul3A_3447 = vector.broadcast %sub3A_3443 : f32 to vector<4x768xf32>
    %mul3A_3448 = arith.mulf %add3A_3434, %mul3A_3447 : vector<4x768xf32>
    %get3A_3449 = arith.constant 166 : index
    %get3A_3450 = arith.constant 0 : index
    %get3A_3451 = arith.constant 0 : index
    %get3A_3452 = vector.load %arg5[%get3A_3449, %get3A_3450, %get3A_3451] : memref<256x4x768xf32, #tpu.memory_space<vmem>>, vector<1x4x768xf32>
    %get3A_3453 = vector.shape_cast %get3A_3452 : vector<1x4x768xf32> to vector<4x768xf32>
    %add3A_3454 = arith.addf %mul3A_3448, %get3A_3453 : vector<4x768xf32>
    %eq3A_3455 = arith.constant 167 : i32
    %eq3A_3456 = arith.cmpi eq, %select_n3A_107, %eq3A_3455 : i32
    %eq3A_3457 = arith.constant 167 : i32
    %eq3A_3458 = arith.cmpi eq, %add3A_109, %eq3A_3457 : i32
    %or3A_3459 = arith.ori %eq3A_3456, %eq3A_3458 : i1
    %convert_element_type3A_3460 = arith.extui %or3A_3459 : i1 to i32
    %convert_element_type3A_3461 = arith.sitofp %convert_element_type3A_3460 : i32 to f32
    %sub3A_3462 = arith.constant 1.000000e+00 : f32
    %sub3A_3463 = arith.subf %sub3A_3462, %convert_element_type3A_3461 : f32
    %mul3A_3464 = vector.broadcast %convert_element_type3A_3461 : f32 to vector<4x768xf32>
    %mul3A_3465 = arith.mulf %add3A_3454, %mul3A_3464 : vector<4x768xf32>
    %add3A_3466 = arith.addf %add3A_3446, %mul3A_3465 : vector<4x768xf32>
    %mul3A_3467 = vector.broadcast %sub3A_3463 : f32 to vector<4x768xf32>
    %mul3A_3468 = arith.mulf %add3A_3454, %mul3A_3467 : vector<4x768xf32>
    %get3A_3469 = arith.constant 167 : index
    %get3A_3470 = arith.constant 0 : index
    %get3A_3471 = arith.constant 0 : index
    %get3A_3472 = vector.load %arg5[%get3A_3469, %get3A_3470, %get3A_3471] : memref<256x4x768xf32, #tpu.memory_space<vmem>>, vector<1x4x768xf32>
    %get3A_3473 = vector.shape_cast %get3A_3472 : vector<1x4x768xf32> to vector<4x768xf32>
    %add3A_3474 = arith.addf %mul3A_3468, %get3A_3473 : vector<4x768xf32>
    %eq3A_3475 = arith.constant 168 : i32
    %eq3A_3476 = arith.cmpi eq, %select_n3A_107, %eq3A_3475 : i32
    %eq3A_3477 = arith.constant 168 : i32
    %eq3A_3478 = arith.cmpi eq, %add3A_109, %eq3A_3477 : i32
    %or3A_3479 = arith.ori %eq3A_3476, %eq3A_3478 : i1
    %convert_element_type3A_3480 = arith.extui %or3A_3479 : i1 to i32
    %convert_element_type3A_3481 = arith.sitofp %convert_element_type3A_3480 : i32 to f32
    %sub3A_3482 = arith.constant 1.000000e+00 : f32
    %sub3A_3483 = arith.subf %sub3A_3482, %convert_element_type3A_3481 : f32
    %mul3A_3484 = vector.broadcast %convert_element_type3A_3481 : f32 to vector<4x768xf32>
    %mul3A_3485 = arith.mulf %add3A_3474, %mul3A_3484 : vector<4x768xf32>
    %add3A_3486 = arith.addf %add3A_3466, %mul3A_3485 : vector<4x768xf32>
    %mul3A_3487 = vector.broadcast %sub3A_3483 : f32 to vector<4x768xf32>
    %mul3A_3488 = arith.mulf %add3A_3474, %mul3A_3487 : vector<4x768xf32>
    %get3A_3489 = arith.constant 168 : index
    %get3A_3490 = arith.constant 0 : index
    %get3A_3491 = arith.constant 0 : index
    %get3A_3492 = vector.load %arg5[%get3A_3489, %get3A_3490, %get3A_3491] : memref<256x4x768xf32, #tpu.memory_space<vmem>>, vector<1x4x768xf32>
    %get3A_3493 = vector.shape_cast %get3A_3492 : vector<1x4x768xf32> to vector<4x768xf32>
    %add3A_3494 = arith.addf %mul3A_3488, %get3A_3493 : vector<4x768xf32>
    %eq3A_3495 = arith.constant 169 : i32
    %eq3A_3496 = arith.cmpi eq, %select_n3A_107, %eq3A_3495 : i32
    %eq3A_3497 = arith.constant 169 : i32
    %eq3A_3498 = arith.cmpi eq, %add3A_109, %eq3A_3497 : i32
    %or3A_3499 = arith.ori %eq3A_3496, %eq3A_3498 : i1
    %convert_element_type3A_3500 = arith.extui %or3A_3499 : i1 to i32
    %convert_element_type3A_3501 = arith.sitofp %convert_element_type3A_3500 : i32 to f32
    %sub3A_3502 = arith.constant 1.000000e+00 : f32
    %sub3A_3503 = arith.subf %sub3A_3502, %convert_element_type3A_3501 : f32
    %mul3A_3504 = vector.broadcast %convert_element_type3A_3501 : f32 to vector<4x768xf32>
    %mul3A_3505 = arith.mulf %add3A_3494, %mul3A_3504 : vector<4x768xf32>
    %add3A_3506 = arith.addf %add3A_3486, %mul3A_3505 : vector<4x768xf32>
    %mul3A_3507 = vector.broadcast %sub3A_3503 : f32 to vector<4x768xf32>
    %mul3A_3508 = arith.mulf %add3A_3494, %mul3A_3507 : vector<4x768xf32>
    %get3A_3509 = arith.constant 169 : index
    %get3A_3510 = arith.constant 0 : index
    %get3A_3511 = arith.constant 0 : index
    %get3A_3512 = vector.load %arg5[%get3A_3509, %get3A_3510, %get3A_3511] : memref<256x4x768xf32, #tpu.memory_space<vmem>>, vector<1x4x768xf32>
    %get3A_3513 = vector.shape_cast %get3A_3512 : vector<1x4x768xf32> to vector<4x768xf32>
    %add3A_3514 = arith.addf %mul3A_3508, %get3A_3513 : vector<4x768xf32>
    %eq3A_3515 = arith.constant 170 : i32
    %eq3A_3516 = arith.cmpi eq, %select_n3A_107, %eq3A_3515 : i32
    %eq3A_3517 = arith.constant 170 : i32
    %eq3A_3518 = arith.cmpi eq, %add3A_109, %eq3A_3517 : i32
    %or3A_3519 = arith.ori %eq3A_3516, %eq3A_3518 : i1
    %convert_element_type3A_3520 = arith.extui %or3A_3519 : i1 to i32
    %convert_element_type3A_3521 = arith.sitofp %convert_element_type3A_3520 : i32 to f32
    %sub3A_3522 = arith.constant 1.000000e+00 : f32
    %sub3A_3523 = arith.subf %sub3A_3522, %convert_element_type3A_3521 : f32
    %mul3A_3524 = vector.broadcast %convert_element_type3A_3521 : f32 to vector<4x768xf32>
    %mul3A_3525 = arith.mulf %add3A_3514, %mul3A_3524 : vector<4x768xf32>
    %add3A_3526 = arith.addf %add3A_3506, %mul3A_3525 : vector<4x768xf32>
    %mul3A_3527 = vector.broadcast %sub3A_3523 : f32 to vector<4x768xf32>
    %mul3A_3528 = arith.mulf %add3A_3514, %mul3A_3527 : vector<4x768xf32>
    %get3A_3529 = arith.constant 170 : index
    %get3A_3530 = arith.constant 0 : index
    %get3A_3531 = arith.constant 0 : index
    %get3A_3532 = vector.load %arg5[%get3A_3529, %get3A_3530, %get3A_3531] : memref<256x4x768xf32, #tpu.memory_space<vmem>>, vector<1x4x768xf32>
    %get3A_3533 = vector.shape_cast %get3A_3532 : vector<1x4x768xf32> to vector<4x768xf32>
    %add3A_3534 = arith.addf %mul3A_3528, %get3A_3533 : vector<4x768xf32>
    %eq3A_3535 = arith.constant 171 : i32
    %eq3A_3536 = arith.cmpi eq, %select_n3A_107, %eq3A_3535 : i32
    %eq3A_3537 = arith.constant 171 : i32
    %eq3A_3538 = arith.cmpi eq, %add3A_109, %eq3A_3537 : i32
    %or3A_3539 = arith.ori %eq3A_3536, %eq3A_3538 : i1
    %convert_element_type3A_3540 = arith.extui %or3A_3539 : i1 to i32
    %convert_element_type3A_3541 = arith.sitofp %convert_element_type3A_3540 : i32 to f32
    %sub3A_3542 = arith.constant 1.000000e+00 : f32
    %sub3A_3543 = arith.subf %sub3A_3542, %convert_element_type3A_3541 : f32
    %mul3A_3544 = vector.broadcast %convert_element_type3A_3541 : f32 to vector<4x768xf32>
    %mul3A_3545 = arith.mulf %add3A_3534, %mul3A_3544 : vector<4x768xf32>
    %add3A_3546 = arith.addf %add3A_3526, %mul3A_3545 : vector<4x768xf32>
    %mul3A_3547 = vector.broadcast %sub3A_3543 : f32 to vector<4x768xf32>
    %mul3A_3548 = arith.mulf %add3A_3534, %mul3A_3547 : vector<4x768xf32>
    %get3A_3549 = arith.constant 171 : index
    %get3A_3550 = arith.constant 0 : index
    %get3A_3551 = arith.constant 0 : index
    %get3A_3552 = vector.load %arg5[%get3A_3549, %get3A_3550, %get3A_3551] : memref<256x4x768xf32, #tpu.memory_space<vmem>>, vector<1x4x768xf32>
    %get3A_3553 = vector.shape_cast %get3A_3552 : vector<1x4x768xf32> to vector<4x768xf32>
    %add3A_3554 = arith.addf %mul3A_3548, %get3A_3553 : vector<4x768xf32>
    %eq3A_3555 = arith.constant 172 : i32
    %eq3A_3556 = arith.cmpi eq, %select_n3A_107, %eq3A_3555 : i32
    %eq3A_3557 = arith.constant 172 : i32
    %eq3A_3558 = arith.cmpi eq, %add3A_109, %eq3A_3557 : i32
    %or3A_3559 = arith.ori %eq3A_3556, %eq3A_3558 : i1
    %convert_element_type3A_3560 = arith.extui %or3A_3559 : i1 to i32
    %convert_element_type3A_3561 = arith.sitofp %convert_element_type3A_3560 : i32 to f32
    %sub3A_3562 = arith.constant 1.000000e+00 : f32
    %sub3A_3563 = arith.subf %sub3A_3562, %convert_element_type3A_3561 : f32
    %mul3A_3564 = vector.broadcast %convert_element_type3A_3561 : f32 to vector<4x768xf32>
    %mul3A_3565 = arith.mulf %add3A_3554, %mul3A_3564 : vector<4x768xf32>
    %add3A_3566 = arith.addf %add3A_3546, %mul3A_3565 : vector<4x768xf32>
    %mul3A_3567 = vector.broadcast %sub3A_3563 : f32 to vector<4x768xf32>
    %mul3A_3568 = arith.mulf %add3A_3554, %mul3A_3567 : vector<4x768xf32>
    %get3A_3569 = arith.constant 172 : index
    %get3A_3570 = arith.constant 0 : index
    %get3A_3571 = arith.constant 0 : index
    %get3A_3572 = vector.load %arg5[%get3A_3569, %get3A_3570, %get3A_3571] : memref<256x4x768xf32, #tpu.memory_space<vmem>>, vector<1x4x768xf32>
    %get3A_3573 = vector.shape_cast %get3A_3572 : vector<1x4x768xf32> to vector<4x768xf32>
    %add3A_3574 = arith.addf %mul3A_3568, %get3A_3573 : vector<4x768xf32>
    %eq3A_3575 = arith.constant 173 : i32
    %eq3A_3576 = arith.cmpi eq, %select_n3A_107, %eq3A_3575 : i32
    %eq3A_3577 = arith.constant 173 : i32
    %eq3A_3578 = arith.cmpi eq, %add3A_109, %eq3A_3577 : i32
    %or3A_3579 = arith.ori %eq3A_3576, %eq3A_3578 : i1
    %convert_element_type3A_3580 = arith.extui %or3A_3579 : i1 to i32
    %convert_element_type3A_3581 = arith.sitofp %convert_element_type3A_3580 : i32 to f32
    %sub3A_3582 = arith.constant 1.000000e+00 : f32
    %sub3A_3583 = arith.subf %sub3A_3582, %convert_element_type3A_3581 : f32
    %mul3A_3584 = vector.broadcast %convert_element_type3A_3581 : f32 to vector<4x768xf32>
    %mul3A_3585 = arith.mulf %add3A_3574, %mul3A_3584 : vector<4x768xf32>
    %add3A_3586 = arith.addf %add3A_3566, %mul3A_3585 : vector<4x768xf32>
    %mul3A_3587 = vector.broadcast %sub3A_3583 : f32 to vector<4x768xf32>
    %mul3A_3588 = arith.mulf %add3A_3574, %mul3A_3587 : vector<4x768xf32>
    %get3A_3589 = arith.constant 173 : index
    %get3A_3590 = arith.constant 0 : index
    %get3A_3591 = arith.constant 0 : index
    %get3A_3592 = vector.load %arg5[%get3A_3589, %get3A_3590, %get3A_3591] : memref<256x4x768xf32, #tpu.memory_space<vmem>>, vector<1x4x768xf32>
    %get3A_3593 = vector.shape_cast %get3A_3592 : vector<1x4x768xf32> to vector<4x768xf32>
    %add3A_3594 = arith.addf %mul3A_3588, %get3A_3593 : vector<4x768xf32>
    %eq3A_3595 = arith.constant 174 : i32
    %eq3A_3596 = arith.cmpi eq, %select_n3A_107, %eq3A_3595 : i32
    %eq3A_3597 = arith.constant 174 : i32
    %eq3A_3598 = arith.cmpi eq, %add3A_109, %eq3A_3597 : i32
    %or3A_3599 = arith.ori %eq3A_3596, %eq3A_3598 : i1
    %convert_element_type3A_3600 = arith.extui %or3A_3599 : i1 to i32
    %convert_element_type3A_3601 = arith.sitofp %convert_element_type3A_3600 : i32 to f32
    %sub3A_3602 = arith.constant 1.000000e+00 : f32
    %sub3A_3603 = arith.subf %sub3A_3602, %convert_element_type3A_3601 : f32
    %mul3A_3604 = vector.broadcast %convert_element_type3A_3601 : f32 to vector<4x768xf32>
    %mul3A_3605 = arith.mulf %add3A_3594, %mul3A_3604 : vector<4x768xf32>
    %add3A_3606 = arith.addf %add3A_3586, %mul3A_3605 : vector<4x768xf32>
    %mul3A_3607 = vector.broadcast %sub3A_3603 : f32 to vector<4x768xf32>
    %mul3A_3608 = arith.mulf %add3A_3594, %mul3A_3607 : vector<4x768xf32>
    %get3A_3609 = arith.constant 174 : index
    %get3A_3610 = arith.constant 0 : index
    %get3A_3611 = arith.constant 0 : index
    %get3A_3612 = vector.load %arg5[%get3A_3609, %get3A_3610, %get3A_3611] : memref<256x4x768xf32, #tpu.memory_space<vmem>>, vector<1x4x768xf32>
    %get3A_3613 = vector.shape_cast %get3A_3612 : vector<1x4x768xf32> to vector<4x768xf32>
    %add3A_3614 = arith.addf %mul3A_3608, %get3A_3613 : vector<4x768xf32>
    %eq3A_3615 = arith.constant 175 : i32
    %eq3A_3616 = arith.cmpi eq, %select_n3A_107, %eq3A_3615 : i32
    %eq3A_3617 = arith.constant 175 : i32
    %eq3A_3618 = arith.cmpi eq, %add3A_109, %eq3A_3617 : i32
    %or3A_3619 = arith.ori %eq3A_3616, %eq3A_3618 : i1
    %convert_element_type3A_3620 = arith.extui %or3A_3619 : i1 to i32
    %convert_element_type3A_3621 = arith.sitofp %convert_element_type3A_3620 : i32 to f32
    %sub3A_3622 = arith.constant 1.000000e+00 : f32
    %sub3A_3623 = arith.subf %sub3A_3622, %convert_element_type3A_3621 : f32
    %mul3A_3624 = vector.broadcast %convert_element_type3A_3621 : f32 to vector<4x768xf32>
    %mul3A_3625 = arith.mulf %add3A_3614, %mul3A_3624 : vector<4x768xf32>
    %add3A_3626 = arith.addf %add3A_3606, %mul3A_3625 : vector<4x768xf32>
    %mul3A_3627 = vector.broadcast %sub3A_3623 : f32 to vector<4x768xf32>
    %mul3A_3628 = arith.mulf %add3A_3614, %mul3A_3627 : vector<4x768xf32>
    %get3A_3629 = arith.constant 175 : index
    %get3A_3630 = arith.constant 0 : index
    %get3A_3631 = arith.constant 0 : index
    %get3A_3632 = vector.load %arg5[%get3A_3629, %get3A_3630, %get3A_3631] : memref<256x4x768xf32, #tpu.memory_space<vmem>>, vector<1x4x768xf32>
    %get3A_3633 = vector.shape_cast %get3A_3632 : vector<1x4x768xf32> to vector<4x768xf32>
    %add3A_3634 = arith.addf %mul3A_3628, %get3A_3633 : vector<4x768xf32>
    %eq3A_3635 = arith.constant 176 : i32
    %eq3A_3636 = arith.cmpi eq, %select_n3A_107, %eq3A_3635 : i32
    %eq3A_3637 = arith.constant 176 : i32
    %eq3A_3638 = arith.cmpi eq, %add3A_109, %eq3A_3637 : i32
    %or3A_3639 = arith.ori %eq3A_3636, %eq3A_3638 : i1
    %convert_element_type3A_3640 = arith.extui %or3A_3639 : i1 to i32
    %convert_element_type3A_3641 = arith.sitofp %convert_element_type3A_3640 : i32 to f32
    %sub3A_3642 = arith.constant 1.000000e+00 : f32
    %sub3A_3643 = arith.subf %sub3A_3642, %convert_element_type3A_3641 : f32
    %mul3A_3644 = vector.broadcast %convert_element_type3A_3641 : f32 to vector<4x768xf32>
    %mul3A_3645 = arith.mulf %add3A_3634, %mul3A_3644 : vector<4x768xf32>
    %add3A_3646 = arith.addf %add3A_3626, %mul3A_3645 : vector<4x768xf32>
    %mul3A_3647 = vector.broadcast %sub3A_3643 : f32 to vector<4x768xf32>
    %mul3A_3648 = arith.mulf %add3A_3634, %mul3A_3647 : vector<4x768xf32>
    %get3A_3649 = arith.constant 176 : index
    %get3A_3650 = arith.constant 0 : index
    %get3A_3651 = arith.constant 0 : index
    %get3A_3652 = vector.load %arg5[%get3A_3649, %get3A_3650, %get3A_3651] : memref<256x4x768xf32, #tpu.memory_space<vmem>>, vector<1x4x768xf32>
    %get3A_3653 = vector.shape_cast %get3A_3652 : vector<1x4x768xf32> to vector<4x768xf32>
    %add3A_3654 = arith.addf %mul3A_3648, %get3A_3653 : vector<4x768xf32>
    %eq3A_3655 = arith.constant 177 : i32
    %eq3A_3656 = arith.cmpi eq, %select_n3A_107, %eq3A_3655 : i32
    %eq3A_3657 = arith.constant 177 : i32
    %eq3A_3658 = arith.cmpi eq, %add3A_109, %eq3A_3657 : i32
    %or3A_3659 = arith.ori %eq3A_3656, %eq3A_3658 : i1
    %convert_element_type3A_3660 = arith.extui %or3A_3659 : i1 to i32
    %convert_element_type3A_3661 = arith.sitofp %convert_element_type3A_3660 : i32 to f32
    %sub3A_3662 = arith.constant 1.000000e+00 : f32
    %sub3A_3663 = arith.subf %sub3A_3662, %convert_element_type3A_3661 : f32
    %mul3A_3664 = vector.broadcast %convert_element_type3A_3661 : f32 to vector<4x768xf32>
    %mul3A_3665 = arith.mulf %add3A_3654, %mul3A_3664 : vector<4x768xf32>
    %add3A_3666 = arith.addf %add3A_3646, %mul3A_3665 : vector<4x768xf32>
    %mul3A_3667 = vector.broadcast %sub3A_3663 : f32 to vector<4x768xf32>
    %mul3A_3668 = arith.mulf %add3A_3654, %mul3A_3667 : vector<4x768xf32>
    %get3A_3669 = arith.constant 177 : index
    %get3A_3670 = arith.constant 0 : index
    %get3A_3671 = arith.constant 0 : index
    %get3A_3672 = vector.load %arg5[%get3A_3669, %get3A_3670, %get3A_3671] : memref<256x4x768xf32, #tpu.memory_space<vmem>>, vector<1x4x768xf32>
    %get3A_3673 = vector.shape_cast %get3A_3672 : vector<1x4x768xf32> to vector<4x768xf32>
    %add3A_3674 = arith.addf %mul3A_3668, %get3A_3673 : vector<4x768xf32>
    %eq3A_3675 = arith.constant 178 : i32
    %eq3A_3676 = arith.cmpi eq, %select_n3A_107, %eq3A_3675 : i32
    %eq3A_3677 = arith.constant 178 : i32
    %eq3A_3678 = arith.cmpi eq, %add3A_109, %eq3A_3677 : i32
    %or3A_3679 = arith.ori %eq3A_3676, %eq3A_3678 : i1
    %convert_element_type3A_3680 = arith.extui %or3A_3679 : i1 to i32
    %convert_element_type3A_3681 = arith.sitofp %convert_element_type3A_3680 : i32 to f32
    %sub3A_3682 = arith.constant 1.000000e+00 : f32
    %sub3A_3683 = arith.subf %sub3A_3682, %convert_element_type3A_3681 : f32
    %mul3A_3684 = vector.broadcast %convert_element_type3A_3681 : f32 to vector<4x768xf32>
    %mul3A_3685 = arith.mulf %add3A_3674, %mul3A_3684 : vector<4x768xf32>
    %add3A_3686 = arith.addf %add3A_3666, %mul3A_3685 : vector<4x768xf32>
    %mul3A_3687 = vector.broadcast %sub3A_3683 : f32 to vector<4x768xf32>
    %mul3A_3688 = arith.mulf %add3A_3674, %mul3A_3687 : vector<4x768xf32>
    %get3A_3689 = arith.constant 178 : index
    %get3A_3690 = arith.constant 0 : index
    %get3A_3691 = arith.constant 0 : index
    %get3A_3692 = vector.load %arg5[%get3A_3689, %get3A_3690, %get3A_3691] : memref<256x4x768xf32, #tpu.memory_space<vmem>>, vector<1x4x768xf32>
    %get3A_3693 = vector.shape_cast %get3A_3692 : vector<1x4x768xf32> to vector<4x768xf32>
    %add3A_3694 = arith.addf %mul3A_3688, %get3A_3693 : vector<4x768xf32>
    %eq3A_3695 = arith.constant 179 : i32
    %eq3A_3696 = arith.cmpi eq, %select_n3A_107, %eq3A_3695 : i32
    %eq3A_3697 = arith.constant 179 : i32
    %eq3A_3698 = arith.cmpi eq, %add3A_109, %eq3A_3697 : i32
    %or3A_3699 = arith.ori %eq3A_3696, %eq3A_3698 : i1
    %convert_element_type3A_3700 = arith.extui %or3A_3699 : i1 to i32
    %convert_element_type3A_3701 = arith.sitofp %convert_element_type3A_3700 : i32 to f32
    %sub3A_3702 = arith.constant 1.000000e+00 : f32
    %sub3A_3703 = arith.subf %sub3A_3702, %convert_element_type3A_3701 : f32
    %mul3A_3704 = vector.broadcast %convert_element_type3A_3701 : f32 to vector<4x768xf32>
    %mul3A_3705 = arith.mulf %add3A_3694, %mul3A_3704 : vector<4x768xf32>
    %add3A_3706 = arith.addf %add3A_3686, %mul3A_3705 : vector<4x768xf32>
    %mul3A_3707 = vector.broadcast %sub3A_3703 : f32 to vector<4x768xf32>
    %mul3A_3708 = arith.mulf %add3A_3694, %mul3A_3707 : vector<4x768xf32>
    %get3A_3709 = arith.constant 179 : index
    %get3A_3710 = arith.constant 0 : index
    %get3A_3711 = arith.constant 0 : index
    %get3A_3712 = vector.load %arg5[%get3A_3709, %get3A_3710, %get3A_3711] : memref<256x4x768xf32, #tpu.memory_space<vmem>>, vector<1x4x768xf32>
    %get3A_3713 = vector.shape_cast %get3A_3712 : vector<1x4x768xf32> to vector<4x768xf32>
    %add3A_3714 = arith.addf %mul3A_3708, %get3A_3713 : vector<4x768xf32>
    %eq3A_3715 = arith.constant 180 : i32
    %eq3A_3716 = arith.cmpi eq, %select_n3A_107, %eq3A_3715 : i32
    %eq3A_3717 = arith.constant 180 : i32
    %eq3A_3718 = arith.cmpi eq, %add3A_109, %eq3A_3717 : i32
    %or3A_3719 = arith.ori %eq3A_3716, %eq3A_3718 : i1
    %convert_element_type3A_3720 = arith.extui %or3A_3719 : i1 to i32
    %convert_element_type3A_3721 = arith.sitofp %convert_element_type3A_3720 : i32 to f32
    %sub3A_3722 = arith.constant 1.000000e+00 : f32
    %sub3A_3723 = arith.subf %sub3A_3722, %convert_element_type3A_3721 : f32
    %mul3A_3724 = vector.broadcast %convert_element_type3A_3721 : f32 to vector<4x768xf32>
    %mul3A_3725 = arith.mulf %add3A_3714, %mul3A_3724 : vector<4x768xf32>
    %add3A_3726 = arith.addf %add3A_3706, %mul3A_3725 : vector<4x768xf32>
    %mul3A_3727 = vector.broadcast %sub3A_3723 : f32 to vector<4x768xf32>
    %mul3A_3728 = arith.mulf %add3A_3714, %mul3A_3727 : vector<4x768xf32>
    %get3A_3729 = arith.constant 180 : index
    %get3A_3730 = arith.constant 0 : index
    %get3A_3731 = arith.constant 0 : index
    %get3A_3732 = vector.load %arg5[%get3A_3729, %get3A_3730, %get3A_3731] : memref<256x4x768xf32, #tpu.memory_space<vmem>>, vector<1x4x768xf32>
    %get3A_3733 = vector.shape_cast %get3A_3732 : vector<1x4x768xf32> to vector<4x768xf32>
    %add3A_3734 = arith.addf %mul3A_3728, %get3A_3733 : vector<4x768xf32>
    %eq3A_3735 = arith.constant 181 : i32
    %eq3A_3736 = arith.cmpi eq, %select_n3A_107, %eq3A_3735 : i32
    %eq3A_3737 = arith.constant 181 : i32
    %eq3A_3738 = arith.cmpi eq, %add3A_109, %eq3A_3737 : i32
    %or3A_3739 = arith.ori %eq3A_3736, %eq3A_3738 : i1
    %convert_element_type3A_3740 = arith.extui %or3A_3739 : i1 to i32
    %convert_element_type3A_3741 = arith.sitofp %convert_element_type3A_3740 : i32 to f32
    %sub3A_3742 = arith.constant 1.000000e+00 : f32
    %sub3A_3743 = arith.subf %sub3A_3742, %convert_element_type3A_3741 : f32
    %mul3A_3744 = vector.broadcast %convert_element_type3A_3741 : f32 to vector<4x768xf32>
    %mul3A_3745 = arith.mulf %add3A_3734, %mul3A_3744 : vector<4x768xf32>
    %add3A_3746 = arith.addf %add3A_3726, %mul3A_3745 : vector<4x768xf32>
    %mul3A_3747 = vector.broadcast %sub3A_3743 : f32 to vector<4x768xf32>
    %mul3A_3748 = arith.mulf %add3A_3734, %mul3A_3747 : vector<4x768xf32>
    %get3A_3749 = arith.constant 181 : index
    %get3A_3750 = arith.constant 0 : index
    %get3A_3751 = arith.constant 0 : index
    %get3A_3752 = vector.load %arg5[%get3A_3749, %get3A_3750, %get3A_3751] : memref<256x4x768xf32, #tpu.memory_space<vmem>>, vector<1x4x768xf32>
    %get3A_3753 = vector.shape_cast %get3A_3752 : vector<1x4x768xf32> to vector<4x768xf32>
    %add3A_3754 = arith.addf %mul3A_3748, %get3A_3753 : vector<4x768xf32>
    %eq3A_3755 = arith.constant 182 : i32
    %eq3A_3756 = arith.cmpi eq, %select_n3A_107, %eq3A_3755 : i32
    %eq3A_3757 = arith.constant 182 : i32
    %eq3A_3758 = arith.cmpi eq, %add3A_109, %eq3A_3757 : i32
    %or3A_3759 = arith.ori %eq3A_3756, %eq3A_3758 : i1
    %convert_element_type3A_3760 = arith.extui %or3A_3759 : i1 to i32
    %convert_element_type3A_3761 = arith.sitofp %convert_element_type3A_3760 : i32 to f32
    %sub3A_3762 = arith.constant 1.000000e+00 : f32
    %sub3A_3763 = arith.subf %sub3A_3762, %convert_element_type3A_3761 : f32
    %mul3A_3764 = vector.broadcast %convert_element_type3A_3761 : f32 to vector<4x768xf32>
    %mul3A_3765 = arith.mulf %add3A_3754, %mul3A_3764 : vector<4x768xf32>
    %add3A_3766 = arith.addf %add3A_3746, %mul3A_3765 : vector<4x768xf32>
    %mul3A_3767 = vector.broadcast %sub3A_3763 : f32 to vector<4x768xf32>
    %mul3A_3768 = arith.mulf %add3A_3754, %mul3A_3767 : vector<4x768xf32>
    %get3A_3769 = arith.constant 182 : index
    %get3A_3770 = arith.constant 0 : index
    %get3A_3771 = arith.constant 0 : index
    %get3A_3772 = vector.load %arg5[%get3A_3769, %get3A_3770, %get3A_3771] : memref<256x4x768xf32, #tpu.memory_space<vmem>>, vector<1x4x768xf32>
    %get3A_3773 = vector.shape_cast %get3A_3772 : vector<1x4x768xf32> to vector<4x768xf32>
    %add3A_3774 = arith.addf %mul3A_3768, %get3A_3773 : vector<4x768xf32>
    %eq3A_3775 = arith.constant 183 : i32
    %eq3A_3776 = arith.cmpi eq, %select_n3A_107, %eq3A_3775 : i32
    %eq3A_3777 = arith.constant 183 : i32
    %eq3A_3778 = arith.cmpi eq, %add3A_109, %eq3A_3777 : i32
    %or3A_3779 = arith.ori %eq3A_3776, %eq3A_3778 : i1
    %convert_element_type3A_3780 = arith.extui %or3A_3779 : i1 to i32
    %convert_element_type3A_3781 = arith.sitofp %convert_element_type3A_3780 : i32 to f32
    %sub3A_3782 = arith.constant 1.000000e+00 : f32
    %sub3A_3783 = arith.subf %sub3A_3782, %convert_element_type3A_3781 : f32
    %mul3A_3784 = vector.broadcast %convert_element_type3A_3781 : f32 to vector<4x768xf32>
    %mul3A_3785 = arith.mulf %add3A_3774, %mul3A_3784 : vector<4x768xf32>
    %add3A_3786 = arith.addf %add3A_3766, %mul3A_3785 : vector<4x768xf32>
    %mul3A_3787 = vector.broadcast %sub3A_3783 : f32 to vector<4x768xf32>
    %mul3A_3788 = arith.mulf %add3A_3774, %mul3A_3787 : vector<4x768xf32>
    %get3A_3789 = arith.constant 183 : index
    %get3A_3790 = arith.constant 0 : index
    %get3A_3791 = arith.constant 0 : index
    %get3A_3792 = vector.load %arg5[%get3A_3789, %get3A_3790, %get3A_3791] : memref<256x4x768xf32, #tpu.memory_space<vmem>>, vector<1x4x768xf32>
    %get3A_3793 = vector.shape_cast %get3A_3792 : vector<1x4x768xf32> to vector<4x768xf32>
    %add3A_3794 = arith.addf %mul3A_3788, %get3A_3793 : vector<4x768xf32>
    %eq3A_3795 = arith.constant 184 : i32
    %eq3A_3796 = arith.cmpi eq, %select_n3A_107, %eq3A_3795 : i32
    %eq3A_3797 = arith.constant 184 : i32
    %eq3A_3798 = arith.cmpi eq, %add3A_109, %eq3A_3797 : i32
    %or3A_3799 = arith.ori %eq3A_3796, %eq3A_3798 : i1
    %convert_element_type3A_3800 = arith.extui %or3A_3799 : i1 to i32
    %convert_element_type3A_3801 = arith.sitofp %convert_element_type3A_3800 : i32 to f32
    %sub3A_3802 = arith.constant 1.000000e+00 : f32
    %sub3A_3803 = arith.subf %sub3A_3802, %convert_element_type3A_3801 : f32
    %mul3A_3804 = vector.broadcast %convert_element_type3A_3801 : f32 to vector<4x768xf32>
    %mul3A_3805 = arith.mulf %add3A_3794, %mul3A_3804 : vector<4x768xf32>
    %add3A_3806 = arith.addf %add3A_3786, %mul3A_3805 : vector<4x768xf32>
    %mul3A_3807 = vector.broadcast %sub3A_3803 : f32 to vector<4x768xf32>
    %mul3A_3808 = arith.mulf %add3A_3794, %mul3A_3807 : vector<4x768xf32>
    %get3A_3809 = arith.constant 184 : index
    %get3A_3810 = arith.constant 0 : index
    %get3A_3811 = arith.constant 0 : index
    %get3A_3812 = vector.load %arg5[%get3A_3809, %get3A_3810, %get3A_3811] : memref<256x4x768xf32, #tpu.memory_space<vmem>>, vector<1x4x768xf32>
    %get3A_3813 = vector.shape_cast %get3A_3812 : vector<1x4x768xf32> to vector<4x768xf32>
    %add3A_3814 = arith.addf %mul3A_3808, %get3A_3813 : vector<4x768xf32>
    %eq3A_3815 = arith.constant 185 : i32
    %eq3A_3816 = arith.cmpi eq, %select_n3A_107, %eq3A_3815 : i32
    %eq3A_3817 = arith.constant 185 : i32
    %eq3A_3818 = arith.cmpi eq, %add3A_109, %eq3A_3817 : i32
    %or3A_3819 = arith.ori %eq3A_3816, %eq3A_3818 : i1
    %convert_element_type3A_3820 = arith.extui %or3A_3819 : i1 to i32
    %convert_element_type3A_3821 = arith.sitofp %convert_element_type3A_3820 : i32 to f32
    %sub3A_3822 = arith.constant 1.000000e+00 : f32
    %sub3A_3823 = arith.subf %sub3A_3822, %convert_element_type3A_3821 : f32
    %mul3A_3824 = vector.broadcast %convert_element_type3A_3821 : f32 to vector<4x768xf32>
    %mul3A_3825 = arith.mulf %add3A_3814, %mul3A_3824 : vector<4x768xf32>
    %add3A_3826 = arith.addf %add3A_3806, %mul3A_3825 : vector<4x768xf32>
    %mul3A_3827 = vector.broadcast %sub3A_3823 : f32 to vector<4x768xf32>
    %mul3A_3828 = arith.mulf %add3A_3814, %mul3A_3827 : vector<4x768xf32>
    %get3A_3829 = arith.constant 185 : index
    %get3A_3830 = arith.constant 0 : index
    %get3A_3831 = arith.constant 0 : index
    %get3A_3832 = vector.load %arg5[%get3A_3829, %get3A_3830, %get3A_3831] : memref<256x4x768xf32, #tpu.memory_space<vmem>>, vector<1x4x768xf32>
    %get3A_3833 = vector.shape_cast %get3A_3832 : vector<1x4x768xf32> to vector<4x768xf32>
    %add3A_3834 = arith.addf %mul3A_3828, %get3A_3833 : vector<4x768xf32>
    %eq3A_3835 = arith.constant 186 : i32
    %eq3A_3836 = arith.cmpi eq, %select_n3A_107, %eq3A_3835 : i32
    %eq3A_3837 = arith.constant 186 : i32
    %eq3A_3838 = arith.cmpi eq, %add3A_109, %eq3A_3837 : i32
    %or3A_3839 = arith.ori %eq3A_3836, %eq3A_3838 : i1
    %convert_element_type3A_3840 = arith.extui %or3A_3839 : i1 to i32
    %convert_element_type3A_3841 = arith.sitofp %convert_element_type3A_3840 : i32 to f32
    %sub3A_3842 = arith.constant 1.000000e+00 : f32
    %sub3A_3843 = arith.subf %sub3A_3842, %convert_element_type3A_3841 : f32
    %mul3A_3844 = vector.broadcast %convert_element_type3A_3841 : f32 to vector<4x768xf32>
    %mul3A_3845 = arith.mulf %add3A_3834, %mul3A_3844 : vector<4x768xf32>
    %add3A_3846 = arith.addf %add3A_3826, %mul3A_3845 : vector<4x768xf32>
    %mul3A_3847 = vector.broadcast %sub3A_3843 : f32 to vector<4x768xf32>
    %mul3A_3848 = arith.mulf %add3A_3834, %mul3A_3847 : vector<4x768xf32>
    %get3A_3849 = arith.constant 186 : index
    %get3A_3850 = arith.constant 0 : index
    %get3A_3851 = arith.constant 0 : index
    %get3A_3852 = vector.load %arg5[%get3A_3849, %get3A_3850, %get3A_3851] : memref<256x4x768xf32, #tpu.memory_space<vmem>>, vector<1x4x768xf32>
    %get3A_3853 = vector.shape_cast %get3A_3852 : vector<1x4x768xf32> to vector<4x768xf32>
    %add3A_3854 = arith.addf %mul3A_3848, %get3A_3853 : vector<4x768xf32>
    %eq3A_3855 = arith.constant 187 : i32
    %eq3A_3856 = arith.cmpi eq, %select_n3A_107, %eq3A_3855 : i32
    %eq3A_3857 = arith.constant 187 : i32
    %eq3A_3858 = arith.cmpi eq, %add3A_109, %eq3A_3857 : i32
    %or3A_3859 = arith.ori %eq3A_3856, %eq3A_3858 : i1
    %convert_element_type3A_3860 = arith.extui %or3A_3859 : i1 to i32
    %convert_element_type3A_3861 = arith.sitofp %convert_element_type3A_3860 : i32 to f32
    %sub3A_3862 = arith.constant 1.000000e+00 : f32
    %sub3A_3863 = arith.subf %sub3A_3862, %convert_element_type3A_3861 : f32
    %mul3A_3864 = vector.broadcast %convert_element_type3A_3861 : f32 to vector<4x768xf32>
    %mul3A_3865 = arith.mulf %add3A_3854, %mul3A_3864 : vector<4x768xf32>
    %add3A_3866 = arith.addf %add3A_3846, %mul3A_3865 : vector<4x768xf32>
    %mul3A_3867 = vector.broadcast %sub3A_3863 : f32 to vector<4x768xf32>
    %mul3A_3868 = arith.mulf %add3A_3854, %mul3A_3867 : vector<4x768xf32>
    %get3A_3869 = arith.constant 187 : index
    %get3A_3870 = arith.constant 0 : index
    %get3A_3871 = arith.constant 0 : index
    %get3A_3872 = vector.load %arg5[%get3A_3869, %get3A_3870, %get3A_3871] : memref<256x4x768xf32, #tpu.memory_space<vmem>>, vector<1x4x768xf32>
    %get3A_3873 = vector.shape_cast %get3A_3872 : vector<1x4x768xf32> to vector<4x768xf32>
    %add3A_3874 = arith.addf %mul3A_3868, %get3A_3873 : vector<4x768xf32>
    %eq3A_3875 = arith.constant 188 : i32
    %eq3A_3876 = arith.cmpi eq, %select_n3A_107, %eq3A_3875 : i32
    %eq3A_3877 = arith.constant 188 : i32
    %eq3A_3878 = arith.cmpi eq, %add3A_109, %eq3A_3877 : i32
    %or3A_3879 = arith.ori %eq3A_3876, %eq3A_3878 : i1
    %convert_element_type3A_3880 = arith.extui %or3A_3879 : i1 to i32
    %convert_element_type3A_3881 = arith.sitofp %convert_element_type3A_3880 : i32 to f32
    %sub3A_3882 = arith.constant 1.000000e+00 : f32
    %sub3A_3883 = arith.subf %sub3A_3882, %convert_element_type3A_3881 : f32
    %mul3A_3884 = vector.broadcast %convert_element_type3A_3881 : f32 to vector<4x768xf32>
    %mul3A_3885 = arith.mulf %add3A_3874, %mul3A_3884 : vector<4x768xf32>
    %add3A_3886 = arith.addf %add3A_3866, %mul3A_3885 : vector<4x768xf32>
    %mul3A_3887 = vector.broadcast %sub3A_3883 : f32 to vector<4x768xf32>
    %mul3A_3888 = arith.mulf %add3A_3874, %mul3A_3887 : vector<4x768xf32>
    %get3A_3889 = arith.constant 188 : index
    %get3A_3890 = arith.constant 0 : index
    %get3A_3891 = arith.constant 0 : index
    %get3A_3892 = vector.load %arg5[%get3A_3889, %get3A_3890, %get3A_3891] : memref<256x4x768xf32, #tpu.memory_space<vmem>>, vector<1x4x768xf32>
    %get3A_3893 = vector.shape_cast %get3A_3892 : vector<1x4x768xf32> to vector<4x768xf32>
    %add3A_3894 = arith.addf %mul3A_3888, %get3A_3893 : vector<4x768xf32>
    %eq3A_3895 = arith.constant 189 : i32
    %eq3A_3896 = arith.cmpi eq, %select_n3A_107, %eq3A_3895 : i32
    %eq3A_3897 = arith.constant 189 : i32
    %eq3A_3898 = arith.cmpi eq, %add3A_109, %eq3A_3897 : i32
    %or3A_3899 = arith.ori %eq3A_3896, %eq3A_3898 : i1
    %convert_element_type3A_3900 = arith.extui %or3A_3899 : i1 to i32
    %convert_element_type3A_3901 = arith.sitofp %convert_element_type3A_3900 : i32 to f32
    %sub3A_3902 = arith.constant 1.000000e+00 : f32
    %sub3A_3903 = arith.subf %sub3A_3902, %convert_element_type3A_3901 : f32
    %mul3A_3904 = vector.broadcast %convert_element_type3A_3901 : f32 to vector<4x768xf32>
    %mul3A_3905 = arith.mulf %add3A_3894, %mul3A_3904 : vector<4x768xf32>
    %add3A_3906 = arith.addf %add3A_3886, %mul3A_3905 : vector<4x768xf32>
    %mul3A_3907 = vector.broadcast %sub3A_3903 : f32 to vector<4x768xf32>
    %mul3A_3908 = arith.mulf %add3A_3894, %mul3A_3907 : vector<4x768xf32>
    %get3A_3909 = arith.constant 189 : index
    %get3A_3910 = arith.constant 0 : index
    %get3A_3911 = arith.constant 0 : index
    %get3A_3912 = vector.load %arg5[%get3A_3909, %get3A_3910, %get3A_3911] : memref<256x4x768xf32, #tpu.memory_space<vmem>>, vector<1x4x768xf32>
    %get3A_3913 = vector.shape_cast %get3A_3912 : vector<1x4x768xf32> to vector<4x768xf32>
    %add3A_3914 = arith.addf %mul3A_3908, %get3A_3913 : vector<4x768xf32>
    %eq3A_3915 = arith.constant 190 : i32
    %eq3A_3916 = arith.cmpi eq, %select_n3A_107, %eq3A_3915 : i32
    %eq3A_3917 = arith.constant 190 : i32
    %eq3A_3918 = arith.cmpi eq, %add3A_109, %eq3A_3917 : i32
    %or3A_3919 = arith.ori %eq3A_3916, %eq3A_3918 : i1
    %convert_element_type3A_3920 = arith.extui %or3A_3919 : i1 to i32
    %convert_element_type3A_3921 = arith.sitofp %convert_element_type3A_3920 : i32 to f32
    %sub3A_3922 = arith.constant 1.000000e+00 : f32
    %sub3A_3923 = arith.subf %sub3A_3922, %convert_element_type3A_3921 : f32
    %mul3A_3924 = vector.broadcast %convert_element_type3A_3921 : f32 to vector<4x768xf32>
    %mul3A_3925 = arith.mulf %add3A_3914, %mul3A_3924 : vector<4x768xf32>
    %add3A_3926 = arith.addf %add3A_3906, %mul3A_3925 : vector<4x768xf32>
    %mul3A_3927 = vector.broadcast %sub3A_3923 : f32 to vector<4x768xf32>
    %mul3A_3928 = arith.mulf %add3A_3914, %mul3A_3927 : vector<4x768xf32>
    %get3A_3929 = arith.constant 190 : index
    %get3A_3930 = arith.constant 0 : index
    %get3A_3931 = arith.constant 0 : index
    %get3A_3932 = vector.load %arg5[%get3A_3929, %get3A_3930, %get3A_3931] : memref<256x4x768xf32, #tpu.memory_space<vmem>>, vector<1x4x768xf32>
    %get3A_3933 = vector.shape_cast %get3A_3932 : vector<1x4x768xf32> to vector<4x768xf32>
    %add3A_3934 = arith.addf %mul3A_3928, %get3A_3933 : vector<4x768xf32>
    %eq3A_3935 = arith.constant 191 : i32
    %eq3A_3936 = arith.cmpi eq, %select_n3A_107, %eq3A_3935 : i32
    %eq3A_3937 = arith.constant 191 : i32
    %eq3A_3938 = arith.cmpi eq, %add3A_109, %eq3A_3937 : i32
    %or3A_3939 = arith.ori %eq3A_3936, %eq3A_3938 : i1
    %convert_element_type3A_3940 = arith.extui %or3A_3939 : i1 to i32
    %convert_element_type3A_3941 = arith.sitofp %convert_element_type3A_3940 : i32 to f32
    %sub3A_3942 = arith.constant 1.000000e+00 : f32
    %sub3A_3943 = arith.subf %sub3A_3942, %convert_element_type3A_3941 : f32
    %mul3A_3944 = vector.broadcast %convert_element_type3A_3941 : f32 to vector<4x768xf32>
    %mul3A_3945 = arith.mulf %add3A_3934, %mul3A_3944 : vector<4x768xf32>
    %add3A_3946 = arith.addf %add3A_3926, %mul3A_3945 : vector<4x768xf32>
    %mul3A_3947 = vector.broadcast %sub3A_3943 : f32 to vector<4x768xf32>
    %mul3A_3948 = arith.mulf %add3A_3934, %mul3A_3947 : vector<4x768xf32>
    %get3A_3949 = arith.constant 191 : index
    %get3A_3950 = arith.constant 0 : index
    %get3A_3951 = arith.constant 0 : index
    %get3A_3952 = vector.load %arg5[%get3A_3949, %get3A_3950, %get3A_3951] : memref<256x4x768xf32, #tpu.memory_space<vmem>>, vector<1x4x768xf32>
    %get3A_3953 = vector.shape_cast %get3A_3952 : vector<1x4x768xf32> to vector<4x768xf32>
    %add3A_3954 = arith.addf %mul3A_3948, %get3A_3953 : vector<4x768xf32>
    %eq3A_3955 = arith.constant 192 : i32
    %eq3A_3956 = arith.cmpi eq, %select_n3A_107, %eq3A_3955 : i32
    %eq3A_3957 = arith.constant 192 : i32
    %eq3A_3958 = arith.cmpi eq, %add3A_109, %eq3A_3957 : i32
    %or3A_3959 = arith.ori %eq3A_3956, %eq3A_3958 : i1
    %convert_element_type3A_3960 = arith.extui %or3A_3959 : i1 to i32
    %convert_element_type3A_3961 = arith.sitofp %convert_element_type3A_3960 : i32 to f32
    %sub3A_3962 = arith.constant 1.000000e+00 : f32
    %sub3A_3963 = arith.subf %sub3A_3962, %convert_element_type3A_3961 : f32
    %mul3A_3964 = vector.broadcast %convert_element_type3A_3961 : f32 to vector<4x768xf32>
    %mul3A_3965 = arith.mulf %add3A_3954, %mul3A_3964 : vector<4x768xf32>
    %add3A_3966 = arith.addf %add3A_3946, %mul3A_3965 : vector<4x768xf32>
    %mul3A_3967 = vector.broadcast %sub3A_3963 : f32 to vector<4x768xf32>
    %mul3A_3968 = arith.mulf %add3A_3954, %mul3A_3967 : vector<4x768xf32>
    %get3A_3969 = arith.constant 192 : index
    %get3A_3970 = arith.constant 0 : index
    %get3A_3971 = arith.constant 0 : index
    %get3A_3972 = vector.load %arg5[%get3A_3969, %get3A_3970, %get3A_3971] : memref<256x4x768xf32, #tpu.memory_space<vmem>>, vector<1x4x768xf32>
    %get3A_3973 = vector.shape_cast %get3A_3972 : vector<1x4x768xf32> to vector<4x768xf32>
    %add3A_3974 = arith.addf %mul3A_3968, %get3A_3973 : vector<4x768xf32>
    %eq3A_3975 = arith.constant 193 : i32
    %eq3A_3976 = arith.cmpi eq, %select_n3A_107, %eq3A_3975 : i32
    %eq3A_3977 = arith.constant 193 : i32
    %eq3A_3978 = arith.cmpi eq, %add3A_109, %eq3A_3977 : i32
    %or3A_3979 = arith.ori %eq3A_3976, %eq3A_3978 : i1
    %convert_element_type3A_3980 = arith.extui %or3A_3979 : i1 to i32
    %convert_element_type3A_3981 = arith.sitofp %convert_element_type3A_3980 : i32 to f32
    %sub3A_3982 = arith.constant 1.000000e+00 : f32
    %sub3A_3983 = arith.subf %sub3A_3982, %convert_element_type3A_3981 : f32
    %mul3A_3984 = vector.broadcast %convert_element_type3A_3981 : f32 to vector<4x768xf32>
    %mul3A_3985 = arith.mulf %add3A_3974, %mul3A_3984 : vector<4x768xf32>
    %add3A_3986 = arith.addf %add3A_3966, %mul3A_3985 : vector<4x768xf32>
    %mul3A_3987 = vector.broadcast %sub3A_3983 : f32 to vector<4x768xf32>
    %mul3A_3988 = arith.mulf %add3A_3974, %mul3A_3987 : vector<4x768xf32>
    %get3A_3989 = arith.constant 193 : index
    %get3A_3990 = arith.constant 0 : index
    %get3A_3991 = arith.constant 0 : index
    %get3A_3992 = vector.load %arg5[%get3A_3989, %get3A_3990, %get3A_3991] : memref<256x4x768xf32, #tpu.memory_space<vmem>>, vector<1x4x768xf32>
    %get3A_3993 = vector.shape_cast %get3A_3992 : vector<1x4x768xf32> to vector<4x768xf32>
    %add3A_3994 = arith.addf %mul3A_3988, %get3A_3993 : vector<4x768xf32>
    %eq3A_3995 = arith.constant 194 : i32
    %eq3A_3996 = arith.cmpi eq, %select_n3A_107, %eq3A_3995 : i32
    %eq3A_3997 = arith.constant 194 : i32
    %eq3A_3998 = arith.cmpi eq, %add3A_109, %eq3A_3997 : i32
    %or3A_3999 = arith.ori %eq3A_3996, %eq3A_3998 : i1
    %convert_element_type3A_4000 = arith.extui %or3A_3999 : i1 to i32
    %convert_element_type3A_4001 = arith.sitofp %convert_element_type3A_4000 : i32 to f32
    %sub3A_4002 = arith.constant 1.000000e+00 : f32
    %sub3A_4003 = arith.subf %sub3A_4002, %convert_element_type3A_4001 : f32
    %mul3A_4004 = vector.broadcast %convert_element_type3A_4001 : f32 to vector<4x768xf32>
    %mul3A_4005 = arith.mulf %add3A_3994, %mul3A_4004 : vector<4x768xf32>
    %add3A_4006 = arith.addf %add3A_3986, %mul3A_4005 : vector<4x768xf32>
    %mul3A_4007 = vector.broadcast %sub3A_4003 : f32 to vector<4x768xf32>
    %mul3A_4008 = arith.mulf %add3A_3994, %mul3A_4007 : vector<4x768xf32>
    %get3A_4009 = arith.constant 194 : index
    %get3A_4010 = arith.constant 0 : index
    %get3A_4011 = arith.constant 0 : index
    %get3A_4012 = vector.load %arg5[%get3A_4009, %get3A_4010, %get3A_4011] : memref<256x4x768xf32, #tpu.memory_space<vmem>>, vector<1x4x768xf32>
    %get3A_4013 = vector.shape_cast %get3A_4012 : vector<1x4x768xf32> to vector<4x768xf32>
    %add3A_4014 = arith.addf %mul3A_4008, %get3A_4013 : vector<4x768xf32>
    %eq3A_4015 = arith.constant 195 : i32
    %eq3A_4016 = arith.cmpi eq, %select_n3A_107, %eq3A_4015 : i32
    %eq3A_4017 = arith.constant 195 : i32
    %eq3A_4018 = arith.cmpi eq, %add3A_109, %eq3A_4017 : i32
    %or3A_4019 = arith.ori %eq3A_4016, %eq3A_4018 : i1
    %convert_element_type3A_4020 = arith.extui %or3A_4019 : i1 to i32
    %convert_element_type3A_4021 = arith.sitofp %convert_element_type3A_4020 : i32 to f32
    %sub3A_4022 = arith.constant 1.000000e+00 : f32
    %sub3A_4023 = arith.subf %sub3A_4022, %convert_element_type3A_4021 : f32
    %mul3A_4024 = vector.broadcast %convert_element_type3A_4021 : f32 to vector<4x768xf32>
    %mul3A_4025 = arith.mulf %add3A_4014, %mul3A_4024 : vector<4x768xf32>
    %add3A_4026 = arith.addf %add3A_4006, %mul3A_4025 : vector<4x768xf32>
    %mul3A_4027 = vector.broadcast %sub3A_4023 : f32 to vector<4x768xf32>
    %mul3A_4028 = arith.mulf %add3A_4014, %mul3A_4027 : vector<4x768xf32>
    %get3A_4029 = arith.constant 195 : index
    %get3A_4030 = arith.constant 0 : index
    %get3A_4031 = arith.constant 0 : index
    %get3A_4032 = vector.load %arg5[%get3A_4029, %get3A_4030, %get3A_4031] : memref<256x4x768xf32, #tpu.memory_space<vmem>>, vector<1x4x768xf32>
    %get3A_4033 = vector.shape_cast %get3A_4032 : vector<1x4x768xf32> to vector<4x768xf32>
    %add3A_4034 = arith.addf %mul3A_4028, %get3A_4033 : vector<4x768xf32>
    %eq3A_4035 = arith.constant 196 : i32
    %eq3A_4036 = arith.cmpi eq, %select_n3A_107, %eq3A_4035 : i32
    %eq3A_4037 = arith.constant 196 : i32
    %eq3A_4038 = arith.cmpi eq, %add3A_109, %eq3A_4037 : i32
    %or3A_4039 = arith.ori %eq3A_4036, %eq3A_4038 : i1
    %convert_element_type3A_4040 = arith.extui %or3A_4039 : i1 to i32
    %convert_element_type3A_4041 = arith.sitofp %convert_element_type3A_4040 : i32 to f32
    %sub3A_4042 = arith.constant 1.000000e+00 : f32
    %sub3A_4043 = arith.subf %sub3A_4042, %convert_element_type3A_4041 : f32
    %mul3A_4044 = vector.broadcast %convert_element_type3A_4041 : f32 to vector<4x768xf32>
    %mul3A_4045 = arith.mulf %add3A_4034, %mul3A_4044 : vector<4x768xf32>
    %add3A_4046 = arith.addf %add3A_4026, %mul3A_4045 : vector<4x768xf32>
    %mul3A_4047 = vector.broadcast %sub3A_4043 : f32 to vector<4x768xf32>
    %mul3A_4048 = arith.mulf %add3A_4034, %mul3A_4047 : vector<4x768xf32>
    %get3A_4049 = arith.constant 196 : index
    %get3A_4050 = arith.constant 0 : index
    %get3A_4051 = arith.constant 0 : index
    %get3A_4052 = vector.load %arg5[%get3A_4049, %get3A_4050, %get3A_4051] : memref<256x4x768xf32, #tpu.memory_space<vmem>>, vector<1x4x768xf32>
    %get3A_4053 = vector.shape_cast %get3A_4052 : vector<1x4x768xf32> to vector<4x768xf32>
    %add3A_4054 = arith.addf %mul3A_4048, %get3A_4053 : vector<4x768xf32>
    %eq3A_4055 = arith.constant 197 : i32
    %eq3A_4056 = arith.cmpi eq, %select_n3A_107, %eq3A_4055 : i32
    %eq3A_4057 = arith.constant 197 : i32
    %eq3A_4058 = arith.cmpi eq, %add3A_109, %eq3A_4057 : i32
    %or3A_4059 = arith.ori %eq3A_4056, %eq3A_4058 : i1
    %convert_element_type3A_4060 = arith.extui %or3A_4059 : i1 to i32
    %convert_element_type3A_4061 = arith.sitofp %convert_element_type3A_4060 : i32 to f32
    %sub3A_4062 = arith.constant 1.000000e+00 : f32
    %sub3A_4063 = arith.subf %sub3A_4062, %convert_element_type3A_4061 : f32
    %mul3A_4064 = vector.broadcast %convert_element_type3A_4061 : f32 to vector<4x768xf32>
    %mul3A_4065 = arith.mulf %add3A_4054, %mul3A_4064 : vector<4x768xf32>
    %add3A_4066 = arith.addf %add3A_4046, %mul3A_4065 : vector<4x768xf32>
    %mul3A_4067 = vector.broadcast %sub3A_4063 : f32 to vector<4x768xf32>
    %mul3A_4068 = arith.mulf %add3A_4054, %mul3A_4067 : vector<4x768xf32>
    %get3A_4069 = arith.constant 197 : index
    %get3A_4070 = arith.constant 0 : index
    %get3A_4071 = arith.constant 0 : index
    %get3A_4072 = vector.load %arg5[%get3A_4069, %get3A_4070, %get3A_4071] : memref<256x4x768xf32, #tpu.memory_space<vmem>>, vector<1x4x768xf32>
    %get3A_4073 = vector.shape_cast %get3A_4072 : vector<1x4x768xf32> to vector<4x768xf32>
    %add3A_4074 = arith.addf %mul3A_4068, %get3A_4073 : vector<4x768xf32>
    %eq3A_4075 = arith.constant 198 : i32
    %eq3A_4076 = arith.cmpi eq, %select_n3A_107, %eq3A_4075 : i32
    %eq3A_4077 = arith.constant 198 : i32
    %eq3A_4078 = arith.cmpi eq, %add3A_109, %eq3A_4077 : i32
    %or3A_4079 = arith.ori %eq3A_4076, %eq3A_4078 : i1
    %convert_element_type3A_4080 = arith.extui %or3A_4079 : i1 to i32
    %convert_element_type3A_4081 = arith.sitofp %convert_element_type3A_4080 : i32 to f32
    %sub3A_4082 = arith.constant 1.000000e+00 : f32
    %sub3A_4083 = arith.subf %sub3A_4082, %convert_element_type3A_4081 : f32
    %mul3A_4084 = vector.broadcast %convert_element_type3A_4081 : f32 to vector<4x768xf32>
    %mul3A_4085 = arith.mulf %add3A_4074, %mul3A_4084 : vector<4x768xf32>
    %add3A_4086 = arith.addf %add3A_4066, %mul3A_4085 : vector<4x768xf32>
    %mul3A_4087 = vector.broadcast %sub3A_4083 : f32 to vector<4x768xf32>
    %mul3A_4088 = arith.mulf %add3A_4074, %mul3A_4087 : vector<4x768xf32>
    %get3A_4089 = arith.constant 198 : index
    %get3A_4090 = arith.constant 0 : index
    %get3A_4091 = arith.constant 0 : index
    %get3A_4092 = vector.load %arg5[%get3A_4089, %get3A_4090, %get3A_4091] : memref<256x4x768xf32, #tpu.memory_space<vmem>>, vector<1x4x768xf32>
    %get3A_4093 = vector.shape_cast %get3A_4092 : vector<1x4x768xf32> to vector<4x768xf32>
    %add3A_4094 = arith.addf %mul3A_4088, %get3A_4093 : vector<4x768xf32>
    %eq3A_4095 = arith.constant 199 : i32
    %eq3A_4096 = arith.cmpi eq, %select_n3A_107, %eq3A_4095 : i32
    %eq3A_4097 = arith.constant 199 : i32
    %eq3A_4098 = arith.cmpi eq, %add3A_109, %eq3A_4097 : i32
    %or3A_4099 = arith.ori %eq3A_4096, %eq3A_4098 : i1
    %convert_element_type3A_4100 = arith.extui %or3A_4099 : i1 to i32
    %convert_element_type3A_4101 = arith.sitofp %convert_element_type3A_4100 : i32 to f32
    %sub3A_4102 = arith.constant 1.000000e+00 : f32
    %sub3A_4103 = arith.subf %sub3A_4102, %convert_element_type3A_4101 : f32
    %mul3A_4104 = vector.broadcast %convert_element_type3A_4101 : f32 to vector<4x768xf32>
    %mul3A_4105 = arith.mulf %add3A_4094, %mul3A_4104 : vector<4x768xf32>
    %add3A_4106 = arith.addf %add3A_4086, %mul3A_4105 : vector<4x768xf32>
    %mul3A_4107 = vector.broadcast %sub3A_4103 : f32 to vector<4x768xf32>
    %mul3A_4108 = arith.mulf %add3A_4094, %mul3A_4107 : vector<4x768xf32>
    %get3A_4109 = arith.constant 199 : index
    %get3A_4110 = arith.constant 0 : index
    %get3A_4111 = arith.constant 0 : index
    %get3A_4112 = vector.load %arg5[%get3A_4109, %get3A_4110, %get3A_4111] : memref<256x4x768xf32, #tpu.memory_space<vmem>>, vector<1x4x768xf32>
    %get3A_4113 = vector.shape_cast %get3A_4112 : vector<1x4x768xf32> to vector<4x768xf32>
    %add3A_4114 = arith.addf %mul3A_4108, %get3A_4113 : vector<4x768xf32>
    %eq3A_4115 = arith.constant 200 : i32
    %eq3A_4116 = arith.cmpi eq, %select_n3A_107, %eq3A_4115 : i32
    %eq3A_4117 = arith.constant 200 : i32
    %eq3A_4118 = arith.cmpi eq, %add3A_109, %eq3A_4117 : i32
    %or3A_4119 = arith.ori %eq3A_4116, %eq3A_4118 : i1
    %convert_element_type3A_4120 = arith.extui %or3A_4119 : i1 to i32
    %convert_element_type3A_4121 = arith.sitofp %convert_element_type3A_4120 : i32 to f32
    %sub3A_4122 = arith.constant 1.000000e+00 : f32
    %sub3A_4123 = arith.subf %sub3A_4122, %convert_element_type3A_4121 : f32
    %mul3A_4124 = vector.broadcast %convert_element_type3A_4121 : f32 to vector<4x768xf32>
    %mul3A_4125 = arith.mulf %add3A_4114, %mul3A_4124 : vector<4x768xf32>
    %add3A_4126 = arith.addf %add3A_4106, %mul3A_4125 : vector<4x768xf32>
    %mul3A_4127 = vector.broadcast %sub3A_4123 : f32 to vector<4x768xf32>
    %mul3A_4128 = arith.mulf %add3A_4114, %mul3A_4127 : vector<4x768xf32>
    %get3A_4129 = arith.constant 200 : index
    %get3A_4130 = arith.constant 0 : index
    %get3A_4131 = arith.constant 0 : index
    %get3A_4132 = vector.load %arg5[%get3A_4129, %get3A_4130, %get3A_4131] : memref<256x4x768xf32, #tpu.memory_space<vmem>>, vector<1x4x768xf32>
    %get3A_4133 = vector.shape_cast %get3A_4132 : vector<1x4x768xf32> to vector<4x768xf32>
    %add3A_4134 = arith.addf %mul3A_4128, %get3A_4133 : vector<4x768xf32>
    %eq3A_4135 = arith.constant 201 : i32
    %eq3A_4136 = arith.cmpi eq, %select_n3A_107, %eq3A_4135 : i32
    %eq3A_4137 = arith.constant 201 : i32
    %eq3A_4138 = arith.cmpi eq, %add3A_109, %eq3A_4137 : i32
    %or3A_4139 = arith.ori %eq3A_4136, %eq3A_4138 : i1
    %convert_element_type3A_4140 = arith.extui %or3A_4139 : i1 to i32
    %convert_element_type3A_4141 = arith.sitofp %convert_element_type3A_4140 : i32 to f32
    %sub3A_4142 = arith.constant 1.000000e+00 : f32
    %sub3A_4143 = arith.subf %sub3A_4142, %convert_element_type3A_4141 : f32
    %mul3A_4144 = vector.broadcast %convert_element_type3A_4141 : f32 to vector<4x768xf32>
    %mul3A_4145 = arith.mulf %add3A_4134, %mul3A_4144 : vector<4x768xf32>
    %add3A_4146 = arith.addf %add3A_4126, %mul3A_4145 : vector<4x768xf32>
    %mul3A_4147 = vector.broadcast %sub3A_4143 : f32 to vector<4x768xf32>
    %mul3A_4148 = arith.mulf %add3A_4134, %mul3A_4147 : vector<4x768xf32>
    %get3A_4149 = arith.constant 201 : index
    %get3A_4150 = arith.constant 0 : index
    %get3A_4151 = arith.constant 0 : index
    %get3A_4152 = vector.load %arg5[%get3A_4149, %get3A_4150, %get3A_4151] : memref<256x4x768xf32, #tpu.memory_space<vmem>>, vector<1x4x768xf32>
    %get3A_4153 = vector.shape_cast %get3A_4152 : vector<1x4x768xf32> to vector<4x768xf32>
    %add3A_4154 = arith.addf %mul3A_4148, %get3A_4153 : vector<4x768xf32>
    %eq3A_4155 = arith.constant 202 : i32
    %eq3A_4156 = arith.cmpi eq, %select_n3A_107, %eq3A_4155 : i32
    %eq3A_4157 = arith.constant 202 : i32
    %eq3A_4158 = arith.cmpi eq, %add3A_109, %eq3A_4157 : i32
    %or3A_4159 = arith.ori %eq3A_4156, %eq3A_4158 : i1
    %convert_element_type3A_4160 = arith.extui %or3A_4159 : i1 to i32
    %convert_element_type3A_4161 = arith.sitofp %convert_element_type3A_4160 : i32 to f32
    %sub3A_4162 = arith.constant 1.000000e+00 : f32
    %sub3A_4163 = arith.subf %sub3A_4162, %convert_element_type3A_4161 : f32
    %mul3A_4164 = vector.broadcast %convert_element_type3A_4161 : f32 to vector<4x768xf32>
    %mul3A_4165 = arith.mulf %add3A_4154, %mul3A_4164 : vector<4x768xf32>
    %add3A_4166 = arith.addf %add3A_4146, %mul3A_4165 : vector<4x768xf32>
    %mul3A_4167 = vector.broadcast %sub3A_4163 : f32 to vector<4x768xf32>
    %mul3A_4168 = arith.mulf %add3A_4154, %mul3A_4167 : vector<4x768xf32>
    %get3A_4169 = arith.constant 202 : index
    %get3A_4170 = arith.constant 0 : index
    %get3A_4171 = arith.constant 0 : index
    %get3A_4172 = vector.load %arg5[%get3A_4169, %get3A_4170, %get3A_4171] : memref<256x4x768xf32, #tpu.memory_space<vmem>>, vector<1x4x768xf32>
    %get3A_4173 = vector.shape_cast %get3A_4172 : vector<1x4x768xf32> to vector<4x768xf32>
    %add3A_4174 = arith.addf %mul3A_4168, %get3A_4173 : vector<4x768xf32>
    %eq3A_4175 = arith.constant 203 : i32
    %eq3A_4176 = arith.cmpi eq, %select_n3A_107, %eq3A_4175 : i32
    %eq3A_4177 = arith.constant 203 : i32
    %eq3A_4178 = arith.cmpi eq, %add3A_109, %eq3A_4177 : i32
    %or3A_4179 = arith.ori %eq3A_4176, %eq3A_4178 : i1
    %convert_element_type3A_4180 = arith.extui %or3A_4179 : i1 to i32
    %convert_element_type3A_4181 = arith.sitofp %convert_element_type3A_4180 : i32 to f32
    %sub3A_4182 = arith.constant 1.000000e+00 : f32
    %sub3A_4183 = arith.subf %sub3A_4182, %convert_element_type3A_4181 : f32
    %mul3A_4184 = vector.broadcast %convert_element_type3A_4181 : f32 to vector<4x768xf32>
    %mul3A_4185 = arith.mulf %add3A_4174, %mul3A_4184 : vector<4x768xf32>
    %add3A_4186 = arith.addf %add3A_4166, %mul3A_4185 : vector<4x768xf32>
    %mul3A_4187 = vector.broadcast %sub3A_4183 : f32 to vector<4x768xf32>
    %mul3A_4188 = arith.mulf %add3A_4174, %mul3A_4187 : vector<4x768xf32>
    %get3A_4189 = arith.constant 203 : index
    %get3A_4190 = arith.constant 0 : index
    %get3A_4191 = arith.constant 0 : index
    %get3A_4192 = vector.load %arg5[%get3A_4189, %get3A_4190, %get3A_4191] : memref<256x4x768xf32, #tpu.memory_space<vmem>>, vector<1x4x768xf32>
    %get3A_4193 = vector.shape_cast %get3A_4192 : vector<1x4x768xf32> to vector<4x768xf32>
    %add3A_4194 = arith.addf %mul3A_4188, %get3A_4193 : vector<4x768xf32>
    %eq3A_4195 = arith.constant 204 : i32
    %eq3A_4196 = arith.cmpi eq, %select_n3A_107, %eq3A_4195 : i32
    %eq3A_4197 = arith.constant 204 : i32
    %eq3A_4198 = arith.cmpi eq, %add3A_109, %eq3A_4197 : i32
    %or3A_4199 = arith.ori %eq3A_4196, %eq3A_4198 : i1
    %convert_element_type3A_4200 = arith.extui %or3A_4199 : i1 to i32
    %convert_element_type3A_4201 = arith.sitofp %convert_element_type3A_4200 : i32 to f32
    %sub3A_4202 = arith.constant 1.000000e+00 : f32
    %sub3A_4203 = arith.subf %sub3A_4202, %convert_element_type3A_4201 : f32
    %mul3A_4204 = vector.broadcast %convert_element_type3A_4201 : f32 to vector<4x768xf32>
    %mul3A_4205 = arith.mulf %add3A_4194, %mul3A_4204 : vector<4x768xf32>
    %add3A_4206 = arith.addf %add3A_4186, %mul3A_4205 : vector<4x768xf32>
    %mul3A_4207 = vector.broadcast %sub3A_4203 : f32 to vector<4x768xf32>
    %mul3A_4208 = arith.mulf %add3A_4194, %mul3A_4207 : vector<4x768xf32>
    %get3A_4209 = arith.constant 204 : index
    %get3A_4210 = arith.constant 0 : index
    %get3A_4211 = arith.constant 0 : index
    %get3A_4212 = vector.load %arg5[%get3A_4209, %get3A_4210, %get3A_4211] : memref<256x4x768xf32, #tpu.memory_space<vmem>>, vector<1x4x768xf32>
    %get3A_4213 = vector.shape_cast %get3A_4212 : vector<1x4x768xf32> to vector<4x768xf32>
    %add3A_4214 = arith.addf %mul3A_4208, %get3A_4213 : vector<4x768xf32>
    %eq3A_4215 = arith.constant 205 : i32
    %eq3A_4216 = arith.cmpi eq, %select_n3A_107, %eq3A_4215 : i32
    %eq3A_4217 = arith.constant 205 : i32
    %eq3A_4218 = arith.cmpi eq, %add3A_109, %eq3A_4217 : i32
    %or3A_4219 = arith.ori %eq3A_4216, %eq3A_4218 : i1
    %convert_element_type3A_4220 = arith.extui %or3A_4219 : i1 to i32
    %convert_element_type3A_4221 = arith.sitofp %convert_element_type3A_4220 : i32 to f32
    %sub3A_4222 = arith.constant 1.000000e+00 : f32
    %sub3A_4223 = arith.subf %sub3A_4222, %convert_element_type3A_4221 : f32
    %mul3A_4224 = vector.broadcast %convert_element_type3A_4221 : f32 to vector<4x768xf32>
    %mul3A_4225 = arith.mulf %add3A_4214, %mul3A_4224 : vector<4x768xf32>
    %add3A_4226 = arith.addf %add3A_4206, %mul3A_4225 : vector<4x768xf32>
    %mul3A_4227 = vector.broadcast %sub3A_4223 : f32 to vector<4x768xf32>
    %mul3A_4228 = arith.mulf %add3A_4214, %mul3A_4227 : vector<4x768xf32>
    %get3A_4229 = arith.constant 205 : index
    %get3A_4230 = arith.constant 0 : index
    %get3A_4231 = arith.constant 0 : index
    %get3A_4232 = vector.load %arg5[%get3A_4229, %get3A_4230, %get3A_4231] : memref<256x4x768xf32, #tpu.memory_space<vmem>>, vector<1x4x768xf32>
    %get3A_4233 = vector.shape_cast %get3A_4232 : vector<1x4x768xf32> to vector<4x768xf32>
    %add3A_4234 = arith.addf %mul3A_4228, %get3A_4233 : vector<4x768xf32>
    %eq3A_4235 = arith.constant 206 : i32
    %eq3A_4236 = arith.cmpi eq, %select_n3A_107, %eq3A_4235 : i32
    %eq3A_4237 = arith.constant 206 : i32
    %eq3A_4238 = arith.cmpi eq, %add3A_109, %eq3A_4237 : i32
    %or3A_4239 = arith.ori %eq3A_4236, %eq3A_4238 : i1
    %convert_element_type3A_4240 = arith.extui %or3A_4239 : i1 to i32
    %convert_element_type3A_4241 = arith.sitofp %convert_element_type3A_4240 : i32 to f32
    %sub3A_4242 = arith.constant 1.000000e+00 : f32
    %sub3A_4243 = arith.subf %sub3A_4242, %convert_element_type3A_4241 : f32
    %mul3A_4244 = vector.broadcast %convert_element_type3A_4241 : f32 to vector<4x768xf32>
    %mul3A_4245 = arith.mulf %add3A_4234, %mul3A_4244 : vector<4x768xf32>
    %add3A_4246 = arith.addf %add3A_4226, %mul3A_4245 : vector<4x768xf32>
    %mul3A_4247 = vector.broadcast %sub3A_4243 : f32 to vector<4x768xf32>
    %mul3A_4248 = arith.mulf %add3A_4234, %mul3A_4247 : vector<4x768xf32>
    %get3A_4249 = arith.constant 206 : index
    %get3A_4250 = arith.constant 0 : index
    %get3A_4251 = arith.constant 0 : index
    %get3A_4252 = vector.load %arg5[%get3A_4249, %get3A_4250, %get3A_4251] : memref<256x4x768xf32, #tpu.memory_space<vmem>>, vector<1x4x768xf32>
    %get3A_4253 = vector.shape_cast %get3A_4252 : vector<1x4x768xf32> to vector<4x768xf32>
    %add3A_4254 = arith.addf %mul3A_4248, %get3A_4253 : vector<4x768xf32>
    %eq3A_4255 = arith.constant 207 : i32
    %eq3A_4256 = arith.cmpi eq, %select_n3A_107, %eq3A_4255 : i32
    %eq3A_4257 = arith.constant 207 : i32
    %eq3A_4258 = arith.cmpi eq, %add3A_109, %eq3A_4257 : i32
    %or3A_4259 = arith.ori %eq3A_4256, %eq3A_4258 : i1
    %convert_element_type3A_4260 = arith.extui %or3A_4259 : i1 to i32
    %convert_element_type3A_4261 = arith.sitofp %convert_element_type3A_4260 : i32 to f32
    %sub3A_4262 = arith.constant 1.000000e+00 : f32
    %sub3A_4263 = arith.subf %sub3A_4262, %convert_element_type3A_4261 : f32
    %mul3A_4264 = vector.broadcast %convert_element_type3A_4261 : f32 to vector<4x768xf32>
    %mul3A_4265 = arith.mulf %add3A_4254, %mul3A_4264 : vector<4x768xf32>
    %add3A_4266 = arith.addf %add3A_4246, %mul3A_4265 : vector<4x768xf32>
    %mul3A_4267 = vector.broadcast %sub3A_4263 : f32 to vector<4x768xf32>
    %mul3A_4268 = arith.mulf %add3A_4254, %mul3A_4267 : vector<4x768xf32>
    %get3A_4269 = arith.constant 207 : index
    %get3A_4270 = arith.constant 0 : index
    %get3A_4271 = arith.constant 0 : index
    %get3A_4272 = vector.load %arg5[%get3A_4269, %get3A_4270, %get3A_4271] : memref<256x4x768xf32, #tpu.memory_space<vmem>>, vector<1x4x768xf32>
    %get3A_4273 = vector.shape_cast %get3A_4272 : vector<1x4x768xf32> to vector<4x768xf32>
    %add3A_4274 = arith.addf %mul3A_4268, %get3A_4273 : vector<4x768xf32>
    %eq3A_4275 = arith.constant 208 : i32
    %eq3A_4276 = arith.cmpi eq, %select_n3A_107, %eq3A_4275 : i32
    %eq3A_4277 = arith.constant 208 : i32
    %eq3A_4278 = arith.cmpi eq, %add3A_109, %eq3A_4277 : i32
    %or3A_4279 = arith.ori %eq3A_4276, %eq3A_4278 : i1
    %convert_element_type3A_4280 = arith.extui %or3A_4279 : i1 to i32
    %convert_element_type3A_4281 = arith.sitofp %convert_element_type3A_4280 : i32 to f32
    %sub3A_4282 = arith.constant 1.000000e+00 : f32
    %sub3A_4283 = arith.subf %sub3A_4282, %convert_element_type3A_4281 : f32
    %mul3A_4284 = vector.broadcast %convert_element_type3A_4281 : f32 to vector<4x768xf32>
    %mul3A_4285 = arith.mulf %add3A_4274, %mul3A_4284 : vector<4x768xf32>
    %add3A_4286 = arith.addf %add3A_4266, %mul3A_4285 : vector<4x768xf32>
    %mul3A_4287 = vector.broadcast %sub3A_4283 : f32 to vector<4x768xf32>
    %mul3A_4288 = arith.mulf %add3A_4274, %mul3A_4287 : vector<4x768xf32>
    %get3A_4289 = arith.constant 208 : index
    %get3A_4290 = arith.constant 0 : index
    %get3A_4291 = arith.constant 0 : index
    %get3A_4292 = vector.load %arg5[%get3A_4289, %get3A_4290, %get3A_4291] : memref<256x4x768xf32, #tpu.memory_space<vmem>>, vector<1x4x768xf32>
    %get3A_4293 = vector.shape_cast %get3A_4292 : vector<1x4x768xf32> to vector<4x768xf32>
    %add3A_4294 = arith.addf %mul3A_4288, %get3A_4293 : vector<4x768xf32>
    %eq3A_4295 = arith.constant 209 : i32
    %eq3A_4296 = arith.cmpi eq, %select_n3A_107, %eq3A_4295 : i32
    %eq3A_4297 = arith.constant 209 : i32
    %eq3A_4298 = arith.cmpi eq, %add3A_109, %eq3A_4297 : i32
    %or3A_4299 = arith.ori %eq3A_4296, %eq3A_4298 : i1
    %convert_element_type3A_4300 = arith.extui %or3A_4299 : i1 to i32
    %convert_element_type3A_4301 = arith.sitofp %convert_element_type3A_4300 : i32 to f32
    %sub3A_4302 = arith.constant 1.000000e+00 : f32
    %sub3A_4303 = arith.subf %sub3A_4302, %convert_element_type3A_4301 : f32
    %mul3A_4304 = vector.broadcast %convert_element_type3A_4301 : f32 to vector<4x768xf32>
    %mul3A_4305 = arith.mulf %add3A_4294, %mul3A_4304 : vector<4x768xf32>
    %add3A_4306 = arith.addf %add3A_4286, %mul3A_4305 : vector<4x768xf32>
    %mul3A_4307 = vector.broadcast %sub3A_4303 : f32 to vector<4x768xf32>
    %mul3A_4308 = arith.mulf %add3A_4294, %mul3A_4307 : vector<4x768xf32>
    %get3A_4309 = arith.constant 209 : index
    %get3A_4310 = arith.constant 0 : index
    %get3A_4311 = arith.constant 0 : index
    %get3A_4312 = vector.load %arg5[%get3A_4309, %get3A_4310, %get3A_4311] : memref<256x4x768xf32, #tpu.memory_space<vmem>>, vector<1x4x768xf32>
    %get3A_4313 = vector.shape_cast %get3A_4312 : vector<1x4x768xf32> to vector<4x768xf32>
    %add3A_4314 = arith.addf %mul3A_4308, %get3A_4313 : vector<4x768xf32>
    %eq3A_4315 = arith.constant 210 : i32
    %eq3A_4316 = arith.cmpi eq, %select_n3A_107, %eq3A_4315 : i32
    %eq3A_4317 = arith.constant 210 : i32
    %eq3A_4318 = arith.cmpi eq, %add3A_109, %eq3A_4317 : i32
    %or3A_4319 = arith.ori %eq3A_4316, %eq3A_4318 : i1
    %convert_element_type3A_4320 = arith.extui %or3A_4319 : i1 to i32
    %convert_element_type3A_4321 = arith.sitofp %convert_element_type3A_4320 : i32 to f32
    %sub3A_4322 = arith.constant 1.000000e+00 : f32
    %sub3A_4323 = arith.subf %sub3A_4322, %convert_element_type3A_4321 : f32
    %mul3A_4324 = vector.broadcast %convert_element_type3A_4321 : f32 to vector<4x768xf32>
    %mul3A_4325 = arith.mulf %add3A_4314, %mul3A_4324 : vector<4x768xf32>
    %add3A_4326 = arith.addf %add3A_4306, %mul3A_4325 : vector<4x768xf32>
    %mul3A_4327 = vector.broadcast %sub3A_4323 : f32 to vector<4x768xf32>
    %mul3A_4328 = arith.mulf %add3A_4314, %mul3A_4327 : vector<4x768xf32>
    %get3A_4329 = arith.constant 210 : index
    %get3A_4330 = arith.constant 0 : index
    %get3A_4331 = arith.constant 0 : index
    %get3A_4332 = vector.load %arg5[%get3A_4329, %get3A_4330, %get3A_4331] : memref<256x4x768xf32, #tpu.memory_space<vmem>>, vector<1x4x768xf32>
    %get3A_4333 = vector.shape_cast %get3A_4332 : vector<1x4x768xf32> to vector<4x768xf32>
    %add3A_4334 = arith.addf %mul3A_4328, %get3A_4333 : vector<4x768xf32>
    %eq3A_4335 = arith.constant 211 : i32
    %eq3A_4336 = arith.cmpi eq, %select_n3A_107, %eq3A_4335 : i32
    %eq3A_4337 = arith.constant 211 : i32
    %eq3A_4338 = arith.cmpi eq, %add3A_109, %eq3A_4337 : i32
    %or3A_4339 = arith.ori %eq3A_4336, %eq3A_4338 : i1
    %convert_element_type3A_4340 = arith.extui %or3A_4339 : i1 to i32
    %convert_element_type3A_4341 = arith.sitofp %convert_element_type3A_4340 : i32 to f32
    %sub3A_4342 = arith.constant 1.000000e+00 : f32
    %sub3A_4343 = arith.subf %sub3A_4342, %convert_element_type3A_4341 : f32
    %mul3A_4344 = vector.broadcast %convert_element_type3A_4341 : f32 to vector<4x768xf32>
    %mul3A_4345 = arith.mulf %add3A_4334, %mul3A_4344 : vector<4x768xf32>
    %add3A_4346 = arith.addf %add3A_4326, %mul3A_4345 : vector<4x768xf32>
    %mul3A_4347 = vector.broadcast %sub3A_4343 : f32 to vector<4x768xf32>
    %mul3A_4348 = arith.mulf %add3A_4334, %mul3A_4347 : vector<4x768xf32>
    %get3A_4349 = arith.constant 211 : index
    %get3A_4350 = arith.constant 0 : index
    %get3A_4351 = arith.constant 0 : index
    %get3A_4352 = vector.load %arg5[%get3A_4349, %get3A_4350, %get3A_4351] : memref<256x4x768xf32, #tpu.memory_space<vmem>>, vector<1x4x768xf32>
    %get3A_4353 = vector.shape_cast %get3A_4352 : vector<1x4x768xf32> to vector<4x768xf32>
    %add3A_4354 = arith.addf %mul3A_4348, %get3A_4353 : vector<4x768xf32>
    %eq3A_4355 = arith.constant 212 : i32
    %eq3A_4356 = arith.cmpi eq, %select_n3A_107, %eq3A_4355 : i32
    %eq3A_4357 = arith.constant 212 : i32
    %eq3A_4358 = arith.cmpi eq, %add3A_109, %eq3A_4357 : i32
    %or3A_4359 = arith.ori %eq3A_4356, %eq3A_4358 : i1
    %convert_element_type3A_4360 = arith.extui %or3A_4359 : i1 to i32
    %convert_element_type3A_4361 = arith.sitofp %convert_element_type3A_4360 : i32 to f32
    %sub3A_4362 = arith.constant 1.000000e+00 : f32
    %sub3A_4363 = arith.subf %sub3A_4362, %convert_element_type3A_4361 : f32
    %mul3A_4364 = vector.broadcast %convert_element_type3A_4361 : f32 to vector<4x768xf32>
    %mul3A_4365 = arith.mulf %add3A_4354, %mul3A_4364 : vector<4x768xf32>
    %add3A_4366 = arith.addf %add3A_4346, %mul3A_4365 : vector<4x768xf32>
    %mul3A_4367 = vector.broadcast %sub3A_4363 : f32 to vector<4x768xf32>
    %mul3A_4368 = arith.mulf %add3A_4354, %mul3A_4367 : vector<4x768xf32>
    %get3A_4369 = arith.constant 212 : index
    %get3A_4370 = arith.constant 0 : index
    %get3A_4371 = arith.constant 0 : index
    %get3A_4372 = vector.load %arg5[%get3A_4369, %get3A_4370, %get3A_4371] : memref<256x4x768xf32, #tpu.memory_space<vmem>>, vector<1x4x768xf32>
    %get3A_4373 = vector.shape_cast %get3A_4372 : vector<1x4x768xf32> to vector<4x768xf32>
    %add3A_4374 = arith.addf %mul3A_4368, %get3A_4373 : vector<4x768xf32>
    %eq3A_4375 = arith.constant 213 : i32
    %eq3A_4376 = arith.cmpi eq, %select_n3A_107, %eq3A_4375 : i32
    %eq3A_4377 = arith.constant 213 : i32
    %eq3A_4378 = arith.cmpi eq, %add3A_109, %eq3A_4377 : i32
    %or3A_4379 = arith.ori %eq3A_4376, %eq3A_4378 : i1
    %convert_element_type3A_4380 = arith.extui %or3A_4379 : i1 to i32
    %convert_element_type3A_4381 = arith.sitofp %convert_element_type3A_4380 : i32 to f32
    %sub3A_4382 = arith.constant 1.000000e+00 : f32
    %sub3A_4383 = arith.subf %sub3A_4382, %convert_element_type3A_4381 : f32
    %mul3A_4384 = vector.broadcast %convert_element_type3A_4381 : f32 to vector<4x768xf32>
    %mul3A_4385 = arith.mulf %add3A_4374, %mul3A_4384 : vector<4x768xf32>
    %add3A_4386 = arith.addf %add3A_4366, %mul3A_4385 : vector<4x768xf32>
    %mul3A_4387 = vector.broadcast %sub3A_4383 : f32 to vector<4x768xf32>
    %mul3A_4388 = arith.mulf %add3A_4374, %mul3A_4387 : vector<4x768xf32>
    %get3A_4389 = arith.constant 213 : index
    %get3A_4390 = arith.constant 0 : index
    %get3A_4391 = arith.constant 0 : index
    %get3A_4392 = vector.load %arg5[%get3A_4389, %get3A_4390, %get3A_4391] : memref<256x4x768xf32, #tpu.memory_space<vmem>>, vector<1x4x768xf32>
    %get3A_4393 = vector.shape_cast %get3A_4392 : vector<1x4x768xf32> to vector<4x768xf32>
    %add3A_4394 = arith.addf %mul3A_4388, %get3A_4393 : vector<4x768xf32>
    %eq3A_4395 = arith.constant 214 : i32
    %eq3A_4396 = arith.cmpi eq, %select_n3A_107, %eq3A_4395 : i32
    %eq3A_4397 = arith.constant 214 : i32
    %eq3A_4398 = arith.cmpi eq, %add3A_109, %eq3A_4397 : i32
    %or3A_4399 = arith.ori %eq3A_4396, %eq3A_4398 : i1
    %convert_element_type3A_4400 = arith.extui %or3A_4399 : i1 to i32
    %convert_element_type3A_4401 = arith.sitofp %convert_element_type3A_4400 : i32 to f32
    %sub3A_4402 = arith.constant 1.000000e+00 : f32
    %sub3A_4403 = arith.subf %sub3A_4402, %convert_element_type3A_4401 : f32
    %mul3A_4404 = vector.broadcast %convert_element_type3A_4401 : f32 to vector<4x768xf32>
    %mul3A_4405 = arith.mulf %add3A_4394, %mul3A_4404 : vector<4x768xf32>
    %add3A_4406 = arith.addf %add3A_4386, %mul3A_4405 : vector<4x768xf32>
    %mul3A_4407 = vector.broadcast %sub3A_4403 : f32 to vector<4x768xf32>
    %mul3A_4408 = arith.mulf %add3A_4394, %mul3A_4407 : vector<4x768xf32>
    %get3A_4409 = arith.constant 214 : index
    %get3A_4410 = arith.constant 0 : index
    %get3A_4411 = arith.constant 0 : index
    %get3A_4412 = vector.load %arg5[%get3A_4409, %get3A_4410, %get3A_4411] : memref<256x4x768xf32, #tpu.memory_space<vmem>>, vector<1x4x768xf32>
    %get3A_4413 = vector.shape_cast %get3A_4412 : vector<1x4x768xf32> to vector<4x768xf32>
    %add3A_4414 = arith.addf %mul3A_4408, %get3A_4413 : vector<4x768xf32>
    %eq3A_4415 = arith.constant 215 : i32
    %eq3A_4416 = arith.cmpi eq, %select_n3A_107, %eq3A_4415 : i32
    %eq3A_4417 = arith.constant 215 : i32
    %eq3A_4418 = arith.cmpi eq, %add3A_109, %eq3A_4417 : i32
    %or3A_4419 = arith.ori %eq3A_4416, %eq3A_4418 : i1
    %convert_element_type3A_4420 = arith.extui %or3A_4419 : i1 to i32
    %convert_element_type3A_4421 = arith.sitofp %convert_element_type3A_4420 : i32 to f32
    %sub3A_4422 = arith.constant 1.000000e+00 : f32
    %sub3A_4423 = arith.subf %sub3A_4422, %convert_element_type3A_4421 : f32
    %mul3A_4424 = vector.broadcast %convert_element_type3A_4421 : f32 to vector<4x768xf32>
    %mul3A_4425 = arith.mulf %add3A_4414, %mul3A_4424 : vector<4x768xf32>
    %add3A_4426 = arith.addf %add3A_4406, %mul3A_4425 : vector<4x768xf32>
    %mul3A_4427 = vector.broadcast %sub3A_4423 : f32 to vector<4x768xf32>
    %mul3A_4428 = arith.mulf %add3A_4414, %mul3A_4427 : vector<4x768xf32>
    %get3A_4429 = arith.constant 215 : index
    %get3A_4430 = arith.constant 0 : index
    %get3A_4431 = arith.constant 0 : index
    %get3A_4432 = vector.load %arg5[%get3A_4429, %get3A_4430, %get3A_4431] : memref<256x4x768xf32, #tpu.memory_space<vmem>>, vector<1x4x768xf32>
    %get3A_4433 = vector.shape_cast %get3A_4432 : vector<1x4x768xf32> to vector<4x768xf32>
    %add3A_4434 = arith.addf %mul3A_4428, %get3A_4433 : vector<4x768xf32>
    %eq3A_4435 = arith.constant 216 : i32
    %eq3A_4436 = arith.cmpi eq, %select_n3A_107, %eq3A_4435 : i32
    %eq3A_4437 = arith.constant 216 : i32
    %eq3A_4438 = arith.cmpi eq, %add3A_109, %eq3A_4437 : i32
    %or3A_4439 = arith.ori %eq3A_4436, %eq3A_4438 : i1
    %convert_element_type3A_4440 = arith.extui %or3A_4439 : i1 to i32
    %convert_element_type3A_4441 = arith.sitofp %convert_element_type3A_4440 : i32 to f32
    %sub3A_4442 = arith.constant 1.000000e+00 : f32
    %sub3A_4443 = arith.subf %sub3A_4442, %convert_element_type3A_4441 : f32
    %mul3A_4444 = vector.broadcast %convert_element_type3A_4441 : f32 to vector<4x768xf32>
    %mul3A_4445 = arith.mulf %add3A_4434, %mul3A_4444 : vector<4x768xf32>
    %add3A_4446 = arith.addf %add3A_4426, %mul3A_4445 : vector<4x768xf32>
    %mul3A_4447 = vector.broadcast %sub3A_4443 : f32 to vector<4x768xf32>
    %mul3A_4448 = arith.mulf %add3A_4434, %mul3A_4447 : vector<4x768xf32>
    %get3A_4449 = arith.constant 216 : index
    %get3A_4450 = arith.constant 0 : index
    %get3A_4451 = arith.constant 0 : index
    %get3A_4452 = vector.load %arg5[%get3A_4449, %get3A_4450, %get3A_4451] : memref<256x4x768xf32, #tpu.memory_space<vmem>>, vector<1x4x768xf32>
    %get3A_4453 = vector.shape_cast %get3A_4452 : vector<1x4x768xf32> to vector<4x768xf32>
    %add3A_4454 = arith.addf %mul3A_4448, %get3A_4453 : vector<4x768xf32>
    %eq3A_4455 = arith.constant 217 : i32
    %eq3A_4456 = arith.cmpi eq, %select_n3A_107, %eq3A_4455 : i32
    %eq3A_4457 = arith.constant 217 : i32
    %eq3A_4458 = arith.cmpi eq, %add3A_109, %eq3A_4457 : i32
    %or3A_4459 = arith.ori %eq3A_4456, %eq3A_4458 : i1
    %convert_element_type3A_4460 = arith.extui %or3A_4459 : i1 to i32
    %convert_element_type3A_4461 = arith.sitofp %convert_element_type3A_4460 : i32 to f32
    %sub3A_4462 = arith.constant 1.000000e+00 : f32
    %sub3A_4463 = arith.subf %sub3A_4462, %convert_element_type3A_4461 : f32
    %mul3A_4464 = vector.broadcast %convert_element_type3A_4461 : f32 to vector<4x768xf32>
    %mul3A_4465 = arith.mulf %add3A_4454, %mul3A_4464 : vector<4x768xf32>
    %add3A_4466 = arith.addf %add3A_4446, %mul3A_4465 : vector<4x768xf32>
    %mul3A_4467 = vector.broadcast %sub3A_4463 : f32 to vector<4x768xf32>
    %mul3A_4468 = arith.mulf %add3A_4454, %mul3A_4467 : vector<4x768xf32>
    %get3A_4469 = arith.constant 217 : index
    %get3A_4470 = arith.constant 0 : index
    %get3A_4471 = arith.constant 0 : index
    %get3A_4472 = vector.load %arg5[%get3A_4469, %get3A_4470, %get3A_4471] : memref<256x4x768xf32, #tpu.memory_space<vmem>>, vector<1x4x768xf32>
    %get3A_4473 = vector.shape_cast %get3A_4472 : vector<1x4x768xf32> to vector<4x768xf32>
    %add3A_4474 = arith.addf %mul3A_4468, %get3A_4473 : vector<4x768xf32>
    %eq3A_4475 = arith.constant 218 : i32
    %eq3A_4476 = arith.cmpi eq, %select_n3A_107, %eq3A_4475 : i32
    %eq3A_4477 = arith.constant 218 : i32
    %eq3A_4478 = arith.cmpi eq, %add3A_109, %eq3A_4477 : i32
    %or3A_4479 = arith.ori %eq3A_4476, %eq3A_4478 : i1
    %convert_element_type3A_4480 = arith.extui %or3A_4479 : i1 to i32
    %convert_element_type3A_4481 = arith.sitofp %convert_element_type3A_4480 : i32 to f32
    %sub3A_4482 = arith.constant 1.000000e+00 : f32
    %sub3A_4483 = arith.subf %sub3A_4482, %convert_element_type3A_4481 : f32
    %mul3A_4484 = vector.broadcast %convert_element_type3A_4481 : f32 to vector<4x768xf32>
    %mul3A_4485 = arith.mulf %add3A_4474, %mul3A_4484 : vector<4x768xf32>
    %add3A_4486 = arith.addf %add3A_4466, %mul3A_4485 : vector<4x768xf32>
    %mul3A_4487 = vector.broadcast %sub3A_4483 : f32 to vector<4x768xf32>
    %mul3A_4488 = arith.mulf %add3A_4474, %mul3A_4487 : vector<4x768xf32>
    %get3A_4489 = arith.constant 218 : index
    %get3A_4490 = arith.constant 0 : index
    %get3A_4491 = arith.constant 0 : index
    %get3A_4492 = vector.load %arg5[%get3A_4489, %get3A_4490, %get3A_4491] : memref<256x4x768xf32, #tpu.memory_space<vmem>>, vector<1x4x768xf32>
    %get3A_4493 = vector.shape_cast %get3A_4492 : vector<1x4x768xf32> to vector<4x768xf32>
    %add3A_4494 = arith.addf %mul3A_4488, %get3A_4493 : vector<4x768xf32>
    %eq3A_4495 = arith.constant 219 : i32
    %eq3A_4496 = arith.cmpi eq, %select_n3A_107, %eq3A_4495 : i32
    %eq3A_4497 = arith.constant 219 : i32
    %eq3A_4498 = arith.cmpi eq, %add3A_109, %eq3A_4497 : i32
    %or3A_4499 = arith.ori %eq3A_4496, %eq3A_4498 : i1
    %convert_element_type3A_4500 = arith.extui %or3A_4499 : i1 to i32
    %convert_element_type3A_4501 = arith.sitofp %convert_element_type3A_4500 : i32 to f32
    %sub3A_4502 = arith.constant 1.000000e+00 : f32
    %sub3A_4503 = arith.subf %sub3A_4502, %convert_element_type3A_4501 : f32
    %mul3A_4504 = vector.broadcast %convert_element_type3A_4501 : f32 to vector<4x768xf32>
    %mul3A_4505 = arith.mulf %add3A_4494, %mul3A_4504 : vector<4x768xf32>
    %add3A_4506 = arith.addf %add3A_4486, %mul3A_4505 : vector<4x768xf32>
    %mul3A_4507 = vector.broadcast %sub3A_4503 : f32 to vector<4x768xf32>
    %mul3A_4508 = arith.mulf %add3A_4494, %mul3A_4507 : vector<4x768xf32>
    %get3A_4509 = arith.constant 219 : index
    %get3A_4510 = arith.constant 0 : index
    %get3A_4511 = arith.constant 0 : index
    %get3A_4512 = vector.load %arg5[%get3A_4509, %get3A_4510, %get3A_4511] : memref<256x4x768xf32, #tpu.memory_space<vmem>>, vector<1x4x768xf32>
    %get3A_4513 = vector.shape_cast %get3A_4512 : vector<1x4x768xf32> to vector<4x768xf32>
    %add3A_4514 = arith.addf %mul3A_4508, %get3A_4513 : vector<4x768xf32>
    %eq3A_4515 = arith.constant 220 : i32
    %eq3A_4516 = arith.cmpi eq, %select_n3A_107, %eq3A_4515 : i32
    %eq3A_4517 = arith.constant 220 : i32
    %eq3A_4518 = arith.cmpi eq, %add3A_109, %eq3A_4517 : i32
    %or3A_4519 = arith.ori %eq3A_4516, %eq3A_4518 : i1
    %convert_element_type3A_4520 = arith.extui %or3A_4519 : i1 to i32
    %convert_element_type3A_4521 = arith.sitofp %convert_element_type3A_4520 : i32 to f32
    %sub3A_4522 = arith.constant 1.000000e+00 : f32
    %sub3A_4523 = arith.subf %sub3A_4522, %convert_element_type3A_4521 : f32
    %mul3A_4524 = vector.broadcast %convert_element_type3A_4521 : f32 to vector<4x768xf32>
    %mul3A_4525 = arith.mulf %add3A_4514, %mul3A_4524 : vector<4x768xf32>
    %add3A_4526 = arith.addf %add3A_4506, %mul3A_4525 : vector<4x768xf32>
    %mul3A_4527 = vector.broadcast %sub3A_4523 : f32 to vector<4x768xf32>
    %mul3A_4528 = arith.mulf %add3A_4514, %mul3A_4527 : vector<4x768xf32>
    %get3A_4529 = arith.constant 220 : index
    %get3A_4530 = arith.constant 0 : index
    %get3A_4531 = arith.constant 0 : index
    %get3A_4532 = vector.load %arg5[%get3A_4529, %get3A_4530, %get3A_4531] : memref<256x4x768xf32, #tpu.memory_space<vmem>>, vector<1x4x768xf32>
    %get3A_4533 = vector.shape_cast %get3A_4532 : vector<1x4x768xf32> to vector<4x768xf32>
    %add3A_4534 = arith.addf %mul3A_4528, %get3A_4533 : vector<4x768xf32>
    %eq3A_4535 = arith.constant 221 : i32
    %eq3A_4536 = arith.cmpi eq, %select_n3A_107, %eq3A_4535 : i32
    %eq3A_4537 = arith.constant 221 : i32
    %eq3A_4538 = arith.cmpi eq, %add3A_109, %eq3A_4537 : i32
    %or3A_4539 = arith.ori %eq3A_4536, %eq3A_4538 : i1
    %convert_element_type3A_4540 = arith.extui %or3A_4539 : i1 to i32
    %convert_element_type3A_4541 = arith.sitofp %convert_element_type3A_4540 : i32 to f32
    %sub3A_4542 = arith.constant 1.000000e+00 : f32
    %sub3A_4543 = arith.subf %sub3A_4542, %convert_element_type3A_4541 : f32
    %mul3A_4544 = vector.broadcast %convert_element_type3A_4541 : f32 to vector<4x768xf32>
    %mul3A_4545 = arith.mulf %add3A_4534, %mul3A_4544 : vector<4x768xf32>
    %add3A_4546 = arith.addf %add3A_4526, %mul3A_4545 : vector<4x768xf32>
    %mul3A_4547 = vector.broadcast %sub3A_4543 : f32 to vector<4x768xf32>
    %mul3A_4548 = arith.mulf %add3A_4534, %mul3A_4547 : vector<4x768xf32>
    %get3A_4549 = arith.constant 221 : index
    %get3A_4550 = arith.constant 0 : index
    %get3A_4551 = arith.constant 0 : index
    %get3A_4552 = vector.load %arg5[%get3A_4549, %get3A_4550, %get3A_4551] : memref<256x4x768xf32, #tpu.memory_space<vmem>>, vector<1x4x768xf32>
    %get3A_4553 = vector.shape_cast %get3A_4552 : vector<1x4x768xf32> to vector<4x768xf32>
    %add3A_4554 = arith.addf %mul3A_4548, %get3A_4553 : vector<4x768xf32>
    %eq3A_4555 = arith.constant 222 : i32
    %eq3A_4556 = arith.cmpi eq, %select_n3A_107, %eq3A_4555 : i32
    %eq3A_4557 = arith.constant 222 : i32
    %eq3A_4558 = arith.cmpi eq, %add3A_109, %eq3A_4557 : i32
    %or3A_4559 = arith.ori %eq3A_4556, %eq3A_4558 : i1
    %convert_element_type3A_4560 = arith.extui %or3A_4559 : i1 to i32
    %convert_element_type3A_4561 = arith.sitofp %convert_element_type3A_4560 : i32 to f32
    %sub3A_4562 = arith.constant 1.000000e+00 : f32
    %sub3A_4563 = arith.subf %sub3A_4562, %convert_element_type3A_4561 : f32
    %mul3A_4564 = vector.broadcast %convert_element_type3A_4561 : f32 to vector<4x768xf32>
    %mul3A_4565 = arith.mulf %add3A_4554, %mul3A_4564 : vector<4x768xf32>
    %add3A_4566 = arith.addf %add3A_4546, %mul3A_4565 : vector<4x768xf32>
    %mul3A_4567 = vector.broadcast %sub3A_4563 : f32 to vector<4x768xf32>
    %mul3A_4568 = arith.mulf %add3A_4554, %mul3A_4567 : vector<4x768xf32>
    %get3A_4569 = arith.constant 222 : index
    %get3A_4570 = arith.constant 0 : index
    %get3A_4571 = arith.constant 0 : index
    %get3A_4572 = vector.load %arg5[%get3A_4569, %get3A_4570, %get3A_4571] : memref<256x4x768xf32, #tpu.memory_space<vmem>>, vector<1x4x768xf32>
    %get3A_4573 = vector.shape_cast %get3A_4572 : vector<1x4x768xf32> to vector<4x768xf32>
    %add3A_4574 = arith.addf %mul3A_4568, %get3A_4573 : vector<4x768xf32>
    %eq3A_4575 = arith.constant 223 : i32
    %eq3A_4576 = arith.cmpi eq, %select_n3A_107, %eq3A_4575 : i32
    %eq3A_4577 = arith.constant 223 : i32
    %eq3A_4578 = arith.cmpi eq, %add3A_109, %eq3A_4577 : i32
    %or3A_4579 = arith.ori %eq3A_4576, %eq3A_4578 : i1
    %convert_element_type3A_4580 = arith.extui %or3A_4579 : i1 to i32
    %convert_element_type3A_4581 = arith.sitofp %convert_element_type3A_4580 : i32 to f32
    %sub3A_4582 = arith.constant 1.000000e+00 : f32
    %sub3A_4583 = arith.subf %sub3A_4582, %convert_element_type3A_4581 : f32
    %mul3A_4584 = vector.broadcast %convert_element_type3A_4581 : f32 to vector<4x768xf32>
    %mul3A_4585 = arith.mulf %add3A_4574, %mul3A_4584 : vector<4x768xf32>
    %add3A_4586 = arith.addf %add3A_4566, %mul3A_4585 : vector<4x768xf32>
    %mul3A_4587 = vector.broadcast %sub3A_4583 : f32 to vector<4x768xf32>
    %mul3A_4588 = arith.mulf %add3A_4574, %mul3A_4587 : vector<4x768xf32>
    %get3A_4589 = arith.constant 223 : index
    %get3A_4590 = arith.constant 0 : index
    %get3A_4591 = arith.constant 0 : index
    %get3A_4592 = vector.load %arg5[%get3A_4589, %get3A_4590, %get3A_4591] : memref<256x4x768xf32, #tpu.memory_space<vmem>>, vector<1x4x768xf32>
    %get3A_4593 = vector.shape_cast %get3A_4592 : vector<1x4x768xf32> to vector<4x768xf32>
    %add3A_4594 = arith.addf %mul3A_4588, %get3A_4593 : vector<4x768xf32>
    %eq3A_4595 = arith.constant 224 : i32
    %eq3A_4596 = arith.cmpi eq, %select_n3A_107, %eq3A_4595 : i32
    %eq3A_4597 = arith.constant 224 : i32
    %eq3A_4598 = arith.cmpi eq, %add3A_109, %eq3A_4597 : i32
    %or3A_4599 = arith.ori %eq3A_4596, %eq3A_4598 : i1
    %convert_element_type3A_4600 = arith.extui %or3A_4599 : i1 to i32
    %convert_element_type3A_4601 = arith.sitofp %convert_element_type3A_4600 : i32 to f32
    %sub3A_4602 = arith.constant 1.000000e+00 : f32
    %sub3A_4603 = arith.subf %sub3A_4602, %convert_element_type3A_4601 : f32
    %mul3A_4604 = vector.broadcast %convert_element_type3A_4601 : f32 to vector<4x768xf32>
    %mul3A_4605 = arith.mulf %add3A_4594, %mul3A_4604 : vector<4x768xf32>
    %add3A_4606 = arith.addf %add3A_4586, %mul3A_4605 : vector<4x768xf32>
    %mul3A_4607 = vector.broadcast %sub3A_4603 : f32 to vector<4x768xf32>
    %mul3A_4608 = arith.mulf %add3A_4594, %mul3A_4607 : vector<4x768xf32>
    %get3A_4609 = arith.constant 224 : index
    %get3A_4610 = arith.constant 0 : index
    %get3A_4611 = arith.constant 0 : index
    %get3A_4612 = vector.load %arg5[%get3A_4609, %get3A_4610, %get3A_4611] : memref<256x4x768xf32, #tpu.memory_space<vmem>>, vector<1x4x768xf32>
    %get3A_4613 = vector.shape_cast %get3A_4612 : vector<1x4x768xf32> to vector<4x768xf32>
    %add3A_4614 = arith.addf %mul3A_4608, %get3A_4613 : vector<4x768xf32>
    %eq3A_4615 = arith.constant 225 : i32
    %eq3A_4616 = arith.cmpi eq, %select_n3A_107, %eq3A_4615 : i32
    %eq3A_4617 = arith.constant 225 : i32
    %eq3A_4618 = arith.cmpi eq, %add3A_109, %eq3A_4617 : i32
    %or3A_4619 = arith.ori %eq3A_4616, %eq3A_4618 : i1
    %convert_element_type3A_4620 = arith.extui %or3A_4619 : i1 to i32
    %convert_element_type3A_4621 = arith.sitofp %convert_element_type3A_4620 : i32 to f32
    %sub3A_4622 = arith.constant 1.000000e+00 : f32
    %sub3A_4623 = arith.subf %sub3A_4622, %convert_element_type3A_4621 : f32
    %mul3A_4624 = vector.broadcast %convert_element_type3A_4621 : f32 to vector<4x768xf32>
    %mul3A_4625 = arith.mulf %add3A_4614, %mul3A_4624 : vector<4x768xf32>
    %add3A_4626 = arith.addf %add3A_4606, %mul3A_4625 : vector<4x768xf32>
    %mul3A_4627 = vector.broadcast %sub3A_4623 : f32 to vector<4x768xf32>
    %mul3A_4628 = arith.mulf %add3A_4614, %mul3A_4627 : vector<4x768xf32>
    %get3A_4629 = arith.constant 225 : index
    %get3A_4630 = arith.constant 0 : index
    %get3A_4631 = arith.constant 0 : index
    %get3A_4632 = vector.load %arg5[%get3A_4629, %get3A_4630, %get3A_4631] : memref<256x4x768xf32, #tpu.memory_space<vmem>>, vector<1x4x768xf32>
    %get3A_4633 = vector.shape_cast %get3A_4632 : vector<1x4x768xf32> to vector<4x768xf32>
    %add3A_4634 = arith.addf %mul3A_4628, %get3A_4633 : vector<4x768xf32>
    %eq3A_4635 = arith.constant 226 : i32
    %eq3A_4636 = arith.cmpi eq, %select_n3A_107, %eq3A_4635 : i32
    %eq3A_4637 = arith.constant 226 : i32
    %eq3A_4638 = arith.cmpi eq, %add3A_109, %eq3A_4637 : i32
    %or3A_4639 = arith.ori %eq3A_4636, %eq3A_4638 : i1
    %convert_element_type3A_4640 = arith.extui %or3A_4639 : i1 to i32
    %convert_element_type3A_4641 = arith.sitofp %convert_element_type3A_4640 : i32 to f32
    %sub3A_4642 = arith.constant 1.000000e+00 : f32
    %sub3A_4643 = arith.subf %sub3A_4642, %convert_element_type3A_4641 : f32
    %mul3A_4644 = vector.broadcast %convert_element_type3A_4641 : f32 to vector<4x768xf32>
    %mul3A_4645 = arith.mulf %add3A_4634, %mul3A_4644 : vector<4x768xf32>
    %add3A_4646 = arith.addf %add3A_4626, %mul3A_4645 : vector<4x768xf32>
    %mul3A_4647 = vector.broadcast %sub3A_4643 : f32 to vector<4x768xf32>
    %mul3A_4648 = arith.mulf %add3A_4634, %mul3A_4647 : vector<4x768xf32>
    %get3A_4649 = arith.constant 226 : index
    %get3A_4650 = arith.constant 0 : index
    %get3A_4651 = arith.constant 0 : index
    %get3A_4652 = vector.load %arg5[%get3A_4649, %get3A_4650, %get3A_4651] : memref<256x4x768xf32, #tpu.memory_space<vmem>>, vector<1x4x768xf32>
    %get3A_4653 = vector.shape_cast %get3A_4652 : vector<1x4x768xf32> to vector<4x768xf32>
    %add3A_4654 = arith.addf %mul3A_4648, %get3A_4653 : vector<4x768xf32>
    %eq3A_4655 = arith.constant 227 : i32
    %eq3A_4656 = arith.cmpi eq, %select_n3A_107, %eq3A_4655 : i32
    %eq3A_4657 = arith.constant 227 : i32
    %eq3A_4658 = arith.cmpi eq, %add3A_109, %eq3A_4657 : i32
    %or3A_4659 = arith.ori %eq3A_4656, %eq3A_4658 : i1
    %convert_element_type3A_4660 = arith.extui %or3A_4659 : i1 to i32
    %convert_element_type3A_4661 = arith.sitofp %convert_element_type3A_4660 : i32 to f32
    %sub3A_4662 = arith.constant 1.000000e+00 : f32
    %sub3A_4663 = arith.subf %sub3A_4662, %convert_element_type3A_4661 : f32
    %mul3A_4664 = vector.broadcast %convert_element_type3A_4661 : f32 to vector<4x768xf32>
    %mul3A_4665 = arith.mulf %add3A_4654, %mul3A_4664 : vector<4x768xf32>
    %add3A_4666 = arith.addf %add3A_4646, %mul3A_4665 : vector<4x768xf32>
    %mul3A_4667 = vector.broadcast %sub3A_4663 : f32 to vector<4x768xf32>
    %mul3A_4668 = arith.mulf %add3A_4654, %mul3A_4667 : vector<4x768xf32>
    %get3A_4669 = arith.constant 227 : index
    %get3A_4670 = arith.constant 0 : index
    %get3A_4671 = arith.constant 0 : index
    %get3A_4672 = vector.load %arg5[%get3A_4669, %get3A_4670, %get3A_4671] : memref<256x4x768xf32, #tpu.memory_space<vmem>>, vector<1x4x768xf32>
    %get3A_4673 = vector.shape_cast %get3A_4672 : vector<1x4x768xf32> to vector<4x768xf32>
    %add3A_4674 = arith.addf %mul3A_4668, %get3A_4673 : vector<4x768xf32>
    %eq3A_4675 = arith.constant 228 : i32
    %eq3A_4676 = arith.cmpi eq, %select_n3A_107, %eq3A_4675 : i32
    %eq3A_4677 = arith.constant 228 : i32
    %eq3A_4678 = arith.cmpi eq, %add3A_109, %eq3A_4677 : i32
    %or3A_4679 = arith.ori %eq3A_4676, %eq3A_4678 : i1
    %convert_element_type3A_4680 = arith.extui %or3A_4679 : i1 to i32
    %convert_element_type3A_4681 = arith.sitofp %convert_element_type3A_4680 : i32 to f32
    %sub3A_4682 = arith.constant 1.000000e+00 : f32
    %sub3A_4683 = arith.subf %sub3A_4682, %convert_element_type3A_4681 : f32
    %mul3A_4684 = vector.broadcast %convert_element_type3A_4681 : f32 to vector<4x768xf32>
    %mul3A_4685 = arith.mulf %add3A_4674, %mul3A_4684 : vector<4x768xf32>
    %add3A_4686 = arith.addf %add3A_4666, %mul3A_4685 : vector<4x768xf32>
    %mul3A_4687 = vector.broadcast %sub3A_4683 : f32 to vector<4x768xf32>
    %mul3A_4688 = arith.mulf %add3A_4674, %mul3A_4687 : vector<4x768xf32>
    %get3A_4689 = arith.constant 228 : index
    %get3A_4690 = arith.constant 0 : index
    %get3A_4691 = arith.constant 0 : index
    %get3A_4692 = vector.load %arg5[%get3A_4689, %get3A_4690, %get3A_4691] : memref<256x4x768xf32, #tpu.memory_space<vmem>>, vector<1x4x768xf32>
    %get3A_4693 = vector.shape_cast %get3A_4692 : vector<1x4x768xf32> to vector<4x768xf32>
    %add3A_4694 = arith.addf %mul3A_4688, %get3A_4693 : vector<4x768xf32>
    %eq3A_4695 = arith.constant 229 : i32
    %eq3A_4696 = arith.cmpi eq, %select_n3A_107, %eq3A_4695 : i32
    %eq3A_4697 = arith.constant 229 : i32
    %eq3A_4698 = arith.cmpi eq, %add3A_109, %eq3A_4697 : i32
    %or3A_4699 = arith.ori %eq3A_4696, %eq3A_4698 : i1
    %convert_element_type3A_4700 = arith.extui %or3A_4699 : i1 to i32
    %convert_element_type3A_4701 = arith.sitofp %convert_element_type3A_4700 : i32 to f32
    %sub3A_4702 = arith.constant 1.000000e+00 : f32
    %sub3A_4703 = arith.subf %sub3A_4702, %convert_element_type3A_4701 : f32
    %mul3A_4704 = vector.broadcast %convert_element_type3A_4701 : f32 to vector<4x768xf32>
    %mul3A_4705 = arith.mulf %add3A_4694, %mul3A_4704 : vector<4x768xf32>
    %add3A_4706 = arith.addf %add3A_4686, %mul3A_4705 : vector<4x768xf32>
    %mul3A_4707 = vector.broadcast %sub3A_4703 : f32 to vector<4x768xf32>
    %mul3A_4708 = arith.mulf %add3A_4694, %mul3A_4707 : vector<4x768xf32>
    %get3A_4709 = arith.constant 229 : index
    %get3A_4710 = arith.constant 0 : index
    %get3A_4711 = arith.constant 0 : index
    %get3A_4712 = vector.load %arg5[%get3A_4709, %get3A_4710, %get3A_4711] : memref<256x4x768xf32, #tpu.memory_space<vmem>>, vector<1x4x768xf32>
    %get3A_4713 = vector.shape_cast %get3A_4712 : vector<1x4x768xf32> to vector<4x768xf32>
    %add3A_4714 = arith.addf %mul3A_4708, %get3A_4713 : vector<4x768xf32>
    %eq3A_4715 = arith.constant 230 : i32
    %eq3A_4716 = arith.cmpi eq, %select_n3A_107, %eq3A_4715 : i32
    %eq3A_4717 = arith.constant 230 : i32
    %eq3A_4718 = arith.cmpi eq, %add3A_109, %eq3A_4717 : i32
    %or3A_4719 = arith.ori %eq3A_4716, %eq3A_4718 : i1
    %convert_element_type3A_4720 = arith.extui %or3A_4719 : i1 to i32
    %convert_element_type3A_4721 = arith.sitofp %convert_element_type3A_4720 : i32 to f32
    %sub3A_4722 = arith.constant 1.000000e+00 : f32
    %sub3A_4723 = arith.subf %sub3A_4722, %convert_element_type3A_4721 : f32
    %mul3A_4724 = vector.broadcast %convert_element_type3A_4721 : f32 to vector<4x768xf32>
    %mul3A_4725 = arith.mulf %add3A_4714, %mul3A_4724 : vector<4x768xf32>
    %add3A_4726 = arith.addf %add3A_4706, %mul3A_4725 : vector<4x768xf32>
    %mul3A_4727 = vector.broadcast %sub3A_4723 : f32 to vector<4x768xf32>
    %mul3A_4728 = arith.mulf %add3A_4714, %mul3A_4727 : vector<4x768xf32>
    %get3A_4729 = arith.constant 230 : index
    %get3A_4730 = arith.constant 0 : index
    %get3A_4731 = arith.constant 0 : index
    %get3A_4732 = vector.load %arg5[%get3A_4729, %get3A_4730, %get3A_4731] : memref<256x4x768xf32, #tpu.memory_space<vmem>>, vector<1x4x768xf32>
    %get3A_4733 = vector.shape_cast %get3A_4732 : vector<1x4x768xf32> to vector<4x768xf32>
    %add3A_4734 = arith.addf %mul3A_4728, %get3A_4733 : vector<4x768xf32>
    %eq3A_4735 = arith.constant 231 : i32
    %eq3A_4736 = arith.cmpi eq, %select_n3A_107, %eq3A_4735 : i32
    %eq3A_4737 = arith.constant 231 : i32
    %eq3A_4738 = arith.cmpi eq, %add3A_109, %eq3A_4737 : i32
    %or3A_4739 = arith.ori %eq3A_4736, %eq3A_4738 : i1
    %convert_element_type3A_4740 = arith.extui %or3A_4739 : i1 to i32
    %convert_element_type3A_4741 = arith.sitofp %convert_element_type3A_4740 : i32 to f32
    %sub3A_4742 = arith.constant 1.000000e+00 : f32
    %sub3A_4743 = arith.subf %sub3A_4742, %convert_element_type3A_4741 : f32
    %mul3A_4744 = vector.broadcast %convert_element_type3A_4741 : f32 to vector<4x768xf32>
    %mul3A_4745 = arith.mulf %add3A_4734, %mul3A_4744 : vector<4x768xf32>
    %add3A_4746 = arith.addf %add3A_4726, %mul3A_4745 : vector<4x768xf32>
    %mul3A_4747 = vector.broadcast %sub3A_4743 : f32 to vector<4x768xf32>
    %mul3A_4748 = arith.mulf %add3A_4734, %mul3A_4747 : vector<4x768xf32>
    %get3A_4749 = arith.constant 231 : index
    %get3A_4750 = arith.constant 0 : index
    %get3A_4751 = arith.constant 0 : index
    %get3A_4752 = vector.load %arg5[%get3A_4749, %get3A_4750, %get3A_4751] : memref<256x4x768xf32, #tpu.memory_space<vmem>>, vector<1x4x768xf32>
    %get3A_4753 = vector.shape_cast %get3A_4752 : vector<1x4x768xf32> to vector<4x768xf32>
    %add3A_4754 = arith.addf %mul3A_4748, %get3A_4753 : vector<4x768xf32>
    %eq3A_4755 = arith.constant 232 : i32
    %eq3A_4756 = arith.cmpi eq, %select_n3A_107, %eq3A_4755 : i32
    %eq3A_4757 = arith.constant 232 : i32
    %eq3A_4758 = arith.cmpi eq, %add3A_109, %eq3A_4757 : i32
    %or3A_4759 = arith.ori %eq3A_4756, %eq3A_4758 : i1
    %convert_element_type3A_4760 = arith.extui %or3A_4759 : i1 to i32
    %convert_element_type3A_4761 = arith.sitofp %convert_element_type3A_4760 : i32 to f32
    %sub3A_4762 = arith.constant 1.000000e+00 : f32
    %sub3A_4763 = arith.subf %sub3A_4762, %convert_element_type3A_4761 : f32
    %mul3A_4764 = vector.broadcast %convert_element_type3A_4761 : f32 to vector<4x768xf32>
    %mul3A_4765 = arith.mulf %add3A_4754, %mul3A_4764 : vector<4x768xf32>
    %add3A_4766 = arith.addf %add3A_4746, %mul3A_4765 : vector<4x768xf32>
    %mul3A_4767 = vector.broadcast %sub3A_4763 : f32 to vector<4x768xf32>
    %mul3A_4768 = arith.mulf %add3A_4754, %mul3A_4767 : vector<4x768xf32>
    %get3A_4769 = arith.constant 232 : index
    %get3A_4770 = arith.constant 0 : index
    %get3A_4771 = arith.constant 0 : index
    %get3A_4772 = vector.load %arg5[%get3A_4769, %get3A_4770, %get3A_4771] : memref<256x4x768xf32, #tpu.memory_space<vmem>>, vector<1x4x768xf32>
    %get3A_4773 = vector.shape_cast %get3A_4772 : vector<1x4x768xf32> to vector<4x768xf32>
    %add3A_4774 = arith.addf %mul3A_4768, %get3A_4773 : vector<4x768xf32>
    %eq3A_4775 = arith.constant 233 : i32
    %eq3A_4776 = arith.cmpi eq, %select_n3A_107, %eq3A_4775 : i32
    %eq3A_4777 = arith.constant 233 : i32
    %eq3A_4778 = arith.cmpi eq, %add3A_109, %eq3A_4777 : i32
    %or3A_4779 = arith.ori %eq3A_4776, %eq3A_4778 : i1
    %convert_element_type3A_4780 = arith.extui %or3A_4779 : i1 to i32
    %convert_element_type3A_4781 = arith.sitofp %convert_element_type3A_4780 : i32 to f32
    %sub3A_4782 = arith.constant 1.000000e+00 : f32
    %sub3A_4783 = arith.subf %sub3A_4782, %convert_element_type3A_4781 : f32
    %mul3A_4784 = vector.broadcast %convert_element_type3A_4781 : f32 to vector<4x768xf32>
    %mul3A_4785 = arith.mulf %add3A_4774, %mul3A_4784 : vector<4x768xf32>
    %add3A_4786 = arith.addf %add3A_4766, %mul3A_4785 : vector<4x768xf32>
    %mul3A_4787 = vector.broadcast %sub3A_4783 : f32 to vector<4x768xf32>
    %mul3A_4788 = arith.mulf %add3A_4774, %mul3A_4787 : vector<4x768xf32>
    %get3A_4789 = arith.constant 233 : index
    %get3A_4790 = arith.constant 0 : index
    %get3A_4791 = arith.constant 0 : index
    %get3A_4792 = vector.load %arg5[%get3A_4789, %get3A_4790, %get3A_4791] : memref<256x4x768xf32, #tpu.memory_space<vmem>>, vector<1x4x768xf32>
    %get3A_4793 = vector.shape_cast %get3A_4792 : vector<1x4x768xf32> to vector<4x768xf32>
    %add3A_4794 = arith.addf %mul3A_4788, %get3A_4793 : vector<4x768xf32>
    %eq3A_4795 = arith.constant 234 : i32
    %eq3A_4796 = arith.cmpi eq, %select_n3A_107, %eq3A_4795 : i32
    %eq3A_4797 = arith.constant 234 : i32
    %eq3A_4798 = arith.cmpi eq, %add3A_109, %eq3A_4797 : i32
    %or3A_4799 = arith.ori %eq3A_4796, %eq3A_4798 : i1
    %convert_element_type3A_4800 = arith.extui %or3A_4799 : i1 to i32
    %convert_element_type3A_4801 = arith.sitofp %convert_element_type3A_4800 : i32 to f32
    %sub3A_4802 = arith.constant 1.000000e+00 : f32
    %sub3A_4803 = arith.subf %sub3A_4802, %convert_element_type3A_4801 : f32
    %mul3A_4804 = vector.broadcast %convert_element_type3A_4801 : f32 to vector<4x768xf32>
    %mul3A_4805 = arith.mulf %add3A_4794, %mul3A_4804 : vector<4x768xf32>
    %add3A_4806 = arith.addf %add3A_4786, %mul3A_4805 : vector<4x768xf32>
    %mul3A_4807 = vector.broadcast %sub3A_4803 : f32 to vector<4x768xf32>
    %mul3A_4808 = arith.mulf %add3A_4794, %mul3A_4807 : vector<4x768xf32>
    %get3A_4809 = arith.constant 234 : index
    %get3A_4810 = arith.constant 0 : index
    %get3A_4811 = arith.constant 0 : index
    %get3A_4812 = vector.load %arg5[%get3A_4809, %get3A_4810, %get3A_4811] : memref<256x4x768xf32, #tpu.memory_space<vmem>>, vector<1x4x768xf32>
    %get3A_4813 = vector.shape_cast %get3A_4812 : vector<1x4x768xf32> to vector<4x768xf32>
    %add3A_4814 = arith.addf %mul3A_4808, %get3A_4813 : vector<4x768xf32>
    %eq3A_4815 = arith.constant 235 : i32
    %eq3A_4816 = arith.cmpi eq, %select_n3A_107, %eq3A_4815 : i32
    %eq3A_4817 = arith.constant 235 : i32
    %eq3A_4818 = arith.cmpi eq, %add3A_109, %eq3A_4817 : i32
    %or3A_4819 = arith.ori %eq3A_4816, %eq3A_4818 : i1
    %convert_element_type3A_4820 = arith.extui %or3A_4819 : i1 to i32
    %convert_element_type3A_4821 = arith.sitofp %convert_element_type3A_4820 : i32 to f32
    %sub3A_4822 = arith.constant 1.000000e+00 : f32
    %sub3A_4823 = arith.subf %sub3A_4822, %convert_element_type3A_4821 : f32
    %mul3A_4824 = vector.broadcast %convert_element_type3A_4821 : f32 to vector<4x768xf32>
    %mul3A_4825 = arith.mulf %add3A_4814, %mul3A_4824 : vector<4x768xf32>
    %add3A_4826 = arith.addf %add3A_4806, %mul3A_4825 : vector<4x768xf32>
    %mul3A_4827 = vector.broadcast %sub3A_4823 : f32 to vector<4x768xf32>
    %mul3A_4828 = arith.mulf %add3A_4814, %mul3A_4827 : vector<4x768xf32>
    %get3A_4829 = arith.constant 235 : index
    %get3A_4830 = arith.constant 0 : index
    %get3A_4831 = arith.constant 0 : index
    %get3A_4832 = vector.load %arg5[%get3A_4829, %get3A_4830, %get3A_4831] : memref<256x4x768xf32, #tpu.memory_space<vmem>>, vector<1x4x768xf32>
    %get3A_4833 = vector.shape_cast %get3A_4832 : vector<1x4x768xf32> to vector<4x768xf32>
    %add3A_4834 = arith.addf %mul3A_4828, %get3A_4833 : vector<4x768xf32>
    %eq3A_4835 = arith.constant 236 : i32
    %eq3A_4836 = arith.cmpi eq, %select_n3A_107, %eq3A_4835 : i32
    %eq3A_4837 = arith.constant 236 : i32
    %eq3A_4838 = arith.cmpi eq, %add3A_109, %eq3A_4837 : i32
    %or3A_4839 = arith.ori %eq3A_4836, %eq3A_4838 : i1
    %convert_element_type3A_4840 = arith.extui %or3A_4839 : i1 to i32
    %convert_element_type3A_4841 = arith.sitofp %convert_element_type3A_4840 : i32 to f32
    %sub3A_4842 = arith.constant 1.000000e+00 : f32
    %sub3A_4843 = arith.subf %sub3A_4842, %convert_element_type3A_4841 : f32
    %mul3A_4844 = vector.broadcast %convert_element_type3A_4841 : f32 to vector<4x768xf32>
    %mul3A_4845 = arith.mulf %add3A_4834, %mul3A_4844 : vector<4x768xf32>
    %add3A_4846 = arith.addf %add3A_4826, %mul3A_4845 : vector<4x768xf32>
    %mul3A_4847 = vector.broadcast %sub3A_4843 : f32 to vector<4x768xf32>
    %mul3A_4848 = arith.mulf %add3A_4834, %mul3A_4847 : vector<4x768xf32>
    %get3A_4849 = arith.constant 236 : index
    %get3A_4850 = arith.constant 0 : index
    %get3A_4851 = arith.constant 0 : index
    %get3A_4852 = vector.load %arg5[%get3A_4849, %get3A_4850, %get3A_4851] : memref<256x4x768xf32, #tpu.memory_space<vmem>>, vector<1x4x768xf32>
    %get3A_4853 = vector.shape_cast %get3A_4852 : vector<1x4x768xf32> to vector<4x768xf32>
    %add3A_4854 = arith.addf %mul3A_4848, %get3A_4853 : vector<4x768xf32>
    %eq3A_4855 = arith.constant 237 : i32
    %eq3A_4856 = arith.cmpi eq, %select_n3A_107, %eq3A_4855 : i32
    %eq3A_4857 = arith.constant 237 : i32
    %eq3A_4858 = arith.cmpi eq, %add3A_109, %eq3A_4857 : i32
    %or3A_4859 = arith.ori %eq3A_4856, %eq3A_4858 : i1
    %convert_element_type3A_4860 = arith.extui %or3A_4859 : i1 to i32
    %convert_element_type3A_4861 = arith.sitofp %convert_element_type3A_4860 : i32 to f32
    %sub3A_4862 = arith.constant 1.000000e+00 : f32
    %sub3A_4863 = arith.subf %sub3A_4862, %convert_element_type3A_4861 : f32
    %mul3A_4864 = vector.broadcast %convert_element_type3A_4861 : f32 to vector<4x768xf32>
    %mul3A_4865 = arith.mulf %add3A_4854, %mul3A_4864 : vector<4x768xf32>
    %add3A_4866 = arith.addf %add3A_4846, %mul3A_4865 : vector<4x768xf32>
    %mul3A_4867 = vector.broadcast %sub3A_4863 : f32 to vector<4x768xf32>
    %mul3A_4868 = arith.mulf %add3A_4854, %mul3A_4867 : vector<4x768xf32>
    %get3A_4869 = arith.constant 237 : index
    %get3A_4870 = arith.constant 0 : index
    %get3A_4871 = arith.constant 0 : index
    %get3A_4872 = vector.load %arg5[%get3A_4869, %get3A_4870, %get3A_4871] : memref<256x4x768xf32, #tpu.memory_space<vmem>>, vector<1x4x768xf32>
    %get3A_4873 = vector.shape_cast %get3A_4872 : vector<1x4x768xf32> to vector<4x768xf32>
    %add3A_4874 = arith.addf %mul3A_4868, %get3A_4873 : vector<4x768xf32>
    %eq3A_4875 = arith.constant 238 : i32
    %eq3A_4876 = arith.cmpi eq, %select_n3A_107, %eq3A_4875 : i32
    %eq3A_4877 = arith.constant 238 : i32
    %eq3A_4878 = arith.cmpi eq, %add3A_109, %eq3A_4877 : i32
    %or3A_4879 = arith.ori %eq3A_4876, %eq3A_4878 : i1
    %convert_element_type3A_4880 = arith.extui %or3A_4879 : i1 to i32
    %convert_element_type3A_4881 = arith.sitofp %convert_element_type3A_4880 : i32 to f32
    %sub3A_4882 = arith.constant 1.000000e+00 : f32
    %sub3A_4883 = arith.subf %sub3A_4882, %convert_element_type3A_4881 : f32
    %mul3A_4884 = vector.broadcast %convert_element_type3A_4881 : f32 to vector<4x768xf32>
    %mul3A_4885 = arith.mulf %add3A_4874, %mul3A_4884 : vector<4x768xf32>
    %add3A_4886 = arith.addf %add3A_4866, %mul3A_4885 : vector<4x768xf32>
    %mul3A_4887 = vector.broadcast %sub3A_4883 : f32 to vector<4x768xf32>
    %mul3A_4888 = arith.mulf %add3A_4874, %mul3A_4887 : vector<4x768xf32>
    %get3A_4889 = arith.constant 238 : index
    %get3A_4890 = arith.constant 0 : index
    %get3A_4891 = arith.constant 0 : index
    %get3A_4892 = vector.load %arg5[%get3A_4889, %get3A_4890, %get3A_4891] : memref<256x4x768xf32, #tpu.memory_space<vmem>>, vector<1x4x768xf32>
    %get3A_4893 = vector.shape_cast %get3A_4892 : vector<1x4x768xf32> to vector<4x768xf32>
    %add3A_4894 = arith.addf %mul3A_4888, %get3A_4893 : vector<4x768xf32>
    %eq3A_4895 = arith.constant 239 : i32
    %eq3A_4896 = arith.cmpi eq, %select_n3A_107, %eq3A_4895 : i32
    %eq3A_4897 = arith.constant 239 : i32
    %eq3A_4898 = arith.cmpi eq, %add3A_109, %eq3A_4897 : i32
    %or3A_4899 = arith.ori %eq3A_4896, %eq3A_4898 : i1
    %convert_element_type3A_4900 = arith.extui %or3A_4899 : i1 to i32
    %convert_element_type3A_4901 = arith.sitofp %convert_element_type3A_4900 : i32 to f32
    %sub3A_4902 = arith.constant 1.000000e+00 : f32
    %sub3A_4903 = arith.subf %sub3A_4902, %convert_element_type3A_4901 : f32
    %mul3A_4904 = vector.broadcast %convert_element_type3A_4901 : f32 to vector<4x768xf32>
    %mul3A_4905 = arith.mulf %add3A_4894, %mul3A_4904 : vector<4x768xf32>
    %add3A_4906 = arith.addf %add3A_4886, %mul3A_4905 : vector<4x768xf32>
    %mul3A_4907 = vector.broadcast %sub3A_4903 : f32 to vector<4x768xf32>
    %mul3A_4908 = arith.mulf %add3A_4894, %mul3A_4907 : vector<4x768xf32>
    %get3A_4909 = arith.constant 239 : index
    %get3A_4910 = arith.constant 0 : index
    %get3A_4911 = arith.constant 0 : index
    %get3A_4912 = vector.load %arg5[%get3A_4909, %get3A_4910, %get3A_4911] : memref<256x4x768xf32, #tpu.memory_space<vmem>>, vector<1x4x768xf32>
    %get3A_4913 = vector.shape_cast %get3A_4912 : vector<1x4x768xf32> to vector<4x768xf32>
    %add3A_4914 = arith.addf %mul3A_4908, %get3A_4913 : vector<4x768xf32>
    %eq3A_4915 = arith.constant 240 : i32
    %eq3A_4916 = arith.cmpi eq, %select_n3A_107, %eq3A_4915 : i32
    %eq3A_4917 = arith.constant 240 : i32
    %eq3A_4918 = arith.cmpi eq, %add3A_109, %eq3A_4917 : i32
    %or3A_4919 = arith.ori %eq3A_4916, %eq3A_4918 : i1
    %convert_element_type3A_4920 = arith.extui %or3A_4919 : i1 to i32
    %convert_element_type3A_4921 = arith.sitofp %convert_element_type3A_4920 : i32 to f32
    %sub3A_4922 = arith.constant 1.000000e+00 : f32
    %sub3A_4923 = arith.subf %sub3A_4922, %convert_element_type3A_4921 : f32
    %mul3A_4924 = vector.broadcast %convert_element_type3A_4921 : f32 to vector<4x768xf32>
    %mul3A_4925 = arith.mulf %add3A_4914, %mul3A_4924 : vector<4x768xf32>
    %add3A_4926 = arith.addf %add3A_4906, %mul3A_4925 : vector<4x768xf32>
    %mul3A_4927 = vector.broadcast %sub3A_4923 : f32 to vector<4x768xf32>
    %mul3A_4928 = arith.mulf %add3A_4914, %mul3A_4927 : vector<4x768xf32>
    %get3A_4929 = arith.constant 240 : index
    %get3A_4930 = arith.constant 0 : index
    %get3A_4931 = arith.constant 0 : index
    %get3A_4932 = vector.load %arg5[%get3A_4929, %get3A_4930, %get3A_4931] : memref<256x4x768xf32, #tpu.memory_space<vmem>>, vector<1x4x768xf32>
    %get3A_4933 = vector.shape_cast %get3A_4932 : vector<1x4x768xf32> to vector<4x768xf32>
    %add3A_4934 = arith.addf %mul3A_4928, %get3A_4933 : vector<4x768xf32>
    %eq3A_4935 = arith.constant 241 : i32
    %eq3A_4936 = arith.cmpi eq, %select_n3A_107, %eq3A_4935 : i32
    %eq3A_4937 = arith.constant 241 : i32
    %eq3A_4938 = arith.cmpi eq, %add3A_109, %eq3A_4937 : i32
    %or3A_4939 = arith.ori %eq3A_4936, %eq3A_4938 : i1
    %convert_element_type3A_4940 = arith.extui %or3A_4939 : i1 to i32
    %convert_element_type3A_4941 = arith.sitofp %convert_element_type3A_4940 : i32 to f32
    %sub3A_4942 = arith.constant 1.000000e+00 : f32
    %sub3A_4943 = arith.subf %sub3A_4942, %convert_element_type3A_4941 : f32
    %mul3A_4944 = vector.broadcast %convert_element_type3A_4941 : f32 to vector<4x768xf32>
    %mul3A_4945 = arith.mulf %add3A_4934, %mul3A_4944 : vector<4x768xf32>
    %add3A_4946 = arith.addf %add3A_4926, %mul3A_4945 : vector<4x768xf32>
    %mul3A_4947 = vector.broadcast %sub3A_4943 : f32 to vector<4x768xf32>
    %mul3A_4948 = arith.mulf %add3A_4934, %mul3A_4947 : vector<4x768xf32>
    %get3A_4949 = arith.constant 241 : index
    %get3A_4950 = arith.constant 0 : index
    %get3A_4951 = arith.constant 0 : index
    %get3A_4952 = vector.load %arg5[%get3A_4949, %get3A_4950, %get3A_4951] : memref<256x4x768xf32, #tpu.memory_space<vmem>>, vector<1x4x768xf32>
    %get3A_4953 = vector.shape_cast %get3A_4952 : vector<1x4x768xf32> to vector<4x768xf32>
    %add3A_4954 = arith.addf %mul3A_4948, %get3A_4953 : vector<4x768xf32>
    %eq3A_4955 = arith.constant 242 : i32
    %eq3A_4956 = arith.cmpi eq, %select_n3A_107, %eq3A_4955 : i32
    %eq3A_4957 = arith.constant 242 : i32
    %eq3A_4958 = arith.cmpi eq, %add3A_109, %eq3A_4957 : i32
    %or3A_4959 = arith.ori %eq3A_4956, %eq3A_4958 : i1
    %convert_element_type3A_4960 = arith.extui %or3A_4959 : i1 to i32
    %convert_element_type3A_4961 = arith.sitofp %convert_element_type3A_4960 : i32 to f32
    %sub3A_4962 = arith.constant 1.000000e+00 : f32
    %sub3A_4963 = arith.subf %sub3A_4962, %convert_element_type3A_4961 : f32
    %mul3A_4964 = vector.broadcast %convert_element_type3A_4961 : f32 to vector<4x768xf32>
    %mul3A_4965 = arith.mulf %add3A_4954, %mul3A_4964 : vector<4x768xf32>
    %add3A_4966 = arith.addf %add3A_4946, %mul3A_4965 : vector<4x768xf32>
    %mul3A_4967 = vector.broadcast %sub3A_4963 : f32 to vector<4x768xf32>
    %mul3A_4968 = arith.mulf %add3A_4954, %mul3A_4967 : vector<4x768xf32>
    %get3A_4969 = arith.constant 242 : index
    %get3A_4970 = arith.constant 0 : index
    %get3A_4971 = arith.constant 0 : index
    %get3A_4972 = vector.load %arg5[%get3A_4969, %get3A_4970, %get3A_4971] : memref<256x4x768xf32, #tpu.memory_space<vmem>>, vector<1x4x768xf32>
    %get3A_4973 = vector.shape_cast %get3A_4972 : vector<1x4x768xf32> to vector<4x768xf32>
    %add3A_4974 = arith.addf %mul3A_4968, %get3A_4973 : vector<4x768xf32>
    %eq3A_4975 = arith.constant 243 : i32
    %eq3A_4976 = arith.cmpi eq, %select_n3A_107, %eq3A_4975 : i32
    %eq3A_4977 = arith.constant 243 : i32
    %eq3A_4978 = arith.cmpi eq, %add3A_109, %eq3A_4977 : i32
    %or3A_4979 = arith.ori %eq3A_4976, %eq3A_4978 : i1
    %convert_element_type3A_4980 = arith.extui %or3A_4979 : i1 to i32
    %convert_element_type3A_4981 = arith.sitofp %convert_element_type3A_4980 : i32 to f32
    %sub3A_4982 = arith.constant 1.000000e+00 : f32
    %sub3A_4983 = arith.subf %sub3A_4982, %convert_element_type3A_4981 : f32
    %mul3A_4984 = vector.broadcast %convert_element_type3A_4981 : f32 to vector<4x768xf32>
    %mul3A_4985 = arith.mulf %add3A_4974, %mul3A_4984 : vector<4x768xf32>
    %add3A_4986 = arith.addf %add3A_4966, %mul3A_4985 : vector<4x768xf32>
    %mul3A_4987 = vector.broadcast %sub3A_4983 : f32 to vector<4x768xf32>
    %mul3A_4988 = arith.mulf %add3A_4974, %mul3A_4987 : vector<4x768xf32>
    %get3A_4989 = arith.constant 243 : index
    %get3A_4990 = arith.constant 0 : index
    %get3A_4991 = arith.constant 0 : index
    %get3A_4992 = vector.load %arg5[%get3A_4989, %get3A_4990, %get3A_4991] : memref<256x4x768xf32, #tpu.memory_space<vmem>>, vector<1x4x768xf32>
    %get3A_4993 = vector.shape_cast %get3A_4992 : vector<1x4x768xf32> to vector<4x768xf32>
    %add3A_4994 = arith.addf %mul3A_4988, %get3A_4993 : vector<4x768xf32>
    %eq3A_4995 = arith.constant 244 : i32
    %eq3A_4996 = arith.cmpi eq, %select_n3A_107, %eq3A_4995 : i32
    %eq3A_4997 = arith.constant 244 : i32
    %eq3A_4998 = arith.cmpi eq, %add3A_109, %eq3A_4997 : i32
    %or3A_4999 = arith.ori %eq3A_4996, %eq3A_4998 : i1
    %convert_element_type3A_5000 = arith.extui %or3A_4999 : i1 to i32
    %convert_element_type3A_5001 = arith.sitofp %convert_element_type3A_5000 : i32 to f32
    %sub3A_5002 = arith.constant 1.000000e+00 : f32
    %sub3A_5003 = arith.subf %sub3A_5002, %convert_element_type3A_5001 : f32
    %mul3A_5004 = vector.broadcast %convert_element_type3A_5001 : f32 to vector<4x768xf32>
    %mul3A_5005 = arith.mulf %add3A_4994, %mul3A_5004 : vector<4x768xf32>
    %add3A_5006 = arith.addf %add3A_4986, %mul3A_5005 : vector<4x768xf32>
    %mul3A_5007 = vector.broadcast %sub3A_5003 : f32 to vector<4x768xf32>
    %mul3A_5008 = arith.mulf %add3A_4994, %mul3A_5007 : vector<4x768xf32>
    %get3A_5009 = arith.constant 244 : index
    %get3A_5010 = arith.constant 0 : index
    %get3A_5011 = arith.constant 0 : index
    %get3A_5012 = vector.load %arg5[%get3A_5009, %get3A_5010, %get3A_5011] : memref<256x4x768xf32, #tpu.memory_space<vmem>>, vector<1x4x768xf32>
    %get3A_5013 = vector.shape_cast %get3A_5012 : vector<1x4x768xf32> to vector<4x768xf32>
    %add3A_5014 = arith.addf %mul3A_5008, %get3A_5013 : vector<4x768xf32>
    %eq3A_5015 = arith.constant 245 : i32
    %eq3A_5016 = arith.cmpi eq, %select_n3A_107, %eq3A_5015 : i32
    %eq3A_5017 = arith.constant 245 : i32
    %eq3A_5018 = arith.cmpi eq, %add3A_109, %eq3A_5017 : i32
    %or3A_5019 = arith.ori %eq3A_5016, %eq3A_5018 : i1
    %convert_element_type3A_5020 = arith.extui %or3A_5019 : i1 to i32
    %convert_element_type3A_5021 = arith.sitofp %convert_element_type3A_5020 : i32 to f32
    %sub3A_5022 = arith.constant 1.000000e+00 : f32
    %sub3A_5023 = arith.subf %sub3A_5022, %convert_element_type3A_5021 : f32
    %mul3A_5024 = vector.broadcast %convert_element_type3A_5021 : f32 to vector<4x768xf32>
    %mul3A_5025 = arith.mulf %add3A_5014, %mul3A_5024 : vector<4x768xf32>
    %add3A_5026 = arith.addf %add3A_5006, %mul3A_5025 : vector<4x768xf32>
    %mul3A_5027 = vector.broadcast %sub3A_5023 : f32 to vector<4x768xf32>
    %mul3A_5028 = arith.mulf %add3A_5014, %mul3A_5027 : vector<4x768xf32>
    %get3A_5029 = arith.constant 245 : index
    %get3A_5030 = arith.constant 0 : index
    %get3A_5031 = arith.constant 0 : index
    %get3A_5032 = vector.load %arg5[%get3A_5029, %get3A_5030, %get3A_5031] : memref<256x4x768xf32, #tpu.memory_space<vmem>>, vector<1x4x768xf32>
    %get3A_5033 = vector.shape_cast %get3A_5032 : vector<1x4x768xf32> to vector<4x768xf32>
    %add3A_5034 = arith.addf %mul3A_5028, %get3A_5033 : vector<4x768xf32>
    %eq3A_5035 = arith.constant 246 : i32
    %eq3A_5036 = arith.cmpi eq, %select_n3A_107, %eq3A_5035 : i32
    %eq3A_5037 = arith.constant 246 : i32
    %eq3A_5038 = arith.cmpi eq, %add3A_109, %eq3A_5037 : i32
    %or3A_5039 = arith.ori %eq3A_5036, %eq3A_5038 : i1
    %convert_element_type3A_5040 = arith.extui %or3A_5039 : i1 to i32
    %convert_element_type3A_5041 = arith.sitofp %convert_element_type3A_5040 : i32 to f32
    %sub3A_5042 = arith.constant 1.000000e+00 : f32
    %sub3A_5043 = arith.subf %sub3A_5042, %convert_element_type3A_5041 : f32
    %mul3A_5044 = vector.broadcast %convert_element_type3A_5041 : f32 to vector<4x768xf32>
    %mul3A_5045 = arith.mulf %add3A_5034, %mul3A_5044 : vector<4x768xf32>
    %add3A_5046 = arith.addf %add3A_5026, %mul3A_5045 : vector<4x768xf32>
    %mul3A_5047 = vector.broadcast %sub3A_5043 : f32 to vector<4x768xf32>
    %mul3A_5048 = arith.mulf %add3A_5034, %mul3A_5047 : vector<4x768xf32>
    %get3A_5049 = arith.constant 246 : index
    %get3A_5050 = arith.constant 0 : index
    %get3A_5051 = arith.constant 0 : index
    %get3A_5052 = vector.load %arg5[%get3A_5049, %get3A_5050, %get3A_5051] : memref<256x4x768xf32, #tpu.memory_space<vmem>>, vector<1x4x768xf32>
    %get3A_5053 = vector.shape_cast %get3A_5052 : vector<1x4x768xf32> to vector<4x768xf32>
    %add3A_5054 = arith.addf %mul3A_5048, %get3A_5053 : vector<4x768xf32>
    %eq3A_5055 = arith.constant 247 : i32
    %eq3A_5056 = arith.cmpi eq, %select_n3A_107, %eq3A_5055 : i32
    %eq3A_5057 = arith.constant 247 : i32
    %eq3A_5058 = arith.cmpi eq, %add3A_109, %eq3A_5057 : i32
    %or3A_5059 = arith.ori %eq3A_5056, %eq3A_5058 : i1
    %convert_element_type3A_5060 = arith.extui %or3A_5059 : i1 to i32
    %convert_element_type3A_5061 = arith.sitofp %convert_element_type3A_5060 : i32 to f32
    %sub3A_5062 = arith.constant 1.000000e+00 : f32
    %sub3A_5063 = arith.subf %sub3A_5062, %convert_element_type3A_5061 : f32
    %mul3A_5064 = vector.broadcast %convert_element_type3A_5061 : f32 to vector<4x768xf32>
    %mul3A_5065 = arith.mulf %add3A_5054, %mul3A_5064 : vector<4x768xf32>
    %add3A_5066 = arith.addf %add3A_5046, %mul3A_5065 : vector<4x768xf32>
    %mul3A_5067 = vector.broadcast %sub3A_5063 : f32 to vector<4x768xf32>
    %mul3A_5068 = arith.mulf %add3A_5054, %mul3A_5067 : vector<4x768xf32>
    %get3A_5069 = arith.constant 247 : index
    %get3A_5070 = arith.constant 0 : index
    %get3A_5071 = arith.constant 0 : index
    %get3A_5072 = vector.load %arg5[%get3A_5069, %get3A_5070, %get3A_5071] : memref<256x4x768xf32, #tpu.memory_space<vmem>>, vector<1x4x768xf32>
    %get3A_5073 = vector.shape_cast %get3A_5072 : vector<1x4x768xf32> to vector<4x768xf32>
    %add3A_5074 = arith.addf %mul3A_5068, %get3A_5073 : vector<4x768xf32>
    %eq3A_5075 = arith.constant 248 : i32
    %eq3A_5076 = arith.cmpi eq, %select_n3A_107, %eq3A_5075 : i32
    %eq3A_5077 = arith.constant 248 : i32
    %eq3A_5078 = arith.cmpi eq, %add3A_109, %eq3A_5077 : i32
    %or3A_5079 = arith.ori %eq3A_5076, %eq3A_5078 : i1
    %convert_element_type3A_5080 = arith.extui %or3A_5079 : i1 to i32
    %convert_element_type3A_5081 = arith.sitofp %convert_element_type3A_5080 : i32 to f32
    %sub3A_5082 = arith.constant 1.000000e+00 : f32
    %sub3A_5083 = arith.subf %sub3A_5082, %convert_element_type3A_5081 : f32
    %mul3A_5084 = vector.broadcast %convert_element_type3A_5081 : f32 to vector<4x768xf32>
    %mul3A_5085 = arith.mulf %add3A_5074, %mul3A_5084 : vector<4x768xf32>
    %add3A_5086 = arith.addf %add3A_5066, %mul3A_5085 : vector<4x768xf32>
    %mul3A_5087 = vector.broadcast %sub3A_5083 : f32 to vector<4x768xf32>
    %mul3A_5088 = arith.mulf %add3A_5074, %mul3A_5087 : vector<4x768xf32>
    %get3A_5089 = arith.constant 248 : index
    %get3A_5090 = arith.constant 0 : index
    %get3A_5091 = arith.constant 0 : index
    %get3A_5092 = vector.load %arg5[%get3A_5089, %get3A_5090, %get3A_5091] : memref<256x4x768xf32, #tpu.memory_space<vmem>>, vector<1x4x768xf32>
    %get3A_5093 = vector.shape_cast %get3A_5092 : vector<1x4x768xf32> to vector<4x768xf32>
    %add3A_5094 = arith.addf %mul3A_5088, %get3A_5093 : vector<4x768xf32>
    %eq3A_5095 = arith.constant 249 : i32
    %eq3A_5096 = arith.cmpi eq, %select_n3A_107, %eq3A_5095 : i32
    %eq3A_5097 = arith.constant 249 : i32
    %eq3A_5098 = arith.cmpi eq, %add3A_109, %eq3A_5097 : i32
    %or3A_5099 = arith.ori %eq3A_5096, %eq3A_5098 : i1
    %convert_element_type3A_5100 = arith.extui %or3A_5099 : i1 to i32
    %convert_element_type3A_5101 = arith.sitofp %convert_element_type3A_5100 : i32 to f32
    %sub3A_5102 = arith.constant 1.000000e+00 : f32
    %sub3A_5103 = arith.subf %sub3A_5102, %convert_element_type3A_5101 : f32
    %mul3A_5104 = vector.broadcast %convert_element_type3A_5101 : f32 to vector<4x768xf32>
    %mul3A_5105 = arith.mulf %add3A_5094, %mul3A_5104 : vector<4x768xf32>
    %add3A_5106 = arith.addf %add3A_5086, %mul3A_5105 : vector<4x768xf32>
    %mul3A_5107 = vector.broadcast %sub3A_5103 : f32 to vector<4x768xf32>
    %mul3A_5108 = arith.mulf %add3A_5094, %mul3A_5107 : vector<4x768xf32>
    %get3A_5109 = arith.constant 249 : index
    %get3A_5110 = arith.constant 0 : index
    %get3A_5111 = arith.constant 0 : index
    %get3A_5112 = vector.load %arg5[%get3A_5109, %get3A_5110, %get3A_5111] : memref<256x4x768xf32, #tpu.memory_space<vmem>>, vector<1x4x768xf32>
    %get3A_5113 = vector.shape_cast %get3A_5112 : vector<1x4x768xf32> to vector<4x768xf32>
    %add3A_5114 = arith.addf %mul3A_5108, %get3A_5113 : vector<4x768xf32>
    %eq3A_5115 = arith.constant 250 : i32
    %eq3A_5116 = arith.cmpi eq, %select_n3A_107, %eq3A_5115 : i32
    %eq3A_5117 = arith.constant 250 : i32
    %eq3A_5118 = arith.cmpi eq, %add3A_109, %eq3A_5117 : i32
    %or3A_5119 = arith.ori %eq3A_5116, %eq3A_5118 : i1
    %convert_element_type3A_5120 = arith.extui %or3A_5119 : i1 to i32
    %convert_element_type3A_5121 = arith.sitofp %convert_element_type3A_5120 : i32 to f32
    %sub3A_5122 = arith.constant 1.000000e+00 : f32
    %sub3A_5123 = arith.subf %sub3A_5122, %convert_element_type3A_5121 : f32
    %mul3A_5124 = vector.broadcast %convert_element_type3A_5121 : f32 to vector<4x768xf32>
    %mul3A_5125 = arith.mulf %add3A_5114, %mul3A_5124 : vector<4x768xf32>
    %add3A_5126 = arith.addf %add3A_5106, %mul3A_5125 : vector<4x768xf32>
    %mul3A_5127 = vector.broadcast %sub3A_5123 : f32 to vector<4x768xf32>
    %mul3A_5128 = arith.mulf %add3A_5114, %mul3A_5127 : vector<4x768xf32>
    %get3A_5129 = arith.constant 250 : index
    %get3A_5130 = arith.constant 0 : index
    %get3A_5131 = arith.constant 0 : index
    %get3A_5132 = vector.load %arg5[%get3A_5129, %get3A_5130, %get3A_5131] : memref<256x4x768xf32, #tpu.memory_space<vmem>>, vector<1x4x768xf32>
    %get3A_5133 = vector.shape_cast %get3A_5132 : vector<1x4x768xf32> to vector<4x768xf32>
    %add3A_5134 = arith.addf %mul3A_5128, %get3A_5133 : vector<4x768xf32>
    %eq3A_5135 = arith.constant 251 : i32
    %eq3A_5136 = arith.cmpi eq, %select_n3A_107, %eq3A_5135 : i32
    %eq3A_5137 = arith.constant 251 : i32
    %eq3A_5138 = arith.cmpi eq, %add3A_109, %eq3A_5137 : i32
    %or3A_5139 = arith.ori %eq3A_5136, %eq3A_5138 : i1
    %convert_element_type3A_5140 = arith.extui %or3A_5139 : i1 to i32
    %convert_element_type3A_5141 = arith.sitofp %convert_element_type3A_5140 : i32 to f32
    %sub3A_5142 = arith.constant 1.000000e+00 : f32
    %sub3A_5143 = arith.subf %sub3A_5142, %convert_element_type3A_5141 : f32
    %mul3A_5144 = vector.broadcast %convert_element_type3A_5141 : f32 to vector<4x768xf32>
    %mul3A_5145 = arith.mulf %add3A_5134, %mul3A_5144 : vector<4x768xf32>
    %add3A_5146 = arith.addf %add3A_5126, %mul3A_5145 : vector<4x768xf32>
    %mul3A_5147 = vector.broadcast %sub3A_5143 : f32 to vector<4x768xf32>
    %mul3A_5148 = arith.mulf %add3A_5134, %mul3A_5147 : vector<4x768xf32>
    %get3A_5149 = arith.constant 251 : index
    %get3A_5150 = arith.constant 0 : index
    %get3A_5151 = arith.constant 0 : index
    %get3A_5152 = vector.load %arg5[%get3A_5149, %get3A_5150, %get3A_5151] : memref<256x4x768xf32, #tpu.memory_space<vmem>>, vector<1x4x768xf32>
    %get3A_5153 = vector.shape_cast %get3A_5152 : vector<1x4x768xf32> to vector<4x768xf32>
    %add3A_5154 = arith.addf %mul3A_5148, %get3A_5153 : vector<4x768xf32>
    %eq3A_5155 = arith.constant 252 : i32
    %eq3A_5156 = arith.cmpi eq, %select_n3A_107, %eq3A_5155 : i32
    %eq3A_5157 = arith.constant 252 : i32
    %eq3A_5158 = arith.cmpi eq, %add3A_109, %eq3A_5157 : i32
    %or3A_5159 = arith.ori %eq3A_5156, %eq3A_5158 : i1
    %convert_element_type3A_5160 = arith.extui %or3A_5159 : i1 to i32
    %convert_element_type3A_5161 = arith.sitofp %convert_element_type3A_5160 : i32 to f32
    %sub3A_5162 = arith.constant 1.000000e+00 : f32
    %sub3A_5163 = arith.subf %sub3A_5162, %convert_element_type3A_5161 : f32
    %mul3A_5164 = vector.broadcast %convert_element_type3A_5161 : f32 to vector<4x768xf32>
    %mul3A_5165 = arith.mulf %add3A_5154, %mul3A_5164 : vector<4x768xf32>
    %add3A_5166 = arith.addf %add3A_5146, %mul3A_5165 : vector<4x768xf32>
    %mul3A_5167 = vector.broadcast %sub3A_5163 : f32 to vector<4x768xf32>
    %mul3A_5168 = arith.mulf %add3A_5154, %mul3A_5167 : vector<4x768xf32>
    %get3A_5169 = arith.constant 252 : index
    %get3A_5170 = arith.constant 0 : index
    %get3A_5171 = arith.constant 0 : index
    %get3A_5172 = vector.load %arg5[%get3A_5169, %get3A_5170, %get3A_5171] : memref<256x4x768xf32, #tpu.memory_space<vmem>>, vector<1x4x768xf32>
    %get3A_5173 = vector.shape_cast %get3A_5172 : vector<1x4x768xf32> to vector<4x768xf32>
    %add3A_5174 = arith.addf %mul3A_5168, %get3A_5173 : vector<4x768xf32>
    %eq3A_5175 = arith.constant 253 : i32
    %eq3A_5176 = arith.cmpi eq, %select_n3A_107, %eq3A_5175 : i32
    %eq3A_5177 = arith.constant 253 : i32
    %eq3A_5178 = arith.cmpi eq, %add3A_109, %eq3A_5177 : i32
    %or3A_5179 = arith.ori %eq3A_5176, %eq3A_5178 : i1
    %convert_element_type3A_5180 = arith.extui %or3A_5179 : i1 to i32
    %convert_element_type3A_5181 = arith.sitofp %convert_element_type3A_5180 : i32 to f32
    %sub3A_5182 = arith.constant 1.000000e+00 : f32
    %sub3A_5183 = arith.subf %sub3A_5182, %convert_element_type3A_5181 : f32
    %mul3A_5184 = vector.broadcast %convert_element_type3A_5181 : f32 to vector<4x768xf32>
    %mul3A_5185 = arith.mulf %add3A_5174, %mul3A_5184 : vector<4x768xf32>
    %add3A_5186 = arith.addf %add3A_5166, %mul3A_5185 : vector<4x768xf32>
    %mul3A_5187 = vector.broadcast %sub3A_5183 : f32 to vector<4x768xf32>
    %mul3A_5188 = arith.mulf %add3A_5174, %mul3A_5187 : vector<4x768xf32>
    %get3A_5189 = arith.constant 253 : index
    %get3A_5190 = arith.constant 0 : index
    %get3A_5191 = arith.constant 0 : index
    %get3A_5192 = vector.load %arg5[%get3A_5189, %get3A_5190, %get3A_5191] : memref<256x4x768xf32, #tpu.memory_space<vmem>>, vector<1x4x768xf32>
    %get3A_5193 = vector.shape_cast %get3A_5192 : vector<1x4x768xf32> to vector<4x768xf32>
    %add3A_5194 = arith.addf %mul3A_5188, %get3A_5193 : vector<4x768xf32>
    %eq3A_5195 = arith.constant 254 : i32
    %eq3A_5196 = arith.cmpi eq, %select_n3A_107, %eq3A_5195 : i32
    %eq3A_5197 = arith.constant 254 : i32
    %eq3A_5198 = arith.cmpi eq, %add3A_109, %eq3A_5197 : i32
    %or3A_5199 = arith.ori %eq3A_5196, %eq3A_5198 : i1
    %convert_element_type3A_5200 = arith.extui %or3A_5199 : i1 to i32
    %convert_element_type3A_5201 = arith.sitofp %convert_element_type3A_5200 : i32 to f32
    %sub3A_5202 = arith.constant 1.000000e+00 : f32
    %sub3A_5203 = arith.subf %sub3A_5202, %convert_element_type3A_5201 : f32
    %mul3A_5204 = vector.broadcast %convert_element_type3A_5201 : f32 to vector<4x768xf32>
    %mul3A_5205 = arith.mulf %add3A_5194, %mul3A_5204 : vector<4x768xf32>
    %add3A_5206 = arith.addf %add3A_5186, %mul3A_5205 : vector<4x768xf32>
    %mul3A_5207 = vector.broadcast %sub3A_5203 : f32 to vector<4x768xf32>
    %mul3A_5208 = arith.mulf %add3A_5194, %mul3A_5207 : vector<4x768xf32>
    %get3A_5209 = arith.constant 254 : index
    %get3A_5210 = arith.constant 0 : index
    %get3A_5211 = arith.constant 0 : index
    %get3A_5212 = vector.load %arg5[%get3A_5209, %get3A_5210, %get3A_5211] : memref<256x4x768xf32, #tpu.memory_space<vmem>>, vector<1x4x768xf32>
    %get3A_5213 = vector.shape_cast %get3A_5212 : vector<1x4x768xf32> to vector<4x768xf32>
    %add3A_5214 = arith.addf %mul3A_5208, %get3A_5213 : vector<4x768xf32>
    %eq3A_5215 = arith.constant 255 : i32
    %eq3A_5216 = arith.cmpi eq, %select_n3A_107, %eq3A_5215 : i32
    %eq3A_5217 = arith.constant 255 : i32
    %eq3A_5218 = arith.cmpi eq, %add3A_109, %eq3A_5217 : i32
    %or3A_5219 = arith.ori %eq3A_5216, %eq3A_5218 : i1
    %convert_element_type3A_5220 = arith.extui %or3A_5219 : i1 to i32
    %convert_element_type3A_5221 = arith.sitofp %convert_element_type3A_5220 : i32 to f32
    %sub3A_5222 = arith.constant 1.000000e+00 : f32
    %sub3A_5223 = arith.subf %sub3A_5222, %convert_element_type3A_5221 : f32
    %mul3A_5224 = vector.broadcast %convert_element_type3A_5221 : f32 to vector<4x768xf32>
    %mul3A_5225 = arith.mulf %add3A_5214, %mul3A_5224 : vector<4x768xf32>
    %add3A_5226 = arith.addf %add3A_5206, %mul3A_5225 : vector<4x768xf32>
    %mul3A_5227 = vector.broadcast %sub3A_5223 : f32 to vector<4x768xf32>
    %mul3A_5228 = arith.mulf %add3A_5214, %mul3A_5227 : vector<4x768xf32>
    %get3A_5229 = arith.constant 255 : index
    %get3A_5230 = arith.constant 0 : index
    %get3A_5231 = arith.constant 0 : index
    %get3A_5232 = vector.load %arg5[%get3A_5229, %get3A_5230, %get3A_5231] : memref<256x4x768xf32, #tpu.memory_space<vmem>>, vector<1x4x768xf32>
    %get3A_5233 = vector.shape_cast %get3A_5232 : vector<1x4x768xf32> to vector<4x768xf32>
    %add3A_5234 = arith.addf %mul3A_5228, %get3A_5233 : vector<4x768xf32>
    %swap3A_5235 = arith.constant 0 : index
    %swap3A_5236 = arith.constant 0 : index
    %swap3A_5237 = vector.load %arg4[%swap3A_5235, %swap3A_5236] : memref<4x768xf32, #tpu.memory_space<vmem>>, vector<4x768xf32>
    tpu.vector_store %arg4[%swap3A_5235, %swap3A_5236], %add3A_5226 {strides = array<i32>} : memref<4x768xf32, #tpu.memory_space<vmem>>, vector<4x768xf32>,
    %swap3A_5238 = arith.constant 0 : index
    %swap3A_5239 = arith.constant 0 : index
    %swap3A_5240 = vector.load %arg6[%swap3A_5238, %swap3A_5239] : memref<4x768xf32, #tpu.memory_space<vmem>>, vector<4x768xf32>
    tpu.vector_store %arg6[%swap3A_5238, %swap3A_5239], %add3A_5234 {strides = array<i32>} : memref<4x768xf32, #tpu.memory_space<vmem>>, vector<4x768xf32>,
    %eq3A_5241 = arith.constant 31 : i32
    %eq3A_5242 = arith.cmpi eq, %arg0, %eq3A_5241 : i32
    %convert_element_type3A_5243 = arith.extui %eq3A_5242 : i1 to i32
    %cond3A_5244 = arith.constant 0 : i32
    %cond3A_5245 = arith.cmpi ne, %convert_element_type3A_5243, %cond3A_5244 : i32
    scf.if %cond3A_5245 {
      %get3A_5246 = arith.constant 0 : index
      %get3A_5247 = arith.constant 0 : index
      %get3A_5248 = vector.load %arg4[%get3A_5246, %get3A_5247] : memref<4x768xf32, #tpu.memory_space<vmem>>, vector<4x768xf32>
      %get3A_5249 = arith.constant 0 : index
      %get3A_5250 = arith.constant 0 : index
      %get3A_5251 = vector.load %arg6[%get3A_5249, %get3A_5250] : memref<4x768xf32, #tpu.memory_space<vmem>>, vector<4x768xf32>
      %add3A_5252 = arith.addf %get3A_5248, %get3A_5251 : vector<4x768xf32>
      %swap3A_5253 = arith.constant 0 : index
      %swap3A_5254 = arith.constant 0 : index
      %swap3A_5255 = vector.load %arg4[%swap3A_5253, %swap3A_5254] : memref<4x768xf32, #tpu.memory_space<vmem>>, vector<4x768xf32>
      tpu.vector_store %arg4[%swap3A_5253, %swap3A_5254], %add3A_5252 {strides = array<i32>} : memref<4x768xf32, #tpu.memory_space<vmem>>, vector<4x768xf32>,
    } else {
    }
    return
  }
  func.func @transform_0(%arg0: i32) -> (i32, i32, i32) {
    %c0_i32 = arith.constant 0 : i32
    %c0_i32_0 = arith.constant 0 : i32
    %c0_i32_1 = arith.constant 0 : i32
    return %arg0, %c0_i32, %c0_i32_0 : i32, i32, i32
  }
  func.func @transform_1(%arg0: i32) -> i32 {
    %c0_i32 = arith.constant 0 : i32
    return %arg0 : i32
  }
  func.func @transform_2(%arg0: i32) -> i32 {
    %c0_i32 = arith.constant 0 : i32
    return %arg0 : i32
  }
  func.func @transform_3(%arg0: i32) -> (i32, i32) {
    %c0_i32 = arith.constant 0 : i32
    %c0_i32_0 = arith.constant 0 : i32
    %c0_i32_1 = arith.constant 0 : i32
    return %c0_i32, %c0_i32_0 : i32, i32
  }
}

</mosaic_0001>

<sc_bundles>
// kernel: kernel.6.cloned.1.call-start
scs
__scs_entry_jumppad:
0x0: {  	(pc) =	sbr.rel $0x88, $3  }
0x1: {  	(tag) =	ssettag $0x0;
	lr =	simm.s32 $0x1  }
0x2: {  	[smem:$0x3FA0] =	sst lr;
	_ =	strace $0xD0000000  }
0x3: {  	_ = 	snop  }
0x4: {  	_ = 	snop  }
0x5: {  	_ = 	snop  }
0x6: {  	_ = 	snop  }
0x7: {  	_ = 	snop  }
__scs_overlays_trampoline_lowered:
0x8: {  	[smem:$0x3FAF] =	sst s0  }
0x9: {  	[smem:$0x3FB0] =	sst s1  }
0xa: {  	[smem:$0x3FB1] =	sst s2  }
0xb: {  	[smem:$0x3FB2] =	sst s3  }
0xc: {  	[smem:$0x3FB3] =	sst s4  }
0xd: {  	[smem:$0x3FB4] =	sst s5  }
0xe: {  	[smem:$0x3FB5] =	sst s6  }
0xf: {  	[smem:$0x3FB6] =	sst s7  }
0x10: {  	[smem:$0x3FB7] =	sst s8  }
0x11: {  	[smem:$0x3FB8] =	sst s9;
	s0 =	simm.s32 @!p0 $0x0  }
0x12: {  	s1 =	sld [smem:$0x3F9E];
	s0 =	simm.s32 @p0 $0x1  }
0x13: {  	[smem:$0x3FB9] =	sst s0;
	s0 =	simm.s32 @!p1 $0x0  }
0x14: {  	s2 =	sld [smem:$0x3F9D];
	s0 =	simm.s32 @p1 $0x1  }
0x15: {  	[smem:$0x3FBA] =	sst s0;
	s0 =	simm.s32 @!p2 $0x0  }
0x16: {  	s3 =	sld [smem:$0x3FDB];
	s0 =	simm.s32 @p2 $0x1  }
0x17: {  	s4 =	simm.s32 $0x1BF5;
	[smem:$0x3FBC] =	sst s0  }
0x18: {  	s0 =	sld [smem:$0x3F9F];
	_ =	swait.ge [sflag:s4], $0x0  }
0x19: {  	s7 =	sld [smem:$0x3FA0]  }
0x1a: {  	s8 =	sadd.s32 $0xFFFFE003, lr  }
0x1b: {  	s9 =	sadd.s32 $0xFFFFFEF7, lr;
	s5 =	simm.s32 $0xFFFFFFFF;
	p2 =	slt.u32 s8, $0xFFFFF086  }
0x1c: {  	p1 =	slt.u32 s9, $0xF7A;
	s5 =	simm.s32 @!p2 $0x0  }
0x1d: {  	s5 =	simm.s32 @p1 $0x1;
	p0 =	seq.s32 s7, s2  }
0x1e: {  	s7 =	smul.u32 @!p0 $0xF7A, s2;
	p2 =	seq.s32 @!p0 s5, $0x0  }
0x1f: {  	s9 =	smul.u32 $0xF7A, s1;
	s8 =	simm.s32 @!p0 $0x1BF5;
	p2 =	por !p2, p0  }
0x20: {  	[sflag:s8] =	ssyncset.s32 @!p0 $0xFFFFF086;
	s6 =	sadd.s32 @!p0 s3, s7;
	s7 =	simm.s32 @!p0 $0x108  }
0x21: {  	s3 =	sadd.s32 s3, s9;
	s6 =	sadd.s32 @!p0 $0x88, s6;
	s7 =	simm.s32 @p2 $0x1082  }
0x22: {  	[simem:s7], [sflag:s8] =	dma.local @!p0 [hbm:s6], $0xF7A  }
0x23: {  	s9 =	sor.u32 $0xD0000000, s2;
	s6 =	simm.s32 $0x108;
	_ =	swait.ge @!p0 [sflag:s8], $0x0  }
0x24: {  	s3 =	sadd.s32 $0x88, s3;
	s6 =	simm.s32 @!p1 $0x1082;
	[sflag:s4] =	ssyncset.s32 $0xFFFFF086  }
0x25: {  	[simem:s6], [sflag:s4] =	dma.local [hbm:s3], $0xF7A  }
0x26: {  	[smem:$0x3FA0] =	sst s1;
	(tag) =	ssettag s2;
	_ =	strace s9  }
0x27: {  	s1 =	sld [smem:$0x3FB0]  }
0x28: {  	s2 =	sld [smem:$0x3FB1]  }
0x29: {  	s4 =	sld [smem:$0x3FB3]  }
0x2a: {  	p0 =	seq.s32 s5, $0x0;
	s5 =	sld [smem:$0x3FB4]  }
0x2b: {  	s6 =	sld [smem:$0x3FB5]  }
0x2c: {  	s7 =	sld [smem:$0x3FB6]  }
0x2d: {  	s3 =	simm.s32 $0x108;
	s8 =	sld [smem:$0x3FB7]  }
0x2e: {  	s3 =	simm.s32 @!p0 $0x1082;
	s9 =	sld [smem:$0x3FB8]  }
0x2f: {  	lr =	sadd.s32 s0, s3;
	s0 =	sld [smem:$0x3FAF]  }
0x30: {  	s3 =	sld [smem:$0x3FB2]  }
0x31: {  	[smem:$0x3FBB] =	sst s10  }
0x32: {  	s10 =	sld [smem:$0x3FB9];
	_ =	sdelay $0x3  }
0x33: {  	p0 =	seq.s32 s10, $0x1;
	s10 =	sld [smem:$0x3FBB];
	_ =	sdelay $0x3  }
0x34: {  	[smem:$0x3FBB] =	sst s10  }
0x35: {  	s10 =	sld [smem:$0x3FBA];
	_ =	sdelay $0x3  }
0x36: {  	p1 =	seq.s32 s10, $0x1;
	s10 =	sld [smem:$0x3FBB];
	_ =	sdelay $0x3  }
0x37: {  	[smem:$0x3FBB] =	sst s10  }
0x38: {  	s10 =	sld [smem:$0x3FBC]  }
0x39: {  	_ = 	snop;
	(pc) =	sbr.ind lr, $3  }
0x3a: {  	_ = 	snop  }
0x3b: {  	_ = 	snop  }
0x3c: {  	p2 =	seq.s32 s10, $0x1;
	s10 =	sld [smem:$0x3FBB]  }
0x3d: {  	_ =	shalt  }
0x3e: {  	_ =	shalt  }
0x3f: {  	_ =	shalt  }
0x40: {  	_ =	shalt  }
0x41: {  	_ =	shalt  }
0x42: {  	_ =	shalt  }
0x43: {  	_ =	shalt  }
0x44: {  	_ =	shalt  }
0x45: {  	_ =	shalt  }
0x46: {  	_ =	shalt  }
0x47: {  	_ =	shalt  }
0x48: {  	_ =	shalt  }
0x49: {  	_ =	shalt  }
0x4a: {  	_ =	shalt  }
0x4b: {  	_ =	shalt  }
0x4c: {  	_ =	shalt  }
0x4d: {  	_ =	shalt  }
0x4e: {  	_ =	shalt  }
0x4f: {  	_ =	shalt  }
0x50: {  	_ =	shalt  }
0x51: {  	_ =	shalt  }
0x52: {  	_ =	shalt  }
0x53: {  	_ =	shalt  }
0x54: {  	_ =	shalt  }
0x55: {  	_ =	shalt  }
0x56: {  	_ =	shalt  }
0x57: {  	_ =	shalt  }
0x58: {  	_ =	shalt  }
0x59: {  	_ =	shalt  }
0x5a: {  	_ =	shalt  }
0x5b: {  	_ =	shalt  }
0x5c: {  	_ =	shalt  }
0x5d: {  	_ =	shalt  }
0x5e: {  	_ =	shalt  }
0x5f: {  	_ =	shalt  }
0x60: {  	_ =	shalt  }
0x61: {  	_ =	shalt  }
0x62: {  	_ =	shalt  }
0x63: {  	_ =	shalt  }
0x64: {  	_ =	shalt  }
0x65: {  	_ =	shalt  }
0x66: {  	_ =	shalt  }
0x67: {  	_ =	shalt  }
0x68: {  	_ =	shalt  }
0x69: {  	_ =	shalt  }
0x6a: {  	_ =	shalt  }
0x6b: {  	_ =	shalt  }
0x6c: {  	_ =	shalt  }
0x6d: {  	_ =	shalt  }
0x6e: {  	_ =	shalt  }
0x6f: {  	_ =	shalt  }
0x70: {  	_ =	shalt  }
0x71: {  	_ =	shalt  }
0x72: {  	_ =	shalt  }
0x73: {  	_ =	shalt  }
0x74: {  	_ =	shalt  }
0x75: {  	_ =	shalt  }
0x76: {  	_ =	shalt  }
0x77: {  	_ =	shalt  }
0x78: {  	_ =	shalt  }
0x79: {  	_ =	shalt  }
0x7a: {  	_ =	shalt  }
0x7b: {  	_ =	shalt  }
0x7c: {  	_ =	shalt  }
0x7d: {  	_ =	shalt  }
0x7e: {  	_ =	shalt  }
0x7f: {  	_ =	shalt  }
0x80: {  	_ =	shalt  }
0x81: {  	_ =	shalt  }
0x82: {  	_ =	shalt  }
0x83: {  	_ =	shalt  }
0x84: {  	_ =	shalt  }
0x85: {  	_ =	shalt  }
0x86: {  	_ =	shalt  }
0x87: {  	_ =	shalt  }
.Lfunc_end0:
.L_simem_size_0:
called_computation_lowered:
.L_overlay_start_0:
0x88: {  	s2 =	sld [smem:$0x3FD9]  }
0x89: {  	s3 =	sld [smem:$0x3FFE];
	_ =	sdelay $0x1  }
0x8a: {  	s1 =	srdreg.scid  }
0x8b: {  	s0 =	sand.u32 $0x1, s1  }
0x8c: {  	s17 =	sshll.u32 s0, $0xA;
	s2 =	sadd.s32 s3, s2  }
0x8d: {  	s2 =	sadd.s32 s2, s17  }
0x8e: {  	[smem:$0x3FC7] =	sst s2  }
0x8f: {  	_ = 	snop  }
0x90: {  	s2 =	sld [smem:$0x3FC9]  }
0x91: {  	s18 =	sld [smem:$0x3FD0];
	(tm) =	ssettm $0x1  }
0x92: {  	s4 =	sld [smem:$0x3FFB];
	_ =	sdelay $0x3  }
0x93: {  	_ =	strace s4  }
0x94: {  	s4 =	sld [smem:$0x3FFC];
	_ =	sdelay $0x3  }
0x95: {  	_ =	strace s4  }
0x96: {  	s4 =	sld [smem:$0x3FFD];
	_ =	sdelay $0x3  }
0x97: {  	_ =	strace s4  }
0x98: {  	_ =	strace $0x8FFFFFFF  }
0x99: {  	s19 =	sld [smem:$0x3FDB];
	_ =	sdelay $0x1  }
0x9a: {  	s5 =	simm.s32 $_scs_section_size  }
0x9b: {  	s6 =	simm.s32 $_size__tile_overlayer_lowered;
	s7 =	simm.s32 $_tile_overlayer_lowered  }
0x9c: {  	s22 =	simm.s32 $0x1BFF;
	s21 =	sshll.u32 s7, $0x1;
	s4 =	sadd.s32 s5, s19  }
0x9d: {  	s8 =	simm.s32 $0x0;
	s20 =	sshll.u32 s6, $0x1;
	s6 =	sadd.s32 s21, s4  }
0x9e: {  	[timem:s8], [sflag:s22] =	dma.local [hbm:s6], s20  }
0x9f: {  	_ =	swait.ge [sflag:s22], s20  }
0xa0: {  	s5 =	ssub.s32 $0x0, s20;
	[sflag:s22] =	ssyncset.done $0x0  }
0xa1: {  	[sflag:s22] =	ssyncadd.s32 s5;
	_ =	sdelay $0x1  }
0xa2: {  	s23 =	simm.s32 $0x1B8B  }
0xa3: {  	_ =	swait.ge [sflag:s23], $0x1  }
0xa4: {  	[sflag:s23] =	ssyncset.done $0x0  }
0xa5: {  	s25 =	simm.s32 $0x1B8E;
	s24 =	sld [smem:$0x3FFE];
	[sflag:s23] =	ssyncadd.s32 $0xFFFFFFFF  }
0xa6: {  	s26 =	simm.s32 $execute0_lowered;
	[smem:$0x3FD2] =	sst s25  }
0xa7: {  	s6 =	sshll.u32 s26, $0x1;
	_ =	strace $0x80000046;
	[dreg:$0x1] =	wrdreg $0xFFFFFFFF  }
0xa8: {  	s28 =	simm.s32 $_size_execute0_lowered;
	s4 =	sadd.s32 s4, s6;
	[dreg:$0x0] =	wrdreg $0x0  }
0xa9: {  	s6 =	sshll.u32 s28, $0x1;
	[dreg:$0x2] =	wrdreg s4  }
0xaa: {  	[dreg:$0x3] =	wrdreg s6  }
0xab: {  	[dreg:$0x4] =	wrdreg $0xC0  }
0xac: {  	_ =	task [dreg:s8], $0x5FFFF  }
0xad: {  	[dreg:$0x1] =	wrdreg $0xFFFFFFFF  }
0xae: {  	[dreg:$0x0] =	wrdreg $0x60  }
0xaf: {  	[dreg:$0x2] =	wrdreg s2  }
0xb0: {  	[dreg:$0x3] =	wrdreg s24  }
0xb1: {  	[dreg:$0x4] =	wrdreg s18  }
0xb2: {  	[dreg:$0x5] =	wrdreg $0x9  }
0xb3: {  	_ =	task.clear_ibuf [dreg:s8], $0x6FFFF;
	_ =	strace $0x90000046  }
0xb4: {  	s29 =	simm.s32 $0x9;
	_ =	strace $0x80000048  }
0xb5: {  	_ =	swait.ge [sflag:s29], $0x1  }
0xb6: {  	[sflag:s29] =	ssyncadd.s32 $0xFFFFFFFF  }
0xb7: {  	_ =	strace $0x90000048  }
0xb8: {  	_ =	sfence  }
0xb9: {  	s30 =	sld [smem:$0x0];
	_ =	sdelay $0x2  }
0xba: {  	s31 =	sshll.u32 s1, $0xD;
	s1 =	sshrl.u32 s1, $0x2  }
0xbb: {  	s3 =	sand.u32 $0x4000, s31;
	s1 =	sadd.s32 s1, s30  }
0xbc: {  	s0 =	sor.u32 s3, s0;
	s1 =	sshll.u32 s1, $0x11  }
0xbd: {  	s0 =	sor.u32 s1, s0  }
0xbe: {  	s0 =	sadd.s32 $0x8F2B, s0  }
0xbf: {  	[sflag:s0] =	ssyncadd.remote.s32 $0x1  }
0xc0: {  	_ =	sfence.sel $0xFFFF  }
0xc1: {  	[dreg:$0x0] =	wrdreg $0xFFFFFFFF;
	(pc) =	sbr.abs _section_cstart, $3  }
0xc2: {  	[dreg:$0x1] =	wrdreg $0xFFFFFFFF  }
0xc3: {  	_ =	task.clear_ibuf [dreg:s8], $0x2FFFF;
	_ =	strace $0x9FFFFFFF  }
0xc4: {  	(tm) =	ssettm $0x7FFFFFFF  }
0xc5: {  	_ =	shalt  }
tec
execute0_lowered:
.L_overlay_start_1:
0x0: {  	(tag) =	ssettag $0x1  }
0x1: {  	s1 =	rddreg [dreg:$0x0]  }
0x2: {  	s4 =	rddreg [dreg:$0x1]  }
0x3: {  	s19 =	rddreg [dreg:$0x2]  }
0x4: {  	s0 =	rddreg [dreg:$0x3];
	s3 =	simm.s32 $0x0;
	s5 =	srdreg.scid  }
0x5: {  	s2 =	stileid.u32;
	[smem:$0x7FF] =	sst s3;
	s5 =	sand.u32 $0x1, s5  }
0x6: {  	s7 =	sshll.u32 s2, $0x8;
	s6 =	ssub.s32 $0x2, s5;
	s5 =	sshll.u32 s5, $0x7  }
0x7: {  	s17 =	sadd.s32 $0x800, s4;
	s8 =	sshrl.u32 s6, $0x1;
	s15 =	sor.u32 s5, s7  }
0x8: {  	_ =	strace $0x80000047;
	s20 =	ssub.s32 s6, s8;
	s23 =	sshrl.u32 s15, $0x3  }
0x9: {  	s5 =	sor.u32 $0x10, s15;
	s24 =	smul.u32 $0x180, s15;
	s9 =	sor.u32 $0x20, s15  }
0xa: {  	s10 =	sor.u32 $0x30, s15;
	s13 =	sor.u32 $0x40, s15;
	s26 =	smul.u32 $0x180, s5  }
0xb: {  	s16 =	sor.u32 $0x50, s15;
	s21 =	sor.u32 $0x60, s15;
	s12 =	smul.u32 $0x180, s9  }
0xc: {  	s15 =	sor.u32 $0x70, s15;
	s4 =	sadd.s32 s17, s23;
	s14 =	smul.u32 $0x180, s10  }
0xd: {  	s25 =	sshrl.u32 s5, $0x3;
	s28 =	sshrl.u32 s9, $0x3;
	s18 =	smul.u32 $0x180, s13  }
0xe: {  	s11 =	sshrl.u32 s10, $0x3;
	s30 =	sshrl.u32 s16, $0x3;
	s16 =	smul.u32 $0x180, s16  }
0xf: {  	s29 =	sshrl.u32 s13, $0x3;
	s31 =	smul.u32 $0x180, s21;
	s21 =	sshrl.u32 s21, $0x3  }
0x10: {  	s22 =	sshrl.u32 s15, $0x3;
	s23 =	smul.u32 $0x180, s15;
	s20 =	smax.u32 s20, $0x1  }
0x11: {  	s5 =	sadd.s32 s17, s25;
	s6 =	sadd.s32 s19, s24;
	s7 =	sadd.s32 s17, s28  }
0x12: {  	s9 =	sadd.s32 s17, s11;
	s11 =	sadd.s32 s17, s29;
	s13 =	sadd.s32 s17, s30  }
0x13: {  	s15 =	sadd.s32 s17, s21;
	s17 =	sadd.s32 s17, s22;
	s21 =	simm.s32 $0x3  }
0x14: {  	s22 =	simm.s32 $0x100;
	s24 =	simm.s32 $0xC100;
	s25 =	simm.s32 $0x1  }
0x15: {  	s8 =	sadd.s32 s19, s26;
	s10 =	sadd.s32 s19, s12;
	s12 =	sadd.s32 s19, s14  }
0x16: {  	s14 =	sadd.s32 s19, s18;
	s16 =	sadd.s32 s19, s16;
	s18 =	sadd.s32 s19, s31  }
0x17: {  	v0 =	vlaneseq.u32;
	vm0 =	vmmov $0xffff;
	s19 =	sadd.s32 s19, s23;
	s23 =	simm.s32 $0x80;
	s26 =	simm.s32 $0x2  }
.LBB2_1:
0x18: {  	[tilespmem:s3], [sflag:$0x3] =	stream.linear.gather [hbm4b:s4+s3], $0x10, $0x38;
	[tilespmem:$0x18100] =	vst v63  }
0x19: {  	_ =	swait.ge [sflag:s21], $0x10  }
0x1a: {  	[sflag:s21] =	ssyncset.done $0x0  }
0x1b: {  	[sflag:s21] =	ssyncadd.s32 $0xFFFFFFF0  }
0x1c: {  	v1 =	vld [tilespmem:$0x0];
	_ =	sdelay $0x4  }
0x1d: {  	v1 =	vmul.u32 $0xC00, v1;
	_ =	sdelay $0x1  }
0x1e: {  	v1 =	vperm.xlane v1, v0;
	_ =	sdelay $0x5  }
0x1f: {  	[tilespmem:s22], [sflag:$0x1] =	stream.indirect_vreg.gather [hbm4b:s1+s3], $0xC00, v1, vm0, $0x38;
	[tilespmem:$0x18100] =	vst v63  }
0x20: {  	_ = 	snop  }
0x21: {  	[tilespmem:s23], [sflag:$0x3] =	stream.linear.gather [hbm4b:s5+s3], $0x10, $0x38;
	[tilespmem:$0x18100] =	vst v63  }
0x22: {  	_ =	swait.ge [sflag:s21], $0x10  }
0x23: {  	[sflag:s21] =	ssyncset.done $0x0  }
0x24: {  	[sflag:s21] =	ssyncadd.s32 $0xFFFFFFF0  }
0x25: {  	v1 =	vld [tilespmem:$0x80];
	_ =	sdelay $0x4  }
0x26: {  	v1 =	vmul.u32 $0xC00, v1;
	_ =	sdelay $0x1  }
0x27: {  	v1 =	vperm.xlane v1, v0;
	_ =	sdelay $0x5  }
0x28: {  	[tilespmem:s24], [sflag:$0x2] =	stream.indirect_vreg.gather [hbm4b:s1+s3], $0xC00, v1, vm0, $0x38;
	[tilespmem:$0x18100] =	vst v63  }
0x29: {  	_ =	swait.ge [sflag:s25], $0xC000  }
0x2a: {  	[sflag:s25] =	ssyncset.done $0x0  }
0x2b: {  	[sflag:s25] =	ssyncadd.s32 $0xFFFF4000  }
0x2c: {  	[hbm4b:s6+s3] =	stream.linear.scatter [tilespmem:s22], [sflag:$0x3], $0xC000, $0x38;
	[tilespmem:$0x18100] =	vst v63  }
0x2d: {  	_ =	swait.ge [sflag:s21], $0xC000  }
0x2e: {  	[sflag:s21] =	ssyncset.done $0x0  }
0x2f: {  	[sflag:s21] =	ssyncadd.s32 $0xFFFF4000  }
0x30: {  	[tilespmem:s3], [sflag:$0x3] =	stream.linear.gather [hbm4b:s7+s3], $0x10, $0x38;
	[tilespmem:$0x18100] =	vst v63  }
0x31: {  	_ =	swait.ge [sflag:s21], $0x10  }
0x32: {  	[sflag:s21] =	ssyncset.done $0x0  }
0x33: {  	[sflag:s21] =	ssyncadd.s32 $0xFFFFFFF0  }
0x34: {  	v1 =	vld [tilespmem:$0x0];
	_ =	sdelay $0x4  }
0x35: {  	v1 =	vmul.u32 $0xC00, v1;
	_ =	sdelay $0x1  }
0x36: {  	v1 =	vperm.xlane v1, v0;
	_ =	sdelay $0x5  }
0x37: {  	[tilespmem:s22], [sflag:$0x1] =	stream.indirect_vreg.gather [hbm4b:s1+s3], $0xC00, v1, vm0, $0x38;
	[tilespmem:$0x18100] =	vst v63  }
0x38: {  	_ =	swait.ge [sflag:s26], $0xC000  }
0x39: {  	[sflag:s26] =	ssyncset.done $0x0  }
0x3a: {  	[sflag:s26] =	ssyncadd.s32 $0xFFFF4000  }
0x3b: {  	[hbm4b:s8+s3] =	stream.linear.scatter [tilespmem:s24], [sflag:$0x3], $0xC000, $0x38;
	[tilespmem:$0x18100] =	vst v63  }
0x3c: {  	_ =	swait.ge [sflag:s21], $0xC000  }
0x3d: {  	[sflag:s21] =	ssyncset.done $0x0  }
0x3e: {  	[sflag:s21] =	ssyncadd.s32 $0xFFFF4000  }
0x3f: {  	[tilespmem:s23], [sflag:$0x3] =	stream.linear.gather [hbm4b:s9+s3], $0x10, $0x38;
	[tilespmem:$0x18100] =	vst v63  }
0x40: {  	_ =	swait.ge [sflag:s21], $0x10  }
0x41: {  	[sflag:s21] =	ssyncset.done $0x0  }
0x42: {  	[sflag:s21] =	ssyncadd.s32 $0xFFFFFFF0  }
0x43: {  	v1 =	vld [tilespmem:$0x80];
	_ =	sdelay $0x4  }
0x44: {  	v1 =	vmul.u32 $0xC00, v1;
	_ =	sdelay $0x1  }
0x45: {  	v1 =	vperm.xlane v1, v0;
	_ =	sdelay $0x5  }
0x46: {  	[tilespmem:s24], [sflag:$0x2] =	stream.indirect_vreg.gather [hbm4b:s1+s3], $0xC00, v1, vm0, $0x38;
	[tilespmem:$0x18100] =	vst v63  }
0x47: {  	_ =	swait.ge [sflag:s25], $0xC000  }
0x48: {  	[sflag:s25] =	ssyncset.done $0x0  }
0x49: {  	[sflag:s25] =	ssyncadd.s32 $0xFFFF4000  }
0x4a: {  	[hbm4b:s10+s3] =	stream.linear.scatter [tilespmem:s22], [sflag:$0x3], $0xC000, $0x38;
	[tilespmem:$0x18100] =	vst v63  }
0x4b: {  	_ =	swait.ge [sflag:s21], $0xC000  }
0x4c: {  	[sflag:s21] =	ssyncset.done $0x0  }
0x4d: {  	[sflag:s21] =	ssyncadd.s32 $0xFFFF4000  }
0x4e: {  	[tilespmem:s3], [sflag:$0x3] =	stream.linear.gather [hbm4b:s11+s3], $0x10, $0x38;
	[tilespmem:$0x18100] =	vst v63  }
0x4f: {  	_ =	swait.ge [sflag:s21], $0x10  }
0x50: {  	[sflag:s21] =	ssyncset.done $0x0  }
0x51: {  	[sflag:s21] =	ssyncadd.s32 $0xFFFFFFF0  }
0x52: {  	v1 =	vld [tilespmem:$0x0];
	_ =	sdelay $0x4  }
0x53: {  	v1 =	vmul.u32 $0xC00, v1;
	_ =	sdelay $0x1  }
0x54: {  	v1 =	vperm.xlane v1, v0;
	_ =	sdelay $0x5  }
0x55: {  	[tilespmem:s22], [sflag:$0x1] =	stream.indirect_vreg.gather [hbm4b:s1+s3], $0xC00, v1, vm0, $0x38;
	[tilespmem:$0x18100] =	vst v63  }
0x56: {  	_ =	swait.ge [sflag:s26], $0xC000  }
0x57: {  	[sflag:s26] =	ssyncset.done $0x0  }
0x58: {  	[sflag:s26] =	ssyncadd.s32 $0xFFFF4000  }
0x59: {  	[hbm4b:s12+s3] =	stream.linear.scatter [tilespmem:s24], [sflag:$0x3], $0xC000, $0x38;
	[tilespmem:$0x18100] =	vst v63  }
0x5a: {  	_ =	swait.ge [sflag:s21], $0xC000  }
0x5b: {  	[sflag:s21] =	ssyncset.done $0x0  }
0x5c: {  	[sflag:s21] =	ssyncadd.s32 $0xFFFF4000  }
0x5d: {  	[tilespmem:s23], [sflag:$0x3] =	stream.linear.gather [hbm4b:s13+s3], $0x10, $0x38;
	[tilespmem:$0x18100] =	vst v63  }
0x5e: {  	_ =	swait.ge [sflag:s21], $0x10  }
0x5f: {  	[sflag:s21] =	ssyncset.done $0x0  }
0x60: {  	[sflag:s21] =	ssyncadd.s32 $0xFFFFFFF0  }
0x61: {  	v1 =	vld [tilespmem:$0x80];
	_ =	sdelay $0x4  }
0x62: {  	v1 =	vmul.u32 $0xC00, v1;
	_ =	sdelay $0x1  }
0x63: {  	v1 =	vperm.xlane v1, v0;
	_ =	sdelay $0x5  }
0x64: {  	[tilespmem:s24], [sflag:$0x2] =	stream.indirect_vreg.gather [hbm4b:s1+s3], $0xC00, v1, vm0, $0x38;
	[tilespmem:$0x18100] =	vst v63  }
0x65: {  	_ =	swait.ge [sflag:s25], $0xC000  }
0x66: {  	[sflag:s25] =	ssyncset.done $0x0  }
0x67: {  	[sflag:s25] =	ssyncadd.s32 $0xFFFF4000  }
0x68: {  	[hbm4b:s14+s3] =	stream.linear.scatter [tilespmem:s22], [sflag:$0x3], $0xC000, $0x38;
	[tilespmem:$0x18100] =	vst v63  }
0x69: {  	_ =	swait.ge [sflag:s21], $0xC000  }
0x6a: {  	[sflag:s21] =	ssyncset.done $0x0  }
0x6b: {  	[sflag:s21] =	ssyncadd.s32 $0xFFFF4000  }
0x6c: {  	[tilespmem:s3], [sflag:$0x3] =	stream.linear.gather [hbm4b:s15+s3], $0x10, $0x38;
	[tilespmem:$0x18100] =	vst v63  }
0x6d: {  	_ =	swait.ge [sflag:s21], $0x10  }
0x6e: {  	[sflag:s21] =	ssyncset.done $0x0  }
0x6f: {  	[sflag:s21] =	ssyncadd.s32 $0xFFFFFFF0  }
0x70: {  	v1 =	vld [tilespmem:$0x0];
	_ =	sdelay $0x4  }
0x71: {  	v1 =	vmul.u32 $0xC00, v1;
	_ =	sdelay $0x1  }
0x72: {  	v1 =	vperm.xlane v1, v0;
	_ =	sdelay $0x5  }
0x73: {  	[tilespmem:s22], [sflag:$0x1] =	stream.indirect_vreg.gather [hbm4b:s1+s3], $0xC00, v1, vm0, $0x38;
	[tilespmem:$0x18100] =	vst v63  }
0x74: {  	_ =	swait.ge [sflag:s26], $0xC000  }
0x75: {  	[sflag:s26] =	ssyncset.done $0x0  }
0x76: {  	[sflag:s26] =	ssyncadd.s32 $0xFFFF4000  }
0x77: {  	[hbm4b:s16+s3] =	stream.linear.scatter [tilespmem:s24], [sflag:$0x3], $0xC000, $0x38;
	[tilespmem:$0x18100] =	vst v63  }
0x78: {  	_ =	swait.ge [sflag:s21], $0xC000  }
0x79: {  	[sflag:s21] =	ssyncset.done $0x0  }
0x7a: {  	[sflag:s21] =	ssyncadd.s32 $0xFFFF4000  }
0x7b: {  	[tilespmem:s23], [sflag:$0x3] =	stream.linear.gather [hbm4b:s17+s3], $0x10, $0x38;
	[tilespmem:$0x18100] =	vst v63  }
0x7c: {  	_ =	swait.ge [sflag:s21], $0x10  }
0x7d: {  	[sflag:s21] =	ssyncset.done $0x0  }
0x7e: {  	[sflag:s21] =	ssyncadd.s32 $0xFFFFFFF0  }
0x7f: {  	v1 =	vld [tilespmem:$0x80];
	_ =	sdelay $0x4  }
0x80: {  	v1 =	vmul.u32 $0xC00, v1;
	_ =	sdelay $0x1  }
0x81: {  	v1 =	vperm.xlane v1, v0;
	_ =	sdelay $0x5  }
0x82: {  	[tilespmem:s24], [sflag:$0x2] =	stream.indirect_vreg.gather [hbm4b:s1+s3], $0xC00, v1, vm0, $0x38;
	[tilespmem:$0x18100] =	vst v63  }
0x83: {  	_ =	swait.ge [sflag:s25], $0xC000  }
0x84: {  	[sflag:s25] =	ssyncset.done $0x0  }
0x85: {  	[sflag:s25] =	ssyncadd.s32 $0xFFFF4000  }
0x86: {  	[hbm4b:s18+s3] =	stream.linear.scatter [tilespmem:s22], [sflag:$0x3], $0xC000, $0x38;
	[tilespmem:$0x18100] =	vst v63  }
0x87: {  	_ =	swait.ge [sflag:s21], $0xC000  }
0x88: {  	[sflag:s21] =	ssyncset.done $0x0  }
0x89: {  	[sflag:s21] =	ssyncadd.s32 $0xFFFF4000  }
0x8a: {  	_ =	swait.ge [sflag:s26], $0xC000  }
0x8b: {  	p0 =	sne.s32 s20, $0x1;
	[sflag:s26] =	ssyncset.done $0x0  }
.Ltmp0:
0x8c: {  	[sflag:s26] =	ssyncadd.s32 $0xFFFF4000;
	(pc) =	sbr.rel @p0 .LBB2_1-.Ltmp0, $4  }
0x8d: {  	[hbm4b:s19+s3] =	stream.linear.scatter [tilespmem:s24], [sflag:$0x3], $0xC000, $0x38;
	[tilespmem:$0x18100] =	vst v63  }
0x8e: {  	_ =	swait.ge [sflag:s21], $0xC000  }
0x8f: {  	[sflag:s21] =	ssyncset.done $0x0  }
0x90: {  	s20 =	sadd.s32 $0xFFFFFFFF, s20;
	[sflag:s21] =	ssyncadd.s32 $0xFFFF4000  }
0x91: {  	_ =	sfence.sel $0x180000  }
0x92: {  	[bflag:$0x0] =	sbarrier.arrive $0xFFFF  }
0x93: {  	p0 =	sne.s32 s2, $0x0;
	_ =	strace $0x90000047  }
0x94: {  	s0 =	sadd.s32 @!p0 $0x100000, s0;
	[bflag:$0x2] =	sbarrier.arrive $0xFFFF  }
0x95: {  	[sflag:s0] =	ssyncadd.tile.s32 @!p0 $0x1;
	_ =	shalt  }
.Lfunc_end2:
_tile_overlayer_lowered:
.L_overlay_start_2:
0x96: {  	(tag) =	ssettag $0x2  }
0x97: {  	s0 =	rddreg [dreg:$0x0];
	s2 =	stileid.u32  }
0x98: {  	s1 =	rddreg [dreg:$0x1];
	p0 =	sne.s32 s2, $0x0  }
0x99: {  	s3 =	rddreg [dreg:$0x2];
	[bflag:$0x3] =	sbarrier.arrive $0xFFFF;
	s2 =	simm.s32 @!p0 $0x1C03  }
0x9a: {  	[timem:s3], [sflag:s2] =	dma.local @!p0 [hbm:s0], s1  }
0x9b: {  	s0 =	simm.s32 @!p0 $0x3  }
0x9c: {  	_ =	swait.ge @!p0 [sflag:s0], s1  }
0x9d: {  	s1 =	ssub.s32 @!p0 $0x0, s1;
	[sflag:s0] =	ssyncset.done @!p0 $0x0  }
0x9e: {  	[sflag:s0] =	ssyncadd.s32 @!p0 s1  }
0x9f: {  	[bflag:$0x3] =	sbarrier.arrive $0xFFFF  }
0xa0: {  	_ =	shalt  }

</sc_bundles>
